<compile_context>
chip_gen: v7x
topology: tpu7x:2x2x1
jax: 0.10.2.dev20260603
libtpu: 0.0.44.dev20260713+nightly
codegen_flags: <defaults>
</compile_context>

<pallas_src>
import functools

import jax
import jax.numpy as jnp
from jax import lax
from jax.experimental import pallas as pl
from jax.experimental.pallas import tpu as pltpu
from jax.experimental.pallas import tpu_sc as plsc

N_REAL = 20064
ROWS = 160
NP = ROWS * 128
K = 64
CHUNK = NP // 16
F32 = jnp.float32
I32 = jnp.int32


def _iou_body(gt_ref, px1, py1, px2, py2, sc_ref, ga_ref):
    x1 = px1[...]
    y1 = py1[...]
    x2 = px2[...]
    y2 = py2[...]
    area = (x2 - x1 + 1.0) * (y2 - y1 + 1.0)

    best0 = jnp.full((ROWS, 128), -1.0, F32)
    bestg0 = jnp.zeros((ROWS, 128), I32)

    def iou_one(g):
        gx1 = gt_ref[g, 0]
        gy1 = gt_ref[g, 1]
        gx2 = gt_ref[g, 2]
        gy2 = gt_ref[g, 3]
        ab = (gx2 - gx1 + 1.0) * (gy2 - gy1 + 1.0)
        iw = jnp.maximum(jnp.minimum(x2, gx2) - jnp.maximum(x1, gx1) + 1.0, 0.0)
        ih = jnp.maximum(jnp.minimum(y2, gy2) - jnp.maximum(y1, gy1) + 1.0, 0.0)
        inter = iw * ih
        union = (area + ab) - inter
        return inter / jnp.maximum(union, 1e-8)

    def iou_step(i, carry):
        best, bestg = carry
        g = i * 4
        for u in range(4):
            iou = iou_one(g + u)
            upd = iou > best
            bestg = jnp.where(upd, g + u, bestg)
            best = jnp.maximum(best, iou)
        return best, bestg

    best, bestg = lax.fori_loop(0, 16, iou_step, (best0, bestg0))

    r_i = lax.broadcasted_iota(I32, (ROWS, 128), 0)
    c_i = lax.broadcasted_iota(I32, (ROWS, 128), 1)
    real = (r_i * 128 + c_i) < N_REAL

    sc_ref[0] = jnp.where(real & (best >= 0.7), best,
                          jnp.where(real, -1.0, -2.0))
    sc_ref[1] = jnp.where(real & (best < 0.5) & (best >= 0.1), best,
                          jnp.where(real, -1.0, -2.0))
    ga_ref[...] = bestg


def _stage_a(gt, pr):
    return pl.pallas_call(
        _iou_body,
        out_shape=(
            jax.ShapeDtypeStruct((2, ROWS, 128), F32),
            jax.ShapeDtypeStruct((ROWS, 128), I32),
        ),
        in_specs=[pl.BlockSpec(memory_space=pltpu.SMEM)]
        + [pl.BlockSpec(memory_space=pltpu.VMEM)] * 4,
    )(gt, pr[0], pr[1], pr[2], pr[3])


_IOTA16 = lambda: lax.broadcasted_iota(I32, (16,), 0)
_GDN = lax.GatherDimensionNumbers(offset_dims=(), collapsed_slice_dims=(0,),
                                  start_index_map=(0,))


def _perm(v, p):
    return lax.gather(v, p[:, None], dimension_numbers=_GDN,
                      slice_sizes=(1,),
                      mode=lax.GatherScatterMode.PROMISE_IN_BOUNDS)


def _vmax16(v):
    i = _IOTA16()
    for sh in (8, 4, 2, 1):
        v = jnp.maximum(v, _perm(v, i ^ sh))
    return v


def _vmin16(v):
    i = _IOTA16()
    for sh in (8, 4, 2, 1):
        v = jnp.minimum(v, _perm(v, i ^ sh))
    return v


def _store1(ref, pos, val):
    idx = jnp.full((16,), pos, I32)
    x = jnp.broadcast_to(val, (16,)).astype(ref.dtype)
    plsc.store_scatter(ref, [idx], x, mask=_IOTA16() == 0)


def _select_body(scores_hbm, keep_out,
                 chunk, pvmax, lk, li, shk, shi, mkv, miv, keepv):
    c = lax.axis_index("c")
    s = lax.axis_index("s")
    base = s * CHUNK
    i16 = _IOTA16()

    pltpu.sync_copy(scores_hbm.at[pl.ds(c * NP + base, CHUNK)], chunk)

    for jj in range(5):
        acc = jnp.full((16,), -9.0, F32)
        for l in range(16):
            v = chunk[pl.ds((jj * 16 + l) * 16, 16)]
            acc = jnp.where(i16 == l, _vmax16(v), acc)
        pvmax[pl.ds(jj * 16, 16)] = acc

    def ext_step(t, carry):
        pv = [pvmax[pl.ds(q * 16, 16)] for q in range(5)]
        g = _vmax16(jnp.maximum(jnp.maximum(jnp.maximum(pv[0], pv[1]),
                                            jnp.maximum(pv[2], pv[3])),
                                pv[4]))
        jc = jnp.full((16,), 127, I32)
        for q in range(5):
            jc = jnp.minimum(jc, jnp.where(pv[q] == g, i16 + q * 16, 127))
        jstar = _vmin16(jc)
        dv = plsc.load_gather(chunk, [jstar * 16 + i16])
        lstar = _vmin16(jnp.where(dv == g, i16, 16))
        _store1(lk, t, g)
        _store1(li, t, base + jstar * 16 + lstar)
        dv2 = jnp.where(i16 == lstar, jnp.float32(-3.0), dv)
        plsc.store_scatter(chunk, [jstar * 16 + i16], dv2)
        plsc.store_scatter(pvmax, [jstar], _vmax16(dv2), mask=i16 == 0)
        return carry

    lax.fori_loop(0, K, ext_step, jnp.int32(0))

    pltpu.sync_copy(lk, shk.at[pl.ds(s * K, K)])
    pltpu.sync_copy(li, shi.at[pl.ds(s * K, K)])
    plsc.subcore_barrier()

    @pl.when(s == 0)
    def _merge():
        pltpu.sync_copy(shk, mkv)
        pltpu.sync_copy(shi, miv)

        def mstep(t, ptr):
            hk = plsc.load_gather(mkv, [i16 * K + ptr])
            hi = plsc.load_gather(miv, [i16 * K + ptr])
            g = _vmax16(hk)
            m = hk == g
            wi = _vmin16(jnp.where(m, hi, jnp.int32(2 ** 30)))
            _store1(keepv, t, wi)
            return ptr + (m & (hi == wi)).astype(I32)

        lax.fori_loop(0, K, mstep, jnp.zeros((16,), I32))

        pltpu.sync_copy(keepv, keep_out.at[pl.ds(c * K, K)])


def _stage_b(scores_flat):
    mesh = plsc.VectorSubcoreMesh(core_axis_name="c", subcore_axis_name="s")
    kern = functools.partial(
        pl.kernel,
        mesh=mesh,
        compiler_params=pltpu.CompilerParams(needs_layout_passes=False),
        out_type=jax.ShapeDtypeStruct((2 * K,), I32),
        scratch_types=[
            pltpu.VMEM((CHUNK,), F32),
            pltpu.VMEM((80,), F32),
            pltpu.VMEM((K,), F32),
            pltpu.VMEM((K,), I32),
            pltpu.VMEM_SHARED((16 * K,), F32),
            pltpu.VMEM_SHARED((16 * K,), I32),
            pltpu.VMEM((16 * K,), F32),
            pltpu.VMEM((16 * K,), I32),
            pltpu.VMEM((K,), I32),
        ],
    )(_select_body)
    return kern(scores_flat)


def _tail_body(keep_ref, px1, py1, px2, py2, ga_ref, gtv_ref, labv_ref,
               rois_ref, lab_ref, bbox_ref):
    lane128 = lax.broadcasted_iota(I32, (1, 128), 1)
    sub128 = lax.broadcasted_iota(I32, (128, 1), 0)

    keep_i = keep_ref[...]
    keep_div = keep_i >> 7
    keep_mod = keep_i & 127

    ch = (lax.broadcasted_iota(I32, (128, 128), 1) == keep_mod).astype(F32)
    rh = (lax.broadcasted_iota(I32, (128, ROWS), 1) == keep_div).astype(F32)
    dn = (((1,), (1,)), ((), ()))

    def take(p2d):
        t = lax.dot_general(ch, p2d, dn, preferred_element_type=F32,
                            precision=lax.Precision.HIGHEST)
        return jnp.sum(rh * t, axis=1, keepdims=True)

    rx1 = take(px1[...])
    ry1 = take(py1[...])
    rx2 = take(px2[...])
    ry2 = take(py2[...])
    ga_keep = take(ga_ref[...].astype(F32)).astype(I32)

    b2 = (lax.broadcasted_iota(I32, (128, 64), 1) == ga_keep).astype(F32)
    dnr = (((1,), (0,)), ((), ()))
    labels_keep = lax.dot_general(b2, labv_ref[...], dnr,
                                  preferred_element_type=F32,
                                  precision=lax.Precision.HIGHEST)
    gt_keep = lax.dot_general(b2, gtv_ref[...], dnr,
                              preferred_element_type=F32,
                              precision=lax.Precision.HIGHEST)

    gx1 = gt_keep[:, 0:1]
    gy1 = gt_keep[:, 1:2]
    gx2 = gt_keep[:, 2:3]
    gy2 = gt_keep[:, 3:4]

    ex_w = rx2 - rx1 + 1.0
    ex_h = ry2 - ry1 + 1.0
    ex_cx = rx1 + 0.5 * ex_w
    ex_cy = ry1 + 0.5 * ex_h
    gt_w = gx2 - gx1 + 1.0
    gt_h = gy2 - gy1 + 1.0
    gt_cx = gx1 + 0.5 * gt_w
    gt_cy = gy1 + 0.5 * gt_h
    dx = (gt_cx - ex_cx) / ex_w
    dy = (gt_cy - ex_cy) / ex_h
    dw = jnp.log(gt_w / ex_w)
    dh = jnp.log(gt_h / ex_h)

    is_fg = sub128 < K
    lane_eq = lambda d: (lane128 == d).astype(F32)
    rois_ref[...] = (rx1 * lane_eq(0) + ry1 * lane_eq(1)
                     + rx2 * lane_eq(2) + ry2 * lane_eq(3))
    bbox = (dx * lane_eq(0) + dy * lane_eq(1)
            + dw * lane_eq(2) + dh * lane_eq(3))
    bbox_ref[...] = jnp.where(is_fg, bbox, 0.0)
    lab_ref[...] = jnp.where(is_fg, labels_keep,
                             jnp.broadcast_to(lane_eq(0), (128, 128)))


def _stage_c(keep, pr, ga, gtv, labv):
    return pl.pallas_call(
        _tail_body,
        out_shape=(
            jax.ShapeDtypeStruct((128, 128), F32),
            jax.ShapeDtypeStruct((128, 128), F32),
            jax.ShapeDtypeStruct((128, 128), F32),
        ),
        in_specs=[pl.BlockSpec(memory_space=pltpu.VMEM)] * 8,
    )(keep, pr[0], pr[1], pr[2], pr[3], ga, gtv, labv)


def kernel(proposals, bounding_boxes, labels):
    props = jnp.concatenate([proposals, bounding_boxes], axis=1)[0]
    gt = bounding_boxes[0]
    lab = labels[0]

    pt = jnp.pad(props.T, ((0, 0), (0, NP - N_REAL)))
    pr = pt.reshape(4, ROWS, 128)
    gtv = jnp.pad(gt, ((0, 0), (0, 124)))
    labv = jnp.pad(lab, ((0, 0), (0, 128 - lab.shape[1])))

    scores, ga = _stage_a(gt, pr)
    keep = _stage_b(scores.reshape(2 * NP))
    rois_p, lab_p, bbox_p = _stage_c(keep.reshape(128, 1), pr, ga, gtv, labv)

    rois = rois_p[:, :4]
    labels_out = lab_p[:, :lab.shape[1]]
    bbox_targets = bbox_p[:, :4]
    return (rois[None], labels_out[None], bbox_targets[None])

# --- scband reference (transcript-rebuilt; emitter-appended) ---
"""Pipeline reference for scband-proposal-target-18176301597515 (READ-ONLY COPY).

The authoritative reference and input builder live on the scoring server;
editing this copy changes nothing except your own understanding.
"""

import jax, jax.numpy as jnp
import numpy as np

FG_FRACTION = 0.5
FG_THRESH = 0.7
BG_THRESH_HI = 0.5
BG_THRESH_LO = 0.1
BATCHSIZE = 256
NUM_IMAGES = 2
N_PROPOSALS = 20000
N_GT = 64
NUM_CLASSES = 21


def _make_boxes(key, n, lo, hi, smin, smax):
    k1, k2, k3, k4 = jax.random.split(key, 4)
    cx = jax.random.uniform(k1, (n,), minval=lo, maxval=hi)
    cy = jax.random.uniform(k2, (n,), minval=lo, maxval=hi)
    w = jax.random.uniform(k3, (n,), minval=smin, maxval=smax)
    h = jax.random.uniform(k4, (n,), minval=smin, maxval=smax)
    return jnp.stack([cx - 0.5 * w, cy - 0.5 * h, cx + 0.5 * w, cy + 0.5 * h], axis=1)


def setup_inputs(seed: int = 0):
    key = jax.random.key(seed)
    kp, kg, kl = jax.random.split(key, 3)
    proposals = _make_boxes(kp, N_PROPOSALS, 64.0, 536.0, 16.0, 128.0)[None]
    bounding_boxes = _make_boxes(kg, N_GT, 64.0, 536.0, 32.0, 160.0)[None]
    cls = jax.random.randint(kl, (N_GT,), 1, NUM_CLASSES)
    labels = jax.nn.one_hot(cls, NUM_CLASSES, dtype=jnp.float32)[None]
    return {"proposals": proposals, "bounding_boxes": bounding_boxes, "labels": labels}


def _iou(a, b):
    # a: [N,4], b: [G,4] -> [N,G]
    area_a = (a[:, 2] - a[:, 0] + 1.0) * (a[:, 3] - a[:, 1] + 1.0)
    area_b = (b[:, 2] - b[:, 0] + 1.0) * (b[:, 3] - b[:, 1] + 1.0)
    x1 = jnp.maximum(a[:, None, 0], b[None, :, 0])
    y1 = jnp.maximum(a[:, None, 1], b[None, :, 1])
    x2 = jnp.minimum(a[:, None, 2], b[None, :, 2])
    y2 = jnp.minimum(a[:, None, 3], b[None, :, 3])
    iw = jnp.maximum(x2 - x1 + 1.0, 0.0)
    ih = jnp.maximum(y2 - y1 + 1.0, 0.0)
    inter = iw * ih
    union = area_a[:, None] + area_b[None, :] - inter
    return inter / jnp.maximum(union, 1e-8)


def _bbox_transform(ex, gt):
    ex_w = ex[:, 2] - ex[:, 0] + 1.0
    ex_h = ex[:, 3] - ex[:, 1] + 1.0
    ex_cx = ex[:, 0] + 0.5 * ex_w
    ex_cy = ex[:, 1] + 0.5 * ex_h
    gt_w = gt[:, 2] - gt[:, 0] + 1.0
    gt_h = gt[:, 3] - gt[:, 1] + 1.0
    gt_cx = gt[:, 0] + 0.5 * gt_w
    gt_cy = gt[:, 1] + 0.5 * gt_h
    dx = (gt_cx - ex_cx) / ex_w
    dy = (gt_cy - ex_cy) / ex_h
    dw = jnp.log(gt_w / ex_w)
    dh = jnp.log(gt_h / ex_h)
    return jnp.stack([dx, dy, dw, dh], axis=1)


def _sample_rois(all_rois, gt_boxes, gt_labels):
    rois_per_image = BATCHSIZE // NUM_IMAGES
    fg_rois_per_image = int(round(FG_FRACTION * rois_per_image))
    bg_rois_per_image = rois_per_image - fg_rois_per_image
    overlaps = _iou(all_rois, gt_boxes)
    gt_assignment = jnp.argmax(overlaps, axis=1)
    max_overlaps = jnp.max(overlaps, axis=1)
    prop_labels = jnp.take(gt_labels, gt_assignment, axis=0)
    fg_mask = max_overlaps >= FG_THRESH
    bg_mask = (max_overlaps < BG_THRESH_HI) & (max_overlaps >= BG_THRESH_LO)
    fg_scores = jnp.where(fg_mask, max_overlaps, -1.0)
    bg_scores = jnp.where(bg_mask, max_overlaps, -1.0)
    _, fg_inds = jax.lax.top_k(fg_scores, fg_rois_per_image)
    _, bg_inds = jax.lax.top_k(bg_scores, bg_rois_per_image)
    keep_inds = jnp.concatenate([fg_inds, bg_inds], axis=0)
    rois = jnp.take(all_rois, keep_inds, axis=0)
    labels_keep = jnp.take(prop_labels, keep_inds, axis=0)
    num_classes = gt_labels.shape[1]
    is_fg = jnp.arange(rois_per_image) < fg_rois_per_image
    background = jax.nn.one_hot(0, num_classes, dtype=labels_keep.dtype)
    labels_out = jnp.where(is_fg[:, None], labels_keep, background[None, :])
    gt_keep = jnp.take(gt_boxes, jnp.take(gt_assignment, keep_inds), axis=0)
    bbox_targets = _bbox_transform(rois, gt_keep)
    bbox_targets = jnp.where(is_fg[:, None], bbox_targets, 0.0)
    return rois, labels_out, bbox_targets


def reference(proposals, bounding_boxes, labels):
    # gt boxes are appended to the proposal set (as in the original call)
    props = jnp.concatenate([proposals, bounding_boxes], axis=1)
    p = props[0]
    gt = bounding_boxes[0]
    lab = labels[0]
    rois, labels_out, bbox_targets = _sample_rois(p, gt, lab)
    return (rois[None], labels_out[None], bbox_targets[None])

if __name__ == "__main__":
    import jax
    _d = setup_inputs()
    print(jax.jit(kernel)(*tuple(_d.values())))

</pallas_src>

<mosaic_0001>
#map = affine_map<(d0, d1) -> (0)>
module attributes {stable_mosaic.version = 14 : i64} {
  func.func @_select_body(%arg0: i32, %arg1: i32, %arg2: memref<40960xf32, #tpu.memory_space<hbm>>, %arg3: memref<128xi32, #tpu.memory_space<hbm>>, %arg4: memref<1280xf32, #tpu.memory_space<vmem>>, %arg5: memref<80xf32, #tpu.memory_space<vmem>>, %arg6: memref<64xf32, #tpu.memory_space<vmem>>, %arg7: memref<64xi32, #tpu.memory_space<vmem>>, %arg8: memref<1024xf32, #tpu.memory_space<vmem_shared>>, %arg9: memref<1024xi32, #tpu.memory_space<vmem_shared>>, %arg10: memref<1024xf32, #tpu.memory_space<vmem>>, %arg11: memref<1024xi32, #tpu.memory_space<vmem>>, %arg12: memref<64xi32, #tpu.memory_space<vmem>>) attributes {dimension_semantics = [#tpu.dimension_semantics<core_parallel>, #tpu.dimension_semantics<subcore_parallel>], iteration_bounds = array<i64: 2, 16>, scalar_prefetch = 0 : i64, scratch_operands = 9 : i64, tpu.core_type = #tpu.core_type<sc_vector_subcore>, window_params = [{transform_indices = #map}, {transform_indices = #map}]} {
    %mul3A = arith.constant 1280 : i32
    %mul3A_0 = arith.muli %arg1, %mul3A : i32
    %iota3A = tpu.iota {dimensions = array<i32: 0>} : vector<16xi32>
    %mul3A_1 = arith.constant 20480 : i32
    %mul3A_2 = arith.muli %arg0, %mul3A_1 : i32
    %add3A = arith.addi %mul3A_2, %mul3A_0 : i32
    "tpu.region"() ({
      %run_scoped3A = tpu.sem_alloc : memref<!tpu.dma_semaphore, #tpu.memory_space<semaphore_mem>>
      %dma_start3A = tpu.memref_slice %arg2[%add3A] : memref<40960xf32, #tpu.memory_space<hbm>> -> memref<1280xf32, #tpu.memory_space<hbm>>
      %dma_start3A_2827 = tpu.memref_slice %arg2[%add3A] : memref<40960xf32, #tpu.memory_space<hbm>> -> memref<1280xf32, #tpu.memory_space<hbm>>
      tpu.enqueue_dma source(%dma_start3A_2827 : memref<1280xf32, #tpu.memory_space<hbm>>) target(%arg4 : memref<1280xf32, #tpu.memory_space<vmem>>) target_semaphore(%run_scoped3A : memref<!tpu.dma_semaphore, #tpu.memory_space<semaphore_mem>>)
      %dma_wait3A = tpu.memref_slice %arg2[%add3A] : memref<40960xf32, #tpu.memory_space<hbm>> -> memref<1280xf32, #tpu.memory_space<hbm>>
      %dma_wait3A_2828 = tpu.memref_slice %arg2[%add3A] : memref<40960xf32, #tpu.memory_space<hbm>> -> memref<1280xf32, #tpu.memory_space<hbm>>
      tpu.wait_dma2 semaphore(%run_scoped3A : memref<!tpu.dma_semaphore, #tpu.memory_space<semaphore_mem>>) src(%dma_wait3A_2828 : memref<1280xf32, #tpu.memory_space<hbm>>) dst(%arg4 : memref<1280xf32, #tpu.memory_space<vmem>>)
      tpu.yield
    }) : () -> ()
    %broadcast_in_dim3A = arith.constant -9.000000e+00 : f32
    %broadcast_in_dim3A_3 = vector.broadcast %broadcast_in_dim3A : f32 to vector<16xf32>
    %get3A = arith.constant 0 : index
    %get3A_4 = tpu.vector_load %arg4[%get3A] {strides = array<i32>} : memref<1280xf32, #tpu.memory_space<vmem>>, vector<16xf32>,
    %eq3A = arith.constant 0 : i32
    %eq3A_5 = vector.broadcast %eq3A : i32 to vector<16xi32>
    %eq3A_6 = arith.cmpi eq, %iota3A, %eq3A_5 : vector<16xi32>
    %iota3A_7 = tpu.iota {dimensions = array<i32: 0>} : vector<16xi32>
    %xor3A = arith.constant 8 : i32
    %xor3A_8 = vector.broadcast %xor3A : i32 to vector<16xi32>
    %xor3A_9 = arith.xori %iota3A_7, %xor3A_8 : vector<16xi32>
    %broadcast_in_dim3A_10 = vector.shape_cast %xor3A_9 : vector<16xi32> to vector<16x1xi32>
    %gather3A = vector.shape_cast %broadcast_in_dim3A_10 : vector<16x1xi32> to vector<16xi32>
    %gather3A_11 = tpu.dynamic_gather %get3A_4[%gather3A] in [0] : vector<16xf32>, vector<16xi32> -> vector<16xf32>
    %max3A = arith.maximumf %get3A_4, %gather3A_11 : vector<16xf32>
    %xor3A_12 = arith.constant 4 : i32
    %xor3A_13 = vector.broadcast %xor3A_12 : i32 to vector<16xi32>
    %xor3A_14 = arith.xori %iota3A_7, %xor3A_13 : vector<16xi32>
    %broadcast_in_dim3A_15 = vector.shape_cast %xor3A_14 : vector<16xi32> to vector<16x1xi32>
    %gather3A_16 = vector.shape_cast %broadcast_in_dim3A_15 : vector<16x1xi32> to vector<16xi32>
    %gather3A_17 = tpu.dynamic_gather %max3A[%gather3A_16] in [0] : vector<16xf32>, vector<16xi32> -> vector<16xf32>
    %max3A_18 = arith.maximumf %max3A, %gather3A_17 : vector<16xf32>
    %xor3A_19 = arith.constant 2 : i32
    %xor3A_20 = vector.broadcast %xor3A_19 : i32 to vector<16xi32>
    %xor3A_21 = arith.xori %iota3A_7, %xor3A_20 : vector<16xi32>
    %broadcast_in_dim3A_22 = vector.shape_cast %xor3A_21 : vector<16xi32> to vector<16x1xi32>
    %gather3A_23 = vector.shape_cast %broadcast_in_dim3A_22 : vector<16x1xi32> to vector<16xi32>
    %gather3A_24 = tpu.dynamic_gather %max3A_18[%gather3A_23] in [0] : vector<16xf32>, vector<16xi32> -> vector<16xf32>
    %max3A_25 = arith.maximumf %max3A_18, %gather3A_24 : vector<16xf32>
    %xor3A_26 = arith.constant 1 : i32
    %xor3A_27 = vector.broadcast %xor3A_26 : i32 to vector<16xi32>
    %xor3A_28 = arith.xori %iota3A_7, %xor3A_27 : vector<16xi32>
    %broadcast_in_dim3A_29 = vector.shape_cast %xor3A_28 : vector<16xi32> to vector<16x1xi32>
    %gather3A_30 = vector.shape_cast %broadcast_in_dim3A_29 : vector<16x1xi32> to vector<16xi32>
    %gather3A_31 = tpu.dynamic_gather %max3A_25[%gather3A_30] in [0] : vector<16xf32>, vector<16xi32> -> vector<16xf32>
    %max3A_32 = arith.maximumf %max3A_25, %gather3A_31 : vector<16xf32>
    %select_n3A = arith.select %eq3A_6, %max3A_32, %broadcast_in_dim3A_3 : vector<16xi1>, vector<16xf32>
    %get3A_33 = arith.constant 16 : index
    %get3A_34 = tpu.vector_load %arg4[%get3A_33] {strides = array<i32>} : memref<1280xf32, #tpu.memory_space<vmem>>, vector<16xf32>,
    %eq3A_35 = arith.constant 1 : i32
    %eq3A_36 = vector.broadcast %eq3A_35 : i32 to vector<16xi32>
    %eq3A_37 = arith.cmpi eq, %iota3A, %eq3A_36 : vector<16xi32>
    %iota3A_38 = tpu.iota {dimensions = array<i32: 0>} : vector<16xi32>
    %xor3A_39 = arith.constant 8 : i32
    %xor3A_40 = vector.broadcast %xor3A_39 : i32 to vector<16xi32>
    %xor3A_41 = arith.xori %iota3A_38, %xor3A_40 : vector<16xi32>
    %broadcast_in_dim3A_42 = vector.shape_cast %xor3A_41 : vector<16xi32> to vector<16x1xi32>
    %gather3A_43 = vector.shape_cast %broadcast_in_dim3A_42 : vector<16x1xi32> to vector<16xi32>
    %gather3A_44 = tpu.dynamic_gather %get3A_34[%gather3A_43] in [0] : vector<16xf32>, vector<16xi32> -> vector<16xf32>
    %max3A_45 = arith.maximumf %get3A_34, %gather3A_44 : vector<16xf32>
    %xor3A_46 = arith.constant 4 : i32
    %xor3A_47 = vector.broadcast %xor3A_46 : i32 to vector<16xi32>
    %xor3A_48 = arith.xori %iota3A_38, %xor3A_47 : vector<16xi32>
    %broadcast_in_dim3A_49 = vector.shape_cast %xor3A_48 : vector<16xi32> to vector<16x1xi32>
    %gather3A_50 = vector.shape_cast %broadcast_in_dim3A_49 : vector<16x1xi32> to vector<16xi32>
    %gather3A_51 = tpu.dynamic_gather %max3A_45[%gather3A_50] in [0] : vector<16xf32>, vector<16xi32> -> vector<16xf32>
    %max3A_52 = arith.maximumf %max3A_45, %gather3A_51 : vector<16xf32>
    %xor3A_53 = arith.constant 2 : i32
    %xor3A_54 = vector.broadcast %xor3A_53 : i32 to vector<16xi32>
    %xor3A_55 = arith.xori %iota3A_38, %xor3A_54 : vector<16xi32>
    %broadcast_in_dim3A_56 = vector.shape_cast %xor3A_55 : vector<16xi32> to vector<16x1xi32>
    %gather3A_57 = vector.shape_cast %broadcast_in_dim3A_56 : vector<16x1xi32> to vector<16xi32>
    %gather3A_58 = tpu.dynamic_gather %max3A_52[%gather3A_57] in [0] : vector<16xf32>, vector<16xi32> -> vector<16xf32>
    %max3A_59 = arith.maximumf %max3A_52, %gather3A_58 : vector<16xf32>
    %xor3A_60 = arith.constant 1 : i32
    %xor3A_61 = vector.broadcast %xor3A_60 : i32 to vector<16xi32>
    %xor3A_62 = arith.xori %iota3A_38, %xor3A_61 : vector<16xi32>
    %broadcast_in_dim3A_63 = vector.shape_cast %xor3A_62 : vector<16xi32> to vector<16x1xi32>
    %gather3A_64 = vector.shape_cast %broadcast_in_dim3A_63 : vector<16x1xi32> to vector<16xi32>
    %gather3A_65 = tpu.dynamic_gather %max3A_59[%gather3A_64] in [0] : vector<16xf32>, vector<16xi32> -> vector<16xf32>
    %max3A_66 = arith.maximumf %max3A_59, %gather3A_65 : vector<16xf32>
    %select_n3A_67 = arith.select %eq3A_37, %max3A_66, %select_n3A : vector<16xi1>, vector<16xf32>
    %get3A_68 = arith.constant 32 : index
    %get3A_69 = tpu.vector_load %arg4[%get3A_68] {strides = array<i32>} : memref<1280xf32, #tpu.memory_space<vmem>>, vector<16xf32>,
    %eq3A_70 = arith.constant 2 : i32
    %eq3A_71 = vector.broadcast %eq3A_70 : i32 to vector<16xi32>
    %eq3A_72 = arith.cmpi eq, %iota3A, %eq3A_71 : vector<16xi32>
    %iota3A_73 = tpu.iota {dimensions = array<i32: 0>} : vector<16xi32>
    %xor3A_74 = arith.constant 8 : i32
    %xor3A_75 = vector.broadcast %xor3A_74 : i32 to vector<16xi32>
    %xor3A_76 = arith.xori %iota3A_73, %xor3A_75 : vector<16xi32>
    %broadcast_in_dim3A_77 = vector.shape_cast %xor3A_76 : vector<16xi32> to vector<16x1xi32>
    %gather3A_78 = vector.shape_cast %broadcast_in_dim3A_77 : vector<16x1xi32> to vector<16xi32>
    %gather3A_79 = tpu.dynamic_gather %get3A_69[%gather3A_78] in [0] : vector<16xf32>, vector<16xi32> -> vector<16xf32>
    %max3A_80 = arith.maximumf %get3A_69, %gather3A_79 : vector<16xf32>
    %xor3A_81 = arith.constant 4 : i32
    %xor3A_82 = vector.broadcast %xor3A_81 : i32 to vector<16xi32>
    %xor3A_83 = arith.xori %iota3A_73, %xor3A_82 : vector<16xi32>
    %broadcast_in_dim3A_84 = vector.shape_cast %xor3A_83 : vector<16xi32> to vector<16x1xi32>
    %gather3A_85 = vector.shape_cast %broadcast_in_dim3A_84 : vector<16x1xi32> to vector<16xi32>
    %gather3A_86 = tpu.dynamic_gather %max3A_80[%gather3A_85] in [0] : vector<16xf32>, vector<16xi32> -> vector<16xf32>
    %max3A_87 = arith.maximumf %max3A_80, %gather3A_86 : vector<16xf32>
    %xor3A_88 = arith.constant 2 : i32
    %xor3A_89 = vector.broadcast %xor3A_88 : i32 to vector<16xi32>
    %xor3A_90 = arith.xori %iota3A_73, %xor3A_89 : vector<16xi32>
    %broadcast_in_dim3A_91 = vector.shape_cast %xor3A_90 : vector<16xi32> to vector<16x1xi32>
    %gather3A_92 = vector.shape_cast %broadcast_in_dim3A_91 : vector<16x1xi32> to vector<16xi32>
    %gather3A_93 = tpu.dynamic_gather %max3A_87[%gather3A_92] in [0] : vector<16xf32>, vector<16xi32> -> vector<16xf32>
    %max3A_94 = arith.maximumf %max3A_87, %gather3A_93 : vector<16xf32>
    %xor3A_95 = arith.constant 1 : i32
    %xor3A_96 = vector.broadcast %xor3A_95 : i32 to vector<16xi32>
    %xor3A_97 = arith.xori %iota3A_73, %xor3A_96 : vector<16xi32>
    %broadcast_in_dim3A_98 = vector.shape_cast %xor3A_97 : vector<16xi32> to vector<16x1xi32>
    %gather3A_99 = vector.shape_cast %broadcast_in_dim3A_98 : vector<16x1xi32> to vector<16xi32>
    %gather3A_100 = tpu.dynamic_gather %max3A_94[%gather3A_99] in [0] : vector<16xf32>, vector<16xi32> -> vector<16xf32>
    %max3A_101 = arith.maximumf %max3A_94, %gather3A_100 : vector<16xf32>
    %select_n3A_102 = arith.select %eq3A_72, %max3A_101, %select_n3A_67 : vector<16xi1>, vector<16xf32>
    %get3A_103 = arith.constant 48 : index
    %get3A_104 = tpu.vector_load %arg4[%get3A_103] {strides = array<i32>} : memref<1280xf32, #tpu.memory_space<vmem>>, vector<16xf32>,
    %eq3A_105 = arith.constant 3 : i32
    %eq3A_106 = vector.broadcast %eq3A_105 : i32 to vector<16xi32>
    %eq3A_107 = arith.cmpi eq, %iota3A, %eq3A_106 : vector<16xi32>
    %iota3A_108 = tpu.iota {dimensions = array<i32: 0>} : vector<16xi32>
    %xor3A_109 = arith.constant 8 : i32
    %xor3A_110 = vector.broadcast %xor3A_109 : i32 to vector<16xi32>
    %xor3A_111 = arith.xori %iota3A_108, %xor3A_110 : vector<16xi32>
    %broadcast_in_dim3A_112 = vector.shape_cast %xor3A_111 : vector<16xi32> to vector<16x1xi32>
    %gather3A_113 = vector.shape_cast %broadcast_in_dim3A_112 : vector<16x1xi32> to vector<16xi32>
    %gather3A_114 = tpu.dynamic_gather %get3A_104[%gather3A_113] in [0] : vector<16xf32>, vector<16xi32> -> vector<16xf32>
    %max3A_115 = arith.maximumf %get3A_104, %gather3A_114 : vector<16xf32>
    %xor3A_116 = arith.constant 4 : i32
    %xor3A_117 = vector.broadcast %xor3A_116 : i32 to vector<16xi32>
    %xor3A_118 = arith.xori %iota3A_108, %xor3A_117 : vector<16xi32>
    %broadcast_in_dim3A_119 = vector.shape_cast %xor3A_118 : vector<16xi32> to vector<16x1xi32>
    %gather3A_120 = vector.shape_cast %broadcast_in_dim3A_119 : vector<16x1xi32> to vector<16xi32>
    %gather3A_121 = tpu.dynamic_gather %max3A_115[%gather3A_120] in [0] : vector<16xf32>, vector<16xi32> -> vector<16xf32>
    %max3A_122 = arith.maximumf %max3A_115, %gather3A_121 : vector<16xf32>
    %xor3A_123 = arith.constant 2 : i32
    %xor3A_124 = vector.broadcast %xor3A_123 : i32 to vector<16xi32>
    %xor3A_125 = arith.xori %iota3A_108, %xor3A_124 : vector<16xi32>
    %broadcast_in_dim3A_126 = vector.shape_cast %xor3A_125 : vector<16xi32> to vector<16x1xi32>
    %gather3A_127 = vector.shape_cast %broadcast_in_dim3A_126 : vector<16x1xi32> to vector<16xi32>
    %gather3A_128 = tpu.dynamic_gather %max3A_122[%gather3A_127] in [0] : vector<16xf32>, vector<16xi32> -> vector<16xf32>
    %max3A_129 = arith.maximumf %max3A_122, %gather3A_128 : vector<16xf32>
    %xor3A_130 = arith.constant 1 : i32
    %xor3A_131 = vector.broadcast %xor3A_130 : i32 to vector<16xi32>
    %xor3A_132 = arith.xori %iota3A_108, %xor3A_131 : vector<16xi32>
    %broadcast_in_dim3A_133 = vector.shape_cast %xor3A_132 : vector<16xi32> to vector<16x1xi32>
    %gather3A_134 = vector.shape_cast %broadcast_in_dim3A_133 : vector<16x1xi32> to vector<16xi32>
    %gather3A_135 = tpu.dynamic_gather %max3A_129[%gather3A_134] in [0] : vector<16xf32>, vector<16xi32> -> vector<16xf32>
    %max3A_136 = arith.maximumf %max3A_129, %gather3A_135 : vector<16xf32>
    %select_n3A_137 = arith.select %eq3A_107, %max3A_136, %select_n3A_102 : vector<16xi1>, vector<16xf32>
    %get3A_138 = arith.constant 64 : index
    %get3A_139 = tpu.vector_load %arg4[%get3A_138] {strides = array<i32>} : memref<1280xf32, #tpu.memory_space<vmem>>, vector<16xf32>,
    %eq3A_140 = arith.constant 4 : i32
    %eq3A_141 = vector.broadcast %eq3A_140 : i32 to vector<16xi32>
    %eq3A_142 = arith.cmpi eq, %iota3A, %eq3A_141 : vector<16xi32>
    %iota3A_143 = tpu.iota {dimensions = array<i32: 0>} : vector<16xi32>
    %xor3A_144 = arith.constant 8 : i32
    %xor3A_145 = vector.broadcast %xor3A_144 : i32 to vector<16xi32>
    %xor3A_146 = arith.xori %iota3A_143, %xor3A_145 : vector<16xi32>
    %broadcast_in_dim3A_147 = vector.shape_cast %xor3A_146 : vector<16xi32> to vector<16x1xi32>
    %gather3A_148 = vector.shape_cast %broadcast_in_dim3A_147 : vector<16x1xi32> to vector<16xi32>
    %gather3A_149 = tpu.dynamic_gather %get3A_139[%gather3A_148] in [0] : vector<16xf32>, vector<16xi32> -> vector<16xf32>
    %max3A_150 = arith.maximumf %get3A_139, %gather3A_149 : vector<16xf32>
    %xor3A_151 = arith.constant 4 : i32
    %xor3A_152 = vector.broadcast %xor3A_151 : i32 to vector<16xi32>
    %xor3A_153 = arith.xori %iota3A_143, %xor3A_152 : vector<16xi32>
    %broadcast_in_dim3A_154 = vector.shape_cast %xor3A_153 : vector<16xi32> to vector<16x1xi32>
    %gather3A_155 = vector.shape_cast %broadcast_in_dim3A_154 : vector<16x1xi32> to vector<16xi32>
    %gather3A_156 = tpu.dynamic_gather %max3A_150[%gather3A_155] in [0] : vector<16xf32>, vector<16xi32> -> vector<16xf32>
    %max3A_157 = arith.maximumf %max3A_150, %gather3A_156 : vector<16xf32>
    %xor3A_158 = arith.constant 2 : i32
    %xor3A_159 = vector.broadcast %xor3A_158 : i32 to vector<16xi32>
    %xor3A_160 = arith.xori %iota3A_143, %xor3A_159 : vector<16xi32>
    %broadcast_in_dim3A_161 = vector.shape_cast %xor3A_160 : vector<16xi32> to vector<16x1xi32>
    %gather3A_162 = vector.shape_cast %broadcast_in_dim3A_161 : vector<16x1xi32> to vector<16xi32>
    %gather3A_163 = tpu.dynamic_gather %max3A_157[%gather3A_162] in [0] : vector<16xf32>, vector<16xi32> -> vector<16xf32>
    %max3A_164 = arith.maximumf %max3A_157, %gather3A_163 : vector<16xf32>
    %xor3A_165 = arith.constant 1 : i32
    %xor3A_166 = vector.broadcast %xor3A_165 : i32 to vector<16xi32>
    %xor3A_167 = arith.xori %iota3A_143, %xor3A_166 : vector<16xi32>
    %broadcast_in_dim3A_168 = vector.shape_cast %xor3A_167 : vector<16xi32> to vector<16x1xi32>
    %gather3A_169 = vector.shape_cast %broadcast_in_dim3A_168 : vector<16x1xi32> to vector<16xi32>
    %gather3A_170 = tpu.dynamic_gather %max3A_164[%gather3A_169] in [0] : vector<16xf32>, vector<16xi32> -> vector<16xf32>
    %max3A_171 = arith.maximumf %max3A_164, %gather3A_170 : vector<16xf32>
    %select_n3A_172 = arith.select %eq3A_142, %max3A_171, %select_n3A_137 : vector<16xi1>, vector<16xf32>
    %get3A_173 = arith.constant 80 : index
    %get3A_174 = tpu.vector_load %arg4[%get3A_173] {strides = array<i32>} : memref<1280xf32, #tpu.memory_space<vmem>>, vector<16xf32>,
    %eq3A_175 = arith.constant 5 : i32
    %eq3A_176 = vector.broadcast %eq3A_175 : i32 to vector<16xi32>
    %eq3A_177 = arith.cmpi eq, %iota3A, %eq3A_176 : vector<16xi32>
    %iota3A_178 = tpu.iota {dimensions = array<i32: 0>} : vector<16xi32>
    %xor3A_179 = arith.constant 8 : i32
    %xor3A_180 = vector.broadcast %xor3A_179 : i32 to vector<16xi32>
    %xor3A_181 = arith.xori %iota3A_178, %xor3A_180 : vector<16xi32>
    %broadcast_in_dim3A_182 = vector.shape_cast %xor3A_181 : vector<16xi32> to vector<16x1xi32>
    %gather3A_183 = vector.shape_cast %broadcast_in_dim3A_182 : vector<16x1xi32> to vector<16xi32>
    %gather3A_184 = tpu.dynamic_gather %get3A_174[%gather3A_183] in [0] : vector<16xf32>, vector<16xi32> -> vector<16xf32>
    %max3A_185 = arith.maximumf %get3A_174, %gather3A_184 : vector<16xf32>
    %xor3A_186 = arith.constant 4 : i32
    %xor3A_187 = vector.broadcast %xor3A_186 : i32 to vector<16xi32>
    %xor3A_188 = arith.xori %iota3A_178, %xor3A_187 : vector<16xi32>
    %broadcast_in_dim3A_189 = vector.shape_cast %xor3A_188 : vector<16xi32> to vector<16x1xi32>
    %gather3A_190 = vector.shape_cast %broadcast_in_dim3A_189 : vector<16x1xi32> to vector<16xi32>
    %gather3A_191 = tpu.dynamic_gather %max3A_185[%gather3A_190] in [0] : vector<16xf32>, vector<16xi32> -> vector<16xf32>
    %max3A_192 = arith.maximumf %max3A_185, %gather3A_191 : vector<16xf32>
    %xor3A_193 = arith.constant 2 : i32
    %xor3A_194 = vector.broadcast %xor3A_193 : i32 to vector<16xi32>
    %xor3A_195 = arith.xori %iota3A_178, %xor3A_194 : vector<16xi32>
    %broadcast_in_dim3A_196 = vector.shape_cast %xor3A_195 : vector<16xi32> to vector<16x1xi32>
    %gather3A_197 = vector.shape_cast %broadcast_in_dim3A_196 : vector<16x1xi32> to vector<16xi32>
    %gather3A_198 = tpu.dynamic_gather %max3A_192[%gather3A_197] in [0] : vector<16xf32>, vector<16xi32> -> vector<16xf32>
    %max3A_199 = arith.maximumf %max3A_192, %gather3A_198 : vector<16xf32>
    %xor3A_200 = arith.constant 1 : i32
    %xor3A_201 = vector.broadcast %xor3A_200 : i32 to vector<16xi32>
    %xor3A_202 = arith.xori %iota3A_178, %xor3A_201 : vector<16xi32>
    %broadcast_in_dim3A_203 = vector.shape_cast %xor3A_202 : vector<16xi32> to vector<16x1xi32>
    %gather3A_204 = vector.shape_cast %broadcast_in_dim3A_203 : vector<16x1xi32> to vector<16xi32>
    %gather3A_205 = tpu.dynamic_gather %max3A_199[%gather3A_204] in [0] : vector<16xf32>, vector<16xi32> -> vector<16xf32>
    %max3A_206 = arith.maximumf %max3A_199, %gather3A_205 : vector<16xf32>
    %select_n3A_207 = arith.select %eq3A_177, %max3A_206, %select_n3A_172 : vector<16xi1>, vector<16xf32>
    %get3A_208 = arith.constant 96 : index
    %get3A_209 = tpu.vector_load %arg4[%get3A_208] {strides = array<i32>} : memref<1280xf32, #tpu.memory_space<vmem>>, vector<16xf32>,
    %eq3A_210 = arith.constant 6 : i32
    %eq3A_211 = vector.broadcast %eq3A_210 : i32 to vector<16xi32>
    %eq3A_212 = arith.cmpi eq, %iota3A, %eq3A_211 : vector<16xi32>
    %iota3A_213 = tpu.iota {dimensions = array<i32: 0>} : vector<16xi32>
    %xor3A_214 = arith.constant 8 : i32
    %xor3A_215 = vector.broadcast %xor3A_214 : i32 to vector<16xi32>
    %xor3A_216 = arith.xori %iota3A_213, %xor3A_215 : vector<16xi32>
    %broadcast_in_dim3A_217 = vector.shape_cast %xor3A_216 : vector<16xi32> to vector<16x1xi32>
    %gather3A_218 = vector.shape_cast %broadcast_in_dim3A_217 : vector<16x1xi32> to vector<16xi32>
    %gather3A_219 = tpu.dynamic_gather %get3A_209[%gather3A_218] in [0] : vector<16xf32>, vector<16xi32> -> vector<16xf32>
    %max3A_220 = arith.maximumf %get3A_209, %gather3A_219 : vector<16xf32>
    %xor3A_221 = arith.constant 4 : i32
    %xor3A_222 = vector.broadcast %xor3A_221 : i32 to vector<16xi32>
    %xor3A_223 = arith.xori %iota3A_213, %xor3A_222 : vector<16xi32>
    %broadcast_in_dim3A_224 = vector.shape_cast %xor3A_223 : vector<16xi32> to vector<16x1xi32>
    %gather3A_225 = vector.shape_cast %broadcast_in_dim3A_224 : vector<16x1xi32> to vector<16xi32>
    %gather3A_226 = tpu.dynamic_gather %max3A_220[%gather3A_225] in [0] : vector<16xf32>, vector<16xi32> -> vector<16xf32>
    %max3A_227 = arith.maximumf %max3A_220, %gather3A_226 : vector<16xf32>
    %xor3A_228 = arith.constant 2 : i32
    %xor3A_229 = vector.broadcast %xor3A_228 : i32 to vector<16xi32>
    %xor3A_230 = arith.xori %iota3A_213, %xor3A_229 : vector<16xi32>
    %broadcast_in_dim3A_231 = vector.shape_cast %xor3A_230 : vector<16xi32> to vector<16x1xi32>
    %gather3A_232 = vector.shape_cast %broadcast_in_dim3A_231 : vector<16x1xi32> to vector<16xi32>
    %gather3A_233 = tpu.dynamic_gather %max3A_227[%gather3A_232] in [0] : vector<16xf32>, vector<16xi32> -> vector<16xf32>
    %max3A_234 = arith.maximumf %max3A_227, %gather3A_233 : vector<16xf32>
    %xor3A_235 = arith.constant 1 : i32
    %xor3A_236 = vector.broadcast %xor3A_235 : i32 to vector<16xi32>
    %xor3A_237 = arith.xori %iota3A_213, %xor3A_236 : vector<16xi32>
    %broadcast_in_dim3A_238 = vector.shape_cast %xor3A_237 : vector<16xi32> to vector<16x1xi32>
    %gather3A_239 = vector.shape_cast %broadcast_in_dim3A_238 : vector<16x1xi32> to vector<16xi32>
    %gather3A_240 = tpu.dynamic_gather %max3A_234[%gather3A_239] in [0] : vector<16xf32>, vector<16xi32> -> vector<16xf32>
    %max3A_241 = arith.maximumf %max3A_234, %gather3A_240 : vector<16xf32>
    %select_n3A_242 = arith.select %eq3A_212, %max3A_241, %select_n3A_207 : vector<16xi1>, vector<16xf32>
    %get3A_243 = arith.constant 112 : index
    %get3A_244 = tpu.vector_load %arg4[%get3A_243] {strides = array<i32>} : memref<1280xf32, #tpu.memory_space<vmem>>, vector<16xf32>,
    %eq3A_245 = arith.constant 7 : i32
    %eq3A_246 = vector.broadcast %eq3A_245 : i32 to vector<16xi32>
    %eq3A_247 = arith.cmpi eq, %iota3A, %eq3A_246 : vector<16xi32>
    %iota3A_248 = tpu.iota {dimensions = array<i32: 0>} : vector<16xi32>
    %xor3A_249 = arith.constant 8 : i32
    %xor3A_250 = vector.broadcast %xor3A_249 : i32 to vector<16xi32>
    %xor3A_251 = arith.xori %iota3A_248, %xor3A_250 : vector<16xi32>
    %broadcast_in_dim3A_252 = vector.shape_cast %xor3A_251 : vector<16xi32> to vector<16x1xi32>
    %gather3A_253 = vector.shape_cast %broadcast_in_dim3A_252 : vector<16x1xi32> to vector<16xi32>
    %gather3A_254 = tpu.dynamic_gather %get3A_244[%gather3A_253] in [0] : vector<16xf32>, vector<16xi32> -> vector<16xf32>
    %max3A_255 = arith.maximumf %get3A_244, %gather3A_254 : vector<16xf32>
    %xor3A_256 = arith.constant 4 : i32
    %xor3A_257 = vector.broadcast %xor3A_256 : i32 to vector<16xi32>
    %xor3A_258 = arith.xori %iota3A_248, %xor3A_257 : vector<16xi32>
    %broadcast_in_dim3A_259 = vector.shape_cast %xor3A_258 : vector<16xi32> to vector<16x1xi32>
    %gather3A_260 = vector.shape_cast %broadcast_in_dim3A_259 : vector<16x1xi32> to vector<16xi32>
    %gather3A_261 = tpu.dynamic_gather %max3A_255[%gather3A_260] in [0] : vector<16xf32>, vector<16xi32> -> vector<16xf32>
    %max3A_262 = arith.maximumf %max3A_255, %gather3A_261 : vector<16xf32>
    %xor3A_263 = arith.constant 2 : i32
    %xor3A_264 = vector.broadcast %xor3A_263 : i32 to vector<16xi32>
    %xor3A_265 = arith.xori %iota3A_248, %xor3A_264 : vector<16xi32>
    %broadcast_in_dim3A_266 = vector.shape_cast %xor3A_265 : vector<16xi32> to vector<16x1xi32>
    %gather3A_267 = vector.shape_cast %broadcast_in_dim3A_266 : vector<16x1xi32> to vector<16xi32>
    %gather3A_268 = tpu.dynamic_gather %max3A_262[%gather3A_267] in [0] : vector<16xf32>, vector<16xi32> -> vector<16xf32>
    %max3A_269 = arith.maximumf %max3A_262, %gather3A_268 : vector<16xf32>
    %xor3A_270 = arith.constant 1 : i32
    %xor3A_271 = vector.broadcast %xor3A_270 : i32 to vector<16xi32>
    %xor3A_272 = arith.xori %iota3A_248, %xor3A_271 : vector<16xi32>
    %broadcast_in_dim3A_273 = vector.shape_cast %xor3A_272 : vector<16xi32> to vector<16x1xi32>
    %gather3A_274 = vector.shape_cast %broadcast_in_dim3A_273 : vector<16x1xi32> to vector<16xi32>
    %gather3A_275 = tpu.dynamic_gather %max3A_269[%gather3A_274] in [0] : vector<16xf32>, vector<16xi32> -> vector<16xf32>
    %max3A_276 = arith.maximumf %max3A_269, %gather3A_275 : vector<16xf32>
    %select_n3A_277 = arith.select %eq3A_247, %max3A_276, %select_n3A_242 : vector<16xi1>, vector<16xf32>
    %get3A_278 = arith.constant 128 : index
    %get3A_279 = tpu.vector_load %arg4[%get3A_278] {strides = array<i32>} : memref<1280xf32, #tpu.memory_space<vmem>>, vector<16xf32>,
    %eq3A_280 = arith.constant 8 : i32
    %eq3A_281 = vector.broadcast %eq3A_280 : i32 to vector<16xi32>
    %eq3A_282 = arith.cmpi eq, %iota3A, %eq3A_281 : vector<16xi32>
    %iota3A_283 = tpu.iota {dimensions = array<i32: 0>} : vector<16xi32>
    %xor3A_284 = arith.constant 8 : i32
    %xor3A_285 = vector.broadcast %xor3A_284 : i32 to vector<16xi32>
    %xor3A_286 = arith.xori %iota3A_283, %xor3A_285 : vector<16xi32>
    %broadcast_in_dim3A_287 = vector.shape_cast %xor3A_286 : vector<16xi32> to vector<16x1xi32>
    %gather3A_288 = vector.shape_cast %broadcast_in_dim3A_287 : vector<16x1xi32> to vector<16xi32>
    %gather3A_289 = tpu.dynamic_gather %get3A_279[%gather3A_288] in [0] : vector<16xf32>, vector<16xi32> -> vector<16xf32>
    %max3A_290 = arith.maximumf %get3A_279, %gather3A_289 : vector<16xf32>
    %xor3A_291 = arith.constant 4 : i32
    %xor3A_292 = vector.broadcast %xor3A_291 : i32 to vector<16xi32>
    %xor3A_293 = arith.xori %iota3A_283, %xor3A_292 : vector<16xi32>
    %broadcast_in_dim3A_294 = vector.shape_cast %xor3A_293 : vector<16xi32> to vector<16x1xi32>
    %gather3A_295 = vector.shape_cast %broadcast_in_dim3A_294 : vector<16x1xi32> to vector<16xi32>
    %gather3A_296 = tpu.dynamic_gather %max3A_290[%gather3A_295] in [0] : vector<16xf32>, vector<16xi32> -> vector<16xf32>
    %max3A_297 = arith.maximumf %max3A_290, %gather3A_296 : vector<16xf32>
    %xor3A_298 = arith.constant 2 : i32
    %xor3A_299 = vector.broadcast %xor3A_298 : i32 to vector<16xi32>
    %xor3A_300 = arith.xori %iota3A_283, %xor3A_299 : vector<16xi32>
    %broadcast_in_dim3A_301 = vector.shape_cast %xor3A_300 : vector<16xi32> to vector<16x1xi32>
    %gather3A_302 = vector.shape_cast %broadcast_in_dim3A_301 : vector<16x1xi32> to vector<16xi32>
    %gather3A_303 = tpu.dynamic_gather %max3A_297[%gather3A_302] in [0] : vector<16xf32>, vector<16xi32> -> vector<16xf32>
    %max3A_304 = arith.maximumf %max3A_297, %gather3A_303 : vector<16xf32>
    %xor3A_305 = arith.constant 1 : i32
    %xor3A_306 = vector.broadcast %xor3A_305 : i32 to vector<16xi32>
    %xor3A_307 = arith.xori %iota3A_283, %xor3A_306 : vector<16xi32>
    %broadcast_in_dim3A_308 = vector.shape_cast %xor3A_307 : vector<16xi32> to vector<16x1xi32>
    %gather3A_309 = vector.shape_cast %broadcast_in_dim3A_308 : vector<16x1xi32> to vector<16xi32>
    %gather3A_310 = tpu.dynamic_gather %max3A_304[%gather3A_309] in [0] : vector<16xf32>, vector<16xi32> -> vector<16xf32>
    %max3A_311 = arith.maximumf %max3A_304, %gather3A_310 : vector<16xf32>
    %select_n3A_312 = arith.select %eq3A_282, %max3A_311, %select_n3A_277 : vector<16xi1>, vector<16xf32>
    %get3A_313 = arith.constant 144 : index
    %get3A_314 = tpu.vector_load %arg4[%get3A_313] {strides = array<i32>} : memref<1280xf32, #tpu.memory_space<vmem>>, vector<16xf32>,
    %eq3A_315 = arith.constant 9 : i32
    %eq3A_316 = vector.broadcast %eq3A_315 : i32 to vector<16xi32>
    %eq3A_317 = arith.cmpi eq, %iota3A, %eq3A_316 : vector<16xi32>
    %iota3A_318 = tpu.iota {dimensions = array<i32: 0>} : vector<16xi32>
    %xor3A_319 = arith.constant 8 : i32
    %xor3A_320 = vector.broadcast %xor3A_319 : i32 to vector<16xi32>
    %xor3A_321 = arith.xori %iota3A_318, %xor3A_320 : vector<16xi32>
    %broadcast_in_dim3A_322 = vector.shape_cast %xor3A_321 : vector<16xi32> to vector<16x1xi32>
    %gather3A_323 = vector.shape_cast %broadcast_in_dim3A_322 : vector<16x1xi32> to vector<16xi32>
    %gather3A_324 = tpu.dynamic_gather %get3A_314[%gather3A_323] in [0] : vector<16xf32>, vector<16xi32> -> vector<16xf32>
    %max3A_325 = arith.maximumf %get3A_314, %gather3A_324 : vector<16xf32>
    %xor3A_326 = arith.constant 4 : i32
    %xor3A_327 = vector.broadcast %xor3A_326 : i32 to vector<16xi32>
    %xor3A_328 = arith.xori %iota3A_318, %xor3A_327 : vector<16xi32>
    %broadcast_in_dim3A_329 = vector.shape_cast %xor3A_328 : vector<16xi32> to vector<16x1xi32>
    %gather3A_330 = vector.shape_cast %broadcast_in_dim3A_329 : vector<16x1xi32> to vector<16xi32>
    %gather3A_331 = tpu.dynamic_gather %max3A_325[%gather3A_330] in [0] : vector<16xf32>, vector<16xi32> -> vector<16xf32>
    %max3A_332 = arith.maximumf %max3A_325, %gather3A_331 : vector<16xf32>
    %xor3A_333 = arith.constant 2 : i32
    %xor3A_334 = vector.broadcast %xor3A_333 : i32 to vector<16xi32>
    %xor3A_335 = arith.xori %iota3A_318, %xor3A_334 : vector<16xi32>
    %broadcast_in_dim3A_336 = vector.shape_cast %xor3A_335 : vector<16xi32> to vector<16x1xi32>
    %gather3A_337 = vector.shape_cast %broadcast_in_dim3A_336 : vector<16x1xi32> to vector<16xi32>
    %gather3A_338 = tpu.dynamic_gather %max3A_332[%gather3A_337] in [0] : vector<16xf32>, vector<16xi32> -> vector<16xf32>
    %max3A_339 = arith.maximumf %max3A_332, %gather3A_338 : vector<16xf32>
    %xor3A_340 = arith.constant 1 : i32
    %xor3A_341 = vector.broadcast %xor3A_340 : i32 to vector<16xi32>
    %xor3A_342 = arith.xori %iota3A_318, %xor3A_341 : vector<16xi32>
    %broadcast_in_dim3A_343 = vector.shape_cast %xor3A_342 : vector<16xi32> to vector<16x1xi32>
    %gather3A_344 = vector.shape_cast %broadcast_in_dim3A_343 : vector<16x1xi32> to vector<16xi32>
    %gather3A_345 = tpu.dynamic_gather %max3A_339[%gather3A_344] in [0] : vector<16xf32>, vector<16xi32> -> vector<16xf32>
    %max3A_346 = arith.maximumf %max3A_339, %gather3A_345 : vector<16xf32>
    %select_n3A_347 = arith.select %eq3A_317, %max3A_346, %select_n3A_312 : vector<16xi1>, vector<16xf32>
    %get3A_348 = arith.constant 160 : index
    %get3A_349 = tpu.vector_load %arg4[%get3A_348] {strides = array<i32>} : memref<1280xf32, #tpu.memory_space<vmem>>, vector<16xf32>,
    %eq3A_350 = arith.constant 10 : i32
    %eq3A_351 = vector.broadcast %eq3A_350 : i32 to vector<16xi32>
    %eq3A_352 = arith.cmpi eq, %iota3A, %eq3A_351 : vector<16xi32>
    %iota3A_353 = tpu.iota {dimensions = array<i32: 0>} : vector<16xi32>
    %xor3A_354 = arith.constant 8 : i32
    %xor3A_355 = vector.broadcast %xor3A_354 : i32 to vector<16xi32>
    %xor3A_356 = arith.xori %iota3A_353, %xor3A_355 : vector<16xi32>
    %broadcast_in_dim3A_357 = vector.shape_cast %xor3A_356 : vector<16xi32> to vector<16x1xi32>
    %gather3A_358 = vector.shape_cast %broadcast_in_dim3A_357 : vector<16x1xi32> to vector<16xi32>
    %gather3A_359 = tpu.dynamic_gather %get3A_349[%gather3A_358] in [0] : vector<16xf32>, vector<16xi32> -> vector<16xf32>
    %max3A_360 = arith.maximumf %get3A_349, %gather3A_359 : vector<16xf32>
    %xor3A_361 = arith.constant 4 : i32
    %xor3A_362 = vector.broadcast %xor3A_361 : i32 to vector<16xi32>
    %xor3A_363 = arith.xori %iota3A_353, %xor3A_362 : vector<16xi32>
    %broadcast_in_dim3A_364 = vector.shape_cast %xor3A_363 : vector<16xi32> to vector<16x1xi32>
    %gather3A_365 = vector.shape_cast %broadcast_in_dim3A_364 : vector<16x1xi32> to vector<16xi32>
    %gather3A_366 = tpu.dynamic_gather %max3A_360[%gather3A_365] in [0] : vector<16xf32>, vector<16xi32> -> vector<16xf32>
    %max3A_367 = arith.maximumf %max3A_360, %gather3A_366 : vector<16xf32>
    %xor3A_368 = arith.constant 2 : i32
    %xor3A_369 = vector.broadcast %xor3A_368 : i32 to vector<16xi32>
    %xor3A_370 = arith.xori %iota3A_353, %xor3A_369 : vector<16xi32>
    %broadcast_in_dim3A_371 = vector.shape_cast %xor3A_370 : vector<16xi32> to vector<16x1xi32>
    %gather3A_372 = vector.shape_cast %broadcast_in_dim3A_371 : vector<16x1xi32> to vector<16xi32>
    %gather3A_373 = tpu.dynamic_gather %max3A_367[%gather3A_372] in [0] : vector<16xf32>, vector<16xi32> -> vector<16xf32>
    %max3A_374 = arith.maximumf %max3A_367, %gather3A_373 : vector<16xf32>
    %xor3A_375 = arith.constant 1 : i32
    %xor3A_376 = vector.broadcast %xor3A_375 : i32 to vector<16xi32>
    %xor3A_377 = arith.xori %iota3A_353, %xor3A_376 : vector<16xi32>
    %broadcast_in_dim3A_378 = vector.shape_cast %xor3A_377 : vector<16xi32> to vector<16x1xi32>
    %gather3A_379 = vector.shape_cast %broadcast_in_dim3A_378 : vector<16x1xi32> to vector<16xi32>
    %gather3A_380 = tpu.dynamic_gather %max3A_374[%gather3A_379] in [0] : vector<16xf32>, vector<16xi32> -> vector<16xf32>
    %max3A_381 = arith.maximumf %max3A_374, %gather3A_380 : vector<16xf32>
    %select_n3A_382 = arith.select %eq3A_352, %max3A_381, %select_n3A_347 : vector<16xi1>, vector<16xf32>
    %get3A_383 = arith.constant 176 : index
    %get3A_384 = tpu.vector_load %arg4[%get3A_383] {strides = array<i32>} : memref<1280xf32, #tpu.memory_space<vmem>>, vector<16xf32>,
    %eq3A_385 = arith.constant 11 : i32
    %eq3A_386 = vector.broadcast %eq3A_385 : i32 to vector<16xi32>
    %eq3A_387 = arith.cmpi eq, %iota3A, %eq3A_386 : vector<16xi32>
    %iota3A_388 = tpu.iota {dimensions = array<i32: 0>} : vector<16xi32>
    %xor3A_389 = arith.constant 8 : i32
    %xor3A_390 = vector.broadcast %xor3A_389 : i32 to vector<16xi32>
    %xor3A_391 = arith.xori %iota3A_388, %xor3A_390 : vector<16xi32>
    %broadcast_in_dim3A_392 = vector.shape_cast %xor3A_391 : vector<16xi32> to vector<16x1xi32>
    %gather3A_393 = vector.shape_cast %broadcast_in_dim3A_392 : vector<16x1xi32> to vector<16xi32>
    %gather3A_394 = tpu.dynamic_gather %get3A_384[%gather3A_393] in [0] : vector<16xf32>, vector<16xi32> -> vector<16xf32>
    %max3A_395 = arith.maximumf %get3A_384, %gather3A_394 : vector<16xf32>
    %xor3A_396 = arith.constant 4 : i32
    %xor3A_397 = vector.broadcast %xor3A_396 : i32 to vector<16xi32>
    %xor3A_398 = arith.xori %iota3A_388, %xor3A_397 : vector<16xi32>
    %broadcast_in_dim3A_399 = vector.shape_cast %xor3A_398 : vector<16xi32> to vector<16x1xi32>
    %gather3A_400 = vector.shape_cast %broadcast_in_dim3A_399 : vector<16x1xi32> to vector<16xi32>
    %gather3A_401 = tpu.dynamic_gather %max3A_395[%gather3A_400] in [0] : vector<16xf32>, vector<16xi32> -> vector<16xf32>
    %max3A_402 = arith.maximumf %max3A_395, %gather3A_401 : vector<16xf32>
    %xor3A_403 = arith.constant 2 : i32
    %xor3A_404 = vector.broadcast %xor3A_403 : i32 to vector<16xi32>
    %xor3A_405 = arith.xori %iota3A_388, %xor3A_404 : vector<16xi32>
    %broadcast_in_dim3A_406 = vector.shape_cast %xor3A_405 : vector<16xi32> to vector<16x1xi32>
    %gather3A_407 = vector.shape_cast %broadcast_in_dim3A_406 : vector<16x1xi32> to vector<16xi32>
    %gather3A_408 = tpu.dynamic_gather %max3A_402[%gather3A_407] in [0] : vector<16xf32>, vector<16xi32> -> vector<16xf32>
    %max3A_409 = arith.maximumf %max3A_402, %gather3A_408 : vector<16xf32>
    %xor3A_410 = arith.constant 1 : i32
    %xor3A_411 = vector.broadcast %xor3A_410 : i32 to vector<16xi32>
    %xor3A_412 = arith.xori %iota3A_388, %xor3A_411 : vector<16xi32>
    %broadcast_in_dim3A_413 = vector.shape_cast %xor3A_412 : vector<16xi32> to vector<16x1xi32>
    %gather3A_414 = vector.shape_cast %broadcast_in_dim3A_413 : vector<16x1xi32> to vector<16xi32>
    %gather3A_415 = tpu.dynamic_gather %max3A_409[%gather3A_414] in [0] : vector<16xf32>, vector<16xi32> -> vector<16xf32>
    %max3A_416 = arith.maximumf %max3A_409, %gather3A_415 : vector<16xf32>
    %select_n3A_417 = arith.select %eq3A_387, %max3A_416, %select_n3A_382 : vector<16xi1>, vector<16xf32>
    %get3A_418 = arith.constant 192 : index
    %get3A_419 = tpu.vector_load %arg4[%get3A_418] {strides = array<i32>} : memref<1280xf32, #tpu.memory_space<vmem>>, vector<16xf32>,
    %eq3A_420 = arith.constant 12 : i32
    %eq3A_421 = vector.broadcast %eq3A_420 : i32 to vector<16xi32>
    %eq3A_422 = arith.cmpi eq, %iota3A, %eq3A_421 : vector<16xi32>
    %iota3A_423 = tpu.iota {dimensions = array<i32: 0>} : vector<16xi32>
    %xor3A_424 = arith.constant 8 : i32
    %xor3A_425 = vector.broadcast %xor3A_424 : i32 to vector<16xi32>
    %xor3A_426 = arith.xori %iota3A_423, %xor3A_425 : vector<16xi32>
    %broadcast_in_dim3A_427 = vector.shape_cast %xor3A_426 : vector<16xi32> to vector<16x1xi32>
    %gather3A_428 = vector.shape_cast %broadcast_in_dim3A_427 : vector<16x1xi32> to vector<16xi32>
    %gather3A_429 = tpu.dynamic_gather %get3A_419[%gather3A_428] in [0] : vector<16xf32>, vector<16xi32> -> vector<16xf32>
    %max3A_430 = arith.maximumf %get3A_419, %gather3A_429 : vector<16xf32>
    %xor3A_431 = arith.constant 4 : i32
    %xor3A_432 = vector.broadcast %xor3A_431 : i32 to vector<16xi32>
    %xor3A_433 = arith.xori %iota3A_423, %xor3A_432 : vector<16xi32>
    %broadcast_in_dim3A_434 = vector.shape_cast %xor3A_433 : vector<16xi32> to vector<16x1xi32>
    %gather3A_435 = vector.shape_cast %broadcast_in_dim3A_434 : vector<16x1xi32> to vector<16xi32>
    %gather3A_436 = tpu.dynamic_gather %max3A_430[%gather3A_435] in [0] : vector<16xf32>, vector<16xi32> -> vector<16xf32>
    %max3A_437 = arith.maximumf %max3A_430, %gather3A_436 : vector<16xf32>
    %xor3A_438 = arith.constant 2 : i32
    %xor3A_439 = vector.broadcast %xor3A_438 : i32 to vector<16xi32>
    %xor3A_440 = arith.xori %iota3A_423, %xor3A_439 : vector<16xi32>
    %broadcast_in_dim3A_441 = vector.shape_cast %xor3A_440 : vector<16xi32> to vector<16x1xi32>
    %gather3A_442 = vector.shape_cast %broadcast_in_dim3A_441 : vector<16x1xi32> to vector<16xi32>
    %gather3A_443 = tpu.dynamic_gather %max3A_437[%gather3A_442] in [0] : vector<16xf32>, vector<16xi32> -> vector<16xf32>
    %max3A_444 = arith.maximumf %max3A_437, %gather3A_443 : vector<16xf32>
    %xor3A_445 = arith.constant 1 : i32
    %xor3A_446 = vector.broadcast %xor3A_445 : i32 to vector<16xi32>
    %xor3A_447 = arith.xori %iota3A_423, %xor3A_446 : vector<16xi32>
    %broadcast_in_dim3A_448 = vector.shape_cast %xor3A_447 : vector<16xi32> to vector<16x1xi32>
    %gather3A_449 = vector.shape_cast %broadcast_in_dim3A_448 : vector<16x1xi32> to vector<16xi32>
    %gather3A_450 = tpu.dynamic_gather %max3A_444[%gather3A_449] in [0] : vector<16xf32>, vector<16xi32> -> vector<16xf32>
    %max3A_451 = arith.maximumf %max3A_444, %gather3A_450 : vector<16xf32>
    %select_n3A_452 = arith.select %eq3A_422, %max3A_451, %select_n3A_417 : vector<16xi1>, vector<16xf32>
    %get3A_453 = arith.constant 208 : index
    %get3A_454 = tpu.vector_load %arg4[%get3A_453] {strides = array<i32>} : memref<1280xf32, #tpu.memory_space<vmem>>, vector<16xf32>,
    %eq3A_455 = arith.constant 13 : i32
    %eq3A_456 = vector.broadcast %eq3A_455 : i32 to vector<16xi32>
    %eq3A_457 = arith.cmpi eq, %iota3A, %eq3A_456 : vector<16xi32>
    %iota3A_458 = tpu.iota {dimensions = array<i32: 0>} : vector<16xi32>
    %xor3A_459 = arith.constant 8 : i32
    %xor3A_460 = vector.broadcast %xor3A_459 : i32 to vector<16xi32>
    %xor3A_461 = arith.xori %iota3A_458, %xor3A_460 : vector<16xi32>
    %broadcast_in_dim3A_462 = vector.shape_cast %xor3A_461 : vector<16xi32> to vector<16x1xi32>
    %gather3A_463 = vector.shape_cast %broadcast_in_dim3A_462 : vector<16x1xi32> to vector<16xi32>
    %gather3A_464 = tpu.dynamic_gather %get3A_454[%gather3A_463] in [0] : vector<16xf32>, vector<16xi32> -> vector<16xf32>
    %max3A_465 = arith.maximumf %get3A_454, %gather3A_464 : vector<16xf32>
    %xor3A_466 = arith.constant 4 : i32
    %xor3A_467 = vector.broadcast %xor3A_466 : i32 to vector<16xi32>
    %xor3A_468 = arith.xori %iota3A_458, %xor3A_467 : vector<16xi32>
    %broadcast_in_dim3A_469 = vector.shape_cast %xor3A_468 : vector<16xi32> to vector<16x1xi32>
    %gather3A_470 = vector.shape_cast %broadcast_in_dim3A_469 : vector<16x1xi32> to vector<16xi32>
    %gather3A_471 = tpu.dynamic_gather %max3A_465[%gather3A_470] in [0] : vector<16xf32>, vector<16xi32> -> vector<16xf32>
    %max3A_472 = arith.maximumf %max3A_465, %gather3A_471 : vector<16xf32>
    %xor3A_473 = arith.constant 2 : i32
    %xor3A_474 = vector.broadcast %xor3A_473 : i32 to vector<16xi32>
    %xor3A_475 = arith.xori %iota3A_458, %xor3A_474 : vector<16xi32>
    %broadcast_in_dim3A_476 = vector.shape_cast %xor3A_475 : vector<16xi32> to vector<16x1xi32>
    %gather3A_477 = vector.shape_cast %broadcast_in_dim3A_476 : vector<16x1xi32> to vector<16xi32>
    %gather3A_478 = tpu.dynamic_gather %max3A_472[%gather3A_477] in [0] : vector<16xf32>, vector<16xi32> -> vector<16xf32>
    %max3A_479 = arith.maximumf %max3A_472, %gather3A_478 : vector<16xf32>
    %xor3A_480 = arith.constant 1 : i32
    %xor3A_481 = vector.broadcast %xor3A_480 : i32 to vector<16xi32>
    %xor3A_482 = arith.xori %iota3A_458, %xor3A_481 : vector<16xi32>
    %broadcast_in_dim3A_483 = vector.shape_cast %xor3A_482 : vector<16xi32> to vector<16x1xi32>
    %gather3A_484 = vector.shape_cast %broadcast_in_dim3A_483 : vector<16x1xi32> to vector<16xi32>
    %gather3A_485 = tpu.dynamic_gather %max3A_479[%gather3A_484] in [0] : vector<16xf32>, vector<16xi32> -> vector<16xf32>
    %max3A_486 = arith.maximumf %max3A_479, %gather3A_485 : vector<16xf32>
    %select_n3A_487 = arith.select %eq3A_457, %max3A_486, %select_n3A_452 : vector<16xi1>, vector<16xf32>
    %get3A_488 = arith.constant 224 : index
    %get3A_489 = tpu.vector_load %arg4[%get3A_488] {strides = array<i32>} : memref<1280xf32, #tpu.memory_space<vmem>>, vector<16xf32>,
    %eq3A_490 = arith.constant 14 : i32
    %eq3A_491 = vector.broadcast %eq3A_490 : i32 to vector<16xi32>
    %eq3A_492 = arith.cmpi eq, %iota3A, %eq3A_491 : vector<16xi32>
    %iota3A_493 = tpu.iota {dimensions = array<i32: 0>} : vector<16xi32>
    %xor3A_494 = arith.constant 8 : i32
    %xor3A_495 = vector.broadcast %xor3A_494 : i32 to vector<16xi32>
    %xor3A_496 = arith.xori %iota3A_493, %xor3A_495 : vector<16xi32>
    %broadcast_in_dim3A_497 = vector.shape_cast %xor3A_496 : vector<16xi32> to vector<16x1xi32>
    %gather3A_498 = vector.shape_cast %broadcast_in_dim3A_497 : vector<16x1xi32> to vector<16xi32>
    %gather3A_499 = tpu.dynamic_gather %get3A_489[%gather3A_498] in [0] : vector<16xf32>, vector<16xi32> -> vector<16xf32>
    %max3A_500 = arith.maximumf %get3A_489, %gather3A_499 : vector<16xf32>
    %xor3A_501 = arith.constant 4 : i32
    %xor3A_502 = vector.broadcast %xor3A_501 : i32 to vector<16xi32>
    %xor3A_503 = arith.xori %iota3A_493, %xor3A_502 : vector<16xi32>
    %broadcast_in_dim3A_504 = vector.shape_cast %xor3A_503 : vector<16xi32> to vector<16x1xi32>
    %gather3A_505 = vector.shape_cast %broadcast_in_dim3A_504 : vector<16x1xi32> to vector<16xi32>
    %gather3A_506 = tpu.dynamic_gather %max3A_500[%gather3A_505] in [0] : vector<16xf32>, vector<16xi32> -> vector<16xf32>
    %max3A_507 = arith.maximumf %max3A_500, %gather3A_506 : vector<16xf32>
    %xor3A_508 = arith.constant 2 : i32
    %xor3A_509 = vector.broadcast %xor3A_508 : i32 to vector<16xi32>
    %xor3A_510 = arith.xori %iota3A_493, %xor3A_509 : vector<16xi32>
    %broadcast_in_dim3A_511 = vector.shape_cast %xor3A_510 : vector<16xi32> to vector<16x1xi32>
    %gather3A_512 = vector.shape_cast %broadcast_in_dim3A_511 : vector<16x1xi32> to vector<16xi32>
    %gather3A_513 = tpu.dynamic_gather %max3A_507[%gather3A_512] in [0] : vector<16xf32>, vector<16xi32> -> vector<16xf32>
    %max3A_514 = arith.maximumf %max3A_507, %gather3A_513 : vector<16xf32>
    %xor3A_515 = arith.constant 1 : i32
    %xor3A_516 = vector.broadcast %xor3A_515 : i32 to vector<16xi32>
    %xor3A_517 = arith.xori %iota3A_493, %xor3A_516 : vector<16xi32>
    %broadcast_in_dim3A_518 = vector.shape_cast %xor3A_517 : vector<16xi32> to vector<16x1xi32>
    %gather3A_519 = vector.shape_cast %broadcast_in_dim3A_518 : vector<16x1xi32> to vector<16xi32>
    %gather3A_520 = tpu.dynamic_gather %max3A_514[%gather3A_519] in [0] : vector<16xf32>, vector<16xi32> -> vector<16xf32>
    %max3A_521 = arith.maximumf %max3A_514, %gather3A_520 : vector<16xf32>
    %select_n3A_522 = arith.select %eq3A_492, %max3A_521, %select_n3A_487 : vector<16xi1>, vector<16xf32>
    %get3A_523 = arith.constant 240 : index
    %get3A_524 = tpu.vector_load %arg4[%get3A_523] {strides = array<i32>} : memref<1280xf32, #tpu.memory_space<vmem>>, vector<16xf32>,
    %eq3A_525 = arith.constant 15 : i32
    %eq3A_526 = vector.broadcast %eq3A_525 : i32 to vector<16xi32>
    %eq3A_527 = arith.cmpi eq, %iota3A, %eq3A_526 : vector<16xi32>
    %iota3A_528 = tpu.iota {dimensions = array<i32: 0>} : vector<16xi32>
    %xor3A_529 = arith.constant 8 : i32
    %xor3A_530 = vector.broadcast %xor3A_529 : i32 to vector<16xi32>
    %xor3A_531 = arith.xori %iota3A_528, %xor3A_530 : vector<16xi32>
    %broadcast_in_dim3A_532 = vector.shape_cast %xor3A_531 : vector<16xi32> to vector<16x1xi32>
    %gather3A_533 = vector.shape_cast %broadcast_in_dim3A_532 : vector<16x1xi32> to vector<16xi32>
    %gather3A_534 = tpu.dynamic_gather %get3A_524[%gather3A_533] in [0] : vector<16xf32>, vector<16xi32> -> vector<16xf32>
    %max3A_535 = arith.maximumf %get3A_524, %gather3A_534 : vector<16xf32>
    %xor3A_536 = arith.constant 4 : i32
    %xor3A_537 = vector.broadcast %xor3A_536 : i32 to vector<16xi32>
    %xor3A_538 = arith.xori %iota3A_528, %xor3A_537 : vector<16xi32>
    %broadcast_in_dim3A_539 = vector.shape_cast %xor3A_538 : vector<16xi32> to vector<16x1xi32>
    %gather3A_540 = vector.shape_cast %broadcast_in_dim3A_539 : vector<16x1xi32> to vector<16xi32>
    %gather3A_541 = tpu.dynamic_gather %max3A_535[%gather3A_540] in [0] : vector<16xf32>, vector<16xi32> -> vector<16xf32>
    %max3A_542 = arith.maximumf %max3A_535, %gather3A_541 : vector<16xf32>
    %xor3A_543 = arith.constant 2 : i32
    %xor3A_544 = vector.broadcast %xor3A_543 : i32 to vector<16xi32>
    %xor3A_545 = arith.xori %iota3A_528, %xor3A_544 : vector<16xi32>
    %broadcast_in_dim3A_546 = vector.shape_cast %xor3A_545 : vector<16xi32> to vector<16x1xi32>
    %gather3A_547 = vector.shape_cast %broadcast_in_dim3A_546 : vector<16x1xi32> to vector<16xi32>
    %gather3A_548 = tpu.dynamic_gather %max3A_542[%gather3A_547] in [0] : vector<16xf32>, vector<16xi32> -> vector<16xf32>
    %max3A_549 = arith.maximumf %max3A_542, %gather3A_548 : vector<16xf32>
    %xor3A_550 = arith.constant 1 : i32
    %xor3A_551 = vector.broadcast %xor3A_550 : i32 to vector<16xi32>
    %xor3A_552 = arith.xori %iota3A_528, %xor3A_551 : vector<16xi32>
    %broadcast_in_dim3A_553 = vector.shape_cast %xor3A_552 : vector<16xi32> to vector<16x1xi32>
    %gather3A_554 = vector.shape_cast %broadcast_in_dim3A_553 : vector<16x1xi32> to vector<16xi32>
    %gather3A_555 = tpu.dynamic_gather %max3A_549[%gather3A_554] in [0] : vector<16xf32>, vector<16xi32> -> vector<16xf32>
    %max3A_556 = arith.maximumf %max3A_549, %gather3A_555 : vector<16xf32>
    %select_n3A_557 = arith.select %eq3A_527, %max3A_556, %select_n3A_522 : vector<16xi1>, vector<16xf32>
    %swap3A = arith.constant 0 : index
    %swap3A_558 = tpu.vector_load %arg5[%swap3A] {strides = array<i32>} : memref<80xf32, #tpu.memory_space<vmem>>, vector<16xf32>,
    tpu.vector_store %arg5[%swap3A], %select_n3A_557 {strides = array<i32>} : memref<80xf32, #tpu.memory_space<vmem>>, vector<16xf32>,
    %broadcast_in_dim3A_559 = arith.constant -9.000000e+00 : f32
    %broadcast_in_dim3A_560 = vector.broadcast %broadcast_in_dim3A_559 : f32 to vector<16xf32>
    %get3A_561 = arith.constant 256 : index
    %get3A_562 = tpu.vector_load %arg4[%get3A_561] {strides = array<i32>} : memref<1280xf32, #tpu.memory_space<vmem>>, vector<16xf32>,
    %eq3A_563 = arith.constant 0 : i32
    %eq3A_564 = vector.broadcast %eq3A_563 : i32 to vector<16xi32>
    %eq3A_565 = arith.cmpi eq, %iota3A, %eq3A_564 : vector<16xi32>
    %iota3A_566 = tpu.iota {dimensions = array<i32: 0>} : vector<16xi32>
    %xor3A_567 = arith.constant 8 : i32
    %xor3A_568 = vector.broadcast %xor3A_567 : i32 to vector<16xi32>
    %xor3A_569 = arith.xori %iota3A_566, %xor3A_568 : vector<16xi32>
    %broadcast_in_dim3A_570 = vector.shape_cast %xor3A_569 : vector<16xi32> to vector<16x1xi32>
    %gather3A_571 = vector.shape_cast %broadcast_in_dim3A_570 : vector<16x1xi32> to vector<16xi32>
    %gather3A_572 = tpu.dynamic_gather %get3A_562[%gather3A_571] in [0] : vector<16xf32>, vector<16xi32> -> vector<16xf32>
    %max3A_573 = arith.maximumf %get3A_562, %gather3A_572 : vector<16xf32>
    %xor3A_574 = arith.constant 4 : i32
    %xor3A_575 = vector.broadcast %xor3A_574 : i32 to vector<16xi32>
    %xor3A_576 = arith.xori %iota3A_566, %xor3A_575 : vector<16xi32>
    %broadcast_in_dim3A_577 = vector.shape_cast %xor3A_576 : vector<16xi32> to vector<16x1xi32>
    %gather3A_578 = vector.shape_cast %broadcast_in_dim3A_577 : vector<16x1xi32> to vector<16xi32>
    %gather3A_579 = tpu.dynamic_gather %max3A_573[%gather3A_578] in [0] : vector<16xf32>, vector<16xi32> -> vector<16xf32>
    %max3A_580 = arith.maximumf %max3A_573, %gather3A_579 : vector<16xf32>
    %xor3A_581 = arith.constant 2 : i32
    %xor3A_582 = vector.broadcast %xor3A_581 : i32 to vector<16xi32>
    %xor3A_583 = arith.xori %iota3A_566, %xor3A_582 : vector<16xi32>
    %broadcast_in_dim3A_584 = vector.shape_cast %xor3A_583 : vector<16xi32> to vector<16x1xi32>
    %gather3A_585 = vector.shape_cast %broadcast_in_dim3A_584 : vector<16x1xi32> to vector<16xi32>
    %gather3A_586 = tpu.dynamic_gather %max3A_580[%gather3A_585] in [0] : vector<16xf32>, vector<16xi32> -> vector<16xf32>
    %max3A_587 = arith.maximumf %max3A_580, %gather3A_586 : vector<16xf32>
    %xor3A_588 = arith.constant 1 : i32
    %xor3A_589 = vector.broadcast %xor3A_588 : i32 to vector<16xi32>
    %xor3A_590 = arith.xori %iota3A_566, %xor3A_589 : vector<16xi32>
    %broadcast_in_dim3A_591 = vector.shape_cast %xor3A_590 : vector<16xi32> to vector<16x1xi32>
    %gather3A_592 = vector.shape_cast %broadcast_in_dim3A_591 : vector<16x1xi32> to vector<16xi32>
    %gather3A_593 = tpu.dynamic_gather %max3A_587[%gather3A_592] in [0] : vector<16xf32>, vector<16xi32> -> vector<16xf32>
    %max3A_594 = arith.maximumf %max3A_587, %gather3A_593 : vector<16xf32>
    %select_n3A_595 = arith.select %eq3A_565, %max3A_594, %broadcast_in_dim3A_560 : vector<16xi1>, vector<16xf32>
    %get3A_596 = arith.constant 272 : index
    %get3A_597 = tpu.vector_load %arg4[%get3A_596] {strides = array<i32>} : memref<1280xf32, #tpu.memory_space<vmem>>, vector<16xf32>,
    %eq3A_598 = arith.constant 1 : i32
    %eq3A_599 = vector.broadcast %eq3A_598 : i32 to vector<16xi32>
    %eq3A_600 = arith.cmpi eq, %iota3A, %eq3A_599 : vector<16xi32>
    %iota3A_601 = tpu.iota {dimensions = array<i32: 0>} : vector<16xi32>
    %xor3A_602 = arith.constant 8 : i32
    %xor3A_603 = vector.broadcast %xor3A_602 : i32 to vector<16xi32>
    %xor3A_604 = arith.xori %iota3A_601, %xor3A_603 : vector<16xi32>
    %broadcast_in_dim3A_605 = vector.shape_cast %xor3A_604 : vector<16xi32> to vector<16x1xi32>
    %gather3A_606 = vector.shape_cast %broadcast_in_dim3A_605 : vector<16x1xi32> to vector<16xi32>
    %gather3A_607 = tpu.dynamic_gather %get3A_597[%gather3A_606] in [0] : vector<16xf32>, vector<16xi32> -> vector<16xf32>
    %max3A_608 = arith.maximumf %get3A_597, %gather3A_607 : vector<16xf32>
    %xor3A_609 = arith.constant 4 : i32
    %xor3A_610 = vector.broadcast %xor3A_609 : i32 to vector<16xi32>
    %xor3A_611 = arith.xori %iota3A_601, %xor3A_610 : vector<16xi32>
    %broadcast_in_dim3A_612 = vector.shape_cast %xor3A_611 : vector<16xi32> to vector<16x1xi32>
    %gather3A_613 = vector.shape_cast %broadcast_in_dim3A_612 : vector<16x1xi32> to vector<16xi32>
    %gather3A_614 = tpu.dynamic_gather %max3A_608[%gather3A_613] in [0] : vector<16xf32>, vector<16xi32> -> vector<16xf32>
    %max3A_615 = arith.maximumf %max3A_608, %gather3A_614 : vector<16xf32>
    %xor3A_616 = arith.constant 2 : i32
    %xor3A_617 = vector.broadcast %xor3A_616 : i32 to vector<16xi32>
    %xor3A_618 = arith.xori %iota3A_601, %xor3A_617 : vector<16xi32>
    %broadcast_in_dim3A_619 = vector.shape_cast %xor3A_618 : vector<16xi32> to vector<16x1xi32>
    %gather3A_620 = vector.shape_cast %broadcast_in_dim3A_619 : vector<16x1xi32> to vector<16xi32>
    %gather3A_621 = tpu.dynamic_gather %max3A_615[%gather3A_620] in [0] : vector<16xf32>, vector<16xi32> -> vector<16xf32>
    %max3A_622 = arith.maximumf %max3A_615, %gather3A_621 : vector<16xf32>
    %xor3A_623 = arith.constant 1 : i32
    %xor3A_624 = vector.broadcast %xor3A_623 : i32 to vector<16xi32>
    %xor3A_625 = arith.xori %iota3A_601, %xor3A_624 : vector<16xi32>
    %broadcast_in_dim3A_626 = vector.shape_cast %xor3A_625 : vector<16xi32> to vector<16x1xi32>
    %gather3A_627 = vector.shape_cast %broadcast_in_dim3A_626 : vector<16x1xi32> to vector<16xi32>
    %gather3A_628 = tpu.dynamic_gather %max3A_622[%gather3A_627] in [0] : vector<16xf32>, vector<16xi32> -> vector<16xf32>
    %max3A_629 = arith.maximumf %max3A_622, %gather3A_628 : vector<16xf32>
    %select_n3A_630 = arith.select %eq3A_600, %max3A_629, %select_n3A_595 : vector<16xi1>, vector<16xf32>
    %get3A_631 = arith.constant 288 : index
    %get3A_632 = tpu.vector_load %arg4[%get3A_631] {strides = array<i32>} : memref<1280xf32, #tpu.memory_space<vmem>>, vector<16xf32>,
    %eq3A_633 = arith.constant 2 : i32
    %eq3A_634 = vector.broadcast %eq3A_633 : i32 to vector<16xi32>
    %eq3A_635 = arith.cmpi eq, %iota3A, %eq3A_634 : vector<16xi32>
    %iota3A_636 = tpu.iota {dimensions = array<i32: 0>} : vector<16xi32>
    %xor3A_637 = arith.constant 8 : i32
    %xor3A_638 = vector.broadcast %xor3A_637 : i32 to vector<16xi32>
    %xor3A_639 = arith.xori %iota3A_636, %xor3A_638 : vector<16xi32>
    %broadcast_in_dim3A_640 = vector.shape_cast %xor3A_639 : vector<16xi32> to vector<16x1xi32>
    %gather3A_641 = vector.shape_cast %broadcast_in_dim3A_640 : vector<16x1xi32> to vector<16xi32>
    %gather3A_642 = tpu.dynamic_gather %get3A_632[%gather3A_641] in [0] : vector<16xf32>, vector<16xi32> -> vector<16xf32>
    %max3A_643 = arith.maximumf %get3A_632, %gather3A_642 : vector<16xf32>
    %xor3A_644 = arith.constant 4 : i32
    %xor3A_645 = vector.broadcast %xor3A_644 : i32 to vector<16xi32>
    %xor3A_646 = arith.xori %iota3A_636, %xor3A_645 : vector<16xi32>
    %broadcast_in_dim3A_647 = vector.shape_cast %xor3A_646 : vector<16xi32> to vector<16x1xi32>
    %gather3A_648 = vector.shape_cast %broadcast_in_dim3A_647 : vector<16x1xi32> to vector<16xi32>
    %gather3A_649 = tpu.dynamic_gather %max3A_643[%gather3A_648] in [0] : vector<16xf32>, vector<16xi32> -> vector<16xf32>
    %max3A_650 = arith.maximumf %max3A_643, %gather3A_649 : vector<16xf32>
    %xor3A_651 = arith.constant 2 : i32
    %xor3A_652 = vector.broadcast %xor3A_651 : i32 to vector<16xi32>
    %xor3A_653 = arith.xori %iota3A_636, %xor3A_652 : vector<16xi32>
    %broadcast_in_dim3A_654 = vector.shape_cast %xor3A_653 : vector<16xi32> to vector<16x1xi32>
    %gather3A_655 = vector.shape_cast %broadcast_in_dim3A_654 : vector<16x1xi32> to vector<16xi32>
    %gather3A_656 = tpu.dynamic_gather %max3A_650[%gather3A_655] in [0] : vector<16xf32>, vector<16xi32> -> vector<16xf32>
    %max3A_657 = arith.maximumf %max3A_650, %gather3A_656 : vector<16xf32>
    %xor3A_658 = arith.constant 1 : i32
    %xor3A_659 = vector.broadcast %xor3A_658 : i32 to vector<16xi32>
    %xor3A_660 = arith.xori %iota3A_636, %xor3A_659 : vector<16xi32>
    %broadcast_in_dim3A_661 = vector.shape_cast %xor3A_660 : vector<16xi32> to vector<16x1xi32>
    %gather3A_662 = vector.shape_cast %broadcast_in_dim3A_661 : vector<16x1xi32> to vector<16xi32>
    %gather3A_663 = tpu.dynamic_gather %max3A_657[%gather3A_662] in [0] : vector<16xf32>, vector<16xi32> -> vector<16xf32>
    %max3A_664 = arith.maximumf %max3A_657, %gather3A_663 : vector<16xf32>
    %select_n3A_665 = arith.select %eq3A_635, %max3A_664, %select_n3A_630 : vector<16xi1>, vector<16xf32>
    %get3A_666 = arith.constant 304 : index
    %get3A_667 = tpu.vector_load %arg4[%get3A_666] {strides = array<i32>} : memref<1280xf32, #tpu.memory_space<vmem>>, vector<16xf32>,
    %eq3A_668 = arith.constant 3 : i32
    %eq3A_669 = vector.broadcast %eq3A_668 : i32 to vector<16xi32>
    %eq3A_670 = arith.cmpi eq, %iota3A, %eq3A_669 : vector<16xi32>
    %iota3A_671 = tpu.iota {dimensions = array<i32: 0>} : vector<16xi32>
    %xor3A_672 = arith.constant 8 : i32
    %xor3A_673 = vector.broadcast %xor3A_672 : i32 to vector<16xi32>
    %xor3A_674 = arith.xori %iota3A_671, %xor3A_673 : vector<16xi32>
    %broadcast_in_dim3A_675 = vector.shape_cast %xor3A_674 : vector<16xi32> to vector<16x1xi32>
    %gather3A_676 = vector.shape_cast %broadcast_in_dim3A_675 : vector<16x1xi32> to vector<16xi32>
    %gather3A_677 = tpu.dynamic_gather %get3A_667[%gather3A_676] in [0] : vector<16xf32>, vector<16xi32> -> vector<16xf32>
    %max3A_678 = arith.maximumf %get3A_667, %gather3A_677 : vector<16xf32>
    %xor3A_679 = arith.constant 4 : i32
    %xor3A_680 = vector.broadcast %xor3A_679 : i32 to vector<16xi32>
    %xor3A_681 = arith.xori %iota3A_671, %xor3A_680 : vector<16xi32>
    %broadcast_in_dim3A_682 = vector.shape_cast %xor3A_681 : vector<16xi32> to vector<16x1xi32>
    %gather3A_683 = vector.shape_cast %broadcast_in_dim3A_682 : vector<16x1xi32> to vector<16xi32>
    %gather3A_684 = tpu.dynamic_gather %max3A_678[%gather3A_683] in [0] : vector<16xf32>, vector<16xi32> -> vector<16xf32>
    %max3A_685 = arith.maximumf %max3A_678, %gather3A_684 : vector<16xf32>
    %xor3A_686 = arith.constant 2 : i32
    %xor3A_687 = vector.broadcast %xor3A_686 : i32 to vector<16xi32>
    %xor3A_688 = arith.xori %iota3A_671, %xor3A_687 : vector<16xi32>
    %broadcast_in_dim3A_689 = vector.shape_cast %xor3A_688 : vector<16xi32> to vector<16x1xi32>
    %gather3A_690 = vector.shape_cast %broadcast_in_dim3A_689 : vector<16x1xi32> to vector<16xi32>
    %gather3A_691 = tpu.dynamic_gather %max3A_685[%gather3A_690] in [0] : vector<16xf32>, vector<16xi32> -> vector<16xf32>
    %max3A_692 = arith.maximumf %max3A_685, %gather3A_691 : vector<16xf32>
    %xor3A_693 = arith.constant 1 : i32
    %xor3A_694 = vector.broadcast %xor3A_693 : i32 to vector<16xi32>
    %xor3A_695 = arith.xori %iota3A_671, %xor3A_694 : vector<16xi32>
    %broadcast_in_dim3A_696 = vector.shape_cast %xor3A_695 : vector<16xi32> to vector<16x1xi32>
    %gather3A_697 = vector.shape_cast %broadcast_in_dim3A_696 : vector<16x1xi32> to vector<16xi32>
    %gather3A_698 = tpu.dynamic_gather %max3A_692[%gather3A_697] in [0] : vector<16xf32>, vector<16xi32> -> vector<16xf32>
    %max3A_699 = arith.maximumf %max3A_692, %gather3A_698 : vector<16xf32>
    %select_n3A_700 = arith.select %eq3A_670, %max3A_699, %select_n3A_665 : vector<16xi1>, vector<16xf32>
    %get3A_701 = arith.constant 320 : index
    %get3A_702 = tpu.vector_load %arg4[%get3A_701] {strides = array<i32>} : memref<1280xf32, #tpu.memory_space<vmem>>, vector<16xf32>,
    %eq3A_703 = arith.constant 4 : i32
    %eq3A_704 = vector.broadcast %eq3A_703 : i32 to vector<16xi32>
    %eq3A_705 = arith.cmpi eq, %iota3A, %eq3A_704 : vector<16xi32>
    %iota3A_706 = tpu.iota {dimensions = array<i32: 0>} : vector<16xi32>
    %xor3A_707 = arith.constant 8 : i32
    %xor3A_708 = vector.broadcast %xor3A_707 : i32 to vector<16xi32>
    %xor3A_709 = arith.xori %iota3A_706, %xor3A_708 : vector<16xi32>
    %broadcast_in_dim3A_710 = vector.shape_cast %xor3A_709 : vector<16xi32> to vector<16x1xi32>
    %gather3A_711 = vector.shape_cast %broadcast_in_dim3A_710 : vector<16x1xi32> to vector<16xi32>
    %gather3A_712 = tpu.dynamic_gather %get3A_702[%gather3A_711] in [0] : vector<16xf32>, vector<16xi32> -> vector<16xf32>
    %max3A_713 = arith.maximumf %get3A_702, %gather3A_712 : vector<16xf32>
    %xor3A_714 = arith.constant 4 : i32
    %xor3A_715 = vector.broadcast %xor3A_714 : i32 to vector<16xi32>
    %xor3A_716 = arith.xori %iota3A_706, %xor3A_715 : vector<16xi32>
    %broadcast_in_dim3A_717 = vector.shape_cast %xor3A_716 : vector<16xi32> to vector<16x1xi32>
    %gather3A_718 = vector.shape_cast %broadcast_in_dim3A_717 : vector<16x1xi32> to vector<16xi32>
    %gather3A_719 = tpu.dynamic_gather %max3A_713[%gather3A_718] in [0] : vector<16xf32>, vector<16xi32> -> vector<16xf32>
    %max3A_720 = arith.maximumf %max3A_713, %gather3A_719 : vector<16xf32>
    %xor3A_721 = arith.constant 2 : i32
    %xor3A_722 = vector.broadcast %xor3A_721 : i32 to vector<16xi32>
    %xor3A_723 = arith.xori %iota3A_706, %xor3A_722 : vector<16xi32>
    %broadcast_in_dim3A_724 = vector.shape_cast %xor3A_723 : vector<16xi32> to vector<16x1xi32>
    %gather3A_725 = vector.shape_cast %broadcast_in_dim3A_724 : vector<16x1xi32> to vector<16xi32>
    %gather3A_726 = tpu.dynamic_gather %max3A_720[%gather3A_725] in [0] : vector<16xf32>, vector<16xi32> -> vector<16xf32>
    %max3A_727 = arith.maximumf %max3A_720, %gather3A_726 : vector<16xf32>
    %xor3A_728 = arith.constant 1 : i32
    %xor3A_729 = vector.broadcast %xor3A_728 : i32 to vector<16xi32>
    %xor3A_730 = arith.xori %iota3A_706, %xor3A_729 : vector<16xi32>
    %broadcast_in_dim3A_731 = vector.shape_cast %xor3A_730 : vector<16xi32> to vector<16x1xi32>
    %gather3A_732 = vector.shape_cast %broadcast_in_dim3A_731 : vector<16x1xi32> to vector<16xi32>
    %gather3A_733 = tpu.dynamic_gather %max3A_727[%gather3A_732] in [0] : vector<16xf32>, vector<16xi32> -> vector<16xf32>
    %max3A_734 = arith.maximumf %max3A_727, %gather3A_733 : vector<16xf32>
    %select_n3A_735 = arith.select %eq3A_705, %max3A_734, %select_n3A_700 : vector<16xi1>, vector<16xf32>
    %get3A_736 = arith.constant 336 : index
    %get3A_737 = tpu.vector_load %arg4[%get3A_736] {strides = array<i32>} : memref<1280xf32, #tpu.memory_space<vmem>>, vector<16xf32>,
    %eq3A_738 = arith.constant 5 : i32
    %eq3A_739 = vector.broadcast %eq3A_738 : i32 to vector<16xi32>
    %eq3A_740 = arith.cmpi eq, %iota3A, %eq3A_739 : vector<16xi32>
    %iota3A_741 = tpu.iota {dimensions = array<i32: 0>} : vector<16xi32>
    %xor3A_742 = arith.constant 8 : i32
    %xor3A_743 = vector.broadcast %xor3A_742 : i32 to vector<16xi32>
    %xor3A_744 = arith.xori %iota3A_741, %xor3A_743 : vector<16xi32>
    %broadcast_in_dim3A_745 = vector.shape_cast %xor3A_744 : vector<16xi32> to vector<16x1xi32>
    %gather3A_746 = vector.shape_cast %broadcast_in_dim3A_745 : vector<16x1xi32> to vector<16xi32>
    %gather3A_747 = tpu.dynamic_gather %get3A_737[%gather3A_746] in [0] : vector<16xf32>, vector<16xi32> -> vector<16xf32>
    %max3A_748 = arith.maximumf %get3A_737, %gather3A_747 : vector<16xf32>
    %xor3A_749 = arith.constant 4 : i32
    %xor3A_750 = vector.broadcast %xor3A_749 : i32 to vector<16xi32>
    %xor3A_751 = arith.xori %iota3A_741, %xor3A_750 : vector<16xi32>
    %broadcast_in_dim3A_752 = vector.shape_cast %xor3A_751 : vector<16xi32> to vector<16x1xi32>
    %gather3A_753 = vector.shape_cast %broadcast_in_dim3A_752 : vector<16x1xi32> to vector<16xi32>
    %gather3A_754 = tpu.dynamic_gather %max3A_748[%gather3A_753] in [0] : vector<16xf32>, vector<16xi32> -> vector<16xf32>
    %max3A_755 = arith.maximumf %max3A_748, %gather3A_754 : vector<16xf32>
    %xor3A_756 = arith.constant 2 : i32
    %xor3A_757 = vector.broadcast %xor3A_756 : i32 to vector<16xi32>
    %xor3A_758 = arith.xori %iota3A_741, %xor3A_757 : vector<16xi32>
    %broadcast_in_dim3A_759 = vector.shape_cast %xor3A_758 : vector<16xi32> to vector<16x1xi32>
    %gather3A_760 = vector.shape_cast %broadcast_in_dim3A_759 : vector<16x1xi32> to vector<16xi32>
    %gather3A_761 = tpu.dynamic_gather %max3A_755[%gather3A_760] in [0] : vector<16xf32>, vector<16xi32> -> vector<16xf32>
    %max3A_762 = arith.maximumf %max3A_755, %gather3A_761 : vector<16xf32>
    %xor3A_763 = arith.constant 1 : i32
    %xor3A_764 = vector.broadcast %xor3A_763 : i32 to vector<16xi32>
    %xor3A_765 = arith.xori %iota3A_741, %xor3A_764 : vector<16xi32>
    %broadcast_in_dim3A_766 = vector.shape_cast %xor3A_765 : vector<16xi32> to vector<16x1xi32>
    %gather3A_767 = vector.shape_cast %broadcast_in_dim3A_766 : vector<16x1xi32> to vector<16xi32>
    %gather3A_768 = tpu.dynamic_gather %max3A_762[%gather3A_767] in [0] : vector<16xf32>, vector<16xi32> -> vector<16xf32>
    %max3A_769 = arith.maximumf %max3A_762, %gather3A_768 : vector<16xf32>
    %select_n3A_770 = arith.select %eq3A_740, %max3A_769, %select_n3A_735 : vector<16xi1>, vector<16xf32>
    %get3A_771 = arith.constant 352 : index
    %get3A_772 = tpu.vector_load %arg4[%get3A_771] {strides = array<i32>} : memref<1280xf32, #tpu.memory_space<vmem>>, vector<16xf32>,
    %eq3A_773 = arith.constant 6 : i32
    %eq3A_774 = vector.broadcast %eq3A_773 : i32 to vector<16xi32>
    %eq3A_775 = arith.cmpi eq, %iota3A, %eq3A_774 : vector<16xi32>
    %iota3A_776 = tpu.iota {dimensions = array<i32: 0>} : vector<16xi32>
    %xor3A_777 = arith.constant 8 : i32
    %xor3A_778 = vector.broadcast %xor3A_777 : i32 to vector<16xi32>
    %xor3A_779 = arith.xori %iota3A_776, %xor3A_778 : vector<16xi32>
    %broadcast_in_dim3A_780 = vector.shape_cast %xor3A_779 : vector<16xi32> to vector<16x1xi32>
    %gather3A_781 = vector.shape_cast %broadcast_in_dim3A_780 : vector<16x1xi32> to vector<16xi32>
    %gather3A_782 = tpu.dynamic_gather %get3A_772[%gather3A_781] in [0] : vector<16xf32>, vector<16xi32> -> vector<16xf32>
    %max3A_783 = arith.maximumf %get3A_772, %gather3A_782 : vector<16xf32>
    %xor3A_784 = arith.constant 4 : i32
    %xor3A_785 = vector.broadcast %xor3A_784 : i32 to vector<16xi32>
    %xor3A_786 = arith.xori %iota3A_776, %xor3A_785 : vector<16xi32>
    %broadcast_in_dim3A_787 = vector.shape_cast %xor3A_786 : vector<16xi32> to vector<16x1xi32>
    %gather3A_788 = vector.shape_cast %broadcast_in_dim3A_787 : vector<16x1xi32> to vector<16xi32>
    %gather3A_789 = tpu.dynamic_gather %max3A_783[%gather3A_788] in [0] : vector<16xf32>, vector<16xi32> -> vector<16xf32>
    %max3A_790 = arith.maximumf %max3A_783, %gather3A_789 : vector<16xf32>
    %xor3A_791 = arith.constant 2 : i32
    %xor3A_792 = vector.broadcast %xor3A_791 : i32 to vector<16xi32>
    %xor3A_793 = arith.xori %iota3A_776, %xor3A_792 : vector<16xi32>
    %broadcast_in_dim3A_794 = vector.shape_cast %xor3A_793 : vector<16xi32> to vector<16x1xi32>
    %gather3A_795 = vector.shape_cast %broadcast_in_dim3A_794 : vector<16x1xi32> to vector<16xi32>
    %gather3A_796 = tpu.dynamic_gather %max3A_790[%gather3A_795] in [0] : vector<16xf32>, vector<16xi32> -> vector<16xf32>
    %max3A_797 = arith.maximumf %max3A_790, %gather3A_796 : vector<16xf32>
    %xor3A_798 = arith.constant 1 : i32
    %xor3A_799 = vector.broadcast %xor3A_798 : i32 to vector<16xi32>
    %xor3A_800 = arith.xori %iota3A_776, %xor3A_799 : vector<16xi32>
    %broadcast_in_dim3A_801 = vector.shape_cast %xor3A_800 : vector<16xi32> to vector<16x1xi32>
    %gather3A_802 = vector.shape_cast %broadcast_in_dim3A_801 : vector<16x1xi32> to vector<16xi32>
    %gather3A_803 = tpu.dynamic_gather %max3A_797[%gather3A_802] in [0] : vector<16xf32>, vector<16xi32> -> vector<16xf32>
    %max3A_804 = arith.maximumf %max3A_797, %gather3A_803 : vector<16xf32>
    %select_n3A_805 = arith.select %eq3A_775, %max3A_804, %select_n3A_770 : vector<16xi1>, vector<16xf32>
    %get3A_806 = arith.constant 368 : index
    %get3A_807 = tpu.vector_load %arg4[%get3A_806] {strides = array<i32>} : memref<1280xf32, #tpu.memory_space<vmem>>, vector<16xf32>,
    %eq3A_808 = arith.constant 7 : i32
    %eq3A_809 = vector.broadcast %eq3A_808 : i32 to vector<16xi32>
    %eq3A_810 = arith.cmpi eq, %iota3A, %eq3A_809 : vector<16xi32>
    %iota3A_811 = tpu.iota {dimensions = array<i32: 0>} : vector<16xi32>
    %xor3A_812 = arith.constant 8 : i32
    %xor3A_813 = vector.broadcast %xor3A_812 : i32 to vector<16xi32>
    %xor3A_814 = arith.xori %iota3A_811, %xor3A_813 : vector<16xi32>
    %broadcast_in_dim3A_815 = vector.shape_cast %xor3A_814 : vector<16xi32> to vector<16x1xi32>
    %gather3A_816 = vector.shape_cast %broadcast_in_dim3A_815 : vector<16x1xi32> to vector<16xi32>
    %gather3A_817 = tpu.dynamic_gather %get3A_807[%gather3A_816] in [0] : vector<16xf32>, vector<16xi32> -> vector<16xf32>
    %max3A_818 = arith.maximumf %get3A_807, %gather3A_817 : vector<16xf32>
    %xor3A_819 = arith.constant 4 : i32
    %xor3A_820 = vector.broadcast %xor3A_819 : i32 to vector<16xi32>
    %xor3A_821 = arith.xori %iota3A_811, %xor3A_820 : vector<16xi32>
    %broadcast_in_dim3A_822 = vector.shape_cast %xor3A_821 : vector<16xi32> to vector<16x1xi32>
    %gather3A_823 = vector.shape_cast %broadcast_in_dim3A_822 : vector<16x1xi32> to vector<16xi32>
    %gather3A_824 = tpu.dynamic_gather %max3A_818[%gather3A_823] in [0] : vector<16xf32>, vector<16xi32> -> vector<16xf32>
    %max3A_825 = arith.maximumf %max3A_818, %gather3A_824 : vector<16xf32>
    %xor3A_826 = arith.constant 2 : i32
    %xor3A_827 = vector.broadcast %xor3A_826 : i32 to vector<16xi32>
    %xor3A_828 = arith.xori %iota3A_811, %xor3A_827 : vector<16xi32>
    %broadcast_in_dim3A_829 = vector.shape_cast %xor3A_828 : vector<16xi32> to vector<16x1xi32>
    %gather3A_830 = vector.shape_cast %broadcast_in_dim3A_829 : vector<16x1xi32> to vector<16xi32>
    %gather3A_831 = tpu.dynamic_gather %max3A_825[%gather3A_830] in [0] : vector<16xf32>, vector<16xi32> -> vector<16xf32>
    %max3A_832 = arith.maximumf %max3A_825, %gather3A_831 : vector<16xf32>
    %xor3A_833 = arith.constant 1 : i32
    %xor3A_834 = vector.broadcast %xor3A_833 : i32 to vector<16xi32>
    %xor3A_835 = arith.xori %iota3A_811, %xor3A_834 : vector<16xi32>
    %broadcast_in_dim3A_836 = vector.shape_cast %xor3A_835 : vector<16xi32> to vector<16x1xi32>
    %gather3A_837 = vector.shape_cast %broadcast_in_dim3A_836 : vector<16x1xi32> to vector<16xi32>
    %gather3A_838 = tpu.dynamic_gather %max3A_832[%gather3A_837] in [0] : vector<16xf32>, vector<16xi32> -> vector<16xf32>
    %max3A_839 = arith.maximumf %max3A_832, %gather3A_838 : vector<16xf32>
    %select_n3A_840 = arith.select %eq3A_810, %max3A_839, %select_n3A_805 : vector<16xi1>, vector<16xf32>
    %get3A_841 = arith.constant 384 : index
    %get3A_842 = tpu.vector_load %arg4[%get3A_841] {strides = array<i32>} : memref<1280xf32, #tpu.memory_space<vmem>>, vector<16xf32>,
    %eq3A_843 = arith.constant 8 : i32
    %eq3A_844 = vector.broadcast %eq3A_843 : i32 to vector<16xi32>
    %eq3A_845 = arith.cmpi eq, %iota3A, %eq3A_844 : vector<16xi32>
    %iota3A_846 = tpu.iota {dimensions = array<i32: 0>} : vector<16xi32>
    %xor3A_847 = arith.constant 8 : i32
    %xor3A_848 = vector.broadcast %xor3A_847 : i32 to vector<16xi32>
    %xor3A_849 = arith.xori %iota3A_846, %xor3A_848 : vector<16xi32>
    %broadcast_in_dim3A_850 = vector.shape_cast %xor3A_849 : vector<16xi32> to vector<16x1xi32>
    %gather3A_851 = vector.shape_cast %broadcast_in_dim3A_850 : vector<16x1xi32> to vector<16xi32>
    %gather3A_852 = tpu.dynamic_gather %get3A_842[%gather3A_851] in [0] : vector<16xf32>, vector<16xi32> -> vector<16xf32>
    %max3A_853 = arith.maximumf %get3A_842, %gather3A_852 : vector<16xf32>
    %xor3A_854 = arith.constant 4 : i32
    %xor3A_855 = vector.broadcast %xor3A_854 : i32 to vector<16xi32>
    %xor3A_856 = arith.xori %iota3A_846, %xor3A_855 : vector<16xi32>
    %broadcast_in_dim3A_857 = vector.shape_cast %xor3A_856 : vector<16xi32> to vector<16x1xi32>
    %gather3A_858 = vector.shape_cast %broadcast_in_dim3A_857 : vector<16x1xi32> to vector<16xi32>
    %gather3A_859 = tpu.dynamic_gather %max3A_853[%gather3A_858] in [0] : vector<16xf32>, vector<16xi32> -> vector<16xf32>
    %max3A_860 = arith.maximumf %max3A_853, %gather3A_859 : vector<16xf32>
    %xor3A_861 = arith.constant 2 : i32
    %xor3A_862 = vector.broadcast %xor3A_861 : i32 to vector<16xi32>
    %xor3A_863 = arith.xori %iota3A_846, %xor3A_862 : vector<16xi32>
    %broadcast_in_dim3A_864 = vector.shape_cast %xor3A_863 : vector<16xi32> to vector<16x1xi32>
    %gather3A_865 = vector.shape_cast %broadcast_in_dim3A_864 : vector<16x1xi32> to vector<16xi32>
    %gather3A_866 = tpu.dynamic_gather %max3A_860[%gather3A_865] in [0] : vector<16xf32>, vector<16xi32> -> vector<16xf32>
    %max3A_867 = arith.maximumf %max3A_860, %gather3A_866 : vector<16xf32>
    %xor3A_868 = arith.constant 1 : i32
    %xor3A_869 = vector.broadcast %xor3A_868 : i32 to vector<16xi32>
    %xor3A_870 = arith.xori %iota3A_846, %xor3A_869 : vector<16xi32>
    %broadcast_in_dim3A_871 = vector.shape_cast %xor3A_870 : vector<16xi32> to vector<16x1xi32>
    %gather3A_872 = vector.shape_cast %broadcast_in_dim3A_871 : vector<16x1xi32> to vector<16xi32>
    %gather3A_873 = tpu.dynamic_gather %max3A_867[%gather3A_872] in [0] : vector<16xf32>, vector<16xi32> -> vector<16xf32>
    %max3A_874 = arith.maximumf %max3A_867, %gather3A_873 : vector<16xf32>
    %select_n3A_875 = arith.select %eq3A_845, %max3A_874, %select_n3A_840 : vector<16xi1>, vector<16xf32>
    %get3A_876 = arith.constant 400 : index
    %get3A_877 = tpu.vector_load %arg4[%get3A_876] {strides = array<i32>} : memref<1280xf32, #tpu.memory_space<vmem>>, vector<16xf32>,
    %eq3A_878 = arith.constant 9 : i32
    %eq3A_879 = vector.broadcast %eq3A_878 : i32 to vector<16xi32>
    %eq3A_880 = arith.cmpi eq, %iota3A, %eq3A_879 : vector<16xi32>
    %iota3A_881 = tpu.iota {dimensions = array<i32: 0>} : vector<16xi32>
    %xor3A_882 = arith.constant 8 : i32
    %xor3A_883 = vector.broadcast %xor3A_882 : i32 to vector<16xi32>
    %xor3A_884 = arith.xori %iota3A_881, %xor3A_883 : vector<16xi32>
    %broadcast_in_dim3A_885 = vector.shape_cast %xor3A_884 : vector<16xi32> to vector<16x1xi32>
    %gather3A_886 = vector.shape_cast %broadcast_in_dim3A_885 : vector<16x1xi32> to vector<16xi32>
    %gather3A_887 = tpu.dynamic_gather %get3A_877[%gather3A_886] in [0] : vector<16xf32>, vector<16xi32> -> vector<16xf32>
    %max3A_888 = arith.maximumf %get3A_877, %gather3A_887 : vector<16xf32>
    %xor3A_889 = arith.constant 4 : i32
    %xor3A_890 = vector.broadcast %xor3A_889 : i32 to vector<16xi32>
    %xor3A_891 = arith.xori %iota3A_881, %xor3A_890 : vector<16xi32>
    %broadcast_in_dim3A_892 = vector.shape_cast %xor3A_891 : vector<16xi32> to vector<16x1xi32>
    %gather3A_893 = vector.shape_cast %broadcast_in_dim3A_892 : vector<16x1xi32> to vector<16xi32>
    %gather3A_894 = tpu.dynamic_gather %max3A_888[%gather3A_893] in [0] : vector<16xf32>, vector<16xi32> -> vector<16xf32>
    %max3A_895 = arith.maximumf %max3A_888, %gather3A_894 : vector<16xf32>
    %xor3A_896 = arith.constant 2 : i32
    %xor3A_897 = vector.broadcast %xor3A_896 : i32 to vector<16xi32>
    %xor3A_898 = arith.xori %iota3A_881, %xor3A_897 : vector<16xi32>
    %broadcast_in_dim3A_899 = vector.shape_cast %xor3A_898 : vector<16xi32> to vector<16x1xi32>
    %gather3A_900 = vector.shape_cast %broadcast_in_dim3A_899 : vector<16x1xi32> to vector<16xi32>
    %gather3A_901 = tpu.dynamic_gather %max3A_895[%gather3A_900] in [0] : vector<16xf32>, vector<16xi32> -> vector<16xf32>
    %max3A_902 = arith.maximumf %max3A_895, %gather3A_901 : vector<16xf32>
    %xor3A_903 = arith.constant 1 : i32
    %xor3A_904 = vector.broadcast %xor3A_903 : i32 to vector<16xi32>
    %xor3A_905 = arith.xori %iota3A_881, %xor3A_904 : vector<16xi32>
    %broadcast_in_dim3A_906 = vector.shape_cast %xor3A_905 : vector<16xi32> to vector<16x1xi32>
    %gather3A_907 = vector.shape_cast %broadcast_in_dim3A_906 : vector<16x1xi32> to vector<16xi32>
    %gather3A_908 = tpu.dynamic_gather %max3A_902[%gather3A_907] in [0] : vector<16xf32>, vector<16xi32> -> vector<16xf32>
    %max3A_909 = arith.maximumf %max3A_902, %gather3A_908 : vector<16xf32>
    %select_n3A_910 = arith.select %eq3A_880, %max3A_909, %select_n3A_875 : vector<16xi1>, vector<16xf32>
    %get3A_911 = arith.constant 416 : index
    %get3A_912 = tpu.vector_load %arg4[%get3A_911] {strides = array<i32>} : memref<1280xf32, #tpu.memory_space<vmem>>, vector<16xf32>,
    %eq3A_913 = arith.constant 10 : i32
    %eq3A_914 = vector.broadcast %eq3A_913 : i32 to vector<16xi32>
    %eq3A_915 = arith.cmpi eq, %iota3A, %eq3A_914 : vector<16xi32>
    %iota3A_916 = tpu.iota {dimensions = array<i32: 0>} : vector<16xi32>
    %xor3A_917 = arith.constant 8 : i32
    %xor3A_918 = vector.broadcast %xor3A_917 : i32 to vector<16xi32>
    %xor3A_919 = arith.xori %iota3A_916, %xor3A_918 : vector<16xi32>
    %broadcast_in_dim3A_920 = vector.shape_cast %xor3A_919 : vector<16xi32> to vector<16x1xi32>
    %gather3A_921 = vector.shape_cast %broadcast_in_dim3A_920 : vector<16x1xi32> to vector<16xi32>
    %gather3A_922 = tpu.dynamic_gather %get3A_912[%gather3A_921] in [0] : vector<16xf32>, vector<16xi32> -> vector<16xf32>
    %max3A_923 = arith.maximumf %get3A_912, %gather3A_922 : vector<16xf32>
    %xor3A_924 = arith.constant 4 : i32
    %xor3A_925 = vector.broadcast %xor3A_924 : i32 to vector<16xi32>
    %xor3A_926 = arith.xori %iota3A_916, %xor3A_925 : vector<16xi32>
    %broadcast_in_dim3A_927 = vector.shape_cast %xor3A_926 : vector<16xi32> to vector<16x1xi32>
    %gather3A_928 = vector.shape_cast %broadcast_in_dim3A_927 : vector<16x1xi32> to vector<16xi32>
    %gather3A_929 = tpu.dynamic_gather %max3A_923[%gather3A_928] in [0] : vector<16xf32>, vector<16xi32> -> vector<16xf32>
    %max3A_930 = arith.maximumf %max3A_923, %gather3A_929 : vector<16xf32>
    %xor3A_931 = arith.constant 2 : i32
    %xor3A_932 = vector.broadcast %xor3A_931 : i32 to vector<16xi32>
    %xor3A_933 = arith.xori %iota3A_916, %xor3A_932 : vector<16xi32>
    %broadcast_in_dim3A_934 = vector.shape_cast %xor3A_933 : vector<16xi32> to vector<16x1xi32>
    %gather3A_935 = vector.shape_cast %broadcast_in_dim3A_934 : vector<16x1xi32> to vector<16xi32>
    %gather3A_936 = tpu.dynamic_gather %max3A_930[%gather3A_935] in [0] : vector<16xf32>, vector<16xi32> -> vector<16xf32>
    %max3A_937 = arith.maximumf %max3A_930, %gather3A_936 : vector<16xf32>
    %xor3A_938 = arith.constant 1 : i32
    %xor3A_939 = vector.broadcast %xor3A_938 : i32 to vector<16xi32>
    %xor3A_940 = arith.xori %iota3A_916, %xor3A_939 : vector<16xi32>
    %broadcast_in_dim3A_941 = vector.shape_cast %xor3A_940 : vector<16xi32> to vector<16x1xi32>
    %gather3A_942 = vector.shape_cast %broadcast_in_dim3A_941 : vector<16x1xi32> to vector<16xi32>
    %gather3A_943 = tpu.dynamic_gather %max3A_937[%gather3A_942] in [0] : vector<16xf32>, vector<16xi32> -> vector<16xf32>
    %max3A_944 = arith.maximumf %max3A_937, %gather3A_943 : vector<16xf32>
    %select_n3A_945 = arith.select %eq3A_915, %max3A_944, %select_n3A_910 : vector<16xi1>, vector<16xf32>
    %get3A_946 = arith.constant 432 : index
    %get3A_947 = tpu.vector_load %arg4[%get3A_946] {strides = array<i32>} : memref<1280xf32, #tpu.memory_space<vmem>>, vector<16xf32>,
    %eq3A_948 = arith.constant 11 : i32
    %eq3A_949 = vector.broadcast %eq3A_948 : i32 to vector<16xi32>
    %eq3A_950 = arith.cmpi eq, %iota3A, %eq3A_949 : vector<16xi32>
    %iota3A_951 = tpu.iota {dimensions = array<i32: 0>} : vector<16xi32>
    %xor3A_952 = arith.constant 8 : i32
    %xor3A_953 = vector.broadcast %xor3A_952 : i32 to vector<16xi32>
    %xor3A_954 = arith.xori %iota3A_951, %xor3A_953 : vector<16xi32>
    %broadcast_in_dim3A_955 = vector.shape_cast %xor3A_954 : vector<16xi32> to vector<16x1xi32>
    %gather3A_956 = vector.shape_cast %broadcast_in_dim3A_955 : vector<16x1xi32> to vector<16xi32>
    %gather3A_957 = tpu.dynamic_gather %get3A_947[%gather3A_956] in [0] : vector<16xf32>, vector<16xi32> -> vector<16xf32>
    %max3A_958 = arith.maximumf %get3A_947, %gather3A_957 : vector<16xf32>
    %xor3A_959 = arith.constant 4 : i32
    %xor3A_960 = vector.broadcast %xor3A_959 : i32 to vector<16xi32>
    %xor3A_961 = arith.xori %iota3A_951, %xor3A_960 : vector<16xi32>
    %broadcast_in_dim3A_962 = vector.shape_cast %xor3A_961 : vector<16xi32> to vector<16x1xi32>
    %gather3A_963 = vector.shape_cast %broadcast_in_dim3A_962 : vector<16x1xi32> to vector<16xi32>
    %gather3A_964 = tpu.dynamic_gather %max3A_958[%gather3A_963] in [0] : vector<16xf32>, vector<16xi32> -> vector<16xf32>
    %max3A_965 = arith.maximumf %max3A_958, %gather3A_964 : vector<16xf32>
    %xor3A_966 = arith.constant 2 : i32
    %xor3A_967 = vector.broadcast %xor3A_966 : i32 to vector<16xi32>
    %xor3A_968 = arith.xori %iota3A_951, %xor3A_967 : vector<16xi32>
    %broadcast_in_dim3A_969 = vector.shape_cast %xor3A_968 : vector<16xi32> to vector<16x1xi32>
    %gather3A_970 = vector.shape_cast %broadcast_in_dim3A_969 : vector<16x1xi32> to vector<16xi32>
    %gather3A_971 = tpu.dynamic_gather %max3A_965[%gather3A_970] in [0] : vector<16xf32>, vector<16xi32> -> vector<16xf32>
    %max3A_972 = arith.maximumf %max3A_965, %gather3A_971 : vector<16xf32>
    %xor3A_973 = arith.constant 1 : i32
    %xor3A_974 = vector.broadcast %xor3A_973 : i32 to vector<16xi32>
    %xor3A_975 = arith.xori %iota3A_951, %xor3A_974 : vector<16xi32>
    %broadcast_in_dim3A_976 = vector.shape_cast %xor3A_975 : vector<16xi32> to vector<16x1xi32>
    %gather3A_977 = vector.shape_cast %broadcast_in_dim3A_976 : vector<16x1xi32> to vector<16xi32>
    %gather3A_978 = tpu.dynamic_gather %max3A_972[%gather3A_977] in [0] : vector<16xf32>, vector<16xi32> -> vector<16xf32>
    %max3A_979 = arith.maximumf %max3A_972, %gather3A_978 : vector<16xf32>
    %select_n3A_980 = arith.select %eq3A_950, %max3A_979, %select_n3A_945 : vector<16xi1>, vector<16xf32>
    %get3A_981 = arith.constant 448 : index
    %get3A_982 = tpu.vector_load %arg4[%get3A_981] {strides = array<i32>} : memref<1280xf32, #tpu.memory_space<vmem>>, vector<16xf32>,
    %eq3A_983 = arith.constant 12 : i32
    %eq3A_984 = vector.broadcast %eq3A_983 : i32 to vector<16xi32>
    %eq3A_985 = arith.cmpi eq, %iota3A, %eq3A_984 : vector<16xi32>
    %iota3A_986 = tpu.iota {dimensions = array<i32: 0>} : vector<16xi32>
    %xor3A_987 = arith.constant 8 : i32
    %xor3A_988 = vector.broadcast %xor3A_987 : i32 to vector<16xi32>
    %xor3A_989 = arith.xori %iota3A_986, %xor3A_988 : vector<16xi32>
    %broadcast_in_dim3A_990 = vector.shape_cast %xor3A_989 : vector<16xi32> to vector<16x1xi32>
    %gather3A_991 = vector.shape_cast %broadcast_in_dim3A_990 : vector<16x1xi32> to vector<16xi32>
    %gather3A_992 = tpu.dynamic_gather %get3A_982[%gather3A_991] in [0] : vector<16xf32>, vector<16xi32> -> vector<16xf32>
    %max3A_993 = arith.maximumf %get3A_982, %gather3A_992 : vector<16xf32>
    %xor3A_994 = arith.constant 4 : i32
    %xor3A_995 = vector.broadcast %xor3A_994 : i32 to vector<16xi32>
    %xor3A_996 = arith.xori %iota3A_986, %xor3A_995 : vector<16xi32>
    %broadcast_in_dim3A_997 = vector.shape_cast %xor3A_996 : vector<16xi32> to vector<16x1xi32>
    %gather3A_998 = vector.shape_cast %broadcast_in_dim3A_997 : vector<16x1xi32> to vector<16xi32>
    %gather3A_999 = tpu.dynamic_gather %max3A_993[%gather3A_998] in [0] : vector<16xf32>, vector<16xi32> -> vector<16xf32>
    %max3A_1000 = arith.maximumf %max3A_993, %gather3A_999 : vector<16xf32>
    %xor3A_1001 = arith.constant 2 : i32
    %xor3A_1002 = vector.broadcast %xor3A_1001 : i32 to vector<16xi32>
    %xor3A_1003 = arith.xori %iota3A_986, %xor3A_1002 : vector<16xi32>
    %broadcast_in_dim3A_1004 = vector.shape_cast %xor3A_1003 : vector<16xi32> to vector<16x1xi32>
    %gather3A_1005 = vector.shape_cast %broadcast_in_dim3A_1004 : vector<16x1xi32> to vector<16xi32>
    %gather3A_1006 = tpu.dynamic_gather %max3A_1000[%gather3A_1005] in [0] : vector<16xf32>, vector<16xi32> -> vector<16xf32>
    %max3A_1007 = arith.maximumf %max3A_1000, %gather3A_1006 : vector<16xf32>
    %xor3A_1008 = arith.constant 1 : i32
    %xor3A_1009 = vector.broadcast %xor3A_1008 : i32 to vector<16xi32>
    %xor3A_1010 = arith.xori %iota3A_986, %xor3A_1009 : vector<16xi32>
    %broadcast_in_dim3A_1011 = vector.shape_cast %xor3A_1010 : vector<16xi32> to vector<16x1xi32>
    %gather3A_1012 = vector.shape_cast %broadcast_in_dim3A_1011 : vector<16x1xi32> to vector<16xi32>
    %gather3A_1013 = tpu.dynamic_gather %max3A_1007[%gather3A_1012] in [0] : vector<16xf32>, vector<16xi32> -> vector<16xf32>
    %max3A_1014 = arith.maximumf %max3A_1007, %gather3A_1013 : vector<16xf32>
    %select_n3A_1015 = arith.select %eq3A_985, %max3A_1014, %select_n3A_980 : vector<16xi1>, vector<16xf32>
    %get3A_1016 = arith.constant 464 : index
    %get3A_1017 = tpu.vector_load %arg4[%get3A_1016] {strides = array<i32>} : memref<1280xf32, #tpu.memory_space<vmem>>, vector<16xf32>,
    %eq3A_1018 = arith.constant 13 : i32
    %eq3A_1019 = vector.broadcast %eq3A_1018 : i32 to vector<16xi32>
    %eq3A_1020 = arith.cmpi eq, %iota3A, %eq3A_1019 : vector<16xi32>
    %iota3A_1021 = tpu.iota {dimensions = array<i32: 0>} : vector<16xi32>
    %xor3A_1022 = arith.constant 8 : i32
    %xor3A_1023 = vector.broadcast %xor3A_1022 : i32 to vector<16xi32>
    %xor3A_1024 = arith.xori %iota3A_1021, %xor3A_1023 : vector<16xi32>
    %broadcast_in_dim3A_1025 = vector.shape_cast %xor3A_1024 : vector<16xi32> to vector<16x1xi32>
    %gather3A_1026 = vector.shape_cast %broadcast_in_dim3A_1025 : vector<16x1xi32> to vector<16xi32>
    %gather3A_1027 = tpu.dynamic_gather %get3A_1017[%gather3A_1026] in [0] : vector<16xf32>, vector<16xi32> -> vector<16xf32>
    %max3A_1028 = arith.maximumf %get3A_1017, %gather3A_1027 : vector<16xf32>
    %xor3A_1029 = arith.constant 4 : i32
    %xor3A_1030 = vector.broadcast %xor3A_1029 : i32 to vector<16xi32>
    %xor3A_1031 = arith.xori %iota3A_1021, %xor3A_1030 : vector<16xi32>
    %broadcast_in_dim3A_1032 = vector.shape_cast %xor3A_1031 : vector<16xi32> to vector<16x1xi32>
    %gather3A_1033 = vector.shape_cast %broadcast_in_dim3A_1032 : vector<16x1xi32> to vector<16xi32>
    %gather3A_1034 = tpu.dynamic_gather %max3A_1028[%gather3A_1033] in [0] : vector<16xf32>, vector<16xi32> -> vector<16xf32>
    %max3A_1035 = arith.maximumf %max3A_1028, %gather3A_1034 : vector<16xf32>
    %xor3A_1036 = arith.constant 2 : i32
    %xor3A_1037 = vector.broadcast %xor3A_1036 : i32 to vector<16xi32>
    %xor3A_1038 = arith.xori %iota3A_1021, %xor3A_1037 : vector<16xi32>
    %broadcast_in_dim3A_1039 = vector.shape_cast %xor3A_1038 : vector<16xi32> to vector<16x1xi32>
    %gather3A_1040 = vector.shape_cast %broadcast_in_dim3A_1039 : vector<16x1xi32> to vector<16xi32>
    %gather3A_1041 = tpu.dynamic_gather %max3A_1035[%gather3A_1040] in [0] : vector<16xf32>, vector<16xi32> -> vector<16xf32>
    %max3A_1042 = arith.maximumf %max3A_1035, %gather3A_1041 : vector<16xf32>
    %xor3A_1043 = arith.constant 1 : i32
    %xor3A_1044 = vector.broadcast %xor3A_1043 : i32 to vector<16xi32>
    %xor3A_1045 = arith.xori %iota3A_1021, %xor3A_1044 : vector<16xi32>
    %broadcast_in_dim3A_1046 = vector.shape_cast %xor3A_1045 : vector<16xi32> to vector<16x1xi32>
    %gather3A_1047 = vector.shape_cast %broadcast_in_dim3A_1046 : vector<16x1xi32> to vector<16xi32>
    %gather3A_1048 = tpu.dynamic_gather %max3A_1042[%gather3A_1047] in [0] : vector<16xf32>, vector<16xi32> -> vector<16xf32>
    %max3A_1049 = arith.maximumf %max3A_1042, %gather3A_1048 : vector<16xf32>
    %select_n3A_1050 = arith.select %eq3A_1020, %max3A_1049, %select_n3A_1015 : vector<16xi1>, vector<16xf32>
    %get3A_1051 = arith.constant 480 : index
    %get3A_1052 = tpu.vector_load %arg4[%get3A_1051] {strides = array<i32>} : memref<1280xf32, #tpu.memory_space<vmem>>, vector<16xf32>,
    %eq3A_1053 = arith.constant 14 : i32
    %eq3A_1054 = vector.broadcast %eq3A_1053 : i32 to vector<16xi32>
    %eq3A_1055 = arith.cmpi eq, %iota3A, %eq3A_1054 : vector<16xi32>
    %iota3A_1056 = tpu.iota {dimensions = array<i32: 0>} : vector<16xi32>
    %xor3A_1057 = arith.constant 8 : i32
    %xor3A_1058 = vector.broadcast %xor3A_1057 : i32 to vector<16xi32>
    %xor3A_1059 = arith.xori %iota3A_1056, %xor3A_1058 : vector<16xi32>
    %broadcast_in_dim3A_1060 = vector.shape_cast %xor3A_1059 : vector<16xi32> to vector<16x1xi32>
    %gather3A_1061 = vector.shape_cast %broadcast_in_dim3A_1060 : vector<16x1xi32> to vector<16xi32>
    %gather3A_1062 = tpu.dynamic_gather %get3A_1052[%gather3A_1061] in [0] : vector<16xf32>, vector<16xi32> -> vector<16xf32>
    %max3A_1063 = arith.maximumf %get3A_1052, %gather3A_1062 : vector<16xf32>
    %xor3A_1064 = arith.constant 4 : i32
    %xor3A_1065 = vector.broadcast %xor3A_1064 : i32 to vector<16xi32>
    %xor3A_1066 = arith.xori %iota3A_1056, %xor3A_1065 : vector<16xi32>
    %broadcast_in_dim3A_1067 = vector.shape_cast %xor3A_1066 : vector<16xi32> to vector<16x1xi32>
    %gather3A_1068 = vector.shape_cast %broadcast_in_dim3A_1067 : vector<16x1xi32> to vector<16xi32>
    %gather3A_1069 = tpu.dynamic_gather %max3A_1063[%gather3A_1068] in [0] : vector<16xf32>, vector<16xi32> -> vector<16xf32>
    %max3A_1070 = arith.maximumf %max3A_1063, %gather3A_1069 : vector<16xf32>
    %xor3A_1071 = arith.constant 2 : i32
    %xor3A_1072 = vector.broadcast %xor3A_1071 : i32 to vector<16xi32>
    %xor3A_1073 = arith.xori %iota3A_1056, %xor3A_1072 : vector<16xi32>
    %broadcast_in_dim3A_1074 = vector.shape_cast %xor3A_1073 : vector<16xi32> to vector<16x1xi32>
    %gather3A_1075 = vector.shape_cast %broadcast_in_dim3A_1074 : vector<16x1xi32> to vector<16xi32>
    %gather3A_1076 = tpu.dynamic_gather %max3A_1070[%gather3A_1075] in [0] : vector<16xf32>, vector<16xi32> -> vector<16xf32>
    %max3A_1077 = arith.maximumf %max3A_1070, %gather3A_1076 : vector<16xf32>
    %xor3A_1078 = arith.constant 1 : i32
    %xor3A_1079 = vector.broadcast %xor3A_1078 : i32 to vector<16xi32>
    %xor3A_1080 = arith.xori %iota3A_1056, %xor3A_1079 : vector<16xi32>
    %broadcast_in_dim3A_1081 = vector.shape_cast %xor3A_1080 : vector<16xi32> to vector<16x1xi32>
    %gather3A_1082 = vector.shape_cast %broadcast_in_dim3A_1081 : vector<16x1xi32> to vector<16xi32>
    %gather3A_1083 = tpu.dynamic_gather %max3A_1077[%gather3A_1082] in [0] : vector<16xf32>, vector<16xi32> -> vector<16xf32>
    %max3A_1084 = arith.maximumf %max3A_1077, %gather3A_1083 : vector<16xf32>
    %select_n3A_1085 = arith.select %eq3A_1055, %max3A_1084, %select_n3A_1050 : vector<16xi1>, vector<16xf32>
    %get3A_1086 = arith.constant 496 : index
    %get3A_1087 = tpu.vector_load %arg4[%get3A_1086] {strides = array<i32>} : memref<1280xf32, #tpu.memory_space<vmem>>, vector<16xf32>,
    %eq3A_1088 = arith.constant 15 : i32
    %eq3A_1089 = vector.broadcast %eq3A_1088 : i32 to vector<16xi32>
    %eq3A_1090 = arith.cmpi eq, %iota3A, %eq3A_1089 : vector<16xi32>
    %iota3A_1091 = tpu.iota {dimensions = array<i32: 0>} : vector<16xi32>
    %xor3A_1092 = arith.constant 8 : i32
    %xor3A_1093 = vector.broadcast %xor3A_1092 : i32 to vector<16xi32>
    %xor3A_1094 = arith.xori %iota3A_1091, %xor3A_1093 : vector<16xi32>
    %broadcast_in_dim3A_1095 = vector.shape_cast %xor3A_1094 : vector<16xi32> to vector<16x1xi32>
    %gather3A_1096 = vector.shape_cast %broadcast_in_dim3A_1095 : vector<16x1xi32> to vector<16xi32>
    %gather3A_1097 = tpu.dynamic_gather %get3A_1087[%gather3A_1096] in [0] : vector<16xf32>, vector<16xi32> -> vector<16xf32>
    %max3A_1098 = arith.maximumf %get3A_1087, %gather3A_1097 : vector<16xf32>
    %xor3A_1099 = arith.constant 4 : i32
    %xor3A_1100 = vector.broadcast %xor3A_1099 : i32 to vector<16xi32>
    %xor3A_1101 = arith.xori %iota3A_1091, %xor3A_1100 : vector<16xi32>
    %broadcast_in_dim3A_1102 = vector.shape_cast %xor3A_1101 : vector<16xi32> to vector<16x1xi32>
    %gather3A_1103 = vector.shape_cast %broadcast_in_dim3A_1102 : vector<16x1xi32> to vector<16xi32>
    %gather3A_1104 = tpu.dynamic_gather %max3A_1098[%gather3A_1103] in [0] : vector<16xf32>, vector<16xi32> -> vector<16xf32>
    %max3A_1105 = arith.maximumf %max3A_1098, %gather3A_1104 : vector<16xf32>
    %xor3A_1106 = arith.constant 2 : i32
    %xor3A_1107 = vector.broadcast %xor3A_1106 : i32 to vector<16xi32>
    %xor3A_1108 = arith.xori %iota3A_1091, %xor3A_1107 : vector<16xi32>
    %broadcast_in_dim3A_1109 = vector.shape_cast %xor3A_1108 : vector<16xi32> to vector<16x1xi32>
    %gather3A_1110 = vector.shape_cast %broadcast_in_dim3A_1109 : vector<16x1xi32> to vector<16xi32>
    %gather3A_1111 = tpu.dynamic_gather %max3A_1105[%gather3A_1110] in [0] : vector<16xf32>, vector<16xi32> -> vector<16xf32>
    %max3A_1112 = arith.maximumf %max3A_1105, %gather3A_1111 : vector<16xf32>
    %xor3A_1113 = arith.constant 1 : i32
    %xor3A_1114 = vector.broadcast %xor3A_1113 : i32 to vector<16xi32>
    %xor3A_1115 = arith.xori %iota3A_1091, %xor3A_1114 : vector<16xi32>
    %broadcast_in_dim3A_1116 = vector.shape_cast %xor3A_1115 : vector<16xi32> to vector<16x1xi32>
    %gather3A_1117 = vector.shape_cast %broadcast_in_dim3A_1116 : vector<16x1xi32> to vector<16xi32>
    %gather3A_1118 = tpu.dynamic_gather %max3A_1112[%gather3A_1117] in [0] : vector<16xf32>, vector<16xi32> -> vector<16xf32>
    %max3A_1119 = arith.maximumf %max3A_1112, %gather3A_1118 : vector<16xf32>
    %select_n3A_1120 = arith.select %eq3A_1090, %max3A_1119, %select_n3A_1085 : vector<16xi1>, vector<16xf32>
    %swap3A_1121 = arith.constant 16 : index
    %swap3A_1122 = tpu.vector_load %arg5[%swap3A_1121] {strides = array<i32>} : memref<80xf32, #tpu.memory_space<vmem>>, vector<16xf32>,
    tpu.vector_store %arg5[%swap3A_1121], %select_n3A_1120 {strides = array<i32>} : memref<80xf32, #tpu.memory_space<vmem>>, vector<16xf32>,
    %broadcast_in_dim3A_1123 = arith.constant -9.000000e+00 : f32
    %broadcast_in_dim3A_1124 = vector.broadcast %broadcast_in_dim3A_1123 : f32 to vector<16xf32>
    %get3A_1125 = arith.constant 512 : index
    %get3A_1126 = tpu.vector_load %arg4[%get3A_1125] {strides = array<i32>} : memref<1280xf32, #tpu.memory_space<vmem>>, vector<16xf32>,
    %eq3A_1127 = arith.constant 0 : i32
    %eq3A_1128 = vector.broadcast %eq3A_1127 : i32 to vector<16xi32>
    %eq3A_1129 = arith.cmpi eq, %iota3A, %eq3A_1128 : vector<16xi32>
    %iota3A_1130 = tpu.iota {dimensions = array<i32: 0>} : vector<16xi32>
    %xor3A_1131 = arith.constant 8 : i32
    %xor3A_1132 = vector.broadcast %xor3A_1131 : i32 to vector<16xi32>
    %xor3A_1133 = arith.xori %iota3A_1130, %xor3A_1132 : vector<16xi32>
    %broadcast_in_dim3A_1134 = vector.shape_cast %xor3A_1133 : vector<16xi32> to vector<16x1xi32>
    %gather3A_1135 = vector.shape_cast %broadcast_in_dim3A_1134 : vector<16x1xi32> to vector<16xi32>
    %gather3A_1136 = tpu.dynamic_gather %get3A_1126[%gather3A_1135] in [0] : vector<16xf32>, vector<16xi32> -> vector<16xf32>
    %max3A_1137 = arith.maximumf %get3A_1126, %gather3A_1136 : vector<16xf32>
    %xor3A_1138 = arith.constant 4 : i32
    %xor3A_1139 = vector.broadcast %xor3A_1138 : i32 to vector<16xi32>
    %xor3A_1140 = arith.xori %iota3A_1130, %xor3A_1139 : vector<16xi32>
    %broadcast_in_dim3A_1141 = vector.shape_cast %xor3A_1140 : vector<16xi32> to vector<16x1xi32>
    %gather3A_1142 = vector.shape_cast %broadcast_in_dim3A_1141 : vector<16x1xi32> to vector<16xi32>
    %gather3A_1143 = tpu.dynamic_gather %max3A_1137[%gather3A_1142] in [0] : vector<16xf32>, vector<16xi32> -> vector<16xf32>
    %max3A_1144 = arith.maximumf %max3A_1137, %gather3A_1143 : vector<16xf32>
    %xor3A_1145 = arith.constant 2 : i32
    %xor3A_1146 = vector.broadcast %xor3A_1145 : i32 to vector<16xi32>
    %xor3A_1147 = arith.xori %iota3A_1130, %xor3A_1146 : vector<16xi32>
    %broadcast_in_dim3A_1148 = vector.shape_cast %xor3A_1147 : vector<16xi32> to vector<16x1xi32>
    %gather3A_1149 = vector.shape_cast %broadcast_in_dim3A_1148 : vector<16x1xi32> to vector<16xi32>
    %gather3A_1150 = tpu.dynamic_gather %max3A_1144[%gather3A_1149] in [0] : vector<16xf32>, vector<16xi32> -> vector<16xf32>
    %max3A_1151 = arith.maximumf %max3A_1144, %gather3A_1150 : vector<16xf32>
    %xor3A_1152 = arith.constant 1 : i32
    %xor3A_1153 = vector.broadcast %xor3A_1152 : i32 to vector<16xi32>
    %xor3A_1154 = arith.xori %iota3A_1130, %xor3A_1153 : vector<16xi32>
    %broadcast_in_dim3A_1155 = vector.shape_cast %xor3A_1154 : vector<16xi32> to vector<16x1xi32>
    %gather3A_1156 = vector.shape_cast %broadcast_in_dim3A_1155 : vector<16x1xi32> to vector<16xi32>
    %gather3A_1157 = tpu.dynamic_gather %max3A_1151[%gather3A_1156] in [0] : vector<16xf32>, vector<16xi32> -> vector<16xf32>
    %max3A_1158 = arith.maximumf %max3A_1151, %gather3A_1157 : vector<16xf32>
    %select_n3A_1159 = arith.select %eq3A_1129, %max3A_1158, %broadcast_in_dim3A_1124 : vector<16xi1>, vector<16xf32>
    %get3A_1160 = arith.constant 528 : index
    %get3A_1161 = tpu.vector_load %arg4[%get3A_1160] {strides = array<i32>} : memref<1280xf32, #tpu.memory_space<vmem>>, vector<16xf32>,
    %eq3A_1162 = arith.constant 1 : i32
    %eq3A_1163 = vector.broadcast %eq3A_1162 : i32 to vector<16xi32>
    %eq3A_1164 = arith.cmpi eq, %iota3A, %eq3A_1163 : vector<16xi32>
    %iota3A_1165 = tpu.iota {dimensions = array<i32: 0>} : vector<16xi32>
    %xor3A_1166 = arith.constant 8 : i32
    %xor3A_1167 = vector.broadcast %xor3A_1166 : i32 to vector<16xi32>
    %xor3A_1168 = arith.xori %iota3A_1165, %xor3A_1167 : vector<16xi32>
    %broadcast_in_dim3A_1169 = vector.shape_cast %xor3A_1168 : vector<16xi32> to vector<16x1xi32>
    %gather3A_1170 = vector.shape_cast %broadcast_in_dim3A_1169 : vector<16x1xi32> to vector<16xi32>
    %gather3A_1171 = tpu.dynamic_gather %get3A_1161[%gather3A_1170] in [0] : vector<16xf32>, vector<16xi32> -> vector<16xf32>
    %max3A_1172 = arith.maximumf %get3A_1161, %gather3A_1171 : vector<16xf32>
    %xor3A_1173 = arith.constant 4 : i32
    %xor3A_1174 = vector.broadcast %xor3A_1173 : i32 to vector<16xi32>
    %xor3A_1175 = arith.xori %iota3A_1165, %xor3A_1174 : vector<16xi32>
    %broadcast_in_dim3A_1176 = vector.shape_cast %xor3A_1175 : vector<16xi32> to vector<16x1xi32>
    %gather3A_1177 = vector.shape_cast %broadcast_in_dim3A_1176 : vector<16x1xi32> to vector<16xi32>
    %gather3A_1178 = tpu.dynamic_gather %max3A_1172[%gather3A_1177] in [0] : vector<16xf32>, vector<16xi32> -> vector<16xf32>
    %max3A_1179 = arith.maximumf %max3A_1172, %gather3A_1178 : vector<16xf32>
    %xor3A_1180 = arith.constant 2 : i32
    %xor3A_1181 = vector.broadcast %xor3A_1180 : i32 to vector<16xi32>
    %xor3A_1182 = arith.xori %iota3A_1165, %xor3A_1181 : vector<16xi32>
    %broadcast_in_dim3A_1183 = vector.shape_cast %xor3A_1182 : vector<16xi32> to vector<16x1xi32>
    %gather3A_1184 = vector.shape_cast %broadcast_in_dim3A_1183 : vector<16x1xi32> to vector<16xi32>
    %gather3A_1185 = tpu.dynamic_gather %max3A_1179[%gather3A_1184] in [0] : vector<16xf32>, vector<16xi32> -> vector<16xf32>
    %max3A_1186 = arith.maximumf %max3A_1179, %gather3A_1185 : vector<16xf32>
    %xor3A_1187 = arith.constant 1 : i32
    %xor3A_1188 = vector.broadcast %xor3A_1187 : i32 to vector<16xi32>
    %xor3A_1189 = arith.xori %iota3A_1165, %xor3A_1188 : vector<16xi32>
    %broadcast_in_dim3A_1190 = vector.shape_cast %xor3A_1189 : vector<16xi32> to vector<16x1xi32>
    %gather3A_1191 = vector.shape_cast %broadcast_in_dim3A_1190 : vector<16x1xi32> to vector<16xi32>
    %gather3A_1192 = tpu.dynamic_gather %max3A_1186[%gather3A_1191] in [0] : vector<16xf32>, vector<16xi32> -> vector<16xf32>
    %max3A_1193 = arith.maximumf %max3A_1186, %gather3A_1192 : vector<16xf32>
    %select_n3A_1194 = arith.select %eq3A_1164, %max3A_1193, %select_n3A_1159 : vector<16xi1>, vector<16xf32>
    %get3A_1195 = arith.constant 544 : index
    %get3A_1196 = tpu.vector_load %arg4[%get3A_1195] {strides = array<i32>} : memref<1280xf32, #tpu.memory_space<vmem>>, vector<16xf32>,
    %eq3A_1197 = arith.constant 2 : i32
    %eq3A_1198 = vector.broadcast %eq3A_1197 : i32 to vector<16xi32>
    %eq3A_1199 = arith.cmpi eq, %iota3A, %eq3A_1198 : vector<16xi32>
    %iota3A_1200 = tpu.iota {dimensions = array<i32: 0>} : vector<16xi32>
    %xor3A_1201 = arith.constant 8 : i32
    %xor3A_1202 = vector.broadcast %xor3A_1201 : i32 to vector<16xi32>
    %xor3A_1203 = arith.xori %iota3A_1200, %xor3A_1202 : vector<16xi32>
    %broadcast_in_dim3A_1204 = vector.shape_cast %xor3A_1203 : vector<16xi32> to vector<16x1xi32>
    %gather3A_1205 = vector.shape_cast %broadcast_in_dim3A_1204 : vector<16x1xi32> to vector<16xi32>
    %gather3A_1206 = tpu.dynamic_gather %get3A_1196[%gather3A_1205] in [0] : vector<16xf32>, vector<16xi32> -> vector<16xf32>
    %max3A_1207 = arith.maximumf %get3A_1196, %gather3A_1206 : vector<16xf32>
    %xor3A_1208 = arith.constant 4 : i32
    %xor3A_1209 = vector.broadcast %xor3A_1208 : i32 to vector<16xi32>
    %xor3A_1210 = arith.xori %iota3A_1200, %xor3A_1209 : vector<16xi32>
    %broadcast_in_dim3A_1211 = vector.shape_cast %xor3A_1210 : vector<16xi32> to vector<16x1xi32>
    %gather3A_1212 = vector.shape_cast %broadcast_in_dim3A_1211 : vector<16x1xi32> to vector<16xi32>
    %gather3A_1213 = tpu.dynamic_gather %max3A_1207[%gather3A_1212] in [0] : vector<16xf32>, vector<16xi32> -> vector<16xf32>
    %max3A_1214 = arith.maximumf %max3A_1207, %gather3A_1213 : vector<16xf32>
    %xor3A_1215 = arith.constant 2 : i32
    %xor3A_1216 = vector.broadcast %xor3A_1215 : i32 to vector<16xi32>
    %xor3A_1217 = arith.xori %iota3A_1200, %xor3A_1216 : vector<16xi32>
    %broadcast_in_dim3A_1218 = vector.shape_cast %xor3A_1217 : vector<16xi32> to vector<16x1xi32>
    %gather3A_1219 = vector.shape_cast %broadcast_in_dim3A_1218 : vector<16x1xi32> to vector<16xi32>
    %gather3A_1220 = tpu.dynamic_gather %max3A_1214[%gather3A_1219] in [0] : vector<16xf32>, vector<16xi32> -> vector<16xf32>
    %max3A_1221 = arith.maximumf %max3A_1214, %gather3A_1220 : vector<16xf32>
    %xor3A_1222 = arith.constant 1 : i32
    %xor3A_1223 = vector.broadcast %xor3A_1222 : i32 to vector<16xi32>
    %xor3A_1224 = arith.xori %iota3A_1200, %xor3A_1223 : vector<16xi32>
    %broadcast_in_dim3A_1225 = vector.shape_cast %xor3A_1224 : vector<16xi32> to vector<16x1xi32>
    %gather3A_1226 = vector.shape_cast %broadcast_in_dim3A_1225 : vector<16x1xi32> to vector<16xi32>
    %gather3A_1227 = tpu.dynamic_gather %max3A_1221[%gather3A_1226] in [0] : vector<16xf32>, vector<16xi32> -> vector<16xf32>
    %max3A_1228 = arith.maximumf %max3A_1221, %gather3A_1227 : vector<16xf32>
    %select_n3A_1229 = arith.select %eq3A_1199, %max3A_1228, %select_n3A_1194 : vector<16xi1>, vector<16xf32>
    %get3A_1230 = arith.constant 560 : index
    %get3A_1231 = tpu.vector_load %arg4[%get3A_1230] {strides = array<i32>} : memref<1280xf32, #tpu.memory_space<vmem>>, vector<16xf32>,
    %eq3A_1232 = arith.constant 3 : i32
    %eq3A_1233 = vector.broadcast %eq3A_1232 : i32 to vector<16xi32>
    %eq3A_1234 = arith.cmpi eq, %iota3A, %eq3A_1233 : vector<16xi32>
    %iota3A_1235 = tpu.iota {dimensions = array<i32: 0>} : vector<16xi32>
    %xor3A_1236 = arith.constant 8 : i32
    %xor3A_1237 = vector.broadcast %xor3A_1236 : i32 to vector<16xi32>
    %xor3A_1238 = arith.xori %iota3A_1235, %xor3A_1237 : vector<16xi32>
    %broadcast_in_dim3A_1239 = vector.shape_cast %xor3A_1238 : vector<16xi32> to vector<16x1xi32>
    %gather3A_1240 = vector.shape_cast %broadcast_in_dim3A_1239 : vector<16x1xi32> to vector<16xi32>
    %gather3A_1241 = tpu.dynamic_gather %get3A_1231[%gather3A_1240] in [0] : vector<16xf32>, vector<16xi32> -> vector<16xf32>
    %max3A_1242 = arith.maximumf %get3A_1231, %gather3A_1241 : vector<16xf32>
    %xor3A_1243 = arith.constant 4 : i32
    %xor3A_1244 = vector.broadcast %xor3A_1243 : i32 to vector<16xi32>
    %xor3A_1245 = arith.xori %iota3A_1235, %xor3A_1244 : vector<16xi32>
    %broadcast_in_dim3A_1246 = vector.shape_cast %xor3A_1245 : vector<16xi32> to vector<16x1xi32>
    %gather3A_1247 = vector.shape_cast %broadcast_in_dim3A_1246 : vector<16x1xi32> to vector<16xi32>
    %gather3A_1248 = tpu.dynamic_gather %max3A_1242[%gather3A_1247] in [0] : vector<16xf32>, vector<16xi32> -> vector<16xf32>
    %max3A_1249 = arith.maximumf %max3A_1242, %gather3A_1248 : vector<16xf32>
    %xor3A_1250 = arith.constant 2 : i32
    %xor3A_1251 = vector.broadcast %xor3A_1250 : i32 to vector<16xi32>
    %xor3A_1252 = arith.xori %iota3A_1235, %xor3A_1251 : vector<16xi32>
    %broadcast_in_dim3A_1253 = vector.shape_cast %xor3A_1252 : vector<16xi32> to vector<16x1xi32>
    %gather3A_1254 = vector.shape_cast %broadcast_in_dim3A_1253 : vector<16x1xi32> to vector<16xi32>
    %gather3A_1255 = tpu.dynamic_gather %max3A_1249[%gather3A_1254] in [0] : vector<16xf32>, vector<16xi32> -> vector<16xf32>
    %max3A_1256 = arith.maximumf %max3A_1249, %gather3A_1255 : vector<16xf32>
    %xor3A_1257 = arith.constant 1 : i32
    %xor3A_1258 = vector.broadcast %xor3A_1257 : i32 to vector<16xi32>
    %xor3A_1259 = arith.xori %iota3A_1235, %xor3A_1258 : vector<16xi32>
    %broadcast_in_dim3A_1260 = vector.shape_cast %xor3A_1259 : vector<16xi32> to vector<16x1xi32>
    %gather3A_1261 = vector.shape_cast %broadcast_in_dim3A_1260 : vector<16x1xi32> to vector<16xi32>
    %gather3A_1262 = tpu.dynamic_gather %max3A_1256[%gather3A_1261] in [0] : vector<16xf32>, vector<16xi32> -> vector<16xf32>
    %max3A_1263 = arith.maximumf %max3A_1256, %gather3A_1262 : vector<16xf32>
    %select_n3A_1264 = arith.select %eq3A_1234, %max3A_1263, %select_n3A_1229 : vector<16xi1>, vector<16xf32>
    %get3A_1265 = arith.constant 576 : index
    %get3A_1266 = tpu.vector_load %arg4[%get3A_1265] {strides = array<i32>} : memref<1280xf32, #tpu.memory_space<vmem>>, vector<16xf32>,
    %eq3A_1267 = arith.constant 4 : i32
    %eq3A_1268 = vector.broadcast %eq3A_1267 : i32 to vector<16xi32>
    %eq3A_1269 = arith.cmpi eq, %iota3A, %eq3A_1268 : vector<16xi32>
    %iota3A_1270 = tpu.iota {dimensions = array<i32: 0>} : vector<16xi32>
    %xor3A_1271 = arith.constant 8 : i32
    %xor3A_1272 = vector.broadcast %xor3A_1271 : i32 to vector<16xi32>
    %xor3A_1273 = arith.xori %iota3A_1270, %xor3A_1272 : vector<16xi32>
    %broadcast_in_dim3A_1274 = vector.shape_cast %xor3A_1273 : vector<16xi32> to vector<16x1xi32>
    %gather3A_1275 = vector.shape_cast %broadcast_in_dim3A_1274 : vector<16x1xi32> to vector<16xi32>
    %gather3A_1276 = tpu.dynamic_gather %get3A_1266[%gather3A_1275] in [0] : vector<16xf32>, vector<16xi32> -> vector<16xf32>
    %max3A_1277 = arith.maximumf %get3A_1266, %gather3A_1276 : vector<16xf32>
    %xor3A_1278 = arith.constant 4 : i32
    %xor3A_1279 = vector.broadcast %xor3A_1278 : i32 to vector<16xi32>
    %xor3A_1280 = arith.xori %iota3A_1270, %xor3A_1279 : vector<16xi32>
    %broadcast_in_dim3A_1281 = vector.shape_cast %xor3A_1280 : vector<16xi32> to vector<16x1xi32>
    %gather3A_1282 = vector.shape_cast %broadcast_in_dim3A_1281 : vector<16x1xi32> to vector<16xi32>
    %gather3A_1283 = tpu.dynamic_gather %max3A_1277[%gather3A_1282] in [0] : vector<16xf32>, vector<16xi32> -> vector<16xf32>
    %max3A_1284 = arith.maximumf %max3A_1277, %gather3A_1283 : vector<16xf32>
    %xor3A_1285 = arith.constant 2 : i32
    %xor3A_1286 = vector.broadcast %xor3A_1285 : i32 to vector<16xi32>
    %xor3A_1287 = arith.xori %iota3A_1270, %xor3A_1286 : vector<16xi32>
    %broadcast_in_dim3A_1288 = vector.shape_cast %xor3A_1287 : vector<16xi32> to vector<16x1xi32>
    %gather3A_1289 = vector.shape_cast %broadcast_in_dim3A_1288 : vector<16x1xi32> to vector<16xi32>
    %gather3A_1290 = tpu.dynamic_gather %max3A_1284[%gather3A_1289] in [0] : vector<16xf32>, vector<16xi32> -> vector<16xf32>
    %max3A_1291 = arith.maximumf %max3A_1284, %gather3A_1290 : vector<16xf32>
    %xor3A_1292 = arith.constant 1 : i32
    %xor3A_1293 = vector.broadcast %xor3A_1292 : i32 to vector<16xi32>
    %xor3A_1294 = arith.xori %iota3A_1270, %xor3A_1293 : vector<16xi32>
    %broadcast_in_dim3A_1295 = vector.shape_cast %xor3A_1294 : vector<16xi32> to vector<16x1xi32>
    %gather3A_1296 = vector.shape_cast %broadcast_in_dim3A_1295 : vector<16x1xi32> to vector<16xi32>
    %gather3A_1297 = tpu.dynamic_gather %max3A_1291[%gather3A_1296] in [0] : vector<16xf32>, vector<16xi32> -> vector<16xf32>
    %max3A_1298 = arith.maximumf %max3A_1291, %gather3A_1297 : vector<16xf32>
    %select_n3A_1299 = arith.select %eq3A_1269, %max3A_1298, %select_n3A_1264 : vector<16xi1>, vector<16xf32>
    %get3A_1300 = arith.constant 592 : index
    %get3A_1301 = tpu.vector_load %arg4[%get3A_1300] {strides = array<i32>} : memref<1280xf32, #tpu.memory_space<vmem>>, vector<16xf32>,
    %eq3A_1302 = arith.constant 5 : i32
    %eq3A_1303 = vector.broadcast %eq3A_1302 : i32 to vector<16xi32>
    %eq3A_1304 = arith.cmpi eq, %iota3A, %eq3A_1303 : vector<16xi32>
    %iota3A_1305 = tpu.iota {dimensions = array<i32: 0>} : vector<16xi32>
    %xor3A_1306 = arith.constant 8 : i32
    %xor3A_1307 = vector.broadcast %xor3A_1306 : i32 to vector<16xi32>
    %xor3A_1308 = arith.xori %iota3A_1305, %xor3A_1307 : vector<16xi32>
    %broadcast_in_dim3A_1309 = vector.shape_cast %xor3A_1308 : vector<16xi32> to vector<16x1xi32>
    %gather3A_1310 = vector.shape_cast %broadcast_in_dim3A_1309 : vector<16x1xi32> to vector<16xi32>
    %gather3A_1311 = tpu.dynamic_gather %get3A_1301[%gather3A_1310] in [0] : vector<16xf32>, vector<16xi32> -> vector<16xf32>
    %max3A_1312 = arith.maximumf %get3A_1301, %gather3A_1311 : vector<16xf32>
    %xor3A_1313 = arith.constant 4 : i32
    %xor3A_1314 = vector.broadcast %xor3A_1313 : i32 to vector<16xi32>
    %xor3A_1315 = arith.xori %iota3A_1305, %xor3A_1314 : vector<16xi32>
    %broadcast_in_dim3A_1316 = vector.shape_cast %xor3A_1315 : vector<16xi32> to vector<16x1xi32>
    %gather3A_1317 = vector.shape_cast %broadcast_in_dim3A_1316 : vector<16x1xi32> to vector<16xi32>
    %gather3A_1318 = tpu.dynamic_gather %max3A_1312[%gather3A_1317] in [0] : vector<16xf32>, vector<16xi32> -> vector<16xf32>
    %max3A_1319 = arith.maximumf %max3A_1312, %gather3A_1318 : vector<16xf32>
    %xor3A_1320 = arith.constant 2 : i32
    %xor3A_1321 = vector.broadcast %xor3A_1320 : i32 to vector<16xi32>
    %xor3A_1322 = arith.xori %iota3A_1305, %xor3A_1321 : vector<16xi32>
    %broadcast_in_dim3A_1323 = vector.shape_cast %xor3A_1322 : vector<16xi32> to vector<16x1xi32>
    %gather3A_1324 = vector.shape_cast %broadcast_in_dim3A_1323 : vector<16x1xi32> to vector<16xi32>
    %gather3A_1325 = tpu.dynamic_gather %max3A_1319[%gather3A_1324] in [0] : vector<16xf32>, vector<16xi32> -> vector<16xf32>
    %max3A_1326 = arith.maximumf %max3A_1319, %gather3A_1325 : vector<16xf32>
    %xor3A_1327 = arith.constant 1 : i32
    %xor3A_1328 = vector.broadcast %xor3A_1327 : i32 to vector<16xi32>
    %xor3A_1329 = arith.xori %iota3A_1305, %xor3A_1328 : vector<16xi32>
    %broadcast_in_dim3A_1330 = vector.shape_cast %xor3A_1329 : vector<16xi32> to vector<16x1xi32>
    %gather3A_1331 = vector.shape_cast %broadcast_in_dim3A_1330 : vector<16x1xi32> to vector<16xi32>
    %gather3A_1332 = tpu.dynamic_gather %max3A_1326[%gather3A_1331] in [0] : vector<16xf32>, vector<16xi32> -> vector<16xf32>
    %max3A_1333 = arith.maximumf %max3A_1326, %gather3A_1332 : vector<16xf32>
    %select_n3A_1334 = arith.select %eq3A_1304, %max3A_1333, %select_n3A_1299 : vector<16xi1>, vector<16xf32>
    %get3A_1335 = arith.constant 608 : index
    %get3A_1336 = tpu.vector_load %arg4[%get3A_1335] {strides = array<i32>} : memref<1280xf32, #tpu.memory_space<vmem>>, vector<16xf32>,
    %eq3A_1337 = arith.constant 6 : i32
    %eq3A_1338 = vector.broadcast %eq3A_1337 : i32 to vector<16xi32>
    %eq3A_1339 = arith.cmpi eq, %iota3A, %eq3A_1338 : vector<16xi32>
    %iota3A_1340 = tpu.iota {dimensions = array<i32: 0>} : vector<16xi32>
    %xor3A_1341 = arith.constant 8 : i32
    %xor3A_1342 = vector.broadcast %xor3A_1341 : i32 to vector<16xi32>
    %xor3A_1343 = arith.xori %iota3A_1340, %xor3A_1342 : vector<16xi32>
    %broadcast_in_dim3A_1344 = vector.shape_cast %xor3A_1343 : vector<16xi32> to vector<16x1xi32>
    %gather3A_1345 = vector.shape_cast %broadcast_in_dim3A_1344 : vector<16x1xi32> to vector<16xi32>
    %gather3A_1346 = tpu.dynamic_gather %get3A_1336[%gather3A_1345] in [0] : vector<16xf32>, vector<16xi32> -> vector<16xf32>
    %max3A_1347 = arith.maximumf %get3A_1336, %gather3A_1346 : vector<16xf32>
    %xor3A_1348 = arith.constant 4 : i32
    %xor3A_1349 = vector.broadcast %xor3A_1348 : i32 to vector<16xi32>
    %xor3A_1350 = arith.xori %iota3A_1340, %xor3A_1349 : vector<16xi32>
    %broadcast_in_dim3A_1351 = vector.shape_cast %xor3A_1350 : vector<16xi32> to vector<16x1xi32>
    %gather3A_1352 = vector.shape_cast %broadcast_in_dim3A_1351 : vector<16x1xi32> to vector<16xi32>
    %gather3A_1353 = tpu.dynamic_gather %max3A_1347[%gather3A_1352] in [0] : vector<16xf32>, vector<16xi32> -> vector<16xf32>
    %max3A_1354 = arith.maximumf %max3A_1347, %gather3A_1353 : vector<16xf32>
    %xor3A_1355 = arith.constant 2 : i32
    %xor3A_1356 = vector.broadcast %xor3A_1355 : i32 to vector<16xi32>
    %xor3A_1357 = arith.xori %iota3A_1340, %xor3A_1356 : vector<16xi32>
    %broadcast_in_dim3A_1358 = vector.shape_cast %xor3A_1357 : vector<16xi32> to vector<16x1xi32>
    %gather3A_1359 = vector.shape_cast %broadcast_in_dim3A_1358 : vector<16x1xi32> to vector<16xi32>
    %gather3A_1360 = tpu.dynamic_gather %max3A_1354[%gather3A_1359] in [0] : vector<16xf32>, vector<16xi32> -> vector<16xf32>
    %max3A_1361 = arith.maximumf %max3A_1354, %gather3A_1360 : vector<16xf32>
    %xor3A_1362 = arith.constant 1 : i32
    %xor3A_1363 = vector.broadcast %xor3A_1362 : i32 to vector<16xi32>
    %xor3A_1364 = arith.xori %iota3A_1340, %xor3A_1363 : vector<16xi32>
    %broadcast_in_dim3A_1365 = vector.shape_cast %xor3A_1364 : vector<16xi32> to vector<16x1xi32>
    %gather3A_1366 = vector.shape_cast %broadcast_in_dim3A_1365 : vector<16x1xi32> to vector<16xi32>
    %gather3A_1367 = tpu.dynamic_gather %max3A_1361[%gather3A_1366] in [0] : vector<16xf32>, vector<16xi32> -> vector<16xf32>
    %max3A_1368 = arith.maximumf %max3A_1361, %gather3A_1367 : vector<16xf32>
    %select_n3A_1369 = arith.select %eq3A_1339, %max3A_1368, %select_n3A_1334 : vector<16xi1>, vector<16xf32>
    %get3A_1370 = arith.constant 624 : index
    %get3A_1371 = tpu.vector_load %arg4[%get3A_1370] {strides = array<i32>} : memref<1280xf32, #tpu.memory_space<vmem>>, vector<16xf32>,
    %eq3A_1372 = arith.constant 7 : i32
    %eq3A_1373 = vector.broadcast %eq3A_1372 : i32 to vector<16xi32>
    %eq3A_1374 = arith.cmpi eq, %iota3A, %eq3A_1373 : vector<16xi32>
    %iota3A_1375 = tpu.iota {dimensions = array<i32: 0>} : vector<16xi32>
    %xor3A_1376 = arith.constant 8 : i32
    %xor3A_1377 = vector.broadcast %xor3A_1376 : i32 to vector<16xi32>
    %xor3A_1378 = arith.xori %iota3A_1375, %xor3A_1377 : vector<16xi32>
    %broadcast_in_dim3A_1379 = vector.shape_cast %xor3A_1378 : vector<16xi32> to vector<16x1xi32>
    %gather3A_1380 = vector.shape_cast %broadcast_in_dim3A_1379 : vector<16x1xi32> to vector<16xi32>
    %gather3A_1381 = tpu.dynamic_gather %get3A_1371[%gather3A_1380] in [0] : vector<16xf32>, vector<16xi32> -> vector<16xf32>
    %max3A_1382 = arith.maximumf %get3A_1371, %gather3A_1381 : vector<16xf32>
    %xor3A_1383 = arith.constant 4 : i32
    %xor3A_1384 = vector.broadcast %xor3A_1383 : i32 to vector<16xi32>
    %xor3A_1385 = arith.xori %iota3A_1375, %xor3A_1384 : vector<16xi32>
    %broadcast_in_dim3A_1386 = vector.shape_cast %xor3A_1385 : vector<16xi32> to vector<16x1xi32>
    %gather3A_1387 = vector.shape_cast %broadcast_in_dim3A_1386 : vector<16x1xi32> to vector<16xi32>
    %gather3A_1388 = tpu.dynamic_gather %max3A_1382[%gather3A_1387] in [0] : vector<16xf32>, vector<16xi32> -> vector<16xf32>
    %max3A_1389 = arith.maximumf %max3A_1382, %gather3A_1388 : vector<16xf32>
    %xor3A_1390 = arith.constant 2 : i32
    %xor3A_1391 = vector.broadcast %xor3A_1390 : i32 to vector<16xi32>
    %xor3A_1392 = arith.xori %iota3A_1375, %xor3A_1391 : vector<16xi32>
    %broadcast_in_dim3A_1393 = vector.shape_cast %xor3A_1392 : vector<16xi32> to vector<16x1xi32>
    %gather3A_1394 = vector.shape_cast %broadcast_in_dim3A_1393 : vector<16x1xi32> to vector<16xi32>
    %gather3A_1395 = tpu.dynamic_gather %max3A_1389[%gather3A_1394] in [0] : vector<16xf32>, vector<16xi32> -> vector<16xf32>
    %max3A_1396 = arith.maximumf %max3A_1389, %gather3A_1395 : vector<16xf32>
    %xor3A_1397 = arith.constant 1 : i32
    %xor3A_1398 = vector.broadcast %xor3A_1397 : i32 to vector<16xi32>
    %xor3A_1399 = arith.xori %iota3A_1375, %xor3A_1398 : vector<16xi32>
    %broadcast_in_dim3A_1400 = vector.shape_cast %xor3A_1399 : vector<16xi32> to vector<16x1xi32>
    %gather3A_1401 = vector.shape_cast %broadcast_in_dim3A_1400 : vector<16x1xi32> to vector<16xi32>
    %gather3A_1402 = tpu.dynamic_gather %max3A_1396[%gather3A_1401] in [0] : vector<16xf32>, vector<16xi32> -> vector<16xf32>
    %max3A_1403 = arith.maximumf %max3A_1396, %gather3A_1402 : vector<16xf32>
    %select_n3A_1404 = arith.select %eq3A_1374, %max3A_1403, %select_n3A_1369 : vector<16xi1>, vector<16xf32>
    %get3A_1405 = arith.constant 640 : index
    %get3A_1406 = tpu.vector_load %arg4[%get3A_1405] {strides = array<i32>} : memref<1280xf32, #tpu.memory_space<vmem>>, vector<16xf32>,
    %eq3A_1407 = arith.constant 8 : i32
    %eq3A_1408 = vector.broadcast %eq3A_1407 : i32 to vector<16xi32>
    %eq3A_1409 = arith.cmpi eq, %iota3A, %eq3A_1408 : vector<16xi32>
    %iota3A_1410 = tpu.iota {dimensions = array<i32: 0>} : vector<16xi32>
    %xor3A_1411 = arith.constant 8 : i32
    %xor3A_1412 = vector.broadcast %xor3A_1411 : i32 to vector<16xi32>
    %xor3A_1413 = arith.xori %iota3A_1410, %xor3A_1412 : vector<16xi32>
    %broadcast_in_dim3A_1414 = vector.shape_cast %xor3A_1413 : vector<16xi32> to vector<16x1xi32>
    %gather3A_1415 = vector.shape_cast %broadcast_in_dim3A_1414 : vector<16x1xi32> to vector<16xi32>
    %gather3A_1416 = tpu.dynamic_gather %get3A_1406[%gather3A_1415] in [0] : vector<16xf32>, vector<16xi32> -> vector<16xf32>
    %max3A_1417 = arith.maximumf %get3A_1406, %gather3A_1416 : vector<16xf32>
    %xor3A_1418 = arith.constant 4 : i32
    %xor3A_1419 = vector.broadcast %xor3A_1418 : i32 to vector<16xi32>
    %xor3A_1420 = arith.xori %iota3A_1410, %xor3A_1419 : vector<16xi32>
    %broadcast_in_dim3A_1421 = vector.shape_cast %xor3A_1420 : vector<16xi32> to vector<16x1xi32>
    %gather3A_1422 = vector.shape_cast %broadcast_in_dim3A_1421 : vector<16x1xi32> to vector<16xi32>
    %gather3A_1423 = tpu.dynamic_gather %max3A_1417[%gather3A_1422] in [0] : vector<16xf32>, vector<16xi32> -> vector<16xf32>
    %max3A_1424 = arith.maximumf %max3A_1417, %gather3A_1423 : vector<16xf32>
    %xor3A_1425 = arith.constant 2 : i32
    %xor3A_1426 = vector.broadcast %xor3A_1425 : i32 to vector<16xi32>
    %xor3A_1427 = arith.xori %iota3A_1410, %xor3A_1426 : vector<16xi32>
    %broadcast_in_dim3A_1428 = vector.shape_cast %xor3A_1427 : vector<16xi32> to vector<16x1xi32>
    %gather3A_1429 = vector.shape_cast %broadcast_in_dim3A_1428 : vector<16x1xi32> to vector<16xi32>
    %gather3A_1430 = tpu.dynamic_gather %max3A_1424[%gather3A_1429] in [0] : vector<16xf32>, vector<16xi32> -> vector<16xf32>
    %max3A_1431 = arith.maximumf %max3A_1424, %gather3A_1430 : vector<16xf32>
    %xor3A_1432 = arith.constant 1 : i32
    %xor3A_1433 = vector.broadcast %xor3A_1432 : i32 to vector<16xi32>
    %xor3A_1434 = arith.xori %iota3A_1410, %xor3A_1433 : vector<16xi32>
    %broadcast_in_dim3A_1435 = vector.shape_cast %xor3A_1434 : vector<16xi32> to vector<16x1xi32>
    %gather3A_1436 = vector.shape_cast %broadcast_in_dim3A_1435 : vector<16x1xi32> to vector<16xi32>
    %gather3A_1437 = tpu.dynamic_gather %max3A_1431[%gather3A_1436] in [0] : vector<16xf32>, vector<16xi32> -> vector<16xf32>
    %max3A_1438 = arith.maximumf %max3A_1431, %gather3A_1437 : vector<16xf32>
    %select_n3A_1439 = arith.select %eq3A_1409, %max3A_1438, %select_n3A_1404 : vector<16xi1>, vector<16xf32>
    %get3A_1440 = arith.constant 656 : index
    %get3A_1441 = tpu.vector_load %arg4[%get3A_1440] {strides = array<i32>} : memref<1280xf32, #tpu.memory_space<vmem>>, vector<16xf32>,
    %eq3A_1442 = arith.constant 9 : i32
    %eq3A_1443 = vector.broadcast %eq3A_1442 : i32 to vector<16xi32>
    %eq3A_1444 = arith.cmpi eq, %iota3A, %eq3A_1443 : vector<16xi32>
    %iota3A_1445 = tpu.iota {dimensions = array<i32: 0>} : vector<16xi32>
    %xor3A_1446 = arith.constant 8 : i32
    %xor3A_1447 = vector.broadcast %xor3A_1446 : i32 to vector<16xi32>
    %xor3A_1448 = arith.xori %iota3A_1445, %xor3A_1447 : vector<16xi32>
    %broadcast_in_dim3A_1449 = vector.shape_cast %xor3A_1448 : vector<16xi32> to vector<16x1xi32>
    %gather3A_1450 = vector.shape_cast %broadcast_in_dim3A_1449 : vector<16x1xi32> to vector<16xi32>
    %gather3A_1451 = tpu.dynamic_gather %get3A_1441[%gather3A_1450] in [0] : vector<16xf32>, vector<16xi32> -> vector<16xf32>
    %max3A_1452 = arith.maximumf %get3A_1441, %gather3A_1451 : vector<16xf32>
    %xor3A_1453 = arith.constant 4 : i32
    %xor3A_1454 = vector.broadcast %xor3A_1453 : i32 to vector<16xi32>
    %xor3A_1455 = arith.xori %iota3A_1445, %xor3A_1454 : vector<16xi32>
    %broadcast_in_dim3A_1456 = vector.shape_cast %xor3A_1455 : vector<16xi32> to vector<16x1xi32>
    %gather3A_1457 = vector.shape_cast %broadcast_in_dim3A_1456 : vector<16x1xi32> to vector<16xi32>
    %gather3A_1458 = tpu.dynamic_gather %max3A_1452[%gather3A_1457] in [0] : vector<16xf32>, vector<16xi32> -> vector<16xf32>
    %max3A_1459 = arith.maximumf %max3A_1452, %gather3A_1458 : vector<16xf32>
    %xor3A_1460 = arith.constant 2 : i32
    %xor3A_1461 = vector.broadcast %xor3A_1460 : i32 to vector<16xi32>
    %xor3A_1462 = arith.xori %iota3A_1445, %xor3A_1461 : vector<16xi32>
    %broadcast_in_dim3A_1463 = vector.shape_cast %xor3A_1462 : vector<16xi32> to vector<16x1xi32>
    %gather3A_1464 = vector.shape_cast %broadcast_in_dim3A_1463 : vector<16x1xi32> to vector<16xi32>
    %gather3A_1465 = tpu.dynamic_gather %max3A_1459[%gather3A_1464] in [0] : vector<16xf32>, vector<16xi32> -> vector<16xf32>
    %max3A_1466 = arith.maximumf %max3A_1459, %gather3A_1465 : vector<16xf32>
    %xor3A_1467 = arith.constant 1 : i32
    %xor3A_1468 = vector.broadcast %xor3A_1467 : i32 to vector<16xi32>
    %xor3A_1469 = arith.xori %iota3A_1445, %xor3A_1468 : vector<16xi32>
    %broadcast_in_dim3A_1470 = vector.shape_cast %xor3A_1469 : vector<16xi32> to vector<16x1xi32>
    %gather3A_1471 = vector.shape_cast %broadcast_in_dim3A_1470 : vector<16x1xi32> to vector<16xi32>
    %gather3A_1472 = tpu.dynamic_gather %max3A_1466[%gather3A_1471] in [0] : vector<16xf32>, vector<16xi32> -> vector<16xf32>
    %max3A_1473 = arith.maximumf %max3A_1466, %gather3A_1472 : vector<16xf32>
    %select_n3A_1474 = arith.select %eq3A_1444, %max3A_1473, %select_n3A_1439 : vector<16xi1>, vector<16xf32>
    %get3A_1475 = arith.constant 672 : index
    %get3A_1476 = tpu.vector_load %arg4[%get3A_1475] {strides = array<i32>} : memref<1280xf32, #tpu.memory_space<vmem>>, vector<16xf32>,
    %eq3A_1477 = arith.constant 10 : i32
    %eq3A_1478 = vector.broadcast %eq3A_1477 : i32 to vector<16xi32>
    %eq3A_1479 = arith.cmpi eq, %iota3A, %eq3A_1478 : vector<16xi32>
    %iota3A_1480 = tpu.iota {dimensions = array<i32: 0>} : vector<16xi32>
    %xor3A_1481 = arith.constant 8 : i32
    %xor3A_1482 = vector.broadcast %xor3A_1481 : i32 to vector<16xi32>
    %xor3A_1483 = arith.xori %iota3A_1480, %xor3A_1482 : vector<16xi32>
    %broadcast_in_dim3A_1484 = vector.shape_cast %xor3A_1483 : vector<16xi32> to vector<16x1xi32>
    %gather3A_1485 = vector.shape_cast %broadcast_in_dim3A_1484 : vector<16x1xi32> to vector<16xi32>
    %gather3A_1486 = tpu.dynamic_gather %get3A_1476[%gather3A_1485] in [0] : vector<16xf32>, vector<16xi32> -> vector<16xf32>
    %max3A_1487 = arith.maximumf %get3A_1476, %gather3A_1486 : vector<16xf32>
    %xor3A_1488 = arith.constant 4 : i32
    %xor3A_1489 = vector.broadcast %xor3A_1488 : i32 to vector<16xi32>
    %xor3A_1490 = arith.xori %iota3A_1480, %xor3A_1489 : vector<16xi32>
    %broadcast_in_dim3A_1491 = vector.shape_cast %xor3A_1490 : vector<16xi32> to vector<16x1xi32>
    %gather3A_1492 = vector.shape_cast %broadcast_in_dim3A_1491 : vector<16x1xi32> to vector<16xi32>
    %gather3A_1493 = tpu.dynamic_gather %max3A_1487[%gather3A_1492] in [0] : vector<16xf32>, vector<16xi32> -> vector<16xf32>
    %max3A_1494 = arith.maximumf %max3A_1487, %gather3A_1493 : vector<16xf32>
    %xor3A_1495 = arith.constant 2 : i32
    %xor3A_1496 = vector.broadcast %xor3A_1495 : i32 to vector<16xi32>
    %xor3A_1497 = arith.xori %iota3A_1480, %xor3A_1496 : vector<16xi32>
    %broadcast_in_dim3A_1498 = vector.shape_cast %xor3A_1497 : vector<16xi32> to vector<16x1xi32>
    %gather3A_1499 = vector.shape_cast %broadcast_in_dim3A_1498 : vector<16x1xi32> to vector<16xi32>
    %gather3A_1500 = tpu.dynamic_gather %max3A_1494[%gather3A_1499] in [0] : vector<16xf32>, vector<16xi32> -> vector<16xf32>
    %max3A_1501 = arith.maximumf %max3A_1494, %gather3A_1500 : vector<16xf32>
    %xor3A_1502 = arith.constant 1 : i32
    %xor3A_1503 = vector.broadcast %xor3A_1502 : i32 to vector<16xi32>
    %xor3A_1504 = arith.xori %iota3A_1480, %xor3A_1503 : vector<16xi32>
    %broadcast_in_dim3A_1505 = vector.shape_cast %xor3A_1504 : vector<16xi32> to vector<16x1xi32>
    %gather3A_1506 = vector.shape_cast %broadcast_in_dim3A_1505 : vector<16x1xi32> to vector<16xi32>
    %gather3A_1507 = tpu.dynamic_gather %max3A_1501[%gather3A_1506] in [0] : vector<16xf32>, vector<16xi32> -> vector<16xf32>
    %max3A_1508 = arith.maximumf %max3A_1501, %gather3A_1507 : vector<16xf32>
    %select_n3A_1509 = arith.select %eq3A_1479, %max3A_1508, %select_n3A_1474 : vector<16xi1>, vector<16xf32>
    %get3A_1510 = arith.constant 688 : index
    %get3A_1511 = tpu.vector_load %arg4[%get3A_1510] {strides = array<i32>} : memref<1280xf32, #tpu.memory_space<vmem>>, vector<16xf32>,
    %eq3A_1512 = arith.constant 11 : i32
    %eq3A_1513 = vector.broadcast %eq3A_1512 : i32 to vector<16xi32>
    %eq3A_1514 = arith.cmpi eq, %iota3A, %eq3A_1513 : vector<16xi32>
    %iota3A_1515 = tpu.iota {dimensions = array<i32: 0>} : vector<16xi32>
    %xor3A_1516 = arith.constant 8 : i32
    %xor3A_1517 = vector.broadcast %xor3A_1516 : i32 to vector<16xi32>
    %xor3A_1518 = arith.xori %iota3A_1515, %xor3A_1517 : vector<16xi32>
    %broadcast_in_dim3A_1519 = vector.shape_cast %xor3A_1518 : vector<16xi32> to vector<16x1xi32>
    %gather3A_1520 = vector.shape_cast %broadcast_in_dim3A_1519 : vector<16x1xi32> to vector<16xi32>
    %gather3A_1521 = tpu.dynamic_gather %get3A_1511[%gather3A_1520] in [0] : vector<16xf32>, vector<16xi32> -> vector<16xf32>
    %max3A_1522 = arith.maximumf %get3A_1511, %gather3A_1521 : vector<16xf32>
    %xor3A_1523 = arith.constant 4 : i32
    %xor3A_1524 = vector.broadcast %xor3A_1523 : i32 to vector<16xi32>
    %xor3A_1525 = arith.xori %iota3A_1515, %xor3A_1524 : vector<16xi32>
    %broadcast_in_dim3A_1526 = vector.shape_cast %xor3A_1525 : vector<16xi32> to vector<16x1xi32>
    %gather3A_1527 = vector.shape_cast %broadcast_in_dim3A_1526 : vector<16x1xi32> to vector<16xi32>
    %gather3A_1528 = tpu.dynamic_gather %max3A_1522[%gather3A_1527] in [0] : vector<16xf32>, vector<16xi32> -> vector<16xf32>
    %max3A_1529 = arith.maximumf %max3A_1522, %gather3A_1528 : vector<16xf32>
    %xor3A_1530 = arith.constant 2 : i32
    %xor3A_1531 = vector.broadcast %xor3A_1530 : i32 to vector<16xi32>
    %xor3A_1532 = arith.xori %iota3A_1515, %xor3A_1531 : vector<16xi32>
    %broadcast_in_dim3A_1533 = vector.shape_cast %xor3A_1532 : vector<16xi32> to vector<16x1xi32>
    %gather3A_1534 = vector.shape_cast %broadcast_in_dim3A_1533 : vector<16x1xi32> to vector<16xi32>
    %gather3A_1535 = tpu.dynamic_gather %max3A_1529[%gather3A_1534] in [0] : vector<16xf32>, vector<16xi32> -> vector<16xf32>
    %max3A_1536 = arith.maximumf %max3A_1529, %gather3A_1535 : vector<16xf32>
    %xor3A_1537 = arith.constant 1 : i32
    %xor3A_1538 = vector.broadcast %xor3A_1537 : i32 to vector<16xi32>
    %xor3A_1539 = arith.xori %iota3A_1515, %xor3A_1538 : vector<16xi32>
    %broadcast_in_dim3A_1540 = vector.shape_cast %xor3A_1539 : vector<16xi32> to vector<16x1xi32>
    %gather3A_1541 = vector.shape_cast %broadcast_in_dim3A_1540 : vector<16x1xi32> to vector<16xi32>
    %gather3A_1542 = tpu.dynamic_gather %max3A_1536[%gather3A_1541] in [0] : vector<16xf32>, vector<16xi32> -> vector<16xf32>
    %max3A_1543 = arith.maximumf %max3A_1536, %gather3A_1542 : vector<16xf32>
    %select_n3A_1544 = arith.select %eq3A_1514, %max3A_1543, %select_n3A_1509 : vector<16xi1>, vector<16xf32>
    %get3A_1545 = arith.constant 704 : index
    %get3A_1546 = tpu.vector_load %arg4[%get3A_1545] {strides = array<i32>} : memref<1280xf32, #tpu.memory_space<vmem>>, vector<16xf32>,
    %eq3A_1547 = arith.constant 12 : i32
    %eq3A_1548 = vector.broadcast %eq3A_1547 : i32 to vector<16xi32>
    %eq3A_1549 = arith.cmpi eq, %iota3A, %eq3A_1548 : vector<16xi32>
    %iota3A_1550 = tpu.iota {dimensions = array<i32: 0>} : vector<16xi32>
    %xor3A_1551 = arith.constant 8 : i32
    %xor3A_1552 = vector.broadcast %xor3A_1551 : i32 to vector<16xi32>
    %xor3A_1553 = arith.xori %iota3A_1550, %xor3A_1552 : vector<16xi32>
    %broadcast_in_dim3A_1554 = vector.shape_cast %xor3A_1553 : vector<16xi32> to vector<16x1xi32>
    %gather3A_1555 = vector.shape_cast %broadcast_in_dim3A_1554 : vector<16x1xi32> to vector<16xi32>
    %gather3A_1556 = tpu.dynamic_gather %get3A_1546[%gather3A_1555] in [0] : vector<16xf32>, vector<16xi32> -> vector<16xf32>
    %max3A_1557 = arith.maximumf %get3A_1546, %gather3A_1556 : vector<16xf32>
    %xor3A_1558 = arith.constant 4 : i32
    %xor3A_1559 = vector.broadcast %xor3A_1558 : i32 to vector<16xi32>
    %xor3A_1560 = arith.xori %iota3A_1550, %xor3A_1559 : vector<16xi32>
    %broadcast_in_dim3A_1561 = vector.shape_cast %xor3A_1560 : vector<16xi32> to vector<16x1xi32>
    %gather3A_1562 = vector.shape_cast %broadcast_in_dim3A_1561 : vector<16x1xi32> to vector<16xi32>
    %gather3A_1563 = tpu.dynamic_gather %max3A_1557[%gather3A_1562] in [0] : vector<16xf32>, vector<16xi32> -> vector<16xf32>
    %max3A_1564 = arith.maximumf %max3A_1557, %gather3A_1563 : vector<16xf32>
    %xor3A_1565 = arith.constant 2 : i32
    %xor3A_1566 = vector.broadcast %xor3A_1565 : i32 to vector<16xi32>
    %xor3A_1567 = arith.xori %iota3A_1550, %xor3A_1566 : vector<16xi32>
    %broadcast_in_dim3A_1568 = vector.shape_cast %xor3A_1567 : vector<16xi32> to vector<16x1xi32>
    %gather3A_1569 = vector.shape_cast %broadcast_in_dim3A_1568 : vector<16x1xi32> to vector<16xi32>
    %gather3A_1570 = tpu.dynamic_gather %max3A_1564[%gather3A_1569] in [0] : vector<16xf32>, vector<16xi32> -> vector<16xf32>
    %max3A_1571 = arith.maximumf %max3A_1564, %gather3A_1570 : vector<16xf32>
    %xor3A_1572 = arith.constant 1 : i32
    %xor3A_1573 = vector.broadcast %xor3A_1572 : i32 to vector<16xi32>
    %xor3A_1574 = arith.xori %iota3A_1550, %xor3A_1573 : vector<16xi32>
    %broadcast_in_dim3A_1575 = vector.shape_cast %xor3A_1574 : vector<16xi32> to vector<16x1xi32>
    %gather3A_1576 = vector.shape_cast %broadcast_in_dim3A_1575 : vector<16x1xi32> to vector<16xi32>
    %gather3A_1577 = tpu.dynamic_gather %max3A_1571[%gather3A_1576] in [0] : vector<16xf32>, vector<16xi32> -> vector<16xf32>
    %max3A_1578 = arith.maximumf %max3A_1571, %gather3A_1577 : vector<16xf32>
    %select_n3A_1579 = arith.select %eq3A_1549, %max3A_1578, %select_n3A_1544 : vector<16xi1>, vector<16xf32>
    %get3A_1580 = arith.constant 720 : index
    %get3A_1581 = tpu.vector_load %arg4[%get3A_1580] {strides = array<i32>} : memref<1280xf32, #tpu.memory_space<vmem>>, vector<16xf32>,
    %eq3A_1582 = arith.constant 13 : i32
    %eq3A_1583 = vector.broadcast %eq3A_1582 : i32 to vector<16xi32>
    %eq3A_1584 = arith.cmpi eq, %iota3A, %eq3A_1583 : vector<16xi32>
    %iota3A_1585 = tpu.iota {dimensions = array<i32: 0>} : vector<16xi32>
    %xor3A_1586 = arith.constant 8 : i32
    %xor3A_1587 = vector.broadcast %xor3A_1586 : i32 to vector<16xi32>
    %xor3A_1588 = arith.xori %iota3A_1585, %xor3A_1587 : vector<16xi32>
    %broadcast_in_dim3A_1589 = vector.shape_cast %xor3A_1588 : vector<16xi32> to vector<16x1xi32>
    %gather3A_1590 = vector.shape_cast %broadcast_in_dim3A_1589 : vector<16x1xi32> to vector<16xi32>
    %gather3A_1591 = tpu.dynamic_gather %get3A_1581[%gather3A_1590] in [0] : vector<16xf32>, vector<16xi32> -> vector<16xf32>
    %max3A_1592 = arith.maximumf %get3A_1581, %gather3A_1591 : vector<16xf32>
    %xor3A_1593 = arith.constant 4 : i32
    %xor3A_1594 = vector.broadcast %xor3A_1593 : i32 to vector<16xi32>
    %xor3A_1595 = arith.xori %iota3A_1585, %xor3A_1594 : vector<16xi32>
    %broadcast_in_dim3A_1596 = vector.shape_cast %xor3A_1595 : vector<16xi32> to vector<16x1xi32>
    %gather3A_1597 = vector.shape_cast %broadcast_in_dim3A_1596 : vector<16x1xi32> to vector<16xi32>
    %gather3A_1598 = tpu.dynamic_gather %max3A_1592[%gather3A_1597] in [0] : vector<16xf32>, vector<16xi32> -> vector<16xf32>
    %max3A_1599 = arith.maximumf %max3A_1592, %gather3A_1598 : vector<16xf32>
    %xor3A_1600 = arith.constant 2 : i32
    %xor3A_1601 = vector.broadcast %xor3A_1600 : i32 to vector<16xi32>
    %xor3A_1602 = arith.xori %iota3A_1585, %xor3A_1601 : vector<16xi32>
    %broadcast_in_dim3A_1603 = vector.shape_cast %xor3A_1602 : vector<16xi32> to vector<16x1xi32>
    %gather3A_1604 = vector.shape_cast %broadcast_in_dim3A_1603 : vector<16x1xi32> to vector<16xi32>
    %gather3A_1605 = tpu.dynamic_gather %max3A_1599[%gather3A_1604] in [0] : vector<16xf32>, vector<16xi32> -> vector<16xf32>
    %max3A_1606 = arith.maximumf %max3A_1599, %gather3A_1605 : vector<16xf32>
    %xor3A_1607 = arith.constant 1 : i32
    %xor3A_1608 = vector.broadcast %xor3A_1607 : i32 to vector<16xi32>
    %xor3A_1609 = arith.xori %iota3A_1585, %xor3A_1608 : vector<16xi32>
    %broadcast_in_dim3A_1610 = vector.shape_cast %xor3A_1609 : vector<16xi32> to vector<16x1xi32>
    %gather3A_1611 = vector.shape_cast %broadcast_in_dim3A_1610 : vector<16x1xi32> to vector<16xi32>
    %gather3A_1612 = tpu.dynamic_gather %max3A_1606[%gather3A_1611] in [0] : vector<16xf32>, vector<16xi32> -> vector<16xf32>
    %max3A_1613 = arith.maximumf %max3A_1606, %gather3A_1612 : vector<16xf32>
    %select_n3A_1614 = arith.select %eq3A_1584, %max3A_1613, %select_n3A_1579 : vector<16xi1>, vector<16xf32>
    %get3A_1615 = arith.constant 736 : index
    %get3A_1616 = tpu.vector_load %arg4[%get3A_1615] {strides = array<i32>} : memref<1280xf32, #tpu.memory_space<vmem>>, vector<16xf32>,
    %eq3A_1617 = arith.constant 14 : i32
    %eq3A_1618 = vector.broadcast %eq3A_1617 : i32 to vector<16xi32>
    %eq3A_1619 = arith.cmpi eq, %iota3A, %eq3A_1618 : vector<16xi32>
    %iota3A_1620 = tpu.iota {dimensions = array<i32: 0>} : vector<16xi32>
    %xor3A_1621 = arith.constant 8 : i32
    %xor3A_1622 = vector.broadcast %xor3A_1621 : i32 to vector<16xi32>
    %xor3A_1623 = arith.xori %iota3A_1620, %xor3A_1622 : vector<16xi32>
    %broadcast_in_dim3A_1624 = vector.shape_cast %xor3A_1623 : vector<16xi32> to vector<16x1xi32>
    %gather3A_1625 = vector.shape_cast %broadcast_in_dim3A_1624 : vector<16x1xi32> to vector<16xi32>
    %gather3A_1626 = tpu.dynamic_gather %get3A_1616[%gather3A_1625] in [0] : vector<16xf32>, vector<16xi32> -> vector<16xf32>
    %max3A_1627 = arith.maximumf %get3A_1616, %gather3A_1626 : vector<16xf32>
    %xor3A_1628 = arith.constant 4 : i32
    %xor3A_1629 = vector.broadcast %xor3A_1628 : i32 to vector<16xi32>
    %xor3A_1630 = arith.xori %iota3A_1620, %xor3A_1629 : vector<16xi32>
    %broadcast_in_dim3A_1631 = vector.shape_cast %xor3A_1630 : vector<16xi32> to vector<16x1xi32>
    %gather3A_1632 = vector.shape_cast %broadcast_in_dim3A_1631 : vector<16x1xi32> to vector<16xi32>
    %gather3A_1633 = tpu.dynamic_gather %max3A_1627[%gather3A_1632] in [0] : vector<16xf32>, vector<16xi32> -> vector<16xf32>
    %max3A_1634 = arith.maximumf %max3A_1627, %gather3A_1633 : vector<16xf32>
    %xor3A_1635 = arith.constant 2 : i32
    %xor3A_1636 = vector.broadcast %xor3A_1635 : i32 to vector<16xi32>
    %xor3A_1637 = arith.xori %iota3A_1620, %xor3A_1636 : vector<16xi32>
    %broadcast_in_dim3A_1638 = vector.shape_cast %xor3A_1637 : vector<16xi32> to vector<16x1xi32>
    %gather3A_1639 = vector.shape_cast %broadcast_in_dim3A_1638 : vector<16x1xi32> to vector<16xi32>
    %gather3A_1640 = tpu.dynamic_gather %max3A_1634[%gather3A_1639] in [0] : vector<16xf32>, vector<16xi32> -> vector<16xf32>
    %max3A_1641 = arith.maximumf %max3A_1634, %gather3A_1640 : vector<16xf32>
    %xor3A_1642 = arith.constant 1 : i32
    %xor3A_1643 = vector.broadcast %xor3A_1642 : i32 to vector<16xi32>
    %xor3A_1644 = arith.xori %iota3A_1620, %xor3A_1643 : vector<16xi32>
    %broadcast_in_dim3A_1645 = vector.shape_cast %xor3A_1644 : vector<16xi32> to vector<16x1xi32>
    %gather3A_1646 = vector.shape_cast %broadcast_in_dim3A_1645 : vector<16x1xi32> to vector<16xi32>
    %gather3A_1647 = tpu.dynamic_gather %max3A_1641[%gather3A_1646] in [0] : vector<16xf32>, vector<16xi32> -> vector<16xf32>
    %max3A_1648 = arith.maximumf %max3A_1641, %gather3A_1647 : vector<16xf32>
    %select_n3A_1649 = arith.select %eq3A_1619, %max3A_1648, %select_n3A_1614 : vector<16xi1>, vector<16xf32>
    %get3A_1650 = arith.constant 752 : index
    %get3A_1651 = tpu.vector_load %arg4[%get3A_1650] {strides = array<i32>} : memref<1280xf32, #tpu.memory_space<vmem>>, vector<16xf32>,
    %eq3A_1652 = arith.constant 15 : i32
    %eq3A_1653 = vector.broadcast %eq3A_1652 : i32 to vector<16xi32>
    %eq3A_1654 = arith.cmpi eq, %iota3A, %eq3A_1653 : vector<16xi32>
    %iota3A_1655 = tpu.iota {dimensions = array<i32: 0>} : vector<16xi32>
    %xor3A_1656 = arith.constant 8 : i32
    %xor3A_1657 = vector.broadcast %xor3A_1656 : i32 to vector<16xi32>
    %xor3A_1658 = arith.xori %iota3A_1655, %xor3A_1657 : vector<16xi32>
    %broadcast_in_dim3A_1659 = vector.shape_cast %xor3A_1658 : vector<16xi32> to vector<16x1xi32>
    %gather3A_1660 = vector.shape_cast %broadcast_in_dim3A_1659 : vector<16x1xi32> to vector<16xi32>
    %gather3A_1661 = tpu.dynamic_gather %get3A_1651[%gather3A_1660] in [0] : vector<16xf32>, vector<16xi32> -> vector<16xf32>
    %max3A_1662 = arith.maximumf %get3A_1651, %gather3A_1661 : vector<16xf32>
    %xor3A_1663 = arith.constant 4 : i32
    %xor3A_1664 = vector.broadcast %xor3A_1663 : i32 to vector<16xi32>
    %xor3A_1665 = arith.xori %iota3A_1655, %xor3A_1664 : vector<16xi32>
    %broadcast_in_dim3A_1666 = vector.shape_cast %xor3A_1665 : vector<16xi32> to vector<16x1xi32>
    %gather3A_1667 = vector.shape_cast %broadcast_in_dim3A_1666 : vector<16x1xi32> to vector<16xi32>
    %gather3A_1668 = tpu.dynamic_gather %max3A_1662[%gather3A_1667] in [0] : vector<16xf32>, vector<16xi32> -> vector<16xf32>
    %max3A_1669 = arith.maximumf %max3A_1662, %gather3A_1668 : vector<16xf32>
    %xor3A_1670 = arith.constant 2 : i32
    %xor3A_1671 = vector.broadcast %xor3A_1670 : i32 to vector<16xi32>
    %xor3A_1672 = arith.xori %iota3A_1655, %xor3A_1671 : vector<16xi32>
    %broadcast_in_dim3A_1673 = vector.shape_cast %xor3A_1672 : vector<16xi32> to vector<16x1xi32>
    %gather3A_1674 = vector.shape_cast %broadcast_in_dim3A_1673 : vector<16x1xi32> to vector<16xi32>
    %gather3A_1675 = tpu.dynamic_gather %max3A_1669[%gather3A_1674] in [0] : vector<16xf32>, vector<16xi32> -> vector<16xf32>
    %max3A_1676 = arith.maximumf %max3A_1669, %gather3A_1675 : vector<16xf32>
    %xor3A_1677 = arith.constant 1 : i32
    %xor3A_1678 = vector.broadcast %xor3A_1677 : i32 to vector<16xi32>
    %xor3A_1679 = arith.xori %iota3A_1655, %xor3A_1678 : vector<16xi32>
    %broadcast_in_dim3A_1680 = vector.shape_cast %xor3A_1679 : vector<16xi32> to vector<16x1xi32>
    %gather3A_1681 = vector.shape_cast %broadcast_in_dim3A_1680 : vector<16x1xi32> to vector<16xi32>
    %gather3A_1682 = tpu.dynamic_gather %max3A_1676[%gather3A_1681] in [0] : vector<16xf32>, vector<16xi32> -> vector<16xf32>
    %max3A_1683 = arith.maximumf %max3A_1676, %gather3A_1682 : vector<16xf32>
    %select_n3A_1684 = arith.select %eq3A_1654, %max3A_1683, %select_n3A_1649 : vector<16xi1>, vector<16xf32>
    %swap3A_1685 = arith.constant 32 : index
    %swap3A_1686 = tpu.vector_load %arg5[%swap3A_1685] {strides = array<i32>} : memref<80xf32, #tpu.memory_space<vmem>>, vector<16xf32>,
    tpu.vector_store %arg5[%swap3A_1685], %select_n3A_1684 {strides = array<i32>} : memref<80xf32, #tpu.memory_space<vmem>>, vector<16xf32>,
    %broadcast_in_dim3A_1687 = arith.constant -9.000000e+00 : f32
    %broadcast_in_dim3A_1688 = vector.broadcast %broadcast_in_dim3A_1687 : f32 to vector<16xf32>
    %get3A_1689 = arith.constant 768 : index
    %get3A_1690 = tpu.vector_load %arg4[%get3A_1689] {strides = array<i32>} : memref<1280xf32, #tpu.memory_space<vmem>>, vector<16xf32>,
    %eq3A_1691 = arith.constant 0 : i32
    %eq3A_1692 = vector.broadcast %eq3A_1691 : i32 to vector<16xi32>
    %eq3A_1693 = arith.cmpi eq, %iota3A, %eq3A_1692 : vector<16xi32>
    %iota3A_1694 = tpu.iota {dimensions = array<i32: 0>} : vector<16xi32>
    %xor3A_1695 = arith.constant 8 : i32
    %xor3A_1696 = vector.broadcast %xor3A_1695 : i32 to vector<16xi32>
    %xor3A_1697 = arith.xori %iota3A_1694, %xor3A_1696 : vector<16xi32>
    %broadcast_in_dim3A_1698 = vector.shape_cast %xor3A_1697 : vector<16xi32> to vector<16x1xi32>
    %gather3A_1699 = vector.shape_cast %broadcast_in_dim3A_1698 : vector<16x1xi32> to vector<16xi32>
    %gather3A_1700 = tpu.dynamic_gather %get3A_1690[%gather3A_1699] in [0] : vector<16xf32>, vector<16xi32> -> vector<16xf32>
    %max3A_1701 = arith.maximumf %get3A_1690, %gather3A_1700 : vector<16xf32>
    %xor3A_1702 = arith.constant 4 : i32
    %xor3A_1703 = vector.broadcast %xor3A_1702 : i32 to vector<16xi32>
    %xor3A_1704 = arith.xori %iota3A_1694, %xor3A_1703 : vector<16xi32>
    %broadcast_in_dim3A_1705 = vector.shape_cast %xor3A_1704 : vector<16xi32> to vector<16x1xi32>
    %gather3A_1706 = vector.shape_cast %broadcast_in_dim3A_1705 : vector<16x1xi32> to vector<16xi32>
    %gather3A_1707 = tpu.dynamic_gather %max3A_1701[%gather3A_1706] in [0] : vector<16xf32>, vector<16xi32> -> vector<16xf32>
    %max3A_1708 = arith.maximumf %max3A_1701, %gather3A_1707 : vector<16xf32>
    %xor3A_1709 = arith.constant 2 : i32
    %xor3A_1710 = vector.broadcast %xor3A_1709 : i32 to vector<16xi32>
    %xor3A_1711 = arith.xori %iota3A_1694, %xor3A_1710 : vector<16xi32>
    %broadcast_in_dim3A_1712 = vector.shape_cast %xor3A_1711 : vector<16xi32> to vector<16x1xi32>
    %gather3A_1713 = vector.shape_cast %broadcast_in_dim3A_1712 : vector<16x1xi32> to vector<16xi32>
    %gather3A_1714 = tpu.dynamic_gather %max3A_1708[%gather3A_1713] in [0] : vector<16xf32>, vector<16xi32> -> vector<16xf32>
    %max3A_1715 = arith.maximumf %max3A_1708, %gather3A_1714 : vector<16xf32>
    %xor3A_1716 = arith.constant 1 : i32
    %xor3A_1717 = vector.broadcast %xor3A_1716 : i32 to vector<16xi32>
    %xor3A_1718 = arith.xori %iota3A_1694, %xor3A_1717 : vector<16xi32>
    %broadcast_in_dim3A_1719 = vector.shape_cast %xor3A_1718 : vector<16xi32> to vector<16x1xi32>
    %gather3A_1720 = vector.shape_cast %broadcast_in_dim3A_1719 : vector<16x1xi32> to vector<16xi32>
    %gather3A_1721 = tpu.dynamic_gather %max3A_1715[%gather3A_1720] in [0] : vector<16xf32>, vector<16xi32> -> vector<16xf32>
    %max3A_1722 = arith.maximumf %max3A_1715, %gather3A_1721 : vector<16xf32>
    %select_n3A_1723 = arith.select %eq3A_1693, %max3A_1722, %broadcast_in_dim3A_1688 : vector<16xi1>, vector<16xf32>
    %get3A_1724 = arith.constant 784 : index
    %get3A_1725 = tpu.vector_load %arg4[%get3A_1724] {strides = array<i32>} : memref<1280xf32, #tpu.memory_space<vmem>>, vector<16xf32>,
    %eq3A_1726 = arith.constant 1 : i32
    %eq3A_1727 = vector.broadcast %eq3A_1726 : i32 to vector<16xi32>
    %eq3A_1728 = arith.cmpi eq, %iota3A, %eq3A_1727 : vector<16xi32>
    %iota3A_1729 = tpu.iota {dimensions = array<i32: 0>} : vector<16xi32>
    %xor3A_1730 = arith.constant 8 : i32
    %xor3A_1731 = vector.broadcast %xor3A_1730 : i32 to vector<16xi32>
    %xor3A_1732 = arith.xori %iota3A_1729, %xor3A_1731 : vector<16xi32>
    %broadcast_in_dim3A_1733 = vector.shape_cast %xor3A_1732 : vector<16xi32> to vector<16x1xi32>
    %gather3A_1734 = vector.shape_cast %broadcast_in_dim3A_1733 : vector<16x1xi32> to vector<16xi32>
    %gather3A_1735 = tpu.dynamic_gather %get3A_1725[%gather3A_1734] in [0] : vector<16xf32>, vector<16xi32> -> vector<16xf32>
    %max3A_1736 = arith.maximumf %get3A_1725, %gather3A_1735 : vector<16xf32>
    %xor3A_1737 = arith.constant 4 : i32
    %xor3A_1738 = vector.broadcast %xor3A_1737 : i32 to vector<16xi32>
    %xor3A_1739 = arith.xori %iota3A_1729, %xor3A_1738 : vector<16xi32>
    %broadcast_in_dim3A_1740 = vector.shape_cast %xor3A_1739 : vector<16xi32> to vector<16x1xi32>
    %gather3A_1741 = vector.shape_cast %broadcast_in_dim3A_1740 : vector<16x1xi32> to vector<16xi32>
    %gather3A_1742 = tpu.dynamic_gather %max3A_1736[%gather3A_1741] in [0] : vector<16xf32>, vector<16xi32> -> vector<16xf32>
    %max3A_1743 = arith.maximumf %max3A_1736, %gather3A_1742 : vector<16xf32>
    %xor3A_1744 = arith.constant 2 : i32
    %xor3A_1745 = vector.broadcast %xor3A_1744 : i32 to vector<16xi32>
    %xor3A_1746 = arith.xori %iota3A_1729, %xor3A_1745 : vector<16xi32>
    %broadcast_in_dim3A_1747 = vector.shape_cast %xor3A_1746 : vector<16xi32> to vector<16x1xi32>
    %gather3A_1748 = vector.shape_cast %broadcast_in_dim3A_1747 : vector<16x1xi32> to vector<16xi32>
    %gather3A_1749 = tpu.dynamic_gather %max3A_1743[%gather3A_1748] in [0] : vector<16xf32>, vector<16xi32> -> vector<16xf32>
    %max3A_1750 = arith.maximumf %max3A_1743, %gather3A_1749 : vector<16xf32>
    %xor3A_1751 = arith.constant 1 : i32
    %xor3A_1752 = vector.broadcast %xor3A_1751 : i32 to vector<16xi32>
    %xor3A_1753 = arith.xori %iota3A_1729, %xor3A_1752 : vector<16xi32>
    %broadcast_in_dim3A_1754 = vector.shape_cast %xor3A_1753 : vector<16xi32> to vector<16x1xi32>
    %gather3A_1755 = vector.shape_cast %broadcast_in_dim3A_1754 : vector<16x1xi32> to vector<16xi32>
    %gather3A_1756 = tpu.dynamic_gather %max3A_1750[%gather3A_1755] in [0] : vector<16xf32>, vector<16xi32> -> vector<16xf32>
    %max3A_1757 = arith.maximumf %max3A_1750, %gather3A_1756 : vector<16xf32>
    %select_n3A_1758 = arith.select %eq3A_1728, %max3A_1757, %select_n3A_1723 : vector<16xi1>, vector<16xf32>
    %get3A_1759 = arith.constant 800 : index
    %get3A_1760 = tpu.vector_load %arg4[%get3A_1759] {strides = array<i32>} : memref<1280xf32, #tpu.memory_space<vmem>>, vector<16xf32>,
    %eq3A_1761 = arith.constant 2 : i32
    %eq3A_1762 = vector.broadcast %eq3A_1761 : i32 to vector<16xi32>
    %eq3A_1763 = arith.cmpi eq, %iota3A, %eq3A_1762 : vector<16xi32>
    %iota3A_1764 = tpu.iota {dimensions = array<i32: 0>} : vector<16xi32>
    %xor3A_1765 = arith.constant 8 : i32
    %xor3A_1766 = vector.broadcast %xor3A_1765 : i32 to vector<16xi32>
    %xor3A_1767 = arith.xori %iota3A_1764, %xor3A_1766 : vector<16xi32>
    %broadcast_in_dim3A_1768 = vector.shape_cast %xor3A_1767 : vector<16xi32> to vector<16x1xi32>
    %gather3A_1769 = vector.shape_cast %broadcast_in_dim3A_1768 : vector<16x1xi32> to vector<16xi32>
    %gather3A_1770 = tpu.dynamic_gather %get3A_1760[%gather3A_1769] in [0] : vector<16xf32>, vector<16xi32> -> vector<16xf32>
    %max3A_1771 = arith.maximumf %get3A_1760, %gather3A_1770 : vector<16xf32>
    %xor3A_1772 = arith.constant 4 : i32
    %xor3A_1773 = vector.broadcast %xor3A_1772 : i32 to vector<16xi32>
    %xor3A_1774 = arith.xori %iota3A_1764, %xor3A_1773 : vector<16xi32>
    %broadcast_in_dim3A_1775 = vector.shape_cast %xor3A_1774 : vector<16xi32> to vector<16x1xi32>
    %gather3A_1776 = vector.shape_cast %broadcast_in_dim3A_1775 : vector<16x1xi32> to vector<16xi32>
    %gather3A_1777 = tpu.dynamic_gather %max3A_1771[%gather3A_1776] in [0] : vector<16xf32>, vector<16xi32> -> vector<16xf32>
    %max3A_1778 = arith.maximumf %max3A_1771, %gather3A_1777 : vector<16xf32>
    %xor3A_1779 = arith.constant 2 : i32
    %xor3A_1780 = vector.broadcast %xor3A_1779 : i32 to vector<16xi32>
    %xor3A_1781 = arith.xori %iota3A_1764, %xor3A_1780 : vector<16xi32>
    %broadcast_in_dim3A_1782 = vector.shape_cast %xor3A_1781 : vector<16xi32> to vector<16x1xi32>
    %gather3A_1783 = vector.shape_cast %broadcast_in_dim3A_1782 : vector<16x1xi32> to vector<16xi32>
    %gather3A_1784 = tpu.dynamic_gather %max3A_1778[%gather3A_1783] in [0] : vector<16xf32>, vector<16xi32> -> vector<16xf32>
    %max3A_1785 = arith.maximumf %max3A_1778, %gather3A_1784 : vector<16xf32>
    %xor3A_1786 = arith.constant 1 : i32
    %xor3A_1787 = vector.broadcast %xor3A_1786 : i32 to vector<16xi32>
    %xor3A_1788 = arith.xori %iota3A_1764, %xor3A_1787 : vector<16xi32>
    %broadcast_in_dim3A_1789 = vector.shape_cast %xor3A_1788 : vector<16xi32> to vector<16x1xi32>
    %gather3A_1790 = vector.shape_cast %broadcast_in_dim3A_1789 : vector<16x1xi32> to vector<16xi32>
    %gather3A_1791 = tpu.dynamic_gather %max3A_1785[%gather3A_1790] in [0] : vector<16xf32>, vector<16xi32> -> vector<16xf32>
    %max3A_1792 = arith.maximumf %max3A_1785, %gather3A_1791 : vector<16xf32>
    %select_n3A_1793 = arith.select %eq3A_1763, %max3A_1792, %select_n3A_1758 : vector<16xi1>, vector<16xf32>
    %get3A_1794 = arith.constant 816 : index
    %get3A_1795 = tpu.vector_load %arg4[%get3A_1794] {strides = array<i32>} : memref<1280xf32, #tpu.memory_space<vmem>>, vector<16xf32>,
    %eq3A_1796 = arith.constant 3 : i32
    %eq3A_1797 = vector.broadcast %eq3A_1796 : i32 to vector<16xi32>
    %eq3A_1798 = arith.cmpi eq, %iota3A, %eq3A_1797 : vector<16xi32>
    %iota3A_1799 = tpu.iota {dimensions = array<i32: 0>} : vector<16xi32>
    %xor3A_1800 = arith.constant 8 : i32
    %xor3A_1801 = vector.broadcast %xor3A_1800 : i32 to vector<16xi32>
    %xor3A_1802 = arith.xori %iota3A_1799, %xor3A_1801 : vector<16xi32>
    %broadcast_in_dim3A_1803 = vector.shape_cast %xor3A_1802 : vector<16xi32> to vector<16x1xi32>
    %gather3A_1804 = vector.shape_cast %broadcast_in_dim3A_1803 : vector<16x1xi32> to vector<16xi32>
    %gather3A_1805 = tpu.dynamic_gather %get3A_1795[%gather3A_1804] in [0] : vector<16xf32>, vector<16xi32> -> vector<16xf32>
    %max3A_1806 = arith.maximumf %get3A_1795, %gather3A_1805 : vector<16xf32>
    %xor3A_1807 = arith.constant 4 : i32
    %xor3A_1808 = vector.broadcast %xor3A_1807 : i32 to vector<16xi32>
    %xor3A_1809 = arith.xori %iota3A_1799, %xor3A_1808 : vector<16xi32>
    %broadcast_in_dim3A_1810 = vector.shape_cast %xor3A_1809 : vector<16xi32> to vector<16x1xi32>
    %gather3A_1811 = vector.shape_cast %broadcast_in_dim3A_1810 : vector<16x1xi32> to vector<16xi32>
    %gather3A_1812 = tpu.dynamic_gather %max3A_1806[%gather3A_1811] in [0] : vector<16xf32>, vector<16xi32> -> vector<16xf32>
    %max3A_1813 = arith.maximumf %max3A_1806, %gather3A_1812 : vector<16xf32>
    %xor3A_1814 = arith.constant 2 : i32
    %xor3A_1815 = vector.broadcast %xor3A_1814 : i32 to vector<16xi32>
    %xor3A_1816 = arith.xori %iota3A_1799, %xor3A_1815 : vector<16xi32>
    %broadcast_in_dim3A_1817 = vector.shape_cast %xor3A_1816 : vector<16xi32> to vector<16x1xi32>
    %gather3A_1818 = vector.shape_cast %broadcast_in_dim3A_1817 : vector<16x1xi32> to vector<16xi32>
    %gather3A_1819 = tpu.dynamic_gather %max3A_1813[%gather3A_1818] in [0] : vector<16xf32>, vector<16xi32> -> vector<16xf32>
    %max3A_1820 = arith.maximumf %max3A_1813, %gather3A_1819 : vector<16xf32>
    %xor3A_1821 = arith.constant 1 : i32
    %xor3A_1822 = vector.broadcast %xor3A_1821 : i32 to vector<16xi32>
    %xor3A_1823 = arith.xori %iota3A_1799, %xor3A_1822 : vector<16xi32>
    %broadcast_in_dim3A_1824 = vector.shape_cast %xor3A_1823 : vector<16xi32> to vector<16x1xi32>
    %gather3A_1825 = vector.shape_cast %broadcast_in_dim3A_1824 : vector<16x1xi32> to vector<16xi32>
    %gather3A_1826 = tpu.dynamic_gather %max3A_1820[%gather3A_1825] in [0] : vector<16xf32>, vector<16xi32> -> vector<16xf32>
    %max3A_1827 = arith.maximumf %max3A_1820, %gather3A_1826 : vector<16xf32>
    %select_n3A_1828 = arith.select %eq3A_1798, %max3A_1827, %select_n3A_1793 : vector<16xi1>, vector<16xf32>
    %get3A_1829 = arith.constant 832 : index
    %get3A_1830 = tpu.vector_load %arg4[%get3A_1829] {strides = array<i32>} : memref<1280xf32, #tpu.memory_space<vmem>>, vector<16xf32>,
    %eq3A_1831 = arith.constant 4 : i32
    %eq3A_1832 = vector.broadcast %eq3A_1831 : i32 to vector<16xi32>
    %eq3A_1833 = arith.cmpi eq, %iota3A, %eq3A_1832 : vector<16xi32>
    %iota3A_1834 = tpu.iota {dimensions = array<i32: 0>} : vector<16xi32>
    %xor3A_1835 = arith.constant 8 : i32
    %xor3A_1836 = vector.broadcast %xor3A_1835 : i32 to vector<16xi32>
    %xor3A_1837 = arith.xori %iota3A_1834, %xor3A_1836 : vector<16xi32>
    %broadcast_in_dim3A_1838 = vector.shape_cast %xor3A_1837 : vector<16xi32> to vector<16x1xi32>
    %gather3A_1839 = vector.shape_cast %broadcast_in_dim3A_1838 : vector<16x1xi32> to vector<16xi32>
    %gather3A_1840 = tpu.dynamic_gather %get3A_1830[%gather3A_1839] in [0] : vector<16xf32>, vector<16xi32> -> vector<16xf32>
    %max3A_1841 = arith.maximumf %get3A_1830, %gather3A_1840 : vector<16xf32>
    %xor3A_1842 = arith.constant 4 : i32
    %xor3A_1843 = vector.broadcast %xor3A_1842 : i32 to vector<16xi32>
    %xor3A_1844 = arith.xori %iota3A_1834, %xor3A_1843 : vector<16xi32>
    %broadcast_in_dim3A_1845 = vector.shape_cast %xor3A_1844 : vector<16xi32> to vector<16x1xi32>
    %gather3A_1846 = vector.shape_cast %broadcast_in_dim3A_1845 : vector<16x1xi32> to vector<16xi32>
    %gather3A_1847 = tpu.dynamic_gather %max3A_1841[%gather3A_1846] in [0] : vector<16xf32>, vector<16xi32> -> vector<16xf32>
    %max3A_1848 = arith.maximumf %max3A_1841, %gather3A_1847 : vector<16xf32>
    %xor3A_1849 = arith.constant 2 : i32
    %xor3A_1850 = vector.broadcast %xor3A_1849 : i32 to vector<16xi32>
    %xor3A_1851 = arith.xori %iota3A_1834, %xor3A_1850 : vector<16xi32>
    %broadcast_in_dim3A_1852 = vector.shape_cast %xor3A_1851 : vector<16xi32> to vector<16x1xi32>
    %gather3A_1853 = vector.shape_cast %broadcast_in_dim3A_1852 : vector<16x1xi32> to vector<16xi32>
    %gather3A_1854 = tpu.dynamic_gather %max3A_1848[%gather3A_1853] in [0] : vector<16xf32>, vector<16xi32> -> vector<16xf32>
    %max3A_1855 = arith.maximumf %max3A_1848, %gather3A_1854 : vector<16xf32>
    %xor3A_1856 = arith.constant 1 : i32
    %xor3A_1857 = vector.broadcast %xor3A_1856 : i32 to vector<16xi32>
    %xor3A_1858 = arith.xori %iota3A_1834, %xor3A_1857 : vector<16xi32>
    %broadcast_in_dim3A_1859 = vector.shape_cast %xor3A_1858 : vector<16xi32> to vector<16x1xi32>
    %gather3A_1860 = vector.shape_cast %broadcast_in_dim3A_1859 : vector<16x1xi32> to vector<16xi32>
    %gather3A_1861 = tpu.dynamic_gather %max3A_1855[%gather3A_1860] in [0] : vector<16xf32>, vector<16xi32> -> vector<16xf32>
    %max3A_1862 = arith.maximumf %max3A_1855, %gather3A_1861 : vector<16xf32>
    %select_n3A_1863 = arith.select %eq3A_1833, %max3A_1862, %select_n3A_1828 : vector<16xi1>, vector<16xf32>
    %get3A_1864 = arith.constant 848 : index
    %get3A_1865 = tpu.vector_load %arg4[%get3A_1864] {strides = array<i32>} : memref<1280xf32, #tpu.memory_space<vmem>>, vector<16xf32>,
    %eq3A_1866 = arith.constant 5 : i32
    %eq3A_1867 = vector.broadcast %eq3A_1866 : i32 to vector<16xi32>
    %eq3A_1868 = arith.cmpi eq, %iota3A, %eq3A_1867 : vector<16xi32>
    %iota3A_1869 = tpu.iota {dimensions = array<i32: 0>} : vector<16xi32>
    %xor3A_1870 = arith.constant 8 : i32
    %xor3A_1871 = vector.broadcast %xor3A_1870 : i32 to vector<16xi32>
    %xor3A_1872 = arith.xori %iota3A_1869, %xor3A_1871 : vector<16xi32>
    %broadcast_in_dim3A_1873 = vector.shape_cast %xor3A_1872 : vector<16xi32> to vector<16x1xi32>
    %gather3A_1874 = vector.shape_cast %broadcast_in_dim3A_1873 : vector<16x1xi32> to vector<16xi32>
    %gather3A_1875 = tpu.dynamic_gather %get3A_1865[%gather3A_1874] in [0] : vector<16xf32>, vector<16xi32> -> vector<16xf32>
    %max3A_1876 = arith.maximumf %get3A_1865, %gather3A_1875 : vector<16xf32>
    %xor3A_1877 = arith.constant 4 : i32
    %xor3A_1878 = vector.broadcast %xor3A_1877 : i32 to vector<16xi32>
    %xor3A_1879 = arith.xori %iota3A_1869, %xor3A_1878 : vector<16xi32>
    %broadcast_in_dim3A_1880 = vector.shape_cast %xor3A_1879 : vector<16xi32> to vector<16x1xi32>
    %gather3A_1881 = vector.shape_cast %broadcast_in_dim3A_1880 : vector<16x1xi32> to vector<16xi32>
    %gather3A_1882 = tpu.dynamic_gather %max3A_1876[%gather3A_1881] in [0] : vector<16xf32>, vector<16xi32> -> vector<16xf32>
    %max3A_1883 = arith.maximumf %max3A_1876, %gather3A_1882 : vector<16xf32>
    %xor3A_1884 = arith.constant 2 : i32
    %xor3A_1885 = vector.broadcast %xor3A_1884 : i32 to vector<16xi32>
    %xor3A_1886 = arith.xori %iota3A_1869, %xor3A_1885 : vector<16xi32>
    %broadcast_in_dim3A_1887 = vector.shape_cast %xor3A_1886 : vector<16xi32> to vector<16x1xi32>
    %gather3A_1888 = vector.shape_cast %broadcast_in_dim3A_1887 : vector<16x1xi32> to vector<16xi32>
    %gather3A_1889 = tpu.dynamic_gather %max3A_1883[%gather3A_1888] in [0] : vector<16xf32>, vector<16xi32> -> vector<16xf32>
    %max3A_1890 = arith.maximumf %max3A_1883, %gather3A_1889 : vector<16xf32>
    %xor3A_1891 = arith.constant 1 : i32
    %xor3A_1892 = vector.broadcast %xor3A_1891 : i32 to vector<16xi32>
    %xor3A_1893 = arith.xori %iota3A_1869, %xor3A_1892 : vector<16xi32>
    %broadcast_in_dim3A_1894 = vector.shape_cast %xor3A_1893 : vector<16xi32> to vector<16x1xi32>
    %gather3A_1895 = vector.shape_cast %broadcast_in_dim3A_1894 : vector<16x1xi32> to vector<16xi32>
    %gather3A_1896 = tpu.dynamic_gather %max3A_1890[%gather3A_1895] in [0] : vector<16xf32>, vector<16xi32> -> vector<16xf32>
    %max3A_1897 = arith.maximumf %max3A_1890, %gather3A_1896 : vector<16xf32>
    %select_n3A_1898 = arith.select %eq3A_1868, %max3A_1897, %select_n3A_1863 : vector<16xi1>, vector<16xf32>
    %get3A_1899 = arith.constant 864 : index
    %get3A_1900 = tpu.vector_load %arg4[%get3A_1899] {strides = array<i32>} : memref<1280xf32, #tpu.memory_space<vmem>>, vector<16xf32>,
    %eq3A_1901 = arith.constant 6 : i32
    %eq3A_1902 = vector.broadcast %eq3A_1901 : i32 to vector<16xi32>
    %eq3A_1903 = arith.cmpi eq, %iota3A, %eq3A_1902 : vector<16xi32>
    %iota3A_1904 = tpu.iota {dimensions = array<i32: 0>} : vector<16xi32>
    %xor3A_1905 = arith.constant 8 : i32
    %xor3A_1906 = vector.broadcast %xor3A_1905 : i32 to vector<16xi32>
    %xor3A_1907 = arith.xori %iota3A_1904, %xor3A_1906 : vector<16xi32>
    %broadcast_in_dim3A_1908 = vector.shape_cast %xor3A_1907 : vector<16xi32> to vector<16x1xi32>
    %gather3A_1909 = vector.shape_cast %broadcast_in_dim3A_1908 : vector<16x1xi32> to vector<16xi32>
    %gather3A_1910 = tpu.dynamic_gather %get3A_1900[%gather3A_1909] in [0] : vector<16xf32>, vector<16xi32> -> vector<16xf32>
    %max3A_1911 = arith.maximumf %get3A_1900, %gather3A_1910 : vector<16xf32>
    %xor3A_1912 = arith.constant 4 : i32
    %xor3A_1913 = vector.broadcast %xor3A_1912 : i32 to vector<16xi32>
    %xor3A_1914 = arith.xori %iota3A_1904, %xor3A_1913 : vector<16xi32>
    %broadcast_in_dim3A_1915 = vector.shape_cast %xor3A_1914 : vector<16xi32> to vector<16x1xi32>
    %gather3A_1916 = vector.shape_cast %broadcast_in_dim3A_1915 : vector<16x1xi32> to vector<16xi32>
    %gather3A_1917 = tpu.dynamic_gather %max3A_1911[%gather3A_1916] in [0] : vector<16xf32>, vector<16xi32> -> vector<16xf32>
    %max3A_1918 = arith.maximumf %max3A_1911, %gather3A_1917 : vector<16xf32>
    %xor3A_1919 = arith.constant 2 : i32
    %xor3A_1920 = vector.broadcast %xor3A_1919 : i32 to vector<16xi32>
    %xor3A_1921 = arith.xori %iota3A_1904, %xor3A_1920 : vector<16xi32>
    %broadcast_in_dim3A_1922 = vector.shape_cast %xor3A_1921 : vector<16xi32> to vector<16x1xi32>
    %gather3A_1923 = vector.shape_cast %broadcast_in_dim3A_1922 : vector<16x1xi32> to vector<16xi32>
    %gather3A_1924 = tpu.dynamic_gather %max3A_1918[%gather3A_1923] in [0] : vector<16xf32>, vector<16xi32> -> vector<16xf32>
    %max3A_1925 = arith.maximumf %max3A_1918, %gather3A_1924 : vector<16xf32>
    %xor3A_1926 = arith.constant 1 : i32
    %xor3A_1927 = vector.broadcast %xor3A_1926 : i32 to vector<16xi32>
    %xor3A_1928 = arith.xori %iota3A_1904, %xor3A_1927 : vector<16xi32>
    %broadcast_in_dim3A_1929 = vector.shape_cast %xor3A_1928 : vector<16xi32> to vector<16x1xi32>
    %gather3A_1930 = vector.shape_cast %broadcast_in_dim3A_1929 : vector<16x1xi32> to vector<16xi32>
    %gather3A_1931 = tpu.dynamic_gather %max3A_1925[%gather3A_1930] in [0] : vector<16xf32>, vector<16xi32> -> vector<16xf32>
    %max3A_1932 = arith.maximumf %max3A_1925, %gather3A_1931 : vector<16xf32>
    %select_n3A_1933 = arith.select %eq3A_1903, %max3A_1932, %select_n3A_1898 : vector<16xi1>, vector<16xf32>
    %get3A_1934 = arith.constant 880 : index
    %get3A_1935 = tpu.vector_load %arg4[%get3A_1934] {strides = array<i32>} : memref<1280xf32, #tpu.memory_space<vmem>>, vector<16xf32>,
    %eq3A_1936 = arith.constant 7 : i32
    %eq3A_1937 = vector.broadcast %eq3A_1936 : i32 to vector<16xi32>
    %eq3A_1938 = arith.cmpi eq, %iota3A, %eq3A_1937 : vector<16xi32>
    %iota3A_1939 = tpu.iota {dimensions = array<i32: 0>} : vector<16xi32>
    %xor3A_1940 = arith.constant 8 : i32
    %xor3A_1941 = vector.broadcast %xor3A_1940 : i32 to vector<16xi32>
    %xor3A_1942 = arith.xori %iota3A_1939, %xor3A_1941 : vector<16xi32>
    %broadcast_in_dim3A_1943 = vector.shape_cast %xor3A_1942 : vector<16xi32> to vector<16x1xi32>
    %gather3A_1944 = vector.shape_cast %broadcast_in_dim3A_1943 : vector<16x1xi32> to vector<16xi32>
    %gather3A_1945 = tpu.dynamic_gather %get3A_1935[%gather3A_1944] in [0] : vector<16xf32>, vector<16xi32> -> vector<16xf32>
    %max3A_1946 = arith.maximumf %get3A_1935, %gather3A_1945 : vector<16xf32>
    %xor3A_1947 = arith.constant 4 : i32
    %xor3A_1948 = vector.broadcast %xor3A_1947 : i32 to vector<16xi32>
    %xor3A_1949 = arith.xori %iota3A_1939, %xor3A_1948 : vector<16xi32>
    %broadcast_in_dim3A_1950 = vector.shape_cast %xor3A_1949 : vector<16xi32> to vector<16x1xi32>
    %gather3A_1951 = vector.shape_cast %broadcast_in_dim3A_1950 : vector<16x1xi32> to vector<16xi32>
    %gather3A_1952 = tpu.dynamic_gather %max3A_1946[%gather3A_1951] in [0] : vector<16xf32>, vector<16xi32> -> vector<16xf32>
    %max3A_1953 = arith.maximumf %max3A_1946, %gather3A_1952 : vector<16xf32>
    %xor3A_1954 = arith.constant 2 : i32
    %xor3A_1955 = vector.broadcast %xor3A_1954 : i32 to vector<16xi32>
    %xor3A_1956 = arith.xori %iota3A_1939, %xor3A_1955 : vector<16xi32>
    %broadcast_in_dim3A_1957 = vector.shape_cast %xor3A_1956 : vector<16xi32> to vector<16x1xi32>
    %gather3A_1958 = vector.shape_cast %broadcast_in_dim3A_1957 : vector<16x1xi32> to vector<16xi32>
    %gather3A_1959 = tpu.dynamic_gather %max3A_1953[%gather3A_1958] in [0] : vector<16xf32>, vector<16xi32> -> vector<16xf32>
    %max3A_1960 = arith.maximumf %max3A_1953, %gather3A_1959 : vector<16xf32>
    %xor3A_1961 = arith.constant 1 : i32
    %xor3A_1962 = vector.broadcast %xor3A_1961 : i32 to vector<16xi32>
    %xor3A_1963 = arith.xori %iota3A_1939, %xor3A_1962 : vector<16xi32>
    %broadcast_in_dim3A_1964 = vector.shape_cast %xor3A_1963 : vector<16xi32> to vector<16x1xi32>
    %gather3A_1965 = vector.shape_cast %broadcast_in_dim3A_1964 : vector<16x1xi32> to vector<16xi32>
    %gather3A_1966 = tpu.dynamic_gather %max3A_1960[%gather3A_1965] in [0] : vector<16xf32>, vector<16xi32> -> vector<16xf32>
    %max3A_1967 = arith.maximumf %max3A_1960, %gather3A_1966 : vector<16xf32>
    %select_n3A_1968 = arith.select %eq3A_1938, %max3A_1967, %select_n3A_1933 : vector<16xi1>, vector<16xf32>
    %get3A_1969 = arith.constant 896 : index
    %get3A_1970 = tpu.vector_load %arg4[%get3A_1969] {strides = array<i32>} : memref<1280xf32, #tpu.memory_space<vmem>>, vector<16xf32>,
    %eq3A_1971 = arith.constant 8 : i32
    %eq3A_1972 = vector.broadcast %eq3A_1971 : i32 to vector<16xi32>
    %eq3A_1973 = arith.cmpi eq, %iota3A, %eq3A_1972 : vector<16xi32>
    %iota3A_1974 = tpu.iota {dimensions = array<i32: 0>} : vector<16xi32>
    %xor3A_1975 = arith.constant 8 : i32
    %xor3A_1976 = vector.broadcast %xor3A_1975 : i32 to vector<16xi32>
    %xor3A_1977 = arith.xori %iota3A_1974, %xor3A_1976 : vector<16xi32>
    %broadcast_in_dim3A_1978 = vector.shape_cast %xor3A_1977 : vector<16xi32> to vector<16x1xi32>
    %gather3A_1979 = vector.shape_cast %broadcast_in_dim3A_1978 : vector<16x1xi32> to vector<16xi32>
    %gather3A_1980 = tpu.dynamic_gather %get3A_1970[%gather3A_1979] in [0] : vector<16xf32>, vector<16xi32> -> vector<16xf32>
    %max3A_1981 = arith.maximumf %get3A_1970, %gather3A_1980 : vector<16xf32>
    %xor3A_1982 = arith.constant 4 : i32
    %xor3A_1983 = vector.broadcast %xor3A_1982 : i32 to vector<16xi32>
    %xor3A_1984 = arith.xori %iota3A_1974, %xor3A_1983 : vector<16xi32>
    %broadcast_in_dim3A_1985 = vector.shape_cast %xor3A_1984 : vector<16xi32> to vector<16x1xi32>
    %gather3A_1986 = vector.shape_cast %broadcast_in_dim3A_1985 : vector<16x1xi32> to vector<16xi32>
    %gather3A_1987 = tpu.dynamic_gather %max3A_1981[%gather3A_1986] in [0] : vector<16xf32>, vector<16xi32> -> vector<16xf32>
    %max3A_1988 = arith.maximumf %max3A_1981, %gather3A_1987 : vector<16xf32>
    %xor3A_1989 = arith.constant 2 : i32
    %xor3A_1990 = vector.broadcast %xor3A_1989 : i32 to vector<16xi32>
    %xor3A_1991 = arith.xori %iota3A_1974, %xor3A_1990 : vector<16xi32>
    %broadcast_in_dim3A_1992 = vector.shape_cast %xor3A_1991 : vector<16xi32> to vector<16x1xi32>
    %gather3A_1993 = vector.shape_cast %broadcast_in_dim3A_1992 : vector<16x1xi32> to vector<16xi32>
    %gather3A_1994 = tpu.dynamic_gather %max3A_1988[%gather3A_1993] in [0] : vector<16xf32>, vector<16xi32> -> vector<16xf32>
    %max3A_1995 = arith.maximumf %max3A_1988, %gather3A_1994 : vector<16xf32>
    %xor3A_1996 = arith.constant 1 : i32
    %xor3A_1997 = vector.broadcast %xor3A_1996 : i32 to vector<16xi32>
    %xor3A_1998 = arith.xori %iota3A_1974, %xor3A_1997 : vector<16xi32>
    %broadcast_in_dim3A_1999 = vector.shape_cast %xor3A_1998 : vector<16xi32> to vector<16x1xi32>
    %gather3A_2000 = vector.shape_cast %broadcast_in_dim3A_1999 : vector<16x1xi32> to vector<16xi32>
    %gather3A_2001 = tpu.dynamic_gather %max3A_1995[%gather3A_2000] in [0] : vector<16xf32>, vector<16xi32> -> vector<16xf32>
    %max3A_2002 = arith.maximumf %max3A_1995, %gather3A_2001 : vector<16xf32>
    %select_n3A_2003 = arith.select %eq3A_1973, %max3A_2002, %select_n3A_1968 : vector<16xi1>, vector<16xf32>
    %get3A_2004 = arith.constant 912 : index
    %get3A_2005 = tpu.vector_load %arg4[%get3A_2004] {strides = array<i32>} : memref<1280xf32, #tpu.memory_space<vmem>>, vector<16xf32>,
    %eq3A_2006 = arith.constant 9 : i32
    %eq3A_2007 = vector.broadcast %eq3A_2006 : i32 to vector<16xi32>
    %eq3A_2008 = arith.cmpi eq, %iota3A, %eq3A_2007 : vector<16xi32>
    %iota3A_2009 = tpu.iota {dimensions = array<i32: 0>} : vector<16xi32>
    %xor3A_2010 = arith.constant 8 : i32
    %xor3A_2011 = vector.broadcast %xor3A_2010 : i32 to vector<16xi32>
    %xor3A_2012 = arith.xori %iota3A_2009, %xor3A_2011 : vector<16xi32>
    %broadcast_in_dim3A_2013 = vector.shape_cast %xor3A_2012 : vector<16xi32> to vector<16x1xi32>
    %gather3A_2014 = vector.shape_cast %broadcast_in_dim3A_2013 : vector<16x1xi32> to vector<16xi32>
    %gather3A_2015 = tpu.dynamic_gather %get3A_2005[%gather3A_2014] in [0] : vector<16xf32>, vector<16xi32> -> vector<16xf32>
    %max3A_2016 = arith.maximumf %get3A_2005, %gather3A_2015 : vector<16xf32>
    %xor3A_2017 = arith.constant 4 : i32
    %xor3A_2018 = vector.broadcast %xor3A_2017 : i32 to vector<16xi32>
    %xor3A_2019 = arith.xori %iota3A_2009, %xor3A_2018 : vector<16xi32>
    %broadcast_in_dim3A_2020 = vector.shape_cast %xor3A_2019 : vector<16xi32> to vector<16x1xi32>
    %gather3A_2021 = vector.shape_cast %broadcast_in_dim3A_2020 : vector<16x1xi32> to vector<16xi32>
    %gather3A_2022 = tpu.dynamic_gather %max3A_2016[%gather3A_2021] in [0] : vector<16xf32>, vector<16xi32> -> vector<16xf32>
    %max3A_2023 = arith.maximumf %max3A_2016, %gather3A_2022 : vector<16xf32>
    %xor3A_2024 = arith.constant 2 : i32
    %xor3A_2025 = vector.broadcast %xor3A_2024 : i32 to vector<16xi32>
    %xor3A_2026 = arith.xori %iota3A_2009, %xor3A_2025 : vector<16xi32>
    %broadcast_in_dim3A_2027 = vector.shape_cast %xor3A_2026 : vector<16xi32> to vector<16x1xi32>
    %gather3A_2028 = vector.shape_cast %broadcast_in_dim3A_2027 : vector<16x1xi32> to vector<16xi32>
    %gather3A_2029 = tpu.dynamic_gather %max3A_2023[%gather3A_2028] in [0] : vector<16xf32>, vector<16xi32> -> vector<16xf32>
    %max3A_2030 = arith.maximumf %max3A_2023, %gather3A_2029 : vector<16xf32>
    %xor3A_2031 = arith.constant 1 : i32
    %xor3A_2032 = vector.broadcast %xor3A_2031 : i32 to vector<16xi32>
    %xor3A_2033 = arith.xori %iota3A_2009, %xor3A_2032 : vector<16xi32>
    %broadcast_in_dim3A_2034 = vector.shape_cast %xor3A_2033 : vector<16xi32> to vector<16x1xi32>
    %gather3A_2035 = vector.shape_cast %broadcast_in_dim3A_2034 : vector<16x1xi32> to vector<16xi32>
    %gather3A_2036 = tpu.dynamic_gather %max3A_2030[%gather3A_2035] in [0] : vector<16xf32>, vector<16xi32> -> vector<16xf32>
    %max3A_2037 = arith.maximumf %max3A_2030, %gather3A_2036 : vector<16xf32>
    %select_n3A_2038 = arith.select %eq3A_2008, %max3A_2037, %select_n3A_2003 : vector<16xi1>, vector<16xf32>
    %get3A_2039 = arith.constant 928 : index
    %get3A_2040 = tpu.vector_load %arg4[%get3A_2039] {strides = array<i32>} : memref<1280xf32, #tpu.memory_space<vmem>>, vector<16xf32>,
    %eq3A_2041 = arith.constant 10 : i32
    %eq3A_2042 = vector.broadcast %eq3A_2041 : i32 to vector<16xi32>
    %eq3A_2043 = arith.cmpi eq, %iota3A, %eq3A_2042 : vector<16xi32>
    %iota3A_2044 = tpu.iota {dimensions = array<i32: 0>} : vector<16xi32>
    %xor3A_2045 = arith.constant 8 : i32
    %xor3A_2046 = vector.broadcast %xor3A_2045 : i32 to vector<16xi32>
    %xor3A_2047 = arith.xori %iota3A_2044, %xor3A_2046 : vector<16xi32>
    %broadcast_in_dim3A_2048 = vector.shape_cast %xor3A_2047 : vector<16xi32> to vector<16x1xi32>
    %gather3A_2049 = vector.shape_cast %broadcast_in_dim3A_2048 : vector<16x1xi32> to vector<16xi32>
    %gather3A_2050 = tpu.dynamic_gather %get3A_2040[%gather3A_2049] in [0] : vector<16xf32>, vector<16xi32> -> vector<16xf32>
    %max3A_2051 = arith.maximumf %get3A_2040, %gather3A_2050 : vector<16xf32>
    %xor3A_2052 = arith.constant 4 : i32
    %xor3A_2053 = vector.broadcast %xor3A_2052 : i32 to vector<16xi32>
    %xor3A_2054 = arith.xori %iota3A_2044, %xor3A_2053 : vector<16xi32>
    %broadcast_in_dim3A_2055 = vector.shape_cast %xor3A_2054 : vector<16xi32> to vector<16x1xi32>
    %gather3A_2056 = vector.shape_cast %broadcast_in_dim3A_2055 : vector<16x1xi32> to vector<16xi32>
    %gather3A_2057 = tpu.dynamic_gather %max3A_2051[%gather3A_2056] in [0] : vector<16xf32>, vector<16xi32> -> vector<16xf32>
    %max3A_2058 = arith.maximumf %max3A_2051, %gather3A_2057 : vector<16xf32>
    %xor3A_2059 = arith.constant 2 : i32
    %xor3A_2060 = vector.broadcast %xor3A_2059 : i32 to vector<16xi32>
    %xor3A_2061 = arith.xori %iota3A_2044, %xor3A_2060 : vector<16xi32>
    %broadcast_in_dim3A_2062 = vector.shape_cast %xor3A_2061 : vector<16xi32> to vector<16x1xi32>
    %gather3A_2063 = vector.shape_cast %broadcast_in_dim3A_2062 : vector<16x1xi32> to vector<16xi32>
    %gather3A_2064 = tpu.dynamic_gather %max3A_2058[%gather3A_2063] in [0] : vector<16xf32>, vector<16xi32> -> vector<16xf32>
    %max3A_2065 = arith.maximumf %max3A_2058, %gather3A_2064 : vector<16xf32>
    %xor3A_2066 = arith.constant 1 : i32
    %xor3A_2067 = vector.broadcast %xor3A_2066 : i32 to vector<16xi32>
    %xor3A_2068 = arith.xori %iota3A_2044, %xor3A_2067 : vector<16xi32>
    %broadcast_in_dim3A_2069 = vector.shape_cast %xor3A_2068 : vector<16xi32> to vector<16x1xi32>
    %gather3A_2070 = vector.shape_cast %broadcast_in_dim3A_2069 : vector<16x1xi32> to vector<16xi32>
    %gather3A_2071 = tpu.dynamic_gather %max3A_2065[%gather3A_2070] in [0] : vector<16xf32>, vector<16xi32> -> vector<16xf32>
    %max3A_2072 = arith.maximumf %max3A_2065, %gather3A_2071 : vector<16xf32>
    %select_n3A_2073 = arith.select %eq3A_2043, %max3A_2072, %select_n3A_2038 : vector<16xi1>, vector<16xf32>
    %get3A_2074 = arith.constant 944 : index
    %get3A_2075 = tpu.vector_load %arg4[%get3A_2074] {strides = array<i32>} : memref<1280xf32, #tpu.memory_space<vmem>>, vector<16xf32>,
    %eq3A_2076 = arith.constant 11 : i32
    %eq3A_2077 = vector.broadcast %eq3A_2076 : i32 to vector<16xi32>
    %eq3A_2078 = arith.cmpi eq, %iota3A, %eq3A_2077 : vector<16xi32>
    %iota3A_2079 = tpu.iota {dimensions = array<i32: 0>} : vector<16xi32>
    %xor3A_2080 = arith.constant 8 : i32
    %xor3A_2081 = vector.broadcast %xor3A_2080 : i32 to vector<16xi32>
    %xor3A_2082 = arith.xori %iota3A_2079, %xor3A_2081 : vector<16xi32>
    %broadcast_in_dim3A_2083 = vector.shape_cast %xor3A_2082 : vector<16xi32> to vector<16x1xi32>
    %gather3A_2084 = vector.shape_cast %broadcast_in_dim3A_2083 : vector<16x1xi32> to vector<16xi32>
    %gather3A_2085 = tpu.dynamic_gather %get3A_2075[%gather3A_2084] in [0] : vector<16xf32>, vector<16xi32> -> vector<16xf32>
    %max3A_2086 = arith.maximumf %get3A_2075, %gather3A_2085 : vector<16xf32>
    %xor3A_2087 = arith.constant 4 : i32
    %xor3A_2088 = vector.broadcast %xor3A_2087 : i32 to vector<16xi32>
    %xor3A_2089 = arith.xori %iota3A_2079, %xor3A_2088 : vector<16xi32>
    %broadcast_in_dim3A_2090 = vector.shape_cast %xor3A_2089 : vector<16xi32> to vector<16x1xi32>
    %gather3A_2091 = vector.shape_cast %broadcast_in_dim3A_2090 : vector<16x1xi32> to vector<16xi32>
    %gather3A_2092 = tpu.dynamic_gather %max3A_2086[%gather3A_2091] in [0] : vector<16xf32>, vector<16xi32> -> vector<16xf32>
    %max3A_2093 = arith.maximumf %max3A_2086, %gather3A_2092 : vector<16xf32>
    %xor3A_2094 = arith.constant 2 : i32
    %xor3A_2095 = vector.broadcast %xor3A_2094 : i32 to vector<16xi32>
    %xor3A_2096 = arith.xori %iota3A_2079, %xor3A_2095 : vector<16xi32>
    %broadcast_in_dim3A_2097 = vector.shape_cast %xor3A_2096 : vector<16xi32> to vector<16x1xi32>
    %gather3A_2098 = vector.shape_cast %broadcast_in_dim3A_2097 : vector<16x1xi32> to vector<16xi32>
    %gather3A_2099 = tpu.dynamic_gather %max3A_2093[%gather3A_2098] in [0] : vector<16xf32>, vector<16xi32> -> vector<16xf32>
    %max3A_2100 = arith.maximumf %max3A_2093, %gather3A_2099 : vector<16xf32>
    %xor3A_2101 = arith.constant 1 : i32
    %xor3A_2102 = vector.broadcast %xor3A_2101 : i32 to vector<16xi32>
    %xor3A_2103 = arith.xori %iota3A_2079, %xor3A_2102 : vector<16xi32>
    %broadcast_in_dim3A_2104 = vector.shape_cast %xor3A_2103 : vector<16xi32> to vector<16x1xi32>
    %gather3A_2105 = vector.shape_cast %broadcast_in_dim3A_2104 : vector<16x1xi32> to vector<16xi32>
    %gather3A_2106 = tpu.dynamic_gather %max3A_2100[%gather3A_2105] in [0] : vector<16xf32>, vector<16xi32> -> vector<16xf32>
    %max3A_2107 = arith.maximumf %max3A_2100, %gather3A_2106 : vector<16xf32>
    %select_n3A_2108 = arith.select %eq3A_2078, %max3A_2107, %select_n3A_2073 : vector<16xi1>, vector<16xf32>
    %get3A_2109 = arith.constant 960 : index
    %get3A_2110 = tpu.vector_load %arg4[%get3A_2109] {strides = array<i32>} : memref<1280xf32, #tpu.memory_space<vmem>>, vector<16xf32>,
    %eq3A_2111 = arith.constant 12 : i32
    %eq3A_2112 = vector.broadcast %eq3A_2111 : i32 to vector<16xi32>
    %eq3A_2113 = arith.cmpi eq, %iota3A, %eq3A_2112 : vector<16xi32>
    %iota3A_2114 = tpu.iota {dimensions = array<i32: 0>} : vector<16xi32>
    %xor3A_2115 = arith.constant 8 : i32
    %xor3A_2116 = vector.broadcast %xor3A_2115 : i32 to vector<16xi32>
    %xor3A_2117 = arith.xori %iota3A_2114, %xor3A_2116 : vector<16xi32>
    %broadcast_in_dim3A_2118 = vector.shape_cast %xor3A_2117 : vector<16xi32> to vector<16x1xi32>
    %gather3A_2119 = vector.shape_cast %broadcast_in_dim3A_2118 : vector<16x1xi32> to vector<16xi32>
    %gather3A_2120 = tpu.dynamic_gather %get3A_2110[%gather3A_2119] in [0] : vector<16xf32>, vector<16xi32> -> vector<16xf32>
    %max3A_2121 = arith.maximumf %get3A_2110, %gather3A_2120 : vector<16xf32>
    %xor3A_2122 = arith.constant 4 : i32
    %xor3A_2123 = vector.broadcast %xor3A_2122 : i32 to vector<16xi32>
    %xor3A_2124 = arith.xori %iota3A_2114, %xor3A_2123 : vector<16xi32>
    %broadcast_in_dim3A_2125 = vector.shape_cast %xor3A_2124 : vector<16xi32> to vector<16x1xi32>
    %gather3A_2126 = vector.shape_cast %broadcast_in_dim3A_2125 : vector<16x1xi32> to vector<16xi32>
    %gather3A_2127 = tpu.dynamic_gather %max3A_2121[%gather3A_2126] in [0] : vector<16xf32>, vector<16xi32> -> vector<16xf32>
    %max3A_2128 = arith.maximumf %max3A_2121, %gather3A_2127 : vector<16xf32>
    %xor3A_2129 = arith.constant 2 : i32
    %xor3A_2130 = vector.broadcast %xor3A_2129 : i32 to vector<16xi32>
    %xor3A_2131 = arith.xori %iota3A_2114, %xor3A_2130 : vector<16xi32>
    %broadcast_in_dim3A_2132 = vector.shape_cast %xor3A_2131 : vector<16xi32> to vector<16x1xi32>
    %gather3A_2133 = vector.shape_cast %broadcast_in_dim3A_2132 : vector<16x1xi32> to vector<16xi32>
    %gather3A_2134 = tpu.dynamic_gather %max3A_2128[%gather3A_2133] in [0] : vector<16xf32>, vector<16xi32> -> vector<16xf32>
    %max3A_2135 = arith.maximumf %max3A_2128, %gather3A_2134 : vector<16xf32>
    %xor3A_2136 = arith.constant 1 : i32
    %xor3A_2137 = vector.broadcast %xor3A_2136 : i32 to vector<16xi32>
    %xor3A_2138 = arith.xori %iota3A_2114, %xor3A_2137 : vector<16xi32>
    %broadcast_in_dim3A_2139 = vector.shape_cast %xor3A_2138 : vector<16xi32> to vector<16x1xi32>
    %gather3A_2140 = vector.shape_cast %broadcast_in_dim3A_2139 : vector<16x1xi32> to vector<16xi32>
    %gather3A_2141 = tpu.dynamic_gather %max3A_2135[%gather3A_2140] in [0] : vector<16xf32>, vector<16xi32> -> vector<16xf32>
    %max3A_2142 = arith.maximumf %max3A_2135, %gather3A_2141 : vector<16xf32>
    %select_n3A_2143 = arith.select %eq3A_2113, %max3A_2142, %select_n3A_2108 : vector<16xi1>, vector<16xf32>
    %get3A_2144 = arith.constant 976 : index
    %get3A_2145 = tpu.vector_load %arg4[%get3A_2144] {strides = array<i32>} : memref<1280xf32, #tpu.memory_space<vmem>>, vector<16xf32>,
    %eq3A_2146 = arith.constant 13 : i32
    %eq3A_2147 = vector.broadcast %eq3A_2146 : i32 to vector<16xi32>
    %eq3A_2148 = arith.cmpi eq, %iota3A, %eq3A_2147 : vector<16xi32>
    %iota3A_2149 = tpu.iota {dimensions = array<i32: 0>} : vector<16xi32>
    %xor3A_2150 = arith.constant 8 : i32
    %xor3A_2151 = vector.broadcast %xor3A_2150 : i32 to vector<16xi32>
    %xor3A_2152 = arith.xori %iota3A_2149, %xor3A_2151 : vector<16xi32>
    %broadcast_in_dim3A_2153 = vector.shape_cast %xor3A_2152 : vector<16xi32> to vector<16x1xi32>
    %gather3A_2154 = vector.shape_cast %broadcast_in_dim3A_2153 : vector<16x1xi32> to vector<16xi32>
    %gather3A_2155 = tpu.dynamic_gather %get3A_2145[%gather3A_2154] in [0] : vector<16xf32>, vector<16xi32> -> vector<16xf32>
    %max3A_2156 = arith.maximumf %get3A_2145, %gather3A_2155 : vector<16xf32>
    %xor3A_2157 = arith.constant 4 : i32
    %xor3A_2158 = vector.broadcast %xor3A_2157 : i32 to vector<16xi32>
    %xor3A_2159 = arith.xori %iota3A_2149, %xor3A_2158 : vector<16xi32>
    %broadcast_in_dim3A_2160 = vector.shape_cast %xor3A_2159 : vector<16xi32> to vector<16x1xi32>
    %gather3A_2161 = vector.shape_cast %broadcast_in_dim3A_2160 : vector<16x1xi32> to vector<16xi32>
    %gather3A_2162 = tpu.dynamic_gather %max3A_2156[%gather3A_2161] in [0] : vector<16xf32>, vector<16xi32> -> vector<16xf32>
    %max3A_2163 = arith.maximumf %max3A_2156, %gather3A_2162 : vector<16xf32>
    %xor3A_2164 = arith.constant 2 : i32
    %xor3A_2165 = vector.broadcast %xor3A_2164 : i32 to vector<16xi32>
    %xor3A_2166 = arith.xori %iota3A_2149, %xor3A_2165 : vector<16xi32>
    %broadcast_in_dim3A_2167 = vector.shape_cast %xor3A_2166 : vector<16xi32> to vector<16x1xi32>
    %gather3A_2168 = vector.shape_cast %broadcast_in_dim3A_2167 : vector<16x1xi32> to vector<16xi32>
    %gather3A_2169 = tpu.dynamic_gather %max3A_2163[%gather3A_2168] in [0] : vector<16xf32>, vector<16xi32> -> vector<16xf32>
    %max3A_2170 = arith.maximumf %max3A_2163, %gather3A_2169 : vector<16xf32>
    %xor3A_2171 = arith.constant 1 : i32
    %xor3A_2172 = vector.broadcast %xor3A_2171 : i32 to vector<16xi32>
    %xor3A_2173 = arith.xori %iota3A_2149, %xor3A_2172 : vector<16xi32>
    %broadcast_in_dim3A_2174 = vector.shape_cast %xor3A_2173 : vector<16xi32> to vector<16x1xi32>
    %gather3A_2175 = vector.shape_cast %broadcast_in_dim3A_2174 : vector<16x1xi32> to vector<16xi32>
    %gather3A_2176 = tpu.dynamic_gather %max3A_2170[%gather3A_2175] in [0] : vector<16xf32>, vector<16xi32> -> vector<16xf32>
    %max3A_2177 = arith.maximumf %max3A_2170, %gather3A_2176 : vector<16xf32>
    %select_n3A_2178 = arith.select %eq3A_2148, %max3A_2177, %select_n3A_2143 : vector<16xi1>, vector<16xf32>
    %get3A_2179 = arith.constant 992 : index
    %get3A_2180 = tpu.vector_load %arg4[%get3A_2179] {strides = array<i32>} : memref<1280xf32, #tpu.memory_space<vmem>>, vector<16xf32>,
    %eq3A_2181 = arith.constant 14 : i32
    %eq3A_2182 = vector.broadcast %eq3A_2181 : i32 to vector<16xi32>
    %eq3A_2183 = arith.cmpi eq, %iota3A, %eq3A_2182 : vector<16xi32>
    %iota3A_2184 = tpu.iota {dimensions = array<i32: 0>} : vector<16xi32>
    %xor3A_2185 = arith.constant 8 : i32
    %xor3A_2186 = vector.broadcast %xor3A_2185 : i32 to vector<16xi32>
    %xor3A_2187 = arith.xori %iota3A_2184, %xor3A_2186 : vector<16xi32>
    %broadcast_in_dim3A_2188 = vector.shape_cast %xor3A_2187 : vector<16xi32> to vector<16x1xi32>
    %gather3A_2189 = vector.shape_cast %broadcast_in_dim3A_2188 : vector<16x1xi32> to vector<16xi32>
    %gather3A_2190 = tpu.dynamic_gather %get3A_2180[%gather3A_2189] in [0] : vector<16xf32>, vector<16xi32> -> vector<16xf32>
    %max3A_2191 = arith.maximumf %get3A_2180, %gather3A_2190 : vector<16xf32>
    %xor3A_2192 = arith.constant 4 : i32
    %xor3A_2193 = vector.broadcast %xor3A_2192 : i32 to vector<16xi32>
    %xor3A_2194 = arith.xori %iota3A_2184, %xor3A_2193 : vector<16xi32>
    %broadcast_in_dim3A_2195 = vector.shape_cast %xor3A_2194 : vector<16xi32> to vector<16x1xi32>
    %gather3A_2196 = vector.shape_cast %broadcast_in_dim3A_2195 : vector<16x1xi32> to vector<16xi32>
    %gather3A_2197 = tpu.dynamic_gather %max3A_2191[%gather3A_2196] in [0] : vector<16xf32>, vector<16xi32> -> vector<16xf32>
    %max3A_2198 = arith.maximumf %max3A_2191, %gather3A_2197 : vector<16xf32>
    %xor3A_2199 = arith.constant 2 : i32
    %xor3A_2200 = vector.broadcast %xor3A_2199 : i32 to vector<16xi32>
    %xor3A_2201 = arith.xori %iota3A_2184, %xor3A_2200 : vector<16xi32>
    %broadcast_in_dim3A_2202 = vector.shape_cast %xor3A_2201 : vector<16xi32> to vector<16x1xi32>
    %gather3A_2203 = vector.shape_cast %broadcast_in_dim3A_2202 : vector<16x1xi32> to vector<16xi32>
    %gather3A_2204 = tpu.dynamic_gather %max3A_2198[%gather3A_2203] in [0] : vector<16xf32>, vector<16xi32> -> vector<16xf32>
    %max3A_2205 = arith.maximumf %max3A_2198, %gather3A_2204 : vector<16xf32>
    %xor3A_2206 = arith.constant 1 : i32
    %xor3A_2207 = vector.broadcast %xor3A_2206 : i32 to vector<16xi32>
    %xor3A_2208 = arith.xori %iota3A_2184, %xor3A_2207 : vector<16xi32>
    %broadcast_in_dim3A_2209 = vector.shape_cast %xor3A_2208 : vector<16xi32> to vector<16x1xi32>
    %gather3A_2210 = vector.shape_cast %broadcast_in_dim3A_2209 : vector<16x1xi32> to vector<16xi32>
    %gather3A_2211 = tpu.dynamic_gather %max3A_2205[%gather3A_2210] in [0] : vector<16xf32>, vector<16xi32> -> vector<16xf32>
    %max3A_2212 = arith.maximumf %max3A_2205, %gather3A_2211 : vector<16xf32>
    %select_n3A_2213 = arith.select %eq3A_2183, %max3A_2212, %select_n3A_2178 : vector<16xi1>, vector<16xf32>
    %get3A_2214 = arith.constant 1008 : index
    %get3A_2215 = tpu.vector_load %arg4[%get3A_2214] {strides = array<i32>} : memref<1280xf32, #tpu.memory_space<vmem>>, vector<16xf32>,
    %eq3A_2216 = arith.constant 15 : i32
    %eq3A_2217 = vector.broadcast %eq3A_2216 : i32 to vector<16xi32>
    %eq3A_2218 = arith.cmpi eq, %iota3A, %eq3A_2217 : vector<16xi32>
    %iota3A_2219 = tpu.iota {dimensions = array<i32: 0>} : vector<16xi32>
    %xor3A_2220 = arith.constant 8 : i32
    %xor3A_2221 = vector.broadcast %xor3A_2220 : i32 to vector<16xi32>
    %xor3A_2222 = arith.xori %iota3A_2219, %xor3A_2221 : vector<16xi32>
    %broadcast_in_dim3A_2223 = vector.shape_cast %xor3A_2222 : vector<16xi32> to vector<16x1xi32>
    %gather3A_2224 = vector.shape_cast %broadcast_in_dim3A_2223 : vector<16x1xi32> to vector<16xi32>
    %gather3A_2225 = tpu.dynamic_gather %get3A_2215[%gather3A_2224] in [0] : vector<16xf32>, vector<16xi32> -> vector<16xf32>
    %max3A_2226 = arith.maximumf %get3A_2215, %gather3A_2225 : vector<16xf32>
    %xor3A_2227 = arith.constant 4 : i32
    %xor3A_2228 = vector.broadcast %xor3A_2227 : i32 to vector<16xi32>
    %xor3A_2229 = arith.xori %iota3A_2219, %xor3A_2228 : vector<16xi32>
    %broadcast_in_dim3A_2230 = vector.shape_cast %xor3A_2229 : vector<16xi32> to vector<16x1xi32>
    %gather3A_2231 = vector.shape_cast %broadcast_in_dim3A_2230 : vector<16x1xi32> to vector<16xi32>
    %gather3A_2232 = tpu.dynamic_gather %max3A_2226[%gather3A_2231] in [0] : vector<16xf32>, vector<16xi32> -> vector<16xf32>
    %max3A_2233 = arith.maximumf %max3A_2226, %gather3A_2232 : vector<16xf32>
    %xor3A_2234 = arith.constant 2 : i32
    %xor3A_2235 = vector.broadcast %xor3A_2234 : i32 to vector<16xi32>
    %xor3A_2236 = arith.xori %iota3A_2219, %xor3A_2235 : vector<16xi32>
    %broadcast_in_dim3A_2237 = vector.shape_cast %xor3A_2236 : vector<16xi32> to vector<16x1xi32>
    %gather3A_2238 = vector.shape_cast %broadcast_in_dim3A_2237 : vector<16x1xi32> to vector<16xi32>
    %gather3A_2239 = tpu.dynamic_gather %max3A_2233[%gather3A_2238] in [0] : vector<16xf32>, vector<16xi32> -> vector<16xf32>
    %max3A_2240 = arith.maximumf %max3A_2233, %gather3A_2239 : vector<16xf32>
    %xor3A_2241 = arith.constant 1 : i32
    %xor3A_2242 = vector.broadcast %xor3A_2241 : i32 to vector<16xi32>
    %xor3A_2243 = arith.xori %iota3A_2219, %xor3A_2242 : vector<16xi32>
    %broadcast_in_dim3A_2244 = vector.shape_cast %xor3A_2243 : vector<16xi32> to vector<16x1xi32>
    %gather3A_2245 = vector.shape_cast %broadcast_in_dim3A_2244 : vector<16x1xi32> to vector<16xi32>
    %gather3A_2246 = tpu.dynamic_gather %max3A_2240[%gather3A_2245] in [0] : vector<16xf32>, vector<16xi32> -> vector<16xf32>
    %max3A_2247 = arith.maximumf %max3A_2240, %gather3A_2246 : vector<16xf32>
    %select_n3A_2248 = arith.select %eq3A_2218, %max3A_2247, %select_n3A_2213 : vector<16xi1>, vector<16xf32>
    %swap3A_2249 = arith.constant 48 : index
    %swap3A_2250 = tpu.vector_load %arg5[%swap3A_2249] {strides = array<i32>} : memref<80xf32, #tpu.memory_space<vmem>>, vector<16xf32>,
    tpu.vector_store %arg5[%swap3A_2249], %select_n3A_2248 {strides = array<i32>} : memref<80xf32, #tpu.memory_space<vmem>>, vector<16xf32>,
    %broadcast_in_dim3A_2251 = arith.constant -9.000000e+00 : f32
    %broadcast_in_dim3A_2252 = vector.broadcast %broadcast_in_dim3A_2251 : f32 to vector<16xf32>
    %get3A_2253 = arith.constant 1024 : index
    %get3A_2254 = tpu.vector_load %arg4[%get3A_2253] {strides = array<i32>} : memref<1280xf32, #tpu.memory_space<vmem>>, vector<16xf32>,
    %eq3A_2255 = arith.constant 0 : i32
    %eq3A_2256 = vector.broadcast %eq3A_2255 : i32 to vector<16xi32>
    %eq3A_2257 = arith.cmpi eq, %iota3A, %eq3A_2256 : vector<16xi32>
    %iota3A_2258 = tpu.iota {dimensions = array<i32: 0>} : vector<16xi32>
    %xor3A_2259 = arith.constant 8 : i32
    %xor3A_2260 = vector.broadcast %xor3A_2259 : i32 to vector<16xi32>
    %xor3A_2261 = arith.xori %iota3A_2258, %xor3A_2260 : vector<16xi32>
    %broadcast_in_dim3A_2262 = vector.shape_cast %xor3A_2261 : vector<16xi32> to vector<16x1xi32>
    %gather3A_2263 = vector.shape_cast %broadcast_in_dim3A_2262 : vector<16x1xi32> to vector<16xi32>
    %gather3A_2264 = tpu.dynamic_gather %get3A_2254[%gather3A_2263] in [0] : vector<16xf32>, vector<16xi32> -> vector<16xf32>
    %max3A_2265 = arith.maximumf %get3A_2254, %gather3A_2264 : vector<16xf32>
    %xor3A_2266 = arith.constant 4 : i32
    %xor3A_2267 = vector.broadcast %xor3A_2266 : i32 to vector<16xi32>
    %xor3A_2268 = arith.xori %iota3A_2258, %xor3A_2267 : vector<16xi32>
    %broadcast_in_dim3A_2269 = vector.shape_cast %xor3A_2268 : vector<16xi32> to vector<16x1xi32>
    %gather3A_2270 = vector.shape_cast %broadcast_in_dim3A_2269 : vector<16x1xi32> to vector<16xi32>
    %gather3A_2271 = tpu.dynamic_gather %max3A_2265[%gather3A_2270] in [0] : vector<16xf32>, vector<16xi32> -> vector<16xf32>
    %max3A_2272 = arith.maximumf %max3A_2265, %gather3A_2271 : vector<16xf32>
    %xor3A_2273 = arith.constant 2 : i32
    %xor3A_2274 = vector.broadcast %xor3A_2273 : i32 to vector<16xi32>
    %xor3A_2275 = arith.xori %iota3A_2258, %xor3A_2274 : vector<16xi32>
    %broadcast_in_dim3A_2276 = vector.shape_cast %xor3A_2275 : vector<16xi32> to vector<16x1xi32>
    %gather3A_2277 = vector.shape_cast %broadcast_in_dim3A_2276 : vector<16x1xi32> to vector<16xi32>
    %gather3A_2278 = tpu.dynamic_gather %max3A_2272[%gather3A_2277] in [0] : vector<16xf32>, vector<16xi32> -> vector<16xf32>
    %max3A_2279 = arith.maximumf %max3A_2272, %gather3A_2278 : vector<16xf32>
    %xor3A_2280 = arith.constant 1 : i32
    %xor3A_2281 = vector.broadcast %xor3A_2280 : i32 to vector<16xi32>
    %xor3A_2282 = arith.xori %iota3A_2258, %xor3A_2281 : vector<16xi32>
    %broadcast_in_dim3A_2283 = vector.shape_cast %xor3A_2282 : vector<16xi32> to vector<16x1xi32>
    %gather3A_2284 = vector.shape_cast %broadcast_in_dim3A_2283 : vector<16x1xi32> to vector<16xi32>
    %gather3A_2285 = tpu.dynamic_gather %max3A_2279[%gather3A_2284] in [0] : vector<16xf32>, vector<16xi32> -> vector<16xf32>
    %max3A_2286 = arith.maximumf %max3A_2279, %gather3A_2285 : vector<16xf32>
    %select_n3A_2287 = arith.select %eq3A_2257, %max3A_2286, %broadcast_in_dim3A_2252 : vector<16xi1>, vector<16xf32>
    %get3A_2288 = arith.constant 1040 : index
    %get3A_2289 = tpu.vector_load %arg4[%get3A_2288] {strides = array<i32>} : memref<1280xf32, #tpu.memory_space<vmem>>, vector<16xf32>,
    %eq3A_2290 = arith.constant 1 : i32
    %eq3A_2291 = vector.broadcast %eq3A_2290 : i32 to vector<16xi32>
    %eq3A_2292 = arith.cmpi eq, %iota3A, %eq3A_2291 : vector<16xi32>
    %iota3A_2293 = tpu.iota {dimensions = array<i32: 0>} : vector<16xi32>
    %xor3A_2294 = arith.constant 8 : i32
    %xor3A_2295 = vector.broadcast %xor3A_2294 : i32 to vector<16xi32>
    %xor3A_2296 = arith.xori %iota3A_2293, %xor3A_2295 : vector<16xi32>
    %broadcast_in_dim3A_2297 = vector.shape_cast %xor3A_2296 : vector<16xi32> to vector<16x1xi32>
    %gather3A_2298 = vector.shape_cast %broadcast_in_dim3A_2297 : vector<16x1xi32> to vector<16xi32>
    %gather3A_2299 = tpu.dynamic_gather %get3A_2289[%gather3A_2298] in [0] : vector<16xf32>, vector<16xi32> -> vector<16xf32>
    %max3A_2300 = arith.maximumf %get3A_2289, %gather3A_2299 : vector<16xf32>
    %xor3A_2301 = arith.constant 4 : i32
    %xor3A_2302 = vector.broadcast %xor3A_2301 : i32 to vector<16xi32>
    %xor3A_2303 = arith.xori %iota3A_2293, %xor3A_2302 : vector<16xi32>
    %broadcast_in_dim3A_2304 = vector.shape_cast %xor3A_2303 : vector<16xi32> to vector<16x1xi32>
    %gather3A_2305 = vector.shape_cast %broadcast_in_dim3A_2304 : vector<16x1xi32> to vector<16xi32>
    %gather3A_2306 = tpu.dynamic_gather %max3A_2300[%gather3A_2305] in [0] : vector<16xf32>, vector<16xi32> -> vector<16xf32>
    %max3A_2307 = arith.maximumf %max3A_2300, %gather3A_2306 : vector<16xf32>
    %xor3A_2308 = arith.constant 2 : i32
    %xor3A_2309 = vector.broadcast %xor3A_2308 : i32 to vector<16xi32>
    %xor3A_2310 = arith.xori %iota3A_2293, %xor3A_2309 : vector<16xi32>
    %broadcast_in_dim3A_2311 = vector.shape_cast %xor3A_2310 : vector<16xi32> to vector<16x1xi32>
    %gather3A_2312 = vector.shape_cast %broadcast_in_dim3A_2311 : vector<16x1xi32> to vector<16xi32>
    %gather3A_2313 = tpu.dynamic_gather %max3A_2307[%gather3A_2312] in [0] : vector<16xf32>, vector<16xi32> -> vector<16xf32>
    %max3A_2314 = arith.maximumf %max3A_2307, %gather3A_2313 : vector<16xf32>
    %xor3A_2315 = arith.constant 1 : i32
    %xor3A_2316 = vector.broadcast %xor3A_2315 : i32 to vector<16xi32>
    %xor3A_2317 = arith.xori %iota3A_2293, %xor3A_2316 : vector<16xi32>
    %broadcast_in_dim3A_2318 = vector.shape_cast %xor3A_2317 : vector<16xi32> to vector<16x1xi32>
    %gather3A_2319 = vector.shape_cast %broadcast_in_dim3A_2318 : vector<16x1xi32> to vector<16xi32>
    %gather3A_2320 = tpu.dynamic_gather %max3A_2314[%gather3A_2319] in [0] : vector<16xf32>, vector<16xi32> -> vector<16xf32>
    %max3A_2321 = arith.maximumf %max3A_2314, %gather3A_2320 : vector<16xf32>
    %select_n3A_2322 = arith.select %eq3A_2292, %max3A_2321, %select_n3A_2287 : vector<16xi1>, vector<16xf32>
    %get3A_2323 = arith.constant 1056 : index
    %get3A_2324 = tpu.vector_load %arg4[%get3A_2323] {strides = array<i32>} : memref<1280xf32, #tpu.memory_space<vmem>>, vector<16xf32>,
    %eq3A_2325 = arith.constant 2 : i32
    %eq3A_2326 = vector.broadcast %eq3A_2325 : i32 to vector<16xi32>
    %eq3A_2327 = arith.cmpi eq, %iota3A, %eq3A_2326 : vector<16xi32>
    %iota3A_2328 = tpu.iota {dimensions = array<i32: 0>} : vector<16xi32>
    %xor3A_2329 = arith.constant 8 : i32
    %xor3A_2330 = vector.broadcast %xor3A_2329 : i32 to vector<16xi32>
    %xor3A_2331 = arith.xori %iota3A_2328, %xor3A_2330 : vector<16xi32>
    %broadcast_in_dim3A_2332 = vector.shape_cast %xor3A_2331 : vector<16xi32> to vector<16x1xi32>
    %gather3A_2333 = vector.shape_cast %broadcast_in_dim3A_2332 : vector<16x1xi32> to vector<16xi32>
    %gather3A_2334 = tpu.dynamic_gather %get3A_2324[%gather3A_2333] in [0] : vector<16xf32>, vector<16xi32> -> vector<16xf32>
    %max3A_2335 = arith.maximumf %get3A_2324, %gather3A_2334 : vector<16xf32>
    %xor3A_2336 = arith.constant 4 : i32
    %xor3A_2337 = vector.broadcast %xor3A_2336 : i32 to vector<16xi32>
    %xor3A_2338 = arith.xori %iota3A_2328, %xor3A_2337 : vector<16xi32>
    %broadcast_in_dim3A_2339 = vector.shape_cast %xor3A_2338 : vector<16xi32> to vector<16x1xi32>
    %gather3A_2340 = vector.shape_cast %broadcast_in_dim3A_2339 : vector<16x1xi32> to vector<16xi32>
    %gather3A_2341 = tpu.dynamic_gather %max3A_2335[%gather3A_2340] in [0] : vector<16xf32>, vector<16xi32> -> vector<16xf32>
    %max3A_2342 = arith.maximumf %max3A_2335, %gather3A_2341 : vector<16xf32>
    %xor3A_2343 = arith.constant 2 : i32
    %xor3A_2344 = vector.broadcast %xor3A_2343 : i32 to vector<16xi32>
    %xor3A_2345 = arith.xori %iota3A_2328, %xor3A_2344 : vector<16xi32>
    %broadcast_in_dim3A_2346 = vector.shape_cast %xor3A_2345 : vector<16xi32> to vector<16x1xi32>
    %gather3A_2347 = vector.shape_cast %broadcast_in_dim3A_2346 : vector<16x1xi32> to vector<16xi32>
    %gather3A_2348 = tpu.dynamic_gather %max3A_2342[%gather3A_2347] in [0] : vector<16xf32>, vector<16xi32> -> vector<16xf32>
    %max3A_2349 = arith.maximumf %max3A_2342, %gather3A_2348 : vector<16xf32>
    %xor3A_2350 = arith.constant 1 : i32
    %xor3A_2351 = vector.broadcast %xor3A_2350 : i32 to vector<16xi32>
    %xor3A_2352 = arith.xori %iota3A_2328, %xor3A_2351 : vector<16xi32>
    %broadcast_in_dim3A_2353 = vector.shape_cast %xor3A_2352 : vector<16xi32> to vector<16x1xi32>
    %gather3A_2354 = vector.shape_cast %broadcast_in_dim3A_2353 : vector<16x1xi32> to vector<16xi32>
    %gather3A_2355 = tpu.dynamic_gather %max3A_2349[%gather3A_2354] in [0] : vector<16xf32>, vector<16xi32> -> vector<16xf32>
    %max3A_2356 = arith.maximumf %max3A_2349, %gather3A_2355 : vector<16xf32>
    %select_n3A_2357 = arith.select %eq3A_2327, %max3A_2356, %select_n3A_2322 : vector<16xi1>, vector<16xf32>
    %get3A_2358 = arith.constant 1072 : index
    %get3A_2359 = tpu.vector_load %arg4[%get3A_2358] {strides = array<i32>} : memref<1280xf32, #tpu.memory_space<vmem>>, vector<16xf32>,
    %eq3A_2360 = arith.constant 3 : i32
    %eq3A_2361 = vector.broadcast %eq3A_2360 : i32 to vector<16xi32>
    %eq3A_2362 = arith.cmpi eq, %iota3A, %eq3A_2361 : vector<16xi32>
    %iota3A_2363 = tpu.iota {dimensions = array<i32: 0>} : vector<16xi32>
    %xor3A_2364 = arith.constant 8 : i32
    %xor3A_2365 = vector.broadcast %xor3A_2364 : i32 to vector<16xi32>
    %xor3A_2366 = arith.xori %iota3A_2363, %xor3A_2365 : vector<16xi32>
    %broadcast_in_dim3A_2367 = vector.shape_cast %xor3A_2366 : vector<16xi32> to vector<16x1xi32>
    %gather3A_2368 = vector.shape_cast %broadcast_in_dim3A_2367 : vector<16x1xi32> to vector<16xi32>
    %gather3A_2369 = tpu.dynamic_gather %get3A_2359[%gather3A_2368] in [0] : vector<16xf32>, vector<16xi32> -> vector<16xf32>
    %max3A_2370 = arith.maximumf %get3A_2359, %gather3A_2369 : vector<16xf32>
    %xor3A_2371 = arith.constant 4 : i32
    %xor3A_2372 = vector.broadcast %xor3A_2371 : i32 to vector<16xi32>
    %xor3A_2373 = arith.xori %iota3A_2363, %xor3A_2372 : vector<16xi32>
    %broadcast_in_dim3A_2374 = vector.shape_cast %xor3A_2373 : vector<16xi32> to vector<16x1xi32>
    %gather3A_2375 = vector.shape_cast %broadcast_in_dim3A_2374 : vector<16x1xi32> to vector<16xi32>
    %gather3A_2376 = tpu.dynamic_gather %max3A_2370[%gather3A_2375] in [0] : vector<16xf32>, vector<16xi32> -> vector<16xf32>
    %max3A_2377 = arith.maximumf %max3A_2370, %gather3A_2376 : vector<16xf32>
    %xor3A_2378 = arith.constant 2 : i32
    %xor3A_2379 = vector.broadcast %xor3A_2378 : i32 to vector<16xi32>
    %xor3A_2380 = arith.xori %iota3A_2363, %xor3A_2379 : vector<16xi32>
    %broadcast_in_dim3A_2381 = vector.shape_cast %xor3A_2380 : vector<16xi32> to vector<16x1xi32>
    %gather3A_2382 = vector.shape_cast %broadcast_in_dim3A_2381 : vector<16x1xi32> to vector<16xi32>
    %gather3A_2383 = tpu.dynamic_gather %max3A_2377[%gather3A_2382] in [0] : vector<16xf32>, vector<16xi32> -> vector<16xf32>
    %max3A_2384 = arith.maximumf %max3A_2377, %gather3A_2383 : vector<16xf32>
    %xor3A_2385 = arith.constant 1 : i32
    %xor3A_2386 = vector.broadcast %xor3A_2385 : i32 to vector<16xi32>
    %xor3A_2387 = arith.xori %iota3A_2363, %xor3A_2386 : vector<16xi32>
    %broadcast_in_dim3A_2388 = vector.shape_cast %xor3A_2387 : vector<16xi32> to vector<16x1xi32>
    %gather3A_2389 = vector.shape_cast %broadcast_in_dim3A_2388 : vector<16x1xi32> to vector<16xi32>
    %gather3A_2390 = tpu.dynamic_gather %max3A_2384[%gather3A_2389] in [0] : vector<16xf32>, vector<16xi32> -> vector<16xf32>
    %max3A_2391 = arith.maximumf %max3A_2384, %gather3A_2390 : vector<16xf32>
    %select_n3A_2392 = arith.select %eq3A_2362, %max3A_2391, %select_n3A_2357 : vector<16xi1>, vector<16xf32>
    %get3A_2393 = arith.constant 1088 : index
    %get3A_2394 = tpu.vector_load %arg4[%get3A_2393] {strides = array<i32>} : memref<1280xf32, #tpu.memory_space<vmem>>, vector<16xf32>,
    %eq3A_2395 = arith.constant 4 : i32
    %eq3A_2396 = vector.broadcast %eq3A_2395 : i32 to vector<16xi32>
    %eq3A_2397 = arith.cmpi eq, %iota3A, %eq3A_2396 : vector<16xi32>
    %iota3A_2398 = tpu.iota {dimensions = array<i32: 0>} : vector<16xi32>
    %xor3A_2399 = arith.constant 8 : i32
    %xor3A_2400 = vector.broadcast %xor3A_2399 : i32 to vector<16xi32>
    %xor3A_2401 = arith.xori %iota3A_2398, %xor3A_2400 : vector<16xi32>
    %broadcast_in_dim3A_2402 = vector.shape_cast %xor3A_2401 : vector<16xi32> to vector<16x1xi32>
    %gather3A_2403 = vector.shape_cast %broadcast_in_dim3A_2402 : vector<16x1xi32> to vector<16xi32>
    %gather3A_2404 = tpu.dynamic_gather %get3A_2394[%gather3A_2403] in [0] : vector<16xf32>, vector<16xi32> -> vector<16xf32>
    %max3A_2405 = arith.maximumf %get3A_2394, %gather3A_2404 : vector<16xf32>
    %xor3A_2406 = arith.constant 4 : i32
    %xor3A_2407 = vector.broadcast %xor3A_2406 : i32 to vector<16xi32>
    %xor3A_2408 = arith.xori %iota3A_2398, %xor3A_2407 : vector<16xi32>
    %broadcast_in_dim3A_2409 = vector.shape_cast %xor3A_2408 : vector<16xi32> to vector<16x1xi32>
    %gather3A_2410 = vector.shape_cast %broadcast_in_dim3A_2409 : vector<16x1xi32> to vector<16xi32>
    %gather3A_2411 = tpu.dynamic_gather %max3A_2405[%gather3A_2410] in [0] : vector<16xf32>, vector<16xi32> -> vector<16xf32>
    %max3A_2412 = arith.maximumf %max3A_2405, %gather3A_2411 : vector<16xf32>
    %xor3A_2413 = arith.constant 2 : i32
    %xor3A_2414 = vector.broadcast %xor3A_2413 : i32 to vector<16xi32>
    %xor3A_2415 = arith.xori %iota3A_2398, %xor3A_2414 : vector<16xi32>
    %broadcast_in_dim3A_2416 = vector.shape_cast %xor3A_2415 : vector<16xi32> to vector<16x1xi32>
    %gather3A_2417 = vector.shape_cast %broadcast_in_dim3A_2416 : vector<16x1xi32> to vector<16xi32>
    %gather3A_2418 = tpu.dynamic_gather %max3A_2412[%gather3A_2417] in [0] : vector<16xf32>, vector<16xi32> -> vector<16xf32>
    %max3A_2419 = arith.maximumf %max3A_2412, %gather3A_2418 : vector<16xf32>
    %xor3A_2420 = arith.constant 1 : i32
    %xor3A_2421 = vector.broadcast %xor3A_2420 : i32 to vector<16xi32>
    %xor3A_2422 = arith.xori %iota3A_2398, %xor3A_2421 : vector<16xi32>
    %broadcast_in_dim3A_2423 = vector.shape_cast %xor3A_2422 : vector<16xi32> to vector<16x1xi32>
    %gather3A_2424 = vector.shape_cast %broadcast_in_dim3A_2423 : vector<16x1xi32> to vector<16xi32>
    %gather3A_2425 = tpu.dynamic_gather %max3A_2419[%gather3A_2424] in [0] : vector<16xf32>, vector<16xi32> -> vector<16xf32>
    %max3A_2426 = arith.maximumf %max3A_2419, %gather3A_2425 : vector<16xf32>
    %select_n3A_2427 = arith.select %eq3A_2397, %max3A_2426, %select_n3A_2392 : vector<16xi1>, vector<16xf32>
    %get3A_2428 = arith.constant 1104 : index
    %get3A_2429 = tpu.vector_load %arg4[%get3A_2428] {strides = array<i32>} : memref<1280xf32, #tpu.memory_space<vmem>>, vector<16xf32>,
    %eq3A_2430 = arith.constant 5 : i32
    %eq3A_2431 = vector.broadcast %eq3A_2430 : i32 to vector<16xi32>
    %eq3A_2432 = arith.cmpi eq, %iota3A, %eq3A_2431 : vector<16xi32>
    %iota3A_2433 = tpu.iota {dimensions = array<i32: 0>} : vector<16xi32>
    %xor3A_2434 = arith.constant 8 : i32
    %xor3A_2435 = vector.broadcast %xor3A_2434 : i32 to vector<16xi32>
    %xor3A_2436 = arith.xori %iota3A_2433, %xor3A_2435 : vector<16xi32>
    %broadcast_in_dim3A_2437 = vector.shape_cast %xor3A_2436 : vector<16xi32> to vector<16x1xi32>
    %gather3A_2438 = vector.shape_cast %broadcast_in_dim3A_2437 : vector<16x1xi32> to vector<16xi32>
    %gather3A_2439 = tpu.dynamic_gather %get3A_2429[%gather3A_2438] in [0] : vector<16xf32>, vector<16xi32> -> vector<16xf32>
    %max3A_2440 = arith.maximumf %get3A_2429, %gather3A_2439 : vector<16xf32>
    %xor3A_2441 = arith.constant 4 : i32
    %xor3A_2442 = vector.broadcast %xor3A_2441 : i32 to vector<16xi32>
    %xor3A_2443 = arith.xori %iota3A_2433, %xor3A_2442 : vector<16xi32>
    %broadcast_in_dim3A_2444 = vector.shape_cast %xor3A_2443 : vector<16xi32> to vector<16x1xi32>
    %gather3A_2445 = vector.shape_cast %broadcast_in_dim3A_2444 : vector<16x1xi32> to vector<16xi32>
    %gather3A_2446 = tpu.dynamic_gather %max3A_2440[%gather3A_2445] in [0] : vector<16xf32>, vector<16xi32> -> vector<16xf32>
    %max3A_2447 = arith.maximumf %max3A_2440, %gather3A_2446 : vector<16xf32>
    %xor3A_2448 = arith.constant 2 : i32
    %xor3A_2449 = vector.broadcast %xor3A_2448 : i32 to vector<16xi32>
    %xor3A_2450 = arith.xori %iota3A_2433, %xor3A_2449 : vector<16xi32>
    %broadcast_in_dim3A_2451 = vector.shape_cast %xor3A_2450 : vector<16xi32> to vector<16x1xi32>
    %gather3A_2452 = vector.shape_cast %broadcast_in_dim3A_2451 : vector<16x1xi32> to vector<16xi32>
    %gather3A_2453 = tpu.dynamic_gather %max3A_2447[%gather3A_2452] in [0] : vector<16xf32>, vector<16xi32> -> vector<16xf32>
    %max3A_2454 = arith.maximumf %max3A_2447, %gather3A_2453 : vector<16xf32>
    %xor3A_2455 = arith.constant 1 : i32
    %xor3A_2456 = vector.broadcast %xor3A_2455 : i32 to vector<16xi32>
    %xor3A_2457 = arith.xori %iota3A_2433, %xor3A_2456 : vector<16xi32>
    %broadcast_in_dim3A_2458 = vector.shape_cast %xor3A_2457 : vector<16xi32> to vector<16x1xi32>
    %gather3A_2459 = vector.shape_cast %broadcast_in_dim3A_2458 : vector<16x1xi32> to vector<16xi32>
    %gather3A_2460 = tpu.dynamic_gather %max3A_2454[%gather3A_2459] in [0] : vector<16xf32>, vector<16xi32> -> vector<16xf32>
    %max3A_2461 = arith.maximumf %max3A_2454, %gather3A_2460 : vector<16xf32>
    %select_n3A_2462 = arith.select %eq3A_2432, %max3A_2461, %select_n3A_2427 : vector<16xi1>, vector<16xf32>
    %get3A_2463 = arith.constant 1120 : index
    %get3A_2464 = tpu.vector_load %arg4[%get3A_2463] {strides = array<i32>} : memref<1280xf32, #tpu.memory_space<vmem>>, vector<16xf32>,
    %eq3A_2465 = arith.constant 6 : i32
    %eq3A_2466 = vector.broadcast %eq3A_2465 : i32 to vector<16xi32>
    %eq3A_2467 = arith.cmpi eq, %iota3A, %eq3A_2466 : vector<16xi32>
    %iota3A_2468 = tpu.iota {dimensions = array<i32: 0>} : vector<16xi32>
    %xor3A_2469 = arith.constant 8 : i32
    %xor3A_2470 = vector.broadcast %xor3A_2469 : i32 to vector<16xi32>
    %xor3A_2471 = arith.xori %iota3A_2468, %xor3A_2470 : vector<16xi32>
    %broadcast_in_dim3A_2472 = vector.shape_cast %xor3A_2471 : vector<16xi32> to vector<16x1xi32>
    %gather3A_2473 = vector.shape_cast %broadcast_in_dim3A_2472 : vector<16x1xi32> to vector<16xi32>
    %gather3A_2474 = tpu.dynamic_gather %get3A_2464[%gather3A_2473] in [0] : vector<16xf32>, vector<16xi32> -> vector<16xf32>
    %max3A_2475 = arith.maximumf %get3A_2464, %gather3A_2474 : vector<16xf32>
    %xor3A_2476 = arith.constant 4 : i32
    %xor3A_2477 = vector.broadcast %xor3A_2476 : i32 to vector<16xi32>
    %xor3A_2478 = arith.xori %iota3A_2468, %xor3A_2477 : vector<16xi32>
    %broadcast_in_dim3A_2479 = vector.shape_cast %xor3A_2478 : vector<16xi32> to vector<16x1xi32>
    %gather3A_2480 = vector.shape_cast %broadcast_in_dim3A_2479 : vector<16x1xi32> to vector<16xi32>
    %gather3A_2481 = tpu.dynamic_gather %max3A_2475[%gather3A_2480] in [0] : vector<16xf32>, vector<16xi32> -> vector<16xf32>
    %max3A_2482 = arith.maximumf %max3A_2475, %gather3A_2481 : vector<16xf32>
    %xor3A_2483 = arith.constant 2 : i32
    %xor3A_2484 = vector.broadcast %xor3A_2483 : i32 to vector<16xi32>
    %xor3A_2485 = arith.xori %iota3A_2468, %xor3A_2484 : vector<16xi32>
    %broadcast_in_dim3A_2486 = vector.shape_cast %xor3A_2485 : vector<16xi32> to vector<16x1xi32>
    %gather3A_2487 = vector.shape_cast %broadcast_in_dim3A_2486 : vector<16x1xi32> to vector<16xi32>
    %gather3A_2488 = tpu.dynamic_gather %max3A_2482[%gather3A_2487] in [0] : vector<16xf32>, vector<16xi32> -> vector<16xf32>
    %max3A_2489 = arith.maximumf %max3A_2482, %gather3A_2488 : vector<16xf32>
    %xor3A_2490 = arith.constant 1 : i32
    %xor3A_2491 = vector.broadcast %xor3A_2490 : i32 to vector<16xi32>
    %xor3A_2492 = arith.xori %iota3A_2468, %xor3A_2491 : vector<16xi32>
    %broadcast_in_dim3A_2493 = vector.shape_cast %xor3A_2492 : vector<16xi32> to vector<16x1xi32>
    %gather3A_2494 = vector.shape_cast %broadcast_in_dim3A_2493 : vector<16x1xi32> to vector<16xi32>
    %gather3A_2495 = tpu.dynamic_gather %max3A_2489[%gather3A_2494] in [0] : vector<16xf32>, vector<16xi32> -> vector<16xf32>
    %max3A_2496 = arith.maximumf %max3A_2489, %gather3A_2495 : vector<16xf32>
    %select_n3A_2497 = arith.select %eq3A_2467, %max3A_2496, %select_n3A_2462 : vector<16xi1>, vector<16xf32>
    %get3A_2498 = arith.constant 1136 : index
    %get3A_2499 = tpu.vector_load %arg4[%get3A_2498] {strides = array<i32>} : memref<1280xf32, #tpu.memory_space<vmem>>, vector<16xf32>,
    %eq3A_2500 = arith.constant 7 : i32
    %eq3A_2501 = vector.broadcast %eq3A_2500 : i32 to vector<16xi32>
    %eq3A_2502 = arith.cmpi eq, %iota3A, %eq3A_2501 : vector<16xi32>
    %iota3A_2503 = tpu.iota {dimensions = array<i32: 0>} : vector<16xi32>
    %xor3A_2504 = arith.constant 8 : i32
    %xor3A_2505 = vector.broadcast %xor3A_2504 : i32 to vector<16xi32>
    %xor3A_2506 = arith.xori %iota3A_2503, %xor3A_2505 : vector<16xi32>
    %broadcast_in_dim3A_2507 = vector.shape_cast %xor3A_2506 : vector<16xi32> to vector<16x1xi32>
    %gather3A_2508 = vector.shape_cast %broadcast_in_dim3A_2507 : vector<16x1xi32> to vector<16xi32>
    %gather3A_2509 = tpu.dynamic_gather %get3A_2499[%gather3A_2508] in [0] : vector<16xf32>, vector<16xi32> -> vector<16xf32>
    %max3A_2510 = arith.maximumf %get3A_2499, %gather3A_2509 : vector<16xf32>
    %xor3A_2511 = arith.constant 4 : i32
    %xor3A_2512 = vector.broadcast %xor3A_2511 : i32 to vector<16xi32>
    %xor3A_2513 = arith.xori %iota3A_2503, %xor3A_2512 : vector<16xi32>
    %broadcast_in_dim3A_2514 = vector.shape_cast %xor3A_2513 : vector<16xi32> to vector<16x1xi32>
    %gather3A_2515 = vector.shape_cast %broadcast_in_dim3A_2514 : vector<16x1xi32> to vector<16xi32>
    %gather3A_2516 = tpu.dynamic_gather %max3A_2510[%gather3A_2515] in [0] : vector<16xf32>, vector<16xi32> -> vector<16xf32>
    %max3A_2517 = arith.maximumf %max3A_2510, %gather3A_2516 : vector<16xf32>
    %xor3A_2518 = arith.constant 2 : i32
    %xor3A_2519 = vector.broadcast %xor3A_2518 : i32 to vector<16xi32>
    %xor3A_2520 = arith.xori %iota3A_2503, %xor3A_2519 : vector<16xi32>
    %broadcast_in_dim3A_2521 = vector.shape_cast %xor3A_2520 : vector<16xi32> to vector<16x1xi32>
    %gather3A_2522 = vector.shape_cast %broadcast_in_dim3A_2521 : vector<16x1xi32> to vector<16xi32>
    %gather3A_2523 = tpu.dynamic_gather %max3A_2517[%gather3A_2522] in [0] : vector<16xf32>, vector<16xi32> -> vector<16xf32>
    %max3A_2524 = arith.maximumf %max3A_2517, %gather3A_2523 : vector<16xf32>
    %xor3A_2525 = arith.constant 1 : i32
    %xor3A_2526 = vector.broadcast %xor3A_2525 : i32 to vector<16xi32>
    %xor3A_2527 = arith.xori %iota3A_2503, %xor3A_2526 : vector<16xi32>
    %broadcast_in_dim3A_2528 = vector.shape_cast %xor3A_2527 : vector<16xi32> to vector<16x1xi32>
    %gather3A_2529 = vector.shape_cast %broadcast_in_dim3A_2528 : vector<16x1xi32> to vector<16xi32>
    %gather3A_2530 = tpu.dynamic_gather %max3A_2524[%gather3A_2529] in [0] : vector<16xf32>, vector<16xi32> -> vector<16xf32>
    %max3A_2531 = arith.maximumf %max3A_2524, %gather3A_2530 : vector<16xf32>
    %select_n3A_2532 = arith.select %eq3A_2502, %max3A_2531, %select_n3A_2497 : vector<16xi1>, vector<16xf32>
    %get3A_2533 = arith.constant 1152 : index
    %get3A_2534 = tpu.vector_load %arg4[%get3A_2533] {strides = array<i32>} : memref<1280xf32, #tpu.memory_space<vmem>>, vector<16xf32>,
    %eq3A_2535 = arith.constant 8 : i32
    %eq3A_2536 = vector.broadcast %eq3A_2535 : i32 to vector<16xi32>
    %eq3A_2537 = arith.cmpi eq, %iota3A, %eq3A_2536 : vector<16xi32>
    %iota3A_2538 = tpu.iota {dimensions = array<i32: 0>} : vector<16xi32>
    %xor3A_2539 = arith.constant 8 : i32
    %xor3A_2540 = vector.broadcast %xor3A_2539 : i32 to vector<16xi32>
    %xor3A_2541 = arith.xori %iota3A_2538, %xor3A_2540 : vector<16xi32>
    %broadcast_in_dim3A_2542 = vector.shape_cast %xor3A_2541 : vector<16xi32> to vector<16x1xi32>
    %gather3A_2543 = vector.shape_cast %broadcast_in_dim3A_2542 : vector<16x1xi32> to vector<16xi32>
    %gather3A_2544 = tpu.dynamic_gather %get3A_2534[%gather3A_2543] in [0] : vector<16xf32>, vector<16xi32> -> vector<16xf32>
    %max3A_2545 = arith.maximumf %get3A_2534, %gather3A_2544 : vector<16xf32>
    %xor3A_2546 = arith.constant 4 : i32
    %xor3A_2547 = vector.broadcast %xor3A_2546 : i32 to vector<16xi32>
    %xor3A_2548 = arith.xori %iota3A_2538, %xor3A_2547 : vector<16xi32>
    %broadcast_in_dim3A_2549 = vector.shape_cast %xor3A_2548 : vector<16xi32> to vector<16x1xi32>
    %gather3A_2550 = vector.shape_cast %broadcast_in_dim3A_2549 : vector<16x1xi32> to vector<16xi32>
    %gather3A_2551 = tpu.dynamic_gather %max3A_2545[%gather3A_2550] in [0] : vector<16xf32>, vector<16xi32> -> vector<16xf32>
    %max3A_2552 = arith.maximumf %max3A_2545, %gather3A_2551 : vector<16xf32>
    %xor3A_2553 = arith.constant 2 : i32
    %xor3A_2554 = vector.broadcast %xor3A_2553 : i32 to vector<16xi32>
    %xor3A_2555 = arith.xori %iota3A_2538, %xor3A_2554 : vector<16xi32>
    %broadcast_in_dim3A_2556 = vector.shape_cast %xor3A_2555 : vector<16xi32> to vector<16x1xi32>
    %gather3A_2557 = vector.shape_cast %broadcast_in_dim3A_2556 : vector<16x1xi32> to vector<16xi32>
    %gather3A_2558 = tpu.dynamic_gather %max3A_2552[%gather3A_2557] in [0] : vector<16xf32>, vector<16xi32> -> vector<16xf32>
    %max3A_2559 = arith.maximumf %max3A_2552, %gather3A_2558 : vector<16xf32>
    %xor3A_2560 = arith.constant 1 : i32
    %xor3A_2561 = vector.broadcast %xor3A_2560 : i32 to vector<16xi32>
    %xor3A_2562 = arith.xori %iota3A_2538, %xor3A_2561 : vector<16xi32>
    %broadcast_in_dim3A_2563 = vector.shape_cast %xor3A_2562 : vector<16xi32> to vector<16x1xi32>
    %gather3A_2564 = vector.shape_cast %broadcast_in_dim3A_2563 : vector<16x1xi32> to vector<16xi32>
    %gather3A_2565 = tpu.dynamic_gather %max3A_2559[%gather3A_2564] in [0] : vector<16xf32>, vector<16xi32> -> vector<16xf32>
    %max3A_2566 = arith.maximumf %max3A_2559, %gather3A_2565 : vector<16xf32>
    %select_n3A_2567 = arith.select %eq3A_2537, %max3A_2566, %select_n3A_2532 : vector<16xi1>, vector<16xf32>
    %get3A_2568 = arith.constant 1168 : index
    %get3A_2569 = tpu.vector_load %arg4[%get3A_2568] {strides = array<i32>} : memref<1280xf32, #tpu.memory_space<vmem>>, vector<16xf32>,
    %eq3A_2570 = arith.constant 9 : i32
    %eq3A_2571 = vector.broadcast %eq3A_2570 : i32 to vector<16xi32>
    %eq3A_2572 = arith.cmpi eq, %iota3A, %eq3A_2571 : vector<16xi32>
    %iota3A_2573 = tpu.iota {dimensions = array<i32: 0>} : vector<16xi32>
    %xor3A_2574 = arith.constant 8 : i32
    %xor3A_2575 = vector.broadcast %xor3A_2574 : i32 to vector<16xi32>
    %xor3A_2576 = arith.xori %iota3A_2573, %xor3A_2575 : vector<16xi32>
    %broadcast_in_dim3A_2577 = vector.shape_cast %xor3A_2576 : vector<16xi32> to vector<16x1xi32>
    %gather3A_2578 = vector.shape_cast %broadcast_in_dim3A_2577 : vector<16x1xi32> to vector<16xi32>
    %gather3A_2579 = tpu.dynamic_gather %get3A_2569[%gather3A_2578] in [0] : vector<16xf32>, vector<16xi32> -> vector<16xf32>
    %max3A_2580 = arith.maximumf %get3A_2569, %gather3A_2579 : vector<16xf32>
    %xor3A_2581 = arith.constant 4 : i32
    %xor3A_2582 = vector.broadcast %xor3A_2581 : i32 to vector<16xi32>
    %xor3A_2583 = arith.xori %iota3A_2573, %xor3A_2582 : vector<16xi32>
    %broadcast_in_dim3A_2584 = vector.shape_cast %xor3A_2583 : vector<16xi32> to vector<16x1xi32>
    %gather3A_2585 = vector.shape_cast %broadcast_in_dim3A_2584 : vector<16x1xi32> to vector<16xi32>
    %gather3A_2586 = tpu.dynamic_gather %max3A_2580[%gather3A_2585] in [0] : vector<16xf32>, vector<16xi32> -> vector<16xf32>
    %max3A_2587 = arith.maximumf %max3A_2580, %gather3A_2586 : vector<16xf32>
    %xor3A_2588 = arith.constant 2 : i32
    %xor3A_2589 = vector.broadcast %xor3A_2588 : i32 to vector<16xi32>
    %xor3A_2590 = arith.xori %iota3A_2573, %xor3A_2589 : vector<16xi32>
    %broadcast_in_dim3A_2591 = vector.shape_cast %xor3A_2590 : vector<16xi32> to vector<16x1xi32>
    %gather3A_2592 = vector.shape_cast %broadcast_in_dim3A_2591 : vector<16x1xi32> to vector<16xi32>
    %gather3A_2593 = tpu.dynamic_gather %max3A_2587[%gather3A_2592] in [0] : vector<16xf32>, vector<16xi32> -> vector<16xf32>
    %max3A_2594 = arith.maximumf %max3A_2587, %gather3A_2593 : vector<16xf32>
    %xor3A_2595 = arith.constant 1 : i32
    %xor3A_2596 = vector.broadcast %xor3A_2595 : i32 to vector<16xi32>
    %xor3A_2597 = arith.xori %iota3A_2573, %xor3A_2596 : vector<16xi32>
    %broadcast_in_dim3A_2598 = vector.shape_cast %xor3A_2597 : vector<16xi32> to vector<16x1xi32>
    %gather3A_2599 = vector.shape_cast %broadcast_in_dim3A_2598 : vector<16x1xi32> to vector<16xi32>
    %gather3A_2600 = tpu.dynamic_gather %max3A_2594[%gather3A_2599] in [0] : vector<16xf32>, vector<16xi32> -> vector<16xf32>
    %max3A_2601 = arith.maximumf %max3A_2594, %gather3A_2600 : vector<16xf32>
    %select_n3A_2602 = arith.select %eq3A_2572, %max3A_2601, %select_n3A_2567 : vector<16xi1>, vector<16xf32>
    %get3A_2603 = arith.constant 1184 : index
    %get3A_2604 = tpu.vector_load %arg4[%get3A_2603] {strides = array<i32>} : memref<1280xf32, #tpu.memory_space<vmem>>, vector<16xf32>,
    %eq3A_2605 = arith.constant 10 : i32
    %eq3A_2606 = vector.broadcast %eq3A_2605 : i32 to vector<16xi32>
    %eq3A_2607 = arith.cmpi eq, %iota3A, %eq3A_2606 : vector<16xi32>
    %iota3A_2608 = tpu.iota {dimensions = array<i32: 0>} : vector<16xi32>
    %xor3A_2609 = arith.constant 8 : i32
    %xor3A_2610 = vector.broadcast %xor3A_2609 : i32 to vector<16xi32>
    %xor3A_2611 = arith.xori %iota3A_2608, %xor3A_2610 : vector<16xi32>
    %broadcast_in_dim3A_2612 = vector.shape_cast %xor3A_2611 : vector<16xi32> to vector<16x1xi32>
    %gather3A_2613 = vector.shape_cast %broadcast_in_dim3A_2612 : vector<16x1xi32> to vector<16xi32>
    %gather3A_2614 = tpu.dynamic_gather %get3A_2604[%gather3A_2613] in [0] : vector<16xf32>, vector<16xi32> -> vector<16xf32>
    %max3A_2615 = arith.maximumf %get3A_2604, %gather3A_2614 : vector<16xf32>
    %xor3A_2616 = arith.constant 4 : i32
    %xor3A_2617 = vector.broadcast %xor3A_2616 : i32 to vector<16xi32>
    %xor3A_2618 = arith.xori %iota3A_2608, %xor3A_2617 : vector<16xi32>
    %broadcast_in_dim3A_2619 = vector.shape_cast %xor3A_2618 : vector<16xi32> to vector<16x1xi32>
    %gather3A_2620 = vector.shape_cast %broadcast_in_dim3A_2619 : vector<16x1xi32> to vector<16xi32>
    %gather3A_2621 = tpu.dynamic_gather %max3A_2615[%gather3A_2620] in [0] : vector<16xf32>, vector<16xi32> -> vector<16xf32>
    %max3A_2622 = arith.maximumf %max3A_2615, %gather3A_2621 : vector<16xf32>
    %xor3A_2623 = arith.constant 2 : i32
    %xor3A_2624 = vector.broadcast %xor3A_2623 : i32 to vector<16xi32>
    %xor3A_2625 = arith.xori %iota3A_2608, %xor3A_2624 : vector<16xi32>
    %broadcast_in_dim3A_2626 = vector.shape_cast %xor3A_2625 : vector<16xi32> to vector<16x1xi32>
    %gather3A_2627 = vector.shape_cast %broadcast_in_dim3A_2626 : vector<16x1xi32> to vector<16xi32>
    %gather3A_2628 = tpu.dynamic_gather %max3A_2622[%gather3A_2627] in [0] : vector<16xf32>, vector<16xi32> -> vector<16xf32>
    %max3A_2629 = arith.maximumf %max3A_2622, %gather3A_2628 : vector<16xf32>
    %xor3A_2630 = arith.constant 1 : i32
    %xor3A_2631 = vector.broadcast %xor3A_2630 : i32 to vector<16xi32>
    %xor3A_2632 = arith.xori %iota3A_2608, %xor3A_2631 : vector<16xi32>
    %broadcast_in_dim3A_2633 = vector.shape_cast %xor3A_2632 : vector<16xi32> to vector<16x1xi32>
    %gather3A_2634 = vector.shape_cast %broadcast_in_dim3A_2633 : vector<16x1xi32> to vector<16xi32>
    %gather3A_2635 = tpu.dynamic_gather %max3A_2629[%gather3A_2634] in [0] : vector<16xf32>, vector<16xi32> -> vector<16xf32>
    %max3A_2636 = arith.maximumf %max3A_2629, %gather3A_2635 : vector<16xf32>
    %select_n3A_2637 = arith.select %eq3A_2607, %max3A_2636, %select_n3A_2602 : vector<16xi1>, vector<16xf32>
    %get3A_2638 = arith.constant 1200 : index
    %get3A_2639 = tpu.vector_load %arg4[%get3A_2638] {strides = array<i32>} : memref<1280xf32, #tpu.memory_space<vmem>>, vector<16xf32>,
    %eq3A_2640 = arith.constant 11 : i32
    %eq3A_2641 = vector.broadcast %eq3A_2640 : i32 to vector<16xi32>
    %eq3A_2642 = arith.cmpi eq, %iota3A, %eq3A_2641 : vector<16xi32>
    %iota3A_2643 = tpu.iota {dimensions = array<i32: 0>} : vector<16xi32>
    %xor3A_2644 = arith.constant 8 : i32
    %xor3A_2645 = vector.broadcast %xor3A_2644 : i32 to vector<16xi32>
    %xor3A_2646 = arith.xori %iota3A_2643, %xor3A_2645 : vector<16xi32>
    %broadcast_in_dim3A_2647 = vector.shape_cast %xor3A_2646 : vector<16xi32> to vector<16x1xi32>
    %gather3A_2648 = vector.shape_cast %broadcast_in_dim3A_2647 : vector<16x1xi32> to vector<16xi32>
    %gather3A_2649 = tpu.dynamic_gather %get3A_2639[%gather3A_2648] in [0] : vector<16xf32>, vector<16xi32> -> vector<16xf32>
    %max3A_2650 = arith.maximumf %get3A_2639, %gather3A_2649 : vector<16xf32>
    %xor3A_2651 = arith.constant 4 : i32
    %xor3A_2652 = vector.broadcast %xor3A_2651 : i32 to vector<16xi32>
    %xor3A_2653 = arith.xori %iota3A_2643, %xor3A_2652 : vector<16xi32>
    %broadcast_in_dim3A_2654 = vector.shape_cast %xor3A_2653 : vector<16xi32> to vector<16x1xi32>
    %gather3A_2655 = vector.shape_cast %broadcast_in_dim3A_2654 : vector<16x1xi32> to vector<16xi32>
    %gather3A_2656 = tpu.dynamic_gather %max3A_2650[%gather3A_2655] in [0] : vector<16xf32>, vector<16xi32> -> vector<16xf32>
    %max3A_2657 = arith.maximumf %max3A_2650, %gather3A_2656 : vector<16xf32>
    %xor3A_2658 = arith.constant 2 : i32
    %xor3A_2659 = vector.broadcast %xor3A_2658 : i32 to vector<16xi32>
    %xor3A_2660 = arith.xori %iota3A_2643, %xor3A_2659 : vector<16xi32>
    %broadcast_in_dim3A_2661 = vector.shape_cast %xor3A_2660 : vector<16xi32> to vector<16x1xi32>
    %gather3A_2662 = vector.shape_cast %broadcast_in_dim3A_2661 : vector<16x1xi32> to vector<16xi32>
    %gather3A_2663 = tpu.dynamic_gather %max3A_2657[%gather3A_2662] in [0] : vector<16xf32>, vector<16xi32> -> vector<16xf32>
    %max3A_2664 = arith.maximumf %max3A_2657, %gather3A_2663 : vector<16xf32>
    %xor3A_2665 = arith.constant 1 : i32
    %xor3A_2666 = vector.broadcast %xor3A_2665 : i32 to vector<16xi32>
    %xor3A_2667 = arith.xori %iota3A_2643, %xor3A_2666 : vector<16xi32>
    %broadcast_in_dim3A_2668 = vector.shape_cast %xor3A_2667 : vector<16xi32> to vector<16x1xi32>
    %gather3A_2669 = vector.shape_cast %broadcast_in_dim3A_2668 : vector<16x1xi32> to vector<16xi32>
    %gather3A_2670 = tpu.dynamic_gather %max3A_2664[%gather3A_2669] in [0] : vector<16xf32>, vector<16xi32> -> vector<16xf32>
    %max3A_2671 = arith.maximumf %max3A_2664, %gather3A_2670 : vector<16xf32>
    %select_n3A_2672 = arith.select %eq3A_2642, %max3A_2671, %select_n3A_2637 : vector<16xi1>, vector<16xf32>
    %get3A_2673 = arith.constant 1216 : index
    %get3A_2674 = tpu.vector_load %arg4[%get3A_2673] {strides = array<i32>} : memref<1280xf32, #tpu.memory_space<vmem>>, vector<16xf32>,
    %eq3A_2675 = arith.constant 12 : i32
    %eq3A_2676 = vector.broadcast %eq3A_2675 : i32 to vector<16xi32>
    %eq3A_2677 = arith.cmpi eq, %iota3A, %eq3A_2676 : vector<16xi32>
    %iota3A_2678 = tpu.iota {dimensions = array<i32: 0>} : vector<16xi32>
    %xor3A_2679 = arith.constant 8 : i32
    %xor3A_2680 = vector.broadcast %xor3A_2679 : i32 to vector<16xi32>
    %xor3A_2681 = arith.xori %iota3A_2678, %xor3A_2680 : vector<16xi32>
    %broadcast_in_dim3A_2682 = vector.shape_cast %xor3A_2681 : vector<16xi32> to vector<16x1xi32>
    %gather3A_2683 = vector.shape_cast %broadcast_in_dim3A_2682 : vector<16x1xi32> to vector<16xi32>
    %gather3A_2684 = tpu.dynamic_gather %get3A_2674[%gather3A_2683] in [0] : vector<16xf32>, vector<16xi32> -> vector<16xf32>
    %max3A_2685 = arith.maximumf %get3A_2674, %gather3A_2684 : vector<16xf32>
    %xor3A_2686 = arith.constant 4 : i32
    %xor3A_2687 = vector.broadcast %xor3A_2686 : i32 to vector<16xi32>
    %xor3A_2688 = arith.xori %iota3A_2678, %xor3A_2687 : vector<16xi32>
    %broadcast_in_dim3A_2689 = vector.shape_cast %xor3A_2688 : vector<16xi32> to vector<16x1xi32>
    %gather3A_2690 = vector.shape_cast %broadcast_in_dim3A_2689 : vector<16x1xi32> to vector<16xi32>
    %gather3A_2691 = tpu.dynamic_gather %max3A_2685[%gather3A_2690] in [0] : vector<16xf32>, vector<16xi32> -> vector<16xf32>
    %max3A_2692 = arith.maximumf %max3A_2685, %gather3A_2691 : vector<16xf32>
    %xor3A_2693 = arith.constant 2 : i32
    %xor3A_2694 = vector.broadcast %xor3A_2693 : i32 to vector<16xi32>
    %xor3A_2695 = arith.xori %iota3A_2678, %xor3A_2694 : vector<16xi32>
    %broadcast_in_dim3A_2696 = vector.shape_cast %xor3A_2695 : vector<16xi32> to vector<16x1xi32>
    %gather3A_2697 = vector.shape_cast %broadcast_in_dim3A_2696 : vector<16x1xi32> to vector<16xi32>
    %gather3A_2698 = tpu.dynamic_gather %max3A_2692[%gather3A_2697] in [0] : vector<16xf32>, vector<16xi32> -> vector<16xf32>
    %max3A_2699 = arith.maximumf %max3A_2692, %gather3A_2698 : vector<16xf32>
    %xor3A_2700 = arith.constant 1 : i32
    %xor3A_2701 = vector.broadcast %xor3A_2700 : i32 to vector<16xi32>
    %xor3A_2702 = arith.xori %iota3A_2678, %xor3A_2701 : vector<16xi32>
    %broadcast_in_dim3A_2703 = vector.shape_cast %xor3A_2702 : vector<16xi32> to vector<16x1xi32>
    %gather3A_2704 = vector.shape_cast %broadcast_in_dim3A_2703 : vector<16x1xi32> to vector<16xi32>
    %gather3A_2705 = tpu.dynamic_gather %max3A_2699[%gather3A_2704] in [0] : vector<16xf32>, vector<16xi32> -> vector<16xf32>
    %max3A_2706 = arith.maximumf %max3A_2699, %gather3A_2705 : vector<16xf32>
    %select_n3A_2707 = arith.select %eq3A_2677, %max3A_2706, %select_n3A_2672 : vector<16xi1>, vector<16xf32>
    %get3A_2708 = arith.constant 1232 : index
    %get3A_2709 = tpu.vector_load %arg4[%get3A_2708] {strides = array<i32>} : memref<1280xf32, #tpu.memory_space<vmem>>, vector<16xf32>,
    %eq3A_2710 = arith.constant 13 : i32
    %eq3A_2711 = vector.broadcast %eq3A_2710 : i32 to vector<16xi32>
    %eq3A_2712 = arith.cmpi eq, %iota3A, %eq3A_2711 : vector<16xi32>
    %iota3A_2713 = tpu.iota {dimensions = array<i32: 0>} : vector<16xi32>
    %xor3A_2714 = arith.constant 8 : i32
    %xor3A_2715 = vector.broadcast %xor3A_2714 : i32 to vector<16xi32>
    %xor3A_2716 = arith.xori %iota3A_2713, %xor3A_2715 : vector<16xi32>
    %broadcast_in_dim3A_2717 = vector.shape_cast %xor3A_2716 : vector<16xi32> to vector<16x1xi32>
    %gather3A_2718 = vector.shape_cast %broadcast_in_dim3A_2717 : vector<16x1xi32> to vector<16xi32>
    %gather3A_2719 = tpu.dynamic_gather %get3A_2709[%gather3A_2718] in [0] : vector<16xf32>, vector<16xi32> -> vector<16xf32>
    %max3A_2720 = arith.maximumf %get3A_2709, %gather3A_2719 : vector<16xf32>
    %xor3A_2721 = arith.constant 4 : i32
    %xor3A_2722 = vector.broadcast %xor3A_2721 : i32 to vector<16xi32>
    %xor3A_2723 = arith.xori %iota3A_2713, %xor3A_2722 : vector<16xi32>
    %broadcast_in_dim3A_2724 = vector.shape_cast %xor3A_2723 : vector<16xi32> to vector<16x1xi32>
    %gather3A_2725 = vector.shape_cast %broadcast_in_dim3A_2724 : vector<16x1xi32> to vector<16xi32>
    %gather3A_2726 = tpu.dynamic_gather %max3A_2720[%gather3A_2725] in [0] : vector<16xf32>, vector<16xi32> -> vector<16xf32>
    %max3A_2727 = arith.maximumf %max3A_2720, %gather3A_2726 : vector<16xf32>
    %xor3A_2728 = arith.constant 2 : i32
    %xor3A_2729 = vector.broadcast %xor3A_2728 : i32 to vector<16xi32>
    %xor3A_2730 = arith.xori %iota3A_2713, %xor3A_2729 : vector<16xi32>
    %broadcast_in_dim3A_2731 = vector.shape_cast %xor3A_2730 : vector<16xi32> to vector<16x1xi32>
    %gather3A_2732 = vector.shape_cast %broadcast_in_dim3A_2731 : vector<16x1xi32> to vector<16xi32>
    %gather3A_2733 = tpu.dynamic_gather %max3A_2727[%gather3A_2732] in [0] : vector<16xf32>, vector<16xi32> -> vector<16xf32>
    %max3A_2734 = arith.maximumf %max3A_2727, %gather3A_2733 : vector<16xf32>
    %xor3A_2735 = arith.constant 1 : i32
    %xor3A_2736 = vector.broadcast %xor3A_2735 : i32 to vector<16xi32>
    %xor3A_2737 = arith.xori %iota3A_2713, %xor3A_2736 : vector<16xi32>
    %broadcast_in_dim3A_2738 = vector.shape_cast %xor3A_2737 : vector<16xi32> to vector<16x1xi32>
    %gather3A_2739 = vector.shape_cast %broadcast_in_dim3A_2738 : vector<16x1xi32> to vector<16xi32>
    %gather3A_2740 = tpu.dynamic_gather %max3A_2734[%gather3A_2739] in [0] : vector<16xf32>, vector<16xi32> -> vector<16xf32>
    %max3A_2741 = arith.maximumf %max3A_2734, %gather3A_2740 : vector<16xf32>
    %select_n3A_2742 = arith.select %eq3A_2712, %max3A_2741, %select_n3A_2707 : vector<16xi1>, vector<16xf32>
    %get3A_2743 = arith.constant 1248 : index
    %get3A_2744 = tpu.vector_load %arg4[%get3A_2743] {strides = array<i32>} : memref<1280xf32, #tpu.memory_space<vmem>>, vector<16xf32>,
    %eq3A_2745 = arith.constant 14 : i32
    %eq3A_2746 = vector.broadcast %eq3A_2745 : i32 to vector<16xi32>
    %eq3A_2747 = arith.cmpi eq, %iota3A, %eq3A_2746 : vector<16xi32>
    %iota3A_2748 = tpu.iota {dimensions = array<i32: 0>} : vector<16xi32>
    %xor3A_2749 = arith.constant 8 : i32
    %xor3A_2750 = vector.broadcast %xor3A_2749 : i32 to vector<16xi32>
    %xor3A_2751 = arith.xori %iota3A_2748, %xor3A_2750 : vector<16xi32>
    %broadcast_in_dim3A_2752 = vector.shape_cast %xor3A_2751 : vector<16xi32> to vector<16x1xi32>
    %gather3A_2753 = vector.shape_cast %broadcast_in_dim3A_2752 : vector<16x1xi32> to vector<16xi32>
    %gather3A_2754 = tpu.dynamic_gather %get3A_2744[%gather3A_2753] in [0] : vector<16xf32>, vector<16xi32> -> vector<16xf32>
    %max3A_2755 = arith.maximumf %get3A_2744, %gather3A_2754 : vector<16xf32>
    %xor3A_2756 = arith.constant 4 : i32
    %xor3A_2757 = vector.broadcast %xor3A_2756 : i32 to vector<16xi32>
    %xor3A_2758 = arith.xori %iota3A_2748, %xor3A_2757 : vector<16xi32>
    %broadcast_in_dim3A_2759 = vector.shape_cast %xor3A_2758 : vector<16xi32> to vector<16x1xi32>
    %gather3A_2760 = vector.shape_cast %broadcast_in_dim3A_2759 : vector<16x1xi32> to vector<16xi32>
    %gather3A_2761 = tpu.dynamic_gather %max3A_2755[%gather3A_2760] in [0] : vector<16xf32>, vector<16xi32> -> vector<16xf32>
    %max3A_2762 = arith.maximumf %max3A_2755, %gather3A_2761 : vector<16xf32>
    %xor3A_2763 = arith.constant 2 : i32
    %xor3A_2764 = vector.broadcast %xor3A_2763 : i32 to vector<16xi32>
    %xor3A_2765 = arith.xori %iota3A_2748, %xor3A_2764 : vector<16xi32>
    %broadcast_in_dim3A_2766 = vector.shape_cast %xor3A_2765 : vector<16xi32> to vector<16x1xi32>
    %gather3A_2767 = vector.shape_cast %broadcast_in_dim3A_2766 : vector<16x1xi32> to vector<16xi32>
    %gather3A_2768 = tpu.dynamic_gather %max3A_2762[%gather3A_2767] in [0] : vector<16xf32>, vector<16xi32> -> vector<16xf32>
    %max3A_2769 = arith.maximumf %max3A_2762, %gather3A_2768 : vector<16xf32>
    %xor3A_2770 = arith.constant 1 : i32
    %xor3A_2771 = vector.broadcast %xor3A_2770 : i32 to vector<16xi32>
    %xor3A_2772 = arith.xori %iota3A_2748, %xor3A_2771 : vector<16xi32>
    %broadcast_in_dim3A_2773 = vector.shape_cast %xor3A_2772 : vector<16xi32> to vector<16x1xi32>
    %gather3A_2774 = vector.shape_cast %broadcast_in_dim3A_2773 : vector<16x1xi32> to vector<16xi32>
    %gather3A_2775 = tpu.dynamic_gather %max3A_2769[%gather3A_2774] in [0] : vector<16xf32>, vector<16xi32> -> vector<16xf32>
    %max3A_2776 = arith.maximumf %max3A_2769, %gather3A_2775 : vector<16xf32>
    %select_n3A_2777 = arith.select %eq3A_2747, %max3A_2776, %select_n3A_2742 : vector<16xi1>, vector<16xf32>
    %get3A_2778 = arith.constant 1264 : index
    %get3A_2779 = tpu.vector_load %arg4[%get3A_2778] {strides = array<i32>} : memref<1280xf32, #tpu.memory_space<vmem>>, vector<16xf32>,
    %eq3A_2780 = arith.constant 15 : i32
    %eq3A_2781 = vector.broadcast %eq3A_2780 : i32 to vector<16xi32>
    %eq3A_2782 = arith.cmpi eq, %iota3A, %eq3A_2781 : vector<16xi32>
    %iota3A_2783 = tpu.iota {dimensions = array<i32: 0>} : vector<16xi32>
    %xor3A_2784 = arith.constant 8 : i32
    %xor3A_2785 = vector.broadcast %xor3A_2784 : i32 to vector<16xi32>
    %xor3A_2786 = arith.xori %iota3A_2783, %xor3A_2785 : vector<16xi32>
    %broadcast_in_dim3A_2787 = vector.shape_cast %xor3A_2786 : vector<16xi32> to vector<16x1xi32>
    %gather3A_2788 = vector.shape_cast %broadcast_in_dim3A_2787 : vector<16x1xi32> to vector<16xi32>
    %gather3A_2789 = tpu.dynamic_gather %get3A_2779[%gather3A_2788] in [0] : vector<16xf32>, vector<16xi32> -> vector<16xf32>
    %max3A_2790 = arith.maximumf %get3A_2779, %gather3A_2789 : vector<16xf32>
    %xor3A_2791 = arith.constant 4 : i32
    %xor3A_2792 = vector.broadcast %xor3A_2791 : i32 to vector<16xi32>
    %xor3A_2793 = arith.xori %iota3A_2783, %xor3A_2792 : vector<16xi32>
    %broadcast_in_dim3A_2794 = vector.shape_cast %xor3A_2793 : vector<16xi32> to vector<16x1xi32>
    %gather3A_2795 = vector.shape_cast %broadcast_in_dim3A_2794 : vector<16x1xi32> to vector<16xi32>
    %gather3A_2796 = tpu.dynamic_gather %max3A_2790[%gather3A_2795] in [0] : vector<16xf32>, vector<16xi32> -> vector<16xf32>
    %max3A_2797 = arith.maximumf %max3A_2790, %gather3A_2796 : vector<16xf32>
    %xor3A_2798 = arith.constant 2 : i32
    %xor3A_2799 = vector.broadcast %xor3A_2798 : i32 to vector<16xi32>
    %xor3A_2800 = arith.xori %iota3A_2783, %xor3A_2799 : vector<16xi32>
    %broadcast_in_dim3A_2801 = vector.shape_cast %xor3A_2800 : vector<16xi32> to vector<16x1xi32>
    %gather3A_2802 = vector.shape_cast %broadcast_in_dim3A_2801 : vector<16x1xi32> to vector<16xi32>
    %gather3A_2803 = tpu.dynamic_gather %max3A_2797[%gather3A_2802] in [0] : vector<16xf32>, vector<16xi32> -> vector<16xf32>
    %max3A_2804 = arith.maximumf %max3A_2797, %gather3A_2803 : vector<16xf32>
    %xor3A_2805 = arith.constant 1 : i32
    %xor3A_2806 = vector.broadcast %xor3A_2805 : i32 to vector<16xi32>
    %xor3A_2807 = arith.xori %iota3A_2783, %xor3A_2806 : vector<16xi32>
    %broadcast_in_dim3A_2808 = vector.shape_cast %xor3A_2807 : vector<16xi32> to vector<16x1xi32>
    %gather3A_2809 = vector.shape_cast %broadcast_in_dim3A_2808 : vector<16x1xi32> to vector<16xi32>
    %gather3A_2810 = tpu.dynamic_gather %max3A_2804[%gather3A_2809] in [0] : vector<16xf32>, vector<16xi32> -> vector<16xf32>
    %max3A_2811 = arith.maximumf %max3A_2804, %gather3A_2810 : vector<16xf32>
    %select_n3A_2812 = arith.select %eq3A_2782, %max3A_2811, %select_n3A_2777 : vector<16xi1>, vector<16xf32>
    %swap3A_2813 = arith.constant 64 : index
    %swap3A_2814 = tpu.vector_load %arg5[%swap3A_2813] {strides = array<i32>} : memref<80xf32, #tpu.memory_space<vmem>>, vector<16xf32>,
    tpu.vector_store %arg5[%swap3A_2813], %select_n3A_2812 {strides = array<i32>} : memref<80xf32, #tpu.memory_space<vmem>>, vector<16xf32>,
    %scan3A = arith.constant 0 : i32
    %scan3A_2815 = arith.constant 0 : i32
    %scan3A_2816 = arith.constant 64 : i32
    %scan3A_2817 = arith.addi %scan3A_2815, %scan3A_2816 : i32
    %scan3A_2818 = arith.constant 1 : i32
    scf.for %scan3A_2827 = %scan3A_2815 to %scan3A_2817 step %scan3A_2818  : i32 {
      %get3A_2828 = arith.constant 0 : index
      %get3A_2829 = tpu.vector_load %arg5[%get3A_2828] {strides = array<i32>} : memref<80xf32, #tpu.memory_space<vmem>>, vector<16xf32>,
      %get3A_2830 = arith.constant 16 : index
      %get3A_2831 = tpu.vector_load %arg5[%get3A_2830] {strides = array<i32>} : memref<80xf32, #tpu.memory_space<vmem>>, vector<16xf32>,
      %get3A_2832 = arith.constant 32 : index
      %get3A_2833 = tpu.vector_load %arg5[%get3A_2832] {strides = array<i32>} : memref<80xf32, #tpu.memory_space<vmem>>, vector<16xf32>,
      %get3A_2834 = arith.constant 48 : index
      %get3A_2835 = tpu.vector_load %arg5[%get3A_2834] {strides = array<i32>} : memref<80xf32, #tpu.memory_space<vmem>>, vector<16xf32>,
      %get3A_2836 = arith.constant 64 : index
      %get3A_2837 = tpu.vector_load %arg5[%get3A_2836] {strides = array<i32>} : memref<80xf32, #tpu.memory_space<vmem>>, vector<16xf32>,
      %max3A_2838 = arith.maximumf %get3A_2829, %get3A_2831 : vector<16xf32>
      %max3A_2839 = arith.maximumf %get3A_2833, %get3A_2835 : vector<16xf32>
      %max3A_2840 = arith.maximumf %max3A_2838, %max3A_2839 : vector<16xf32>
      %max3A_2841 = arith.maximumf %max3A_2840, %get3A_2837 : vector<16xf32>
      %iota3A_2842 = tpu.iota {dimensions = array<i32: 0>} : vector<16xi32>
      %xor3A_2843 = arith.constant 8 : i32
      %xor3A_2844 = vector.broadcast %xor3A_2843 : i32 to vector<16xi32>
      %xor3A_2845 = arith.xori %iota3A_2842, %xor3A_2844 : vector<16xi32>
      %broadcast_in_dim3A_2846 = vector.shape_cast %xor3A_2845 : vector<16xi32> to vector<16x1xi32>
      %gather3A_2847 = vector.shape_cast %broadcast_in_dim3A_2846 : vector<16x1xi32> to vector<16xi32>
      %gather3A_2848 = tpu.dynamic_gather %max3A_2841[%gather3A_2847] in [0] : vector<16xf32>, vector<16xi32> -> vector<16xf32>
      %max3A_2849 = arith.maximumf %max3A_2841, %gather3A_2848 : vector<16xf32>
      %xor3A_2850 = arith.constant 4 : i32
      %xor3A_2851 = vector.broadcast %xor3A_2850 : i32 to vector<16xi32>
      %xor3A_2852 = arith.xori %iota3A_2842, %xor3A_2851 : vector<16xi32>
      %broadcast_in_dim3A_2853 = vector.shape_cast %xor3A_2852 : vector<16xi32> to vector<16x1xi32>
      %gather3A_2854 = vector.shape_cast %broadcast_in_dim3A_2853 : vector<16x1xi32> to vector<16xi32>
      %gather3A_2855 = tpu.dynamic_gather %max3A_2849[%gather3A_2854] in [0] : vector<16xf32>, vector<16xi32> -> vector<16xf32>
      %max3A_2856 = arith.maximumf %max3A_2849, %gather3A_2855 : vector<16xf32>
      %xor3A_2857 = arith.constant 2 : i32
      %xor3A_2858 = vector.broadcast %xor3A_2857 : i32 to vector<16xi32>
      %xor3A_2859 = arith.xori %iota3A_2842, %xor3A_2858 : vector<16xi32>
      %broadcast_in_dim3A_2860 = vector.shape_cast %xor3A_2859 : vector<16xi32> to vector<16x1xi32>
      %gather3A_2861 = vector.shape_cast %broadcast_in_dim3A_2860 : vector<16x1xi32> to vector<16xi32>
      %gather3A_2862 = tpu.dynamic_gather %max3A_2856[%gather3A_2861] in [0] : vector<16xf32>, vector<16xi32> -> vector<16xf32>
      %max3A_2863 = arith.maximumf %max3A_2856, %gather3A_2862 : vector<16xf32>
      %xor3A_2864 = arith.constant 1 : i32
      %xor3A_2865 = vector.broadcast %xor3A_2864 : i32 to vector<16xi32>
      %xor3A_2866 = arith.xori %iota3A_2842, %xor3A_2865 : vector<16xi32>
      %broadcast_in_dim3A_2867 = vector.shape_cast %xor3A_2866 : vector<16xi32> to vector<16x1xi32>
      %gather3A_2868 = vector.shape_cast %broadcast_in_dim3A_2867 : vector<16x1xi32> to vector<16xi32>
      %gather3A_2869 = tpu.dynamic_gather %max3A_2863[%gather3A_2868] in [0] : vector<16xf32>, vector<16xi32> -> vector<16xf32>
      %max3A_2870 = arith.maximumf %max3A_2863, %gather3A_2869 : vector<16xf32>
      %broadcast_in_dim3A_2871 = arith.constant 127 : i32
      %broadcast_in_dim3A_2872 = vector.broadcast %broadcast_in_dim3A_2871 : i32 to vector<16xi32>
      %eq3A_2873 = arith.cmpf oeq, %get3A_2829, %max3A_2870 : vector<16xf32>
      %add3A_2874 = arith.constant 0 : i32
      %add3A_2875 = vector.broadcast %add3A_2874 : i32 to vector<16xi32>
      %add3A_2876 = arith.addi %iota3A, %add3A_2875 : vector<16xi32>
      %jit3A = arith.constant 127 : i32
      %broadcast_in_dim3A_2877 = vector.broadcast %jit3A : i32 to vector<16xi32>
      %select_n3A_2878 = arith.select %eq3A_2873, %add3A_2876, %broadcast_in_dim3A_2877 : vector<16xi1>, vector<16xi32>
      %min3A = arith.minsi %broadcast_in_dim3A_2872, %select_n3A_2878 : vector<16xi32>
      %eq3A_2879 = arith.cmpf oeq, %get3A_2831, %max3A_2870 : vector<16xf32>
      %add3A_2880 = arith.constant 16 : i32
      %add3A_2881 = vector.broadcast %add3A_2880 : i32 to vector<16xi32>
      %add3A_2882 = arith.addi %iota3A, %add3A_2881 : vector<16xi32>
      %jit3A_2883 = arith.constant 127 : i32
      %broadcast_in_dim3A_2884 = vector.broadcast %jit3A_2883 : i32 to vector<16xi32>
      %select_n3A_2885 = arith.select %eq3A_2879, %add3A_2882, %broadcast_in_dim3A_2884 : vector<16xi1>, vector<16xi32>
      %min3A_2886 = arith.minsi %min3A, %select_n3A_2885 : vector<16xi32>
      %eq3A_2887 = arith.cmpf oeq, %get3A_2833, %max3A_2870 : vector<16xf32>
      %add3A_2888 = arith.constant 32 : i32
      %add3A_2889 = vector.broadcast %add3A_2888 : i32 to vector<16xi32>
      %add3A_2890 = arith.addi %iota3A, %add3A_2889 : vector<16xi32>
      %jit3A_2891 = arith.constant 127 : i32
      %broadcast_in_dim3A_2892 = vector.broadcast %jit3A_2891 : i32 to vector<16xi32>
      %select_n3A_2893 = arith.select %eq3A_2887, %add3A_2890, %broadcast_in_dim3A_2892 : vector<16xi1>, vector<16xi32>
      %min3A_2894 = arith.minsi %min3A_2886, %select_n3A_2893 : vector<16xi32>
      %eq3A_2895 = arith.cmpf oeq, %get3A_2835, %max3A_2870 : vector<16xf32>
      %add3A_2896 = arith.constant 48 : i32
      %add3A_2897 = vector.broadcast %add3A_2896 : i32 to vector<16xi32>
      %add3A_2898 = arith.addi %iota3A, %add3A_2897 : vector<16xi32>
      %jit3A_2899 = arith.constant 127 : i32
      %broadcast_in_dim3A_2900 = vector.broadcast %jit3A_2899 : i32 to vector<16xi32>
      %select_n3A_2901 = arith.select %eq3A_2895, %add3A_2898, %broadcast_in_dim3A_2900 : vector<16xi1>, vector<16xi32>
      %min3A_2902 = arith.minsi %min3A_2894, %select_n3A_2901 : vector<16xi32>
      %eq3A_2903 = arith.cmpf oeq, %get3A_2837, %max3A_2870 : vector<16xf32>
      %add3A_2904 = arith.constant 64 : i32
      %add3A_2905 = vector.broadcast %add3A_2904 : i32 to vector<16xi32>
      %add3A_2906 = arith.addi %iota3A, %add3A_2905 : vector<16xi32>
      %jit3A_2907 = arith.constant 127 : i32
      %broadcast_in_dim3A_2908 = vector.broadcast %jit3A_2907 : i32 to vector<16xi32>
      %select_n3A_2909 = arith.select %eq3A_2903, %add3A_2906, %broadcast_in_dim3A_2908 : vector<16xi1>, vector<16xi32>
      %min3A_2910 = arith.minsi %min3A_2902, %select_n3A_2909 : vector<16xi32>
      %iota3A_2911 = tpu.iota {dimensions = array<i32: 0>} : vector<16xi32>
      %xor3A_2912 = arith.constant 8 : i32
      %xor3A_2913 = vector.broadcast %xor3A_2912 : i32 to vector<16xi32>
      %xor3A_2914 = arith.xori %iota3A_2911, %xor3A_2913 : vector<16xi32>
      %broadcast_in_dim3A_2915 = vector.shape_cast %xor3A_2914 : vector<16xi32> to vector<16x1xi32>
      %gather3A_2916 = vector.shape_cast %broadcast_in_dim3A_2915 : vector<16x1xi32> to vector<16xi32>
      %gather3A_2917 = tpu.dynamic_gather %min3A_2910[%gather3A_2916] in [0] : vector<16xi32>, vector<16xi32> -> vector<16xi32>
      %min3A_2918 = arith.minsi %min3A_2910, %gather3A_2917 : vector<16xi32>
      %xor3A_2919 = arith.constant 4 : i32
      %xor3A_2920 = vector.broadcast %xor3A_2919 : i32 to vector<16xi32>
      %xor3A_2921 = arith.xori %iota3A_2911, %xor3A_2920 : vector<16xi32>
      %broadcast_in_dim3A_2922 = vector.shape_cast %xor3A_2921 : vector<16xi32> to vector<16x1xi32>
      %gather3A_2923 = vector.shape_cast %broadcast_in_dim3A_2922 : vector<16x1xi32> to vector<16xi32>
      %gather3A_2924 = tpu.dynamic_gather %min3A_2918[%gather3A_2923] in [0] : vector<16xi32>, vector<16xi32> -> vector<16xi32>
      %min3A_2925 = arith.minsi %min3A_2918, %gather3A_2924 : vector<16xi32>
      %xor3A_2926 = arith.constant 2 : i32
      %xor3A_2927 = vector.broadcast %xor3A_2926 : i32 to vector<16xi32>
      %xor3A_2928 = arith.xori %iota3A_2911, %xor3A_2927 : vector<16xi32>
      %broadcast_in_dim3A_2929 = vector.shape_cast %xor3A_2928 : vector<16xi32> to vector<16x1xi32>
      %gather3A_2930 = vector.shape_cast %broadcast_in_dim3A_2929 : vector<16x1xi32> to vector<16xi32>
      %gather3A_2931 = tpu.dynamic_gather %min3A_2925[%gather3A_2930] in [0] : vector<16xi32>, vector<16xi32> -> vector<16xi32>
      %min3A_2932 = arith.minsi %min3A_2925, %gather3A_2931 : vector<16xi32>
      %xor3A_2933 = arith.constant 1 : i32
      %xor3A_2934 = vector.broadcast %xor3A_2933 : i32 to vector<16xi32>
      %xor3A_2935 = arith.xori %iota3A_2911, %xor3A_2934 : vector<16xi32>
      %broadcast_in_dim3A_2936 = vector.shape_cast %xor3A_2935 : vector<16xi32> to vector<16x1xi32>
      %gather3A_2937 = vector.shape_cast %broadcast_in_dim3A_2936 : vector<16x1xi32> to vector<16xi32>
      %gather3A_2938 = tpu.dynamic_gather %min3A_2932[%gather3A_2937] in [0] : vector<16xi32>, vector<16xi32> -> vector<16xi32>
      %min3A_2939 = arith.minsi %min3A_2932, %gather3A_2938 : vector<16xi32>
      %mul3A_2940 = arith.constant 16 : i32
      %mul3A_2941 = vector.broadcast %mul3A_2940 : i32 to vector<16xi32>
      %mul3A_2942 = arith.muli %min3A_2939, %mul3A_2941 : vector<16xi32>
      %add3A_2943 = arith.addi %mul3A_2942, %iota3A : vector<16xi32>
      %gather3A_2944 = tpu.vector_load_idx %arg4[%add3A_2943] : memref<1280xf32, #tpu.memory_space<vmem>>[vector<16xi32>], vector<16xf32>,
      %eq3A_2945 = arith.cmpf oeq, %gather3A_2944, %max3A_2870 : vector<16xf32>
      %jit3A_2946 = arith.constant 16 : i32
      %broadcast_in_dim3A_2947 = vector.broadcast %jit3A_2946 : i32 to vector<16xi32>
      %select_n3A_2948 = arith.select %eq3A_2945, %iota3A, %broadcast_in_dim3A_2947 : vector<16xi1>, vector<16xi32>
      %iota3A_2949 = tpu.iota {dimensions = array<i32: 0>} : vector<16xi32>
      %xor3A_2950 = arith.constant 8 : i32
      %xor3A_2951 = vector.broadcast %xor3A_2950 : i32 to vector<16xi32>
      %xor3A_2952 = arith.xori %iota3A_2949, %xor3A_2951 : vector<16xi32>
      %broadcast_in_dim3A_2953 = vector.shape_cast %xor3A_2952 : vector<16xi32> to vector<16x1xi32>
      %gather3A_2954 = vector.shape_cast %broadcast_in_dim3A_2953 : vector<16x1xi32> to vector<16xi32>
      %gather3A_2955 = tpu.dynamic_gather %select_n3A_2948[%gather3A_2954] in [0] : vector<16xi32>, vector<16xi32> -> vector<16xi32>
      %min3A_2956 = arith.minsi %select_n3A_2948, %gather3A_2955 : vector<16xi32>
      %xor3A_2957 = arith.constant 4 : i32
      %xor3A_2958 = vector.broadcast %xor3A_2957 : i32 to vector<16xi32>
      %xor3A_2959 = arith.xori %iota3A_2949, %xor3A_2958 : vector<16xi32>
      %broadcast_in_dim3A_2960 = vector.shape_cast %xor3A_2959 : vector<16xi32> to vector<16x1xi32>
      %gather3A_2961 = vector.shape_cast %broadcast_in_dim3A_2960 : vector<16x1xi32> to vector<16xi32>
      %gather3A_2962 = tpu.dynamic_gather %min3A_2956[%gather3A_2961] in [0] : vector<16xi32>, vector<16xi32> -> vector<16xi32>
      %min3A_2963 = arith.minsi %min3A_2956, %gather3A_2962 : vector<16xi32>
      %xor3A_2964 = arith.constant 2 : i32
      %xor3A_2965 = vector.broadcast %xor3A_2964 : i32 to vector<16xi32>
      %xor3A_2966 = arith.xori %iota3A_2949, %xor3A_2965 : vector<16xi32>
      %broadcast_in_dim3A_2967 = vector.shape_cast %xor3A_2966 : vector<16xi32> to vector<16x1xi32>
      %gather3A_2968 = vector.shape_cast %broadcast_in_dim3A_2967 : vector<16x1xi32> to vector<16xi32>
      %gather3A_2969 = tpu.dynamic_gather %min3A_2963[%gather3A_2968] in [0] : vector<16xi32>, vector<16xi32> -> vector<16xi32>
      %min3A_2970 = arith.minsi %min3A_2963, %gather3A_2969 : vector<16xi32>
      %xor3A_2971 = arith.constant 1 : i32
      %xor3A_2972 = vector.broadcast %xor3A_2971 : i32 to vector<16xi32>
      %xor3A_2973 = arith.xori %iota3A_2949, %xor3A_2972 : vector<16xi32>
      %broadcast_in_dim3A_2974 = vector.shape_cast %xor3A_2973 : vector<16xi32> to vector<16x1xi32>
      %gather3A_2975 = vector.shape_cast %broadcast_in_dim3A_2974 : vector<16x1xi32> to vector<16xi32>
      %gather3A_2976 = tpu.dynamic_gather %min3A_2970[%gather3A_2975] in [0] : vector<16xi32>, vector<16xi32> -> vector<16xi32>
      %min3A_2977 = arith.minsi %min3A_2970, %gather3A_2976 : vector<16xi32>
      %broadcast_in_dim3A_2978 = vector.broadcast %scan3A_2827 : i32 to vector<16xi32>
      %iota3A_2979 = tpu.iota {dimensions = array<i32: 0>} : vector<16xi32>
      %eq3A_2980 = arith.constant 0 : i32
      %eq3A_2981 = vector.broadcast %eq3A_2980 : i32 to vector<16xi32>
      %eq3A_2982 = arith.cmpi eq, %iota3A_2979, %eq3A_2981 : vector<16xi32>
      tpu.vector_store_idx %arg6[%broadcast_in_dim3A_2978], %max3A_2870 masked %eq3A_2982 : memref<64xf32, #tpu.memory_space<vmem>>[vector<16xi32>], vector<16xf32>, vector<16xi1>
      %mul3A_2983 = arith.constant 16 : i32
      %mul3A_2984 = vector.broadcast %mul3A_2983 : i32 to vector<16xi32>
      %mul3A_2985 = arith.muli %min3A_2939, %mul3A_2984 : vector<16xi32>
      %add3A_2986 = vector.broadcast %mul3A_0 : i32 to vector<16xi32>
      %add3A_2987 = arith.addi %add3A_2986, %mul3A_2985 : vector<16xi32>
      %add3A_2988 = arith.addi %add3A_2987, %min3A_2977 : vector<16xi32>
      %broadcast_in_dim3A_2989 = vector.broadcast %scan3A_2827 : i32 to vector<16xi32>
      %iota3A_2990 = tpu.iota {dimensions = array<i32: 0>} : vector<16xi32>
      %eq3A_2991 = arith.constant 0 : i32
      %eq3A_2992 = vector.broadcast %eq3A_2991 : i32 to vector<16xi32>
      %eq3A_2993 = arith.cmpi eq, %iota3A_2990, %eq3A_2992 : vector<16xi32>
      tpu.vector_store_idx %arg7[%broadcast_in_dim3A_2989], %add3A_2988 masked %eq3A_2993 : memref<64xi32, #tpu.memory_space<vmem>>[vector<16xi32>], vector<16xi32>, vector<16xi1>
      %eq3A_2994 = arith.cmpi eq, %iota3A, %min3A_2977 : vector<16xi32>
      %jit3A_2995 = arith.constant -3.000000e+00 : f32
      %broadcast_in_dim3A_2996 = vector.broadcast %jit3A_2995 : f32 to vector<16xf32>
      %select_n3A_2997 = arith.select %eq3A_2994, %broadcast_in_dim3A_2996, %gather3A_2944 : vector<16xi1>, vector<16xf32>
      %mul3A_2998 = arith.constant 16 : i32
      %mul3A_2999 = vector.broadcast %mul3A_2998 : i32 to vector<16xi32>
      %mul3A_3000 = arith.muli %min3A_2939, %mul3A_2999 : vector<16xi32>
      %add3A_3001 = arith.addi %mul3A_3000, %iota3A : vector<16xi32>
      tpu.vector_store_idx %arg4[%add3A_3001], %select_n3A_2997 : memref<1280xf32, #tpu.memory_space<vmem>>[vector<16xi32>], vector<16xf32>,
      %iota3A_3002 = tpu.iota {dimensions = array<i32: 0>} : vector<16xi32>
      %xor3A_3003 = arith.constant 8 : i32
      %xor3A_3004 = vector.broadcast %xor3A_3003 : i32 to vector<16xi32>
      %xor3A_3005 = arith.xori %iota3A_3002, %xor3A_3004 : vector<16xi32>
      %broadcast_in_dim3A_3006 = vector.shape_cast %xor3A_3005 : vector<16xi32> to vector<16x1xi32>
      %gather3A_3007 = vector.shape_cast %broadcast_in_dim3A_3006 : vector<16x1xi32> to vector<16xi32>
      %gather3A_3008 = tpu.dynamic_gather %select_n3A_2997[%gather3A_3007] in [0] : vector<16xf32>, vector<16xi32> -> vector<16xf32>
      %max3A_3009 = arith.maximumf %select_n3A_2997, %gather3A_3008 : vector<16xf32>
      %xor3A_3010 = arith.constant 4 : i32
      %xor3A_3011 = vector.broadcast %xor3A_3010 : i32 to vector<16xi32>
      %xor3A_3012 = arith.xori %iota3A_3002, %xor3A_3011 : vector<16xi32>
      %broadcast_in_dim3A_3013 = vector.shape_cast %xor3A_3012 : vector<16xi32> to vector<16x1xi32>
      %gather3A_3014 = vector.shape_cast %broadcast_in_dim3A_3013 : vector<16x1xi32> to vector<16xi32>
      %gather3A_3015 = tpu.dynamic_gather %max3A_3009[%gather3A_3014] in [0] : vector<16xf32>, vector<16xi32> -> vector<16xf32>
      %max3A_3016 = arith.maximumf %max3A_3009, %gather3A_3015 : vector<16xf32>
      %xor3A_3017 = arith.constant 2 : i32
      %xor3A_3018 = vector.broadcast %xor3A_3017 : i32 to vector<16xi32>
      %xor3A_3019 = arith.xori %iota3A_3002, %xor3A_3018 : vector<16xi32>
      %broadcast_in_dim3A_3020 = vector.shape_cast %xor3A_3019 : vector<16xi32> to vector<16x1xi32>
      %gather3A_3021 = vector.shape_cast %broadcast_in_dim3A_3020 : vector<16x1xi32> to vector<16xi32>
      %gather3A_3022 = tpu.dynamic_gather %max3A_3016[%gather3A_3021] in [0] : vector<16xf32>, vector<16xi32> -> vector<16xf32>
      %max3A_3023 = arith.maximumf %max3A_3016, %gather3A_3022 : vector<16xf32>
      %xor3A_3024 = arith.constant 1 : i32
      %xor3A_3025 = vector.broadcast %xor3A_3024 : i32 to vector<16xi32>
      %xor3A_3026 = arith.xori %iota3A_3002, %xor3A_3025 : vector<16xi32>
      %broadcast_in_dim3A_3027 = vector.shape_cast %xor3A_3026 : vector<16xi32> to vector<16x1xi32>
      %gather3A_3028 = vector.shape_cast %broadcast_in_dim3A_3027 : vector<16x1xi32> to vector<16xi32>
      %gather3A_3029 = tpu.dynamic_gather %max3A_3023[%gather3A_3028] in [0] : vector<16xf32>, vector<16xi32> -> vector<16xf32>
      %max3A_3030 = arith.maximumf %max3A_3023, %gather3A_3029 : vector<16xf32>
      %eq3A_3031 = arith.constant 0 : i32
      %eq3A_3032 = vector.broadcast %eq3A_3031 : i32 to vector<16xi32>
      %eq3A_3033 = arith.cmpi eq, %iota3A, %eq3A_3032 : vector<16xi32>
      tpu.vector_store_idx %arg5[%min3A_2939], %max3A_3030 masked %eq3A_3033 : memref<80xf32, #tpu.memory_space<vmem>>[vector<16xi32>], vector<16xf32>, vector<16xi1>
    }
    %scan3A_2819 = arith.constant 64 : i32
    %mul3A_2820 = arith.constant 64 : i32
    %mul3A_2821 = arith.muli %arg1, %mul3A_2820 : i32
    "tpu.region"() ({
      %run_scoped3A = tpu.sem_alloc : memref<!tpu.dma_semaphore, #tpu.memory_space<semaphore_mem>>
      %dma_start3A = tpu.memref_slice %arg8[%mul3A_2821] : memref<1024xf32, #tpu.memory_space<vmem_shared>> -> memref<64xf32, #tpu.memory_space<vmem_shared>>
      %dma_start3A_2827 = tpu.memref_slice %arg8[%mul3A_2821] : memref<1024xf32, #tpu.memory_space<vmem_shared>> -> memref<64xf32, #tpu.memory_space<vmem_shared>>
      tpu.enqueue_dma source(%arg6 : memref<64xf32, #tpu.memory_space<vmem>>) target(%dma_start3A_2827 : memref<64xf32, #tpu.memory_space<vmem_shared>>) target_semaphore(%run_scoped3A : memref<!tpu.dma_semaphore, #tpu.memory_space<semaphore_mem>>)
      %dma_wait3A = tpu.memref_slice %arg8[%mul3A_2821] : memref<1024xf32, #tpu.memory_space<vmem_shared>> -> memref<64xf32, #tpu.memory_space<vmem_shared>>
      %dma_wait3A_2828 = tpu.memref_slice %arg8[%mul3A_2821] : memref<1024xf32, #tpu.memory_space<vmem_shared>> -> memref<64xf32, #tpu.memory_space<vmem_shared>>
      tpu.wait_dma2 semaphore(%run_scoped3A : memref<!tpu.dma_semaphore, #tpu.memory_space<semaphore_mem>>) src(%arg6 : memref<64xf32, #tpu.memory_space<vmem>>) dst(%dma_wait3A_2828 : memref<64xf32, #tpu.memory_space<vmem_shared>>)
      tpu.yield
    }) : () -> ()
    %mul3A_2822 = arith.constant 64 : i32
    %mul3A_2823 = arith.muli %arg1, %mul3A_2822 : i32
    "tpu.region"() ({
      %run_scoped3A = tpu.sem_alloc : memref<!tpu.dma_semaphore, #tpu.memory_space<semaphore_mem>>
      %dma_start3A = tpu.memref_slice %arg9[%mul3A_2823] : memref<1024xi32, #tpu.memory_space<vmem_shared>> -> memref<64xi32, #tpu.memory_space<vmem_shared>>
      %dma_start3A_2827 = tpu.memref_slice %arg9[%mul3A_2823] : memref<1024xi32, #tpu.memory_space<vmem_shared>> -> memref<64xi32, #tpu.memory_space<vmem_shared>>
      tpu.enqueue_dma source(%arg7 : memref<64xi32, #tpu.memory_space<vmem>>) target(%dma_start3A_2827 : memref<64xi32, #tpu.memory_space<vmem_shared>>) target_semaphore(%run_scoped3A : memref<!tpu.dma_semaphore, #tpu.memory_space<semaphore_mem>>)
      %dma_wait3A = tpu.memref_slice %arg9[%mul3A_2823] : memref<1024xi32, #tpu.memory_space<vmem_shared>> -> memref<64xi32, #tpu.memory_space<vmem_shared>>
      %dma_wait3A_2828 = tpu.memref_slice %arg9[%mul3A_2823] : memref<1024xi32, #tpu.memory_space<vmem_shared>> -> memref<64xi32, #tpu.memory_space<vmem_shared>>
      tpu.wait_dma2 semaphore(%run_scoped3A : memref<!tpu.dma_semaphore, #tpu.memory_space<semaphore_mem>>) src(%arg7 : memref<64xi32, #tpu.memory_space<vmem>>) dst(%dma_wait3A_2828 : memref<64xi32, #tpu.memory_space<vmem_shared>>)
      tpu.yield
    }) : () -> ()
    %barrier3A = arith.constant 0 : index
    tpu.barrier barrier_id(%barrier3A)
    %eq3A_2824 = arith.constant 0 : i32
    %eq3A_2825 = arith.cmpi eq, %arg1, %eq3A_2824 : i32
    %convert_element_type3A = arith.extui %eq3A_2825 : i1 to i32
    %cond3A = arith.constant 0 : i32
    %cond3A_2826 = arith.cmpi ne, %convert_element_type3A, %cond3A : i32
    scf.if %cond3A_2826 {
      "tpu.region"() ({
        %run_scoped3A = tpu.sem_alloc : memref<!tpu.dma_semaphore, #tpu.memory_space<semaphore_mem>>
        tpu.enqueue_dma source(%arg8 : memref<1024xf32, #tpu.memory_space<vmem_shared>>) target(%arg10 : memref<1024xf32, #tpu.memory_space<vmem>>) target_semaphore(%run_scoped3A : memref<!tpu.dma_semaphore, #tpu.memory_space<semaphore_mem>>)
        tpu.wait_dma2 semaphore(%run_scoped3A : memref<!tpu.dma_semaphore, #tpu.memory_space<semaphore_mem>>) src(%arg8 : memref<1024xf32, #tpu.memory_space<vmem_shared>>) dst(%arg10 : memref<1024xf32, #tpu.memory_space<vmem>>)
        tpu.yield
      }) : () -> ()
      "tpu.region"() ({
        %run_scoped3A = tpu.sem_alloc : memref<!tpu.dma_semaphore, #tpu.memory_space<semaphore_mem>>
        tpu.enqueue_dma source(%arg9 : memref<1024xi32, #tpu.memory_space<vmem_shared>>) target(%arg11 : memref<1024xi32, #tpu.memory_space<vmem>>) target_semaphore(%run_scoped3A : memref<!tpu.dma_semaphore, #tpu.memory_space<semaphore_mem>>)
        tpu.wait_dma2 semaphore(%run_scoped3A : memref<!tpu.dma_semaphore, #tpu.memory_space<semaphore_mem>>) src(%arg9 : memref<1024xi32, #tpu.memory_space<vmem_shared>>) dst(%arg11 : memref<1024xi32, #tpu.memory_space<vmem>>)
        tpu.yield
      }) : () -> ()
      %broadcast_in_dim3A_2827 = arith.constant 0 : i32
      %broadcast_in_dim3A_2828 = vector.broadcast %broadcast_in_dim3A_2827 : i32 to vector<16xi32>
      %scan3A_2829 = arith.constant 0 : i32
      %scan3A_2830 = arith.constant 64 : i32
      %scan3A_2831 = arith.addi %scan3A_2829, %scan3A_2830 : i32
      %scan3A_2832 = arith.constant 1 : i32
      %scan3A_2833 = scf.for %scan3A_2837 = %scan3A_2829 to %scan3A_2831 step %scan3A_2832 iter_args(%scan3A_2838 = %broadcast_in_dim3A_2828) -> (vector<16xi32>)  : i32 {
        %mul3A_2839 = arith.constant 64 : i32
        %mul3A_2840 = vector.broadcast %mul3A_2839 : i32 to vector<16xi32>
        %mul3A_2841 = arith.muli %iota3A, %mul3A_2840 : vector<16xi32>
        %add3A_2842 = arith.addi %mul3A_2841, %scan3A_2838 : vector<16xi32>
        %gather3A_2843 = tpu.vector_load_idx %arg10[%add3A_2842] : memref<1024xf32, #tpu.memory_space<vmem>>[vector<16xi32>], vector<16xf32>,
        %mul3A_2844 = arith.constant 64 : i32
        %mul3A_2845 = vector.broadcast %mul3A_2844 : i32 to vector<16xi32>
        %mul3A_2846 = arith.muli %iota3A, %mul3A_2845 : vector<16xi32>
        %add3A_2847 = arith.addi %mul3A_2846, %scan3A_2838 : vector<16xi32>
        %gather3A_2848 = tpu.vector_load_idx %arg11[%add3A_2847] : memref<1024xi32, #tpu.memory_space<vmem>>[vector<16xi32>], vector<16xi32>,
        %iota3A_2849 = tpu.iota {dimensions = array<i32: 0>} : vector<16xi32>
        %xor3A_2850 = arith.constant 8 : i32
        %xor3A_2851 = vector.broadcast %xor3A_2850 : i32 to vector<16xi32>
        %xor3A_2852 = arith.xori %iota3A_2849, %xor3A_2851 : vector<16xi32>
        %broadcast_in_dim3A_2853 = vector.shape_cast %xor3A_2852 : vector<16xi32> to vector<16x1xi32>
        %gather3A_2854 = vector.shape_cast %broadcast_in_dim3A_2853 : vector<16x1xi32> to vector<16xi32>
        %gather3A_2855 = tpu.dynamic_gather %gather3A_2843[%gather3A_2854] in [0] : vector<16xf32>, vector<16xi32> -> vector<16xf32>
        %max3A_2856 = arith.maximumf %gather3A_2843, %gather3A_2855 : vector<16xf32>
        %xor3A_2857 = arith.constant 4 : i32
        %xor3A_2858 = vector.broadcast %xor3A_2857 : i32 to vector<16xi32>
        %xor3A_2859 = arith.xori %iota3A_2849, %xor3A_2858 : vector<16xi32>
        %broadcast_in_dim3A_2860 = vector.shape_cast %xor3A_2859 : vector<16xi32> to vector<16x1xi32>
        %gather3A_2861 = vector.shape_cast %broadcast_in_dim3A_2860 : vector<16x1xi32> to vector<16xi32>
        %gather3A_2862 = tpu.dynamic_gather %max3A_2856[%gather3A_2861] in [0] : vector<16xf32>, vector<16xi32> -> vector<16xf32>
        %max3A_2863 = arith.maximumf %max3A_2856, %gather3A_2862 : vector<16xf32>
        %xor3A_2864 = arith.constant 2 : i32
        %xor3A_2865 = vector.broadcast %xor3A_2864 : i32 to vector<16xi32>
        %xor3A_2866 = arith.xori %iota3A_2849, %xor3A_2865 : vector<16xi32>
        %broadcast_in_dim3A_2867 = vector.shape_cast %xor3A_2866 : vector<16xi32> to vector<16x1xi32>
        %gather3A_2868 = vector.shape_cast %broadcast_in_dim3A_2867 : vector<16x1xi32> to vector<16xi32>
        %gather3A_2869 = tpu.dynamic_gather %max3A_2863[%gather3A_2868] in [0] : vector<16xf32>, vector<16xi32> -> vector<16xf32>
        %max3A_2870 = arith.maximumf %max3A_2863, %gather3A_2869 : vector<16xf32>
        %xor3A_2871 = arith.constant 1 : i32
        %xor3A_2872 = vector.broadcast %xor3A_2871 : i32 to vector<16xi32>
        %xor3A_2873 = arith.xori %iota3A_2849, %xor3A_2872 : vector<16xi32>
        %broadcast_in_dim3A_2874 = vector.shape_cast %xor3A_2873 : vector<16xi32> to vector<16x1xi32>
        %gather3A_2875 = vector.shape_cast %broadcast_in_dim3A_2874 : vector<16x1xi32> to vector<16xi32>
        %gather3A_2876 = tpu.dynamic_gather %max3A_2870[%gather3A_2875] in [0] : vector<16xf32>, vector<16xi32> -> vector<16xf32>
        %max3A_2877 = arith.maximumf %max3A_2870, %gather3A_2876 : vector<16xf32>
        %eq3A_2878 = arith.cmpf oeq, %gather3A_2843, %max3A_2877 : vector<16xf32>
        %jit3A = arith.constant 1073741824 : i32
        %broadcast_in_dim3A_2879 = vector.broadcast %jit3A : i32 to vector<16xi32>
        %select_n3A_2880 = arith.select %eq3A_2878, %gather3A_2848, %broadcast_in_dim3A_2879 : vector<16xi1>, vector<16xi32>
        %iota3A_2881 = tpu.iota {dimensions = array<i32: 0>} : vector<16xi32>
        %xor3A_2882 = arith.constant 8 : i32
        %xor3A_2883 = vector.broadcast %xor3A_2882 : i32 to vector<16xi32>
        %xor3A_2884 = arith.xori %iota3A_2881, %xor3A_2883 : vector<16xi32>
        %broadcast_in_dim3A_2885 = vector.shape_cast %xor3A_2884 : vector<16xi32> to vector<16x1xi32>
        %gather3A_2886 = vector.shape_cast %broadcast_in_dim3A_2885 : vector<16x1xi32> to vector<16xi32>
        %gather3A_2887 = tpu.dynamic_gather %select_n3A_2880[%gather3A_2886] in [0] : vector<16xi32>, vector<16xi32> -> vector<16xi32>
        %min3A = arith.minsi %select_n3A_2880, %gather3A_2887 : vector<16xi32>
        %xor3A_2888 = arith.constant 4 : i32
        %xor3A_2889 = vector.broadcast %xor3A_2888 : i32 to vector<16xi32>
        %xor3A_2890 = arith.xori %iota3A_2881, %xor3A_2889 : vector<16xi32>
        %broadcast_in_dim3A_2891 = vector.shape_cast %xor3A_2890 : vector<16xi32> to vector<16x1xi32>
        %gather3A_2892 = vector.shape_cast %broadcast_in_dim3A_2891 : vector<16x1xi32> to vector<16xi32>
        %gather3A_2893 = tpu.dynamic_gather %min3A[%gather3A_2892] in [0] : vector<16xi32>, vector<16xi32> -> vector<16xi32>
        %min3A_2894 = arith.minsi %min3A, %gather3A_2893 : vector<16xi32>
        %xor3A_2895 = arith.constant 2 : i32
        %xor3A_2896 = vector.broadcast %xor3A_2895 : i32 to vector<16xi32>
        %xor3A_2897 = arith.xori %iota3A_2881, %xor3A_2896 : vector<16xi32>
        %broadcast_in_dim3A_2898 = vector.shape_cast %xor3A_2897 : vector<16xi32> to vector<16x1xi32>
        %gather3A_2899 = vector.shape_cast %broadcast_in_dim3A_2898 : vector<16x1xi32> to vector<16xi32>
        %gather3A_2900 = tpu.dynamic_gather %min3A_2894[%gather3A_2899] in [0] : vector<16xi32>, vector<16xi32> -> vector<16xi32>
        %min3A_2901 = arith.minsi %min3A_2894, %gather3A_2900 : vector<16xi32>
        %xor3A_2902 = arith.constant 1 : i32
        %xor3A_2903 = vector.broadcast %xor3A_2902 : i32 to vector<16xi32>
        %xor3A_2904 = arith.xori %iota3A_2881, %xor3A_2903 : vector<16xi32>
        %broadcast_in_dim3A_2905 = vector.shape_cast %xor3A_2904 : vector<16xi32> to vector<16x1xi32>
        %gather3A_2906 = vector.shape_cast %broadcast_in_dim3A_2905 : vector<16x1xi32> to vector<16xi32>
        %gather3A_2907 = tpu.dynamic_gather %min3A_2901[%gather3A_2906] in [0] : vector<16xi32>, vector<16xi32> -> vector<16xi32>
        %min3A_2908 = arith.minsi %min3A_2901, %gather3A_2907 : vector<16xi32>
        %broadcast_in_dim3A_2909 = vector.broadcast %scan3A_2837 : i32 to vector<16xi32>
        %iota3A_2910 = tpu.iota {dimensions = array<i32: 0>} : vector<16xi32>
        %eq3A_2911 = arith.constant 0 : i32
        %eq3A_2912 = vector.broadcast %eq3A_2911 : i32 to vector<16xi32>
        %eq3A_2913 = arith.cmpi eq, %iota3A_2910, %eq3A_2912 : vector<16xi32>
        tpu.vector_store_idx %arg12[%broadcast_in_dim3A_2909], %min3A_2908 masked %eq3A_2913 : memref<64xi32, #tpu.memory_space<vmem>>[vector<16xi32>], vector<16xi32>, vector<16xi1>
        %eq3A_2914 = arith.cmpi eq, %gather3A_2848, %min3A_2908 : vector<16xi32>
        %and3A = arith.andi %eq3A_2878, %eq3A_2914 : vector<16xi1>
        %convert_element_type3A_2915 = arith.extui %and3A : vector<16xi1> to vector<16xi32>
        %add3A_2916 = arith.addi %scan3A_2838, %convert_element_type3A_2915 : vector<16xi32>
        scf.yield %add3A_2916 : vector<16xi32>
      }
      %scan3A_2834 = arith.constant 64 : i32
      %mul3A_2835 = arith.constant 64 : i32
      %mul3A_2836 = arith.muli %arg0, %mul3A_2835 : i32
      "tpu.region"() ({
        %run_scoped3A = tpu.sem_alloc : memref<!tpu.dma_semaphore, #tpu.memory_space<semaphore_mem>>
        %dma_start3A = tpu.memref_slice %arg3[%mul3A_2836] : memref<128xi32, #tpu.memory_space<hbm>> -> memref<64xi32, #tpu.memory_space<hbm>>
        %dma_start3A_2837 = tpu.memref_slice %arg3[%mul3A_2836] : memref<128xi32, #tpu.memory_space<hbm>> -> memref<64xi32, #tpu.memory_space<hbm>>
        tpu.enqueue_dma source(%arg12 : memref<64xi32, #tpu.memory_space<vmem>>) target(%dma_start3A_2837 : memref<64xi32, #tpu.memory_space<hbm>>) target_semaphore(%run_scoped3A : memref<!tpu.dma_semaphore, #tpu.memory_space<semaphore_mem>>)
        %dma_wait3A = tpu.memref_slice %arg3[%mul3A_2836] : memref<128xi32, #tpu.memory_space<hbm>> -> memref<64xi32, #tpu.memory_space<hbm>>
        %dma_wait3A_2838 = tpu.memref_slice %arg3[%mul3A_2836] : memref<128xi32, #tpu.memory_space<hbm>> -> memref<64xi32, #tpu.memory_space<hbm>>
        tpu.wait_dma2 semaphore(%run_scoped3A : memref<!tpu.dma_semaphore, #tpu.memory_space<semaphore_mem>>) src(%arg12 : memref<64xi32, #tpu.memory_space<vmem>>) dst(%dma_wait3A_2838 : memref<64xi32, #tpu.memory_space<hbm>>)
        tpu.yield
      }) : () -> ()
    } else {
    }
    return
  }
}

module attributes {stable_mosaic.version = 14 : i64} {
  func.func @_iou_body(%arg0: memref<64x4xf32, #tpu.memory_space<smem>>, %arg1: memref<160x128xf32, #tpu.memory_space<vmem>>, %arg2: memref<160x128xf32, #tpu.memory_space<vmem>>, %arg3: memref<160x128xf32, #tpu.memory_space<vmem>>, %arg4: memref<160x128xf32, #tpu.memory_space<vmem>>, %arg5: memref<2x160x128xf32, #tpu.memory_space<vmem>>, %arg6: memref<160x128xi32, #tpu.memory_space<vmem>>) attributes {dimension_semantics = [], scalar_prefetch = 0 : i64, scratch_operands = 0 : i64, tpu.core_type = #tpu.core_type<tc>} {
    %get3A = arith.constant 0 : index
    %get3A_0 = arith.constant 0 : index
    %get3A_1 = vector.load %arg1[%get3A, %get3A_0] : memref<160x128xf32, #tpu.memory_space<vmem>>, vector<160x128xf32>
    %get3A_2 = arith.constant 0 : index
    %get3A_3 = arith.constant 0 : index
    %get3A_4 = vector.load %arg2[%get3A_2, %get3A_3] : memref<160x128xf32, #tpu.memory_space<vmem>>, vector<160x128xf32>
    %get3A_5 = arith.constant 0 : index
    %get3A_6 = arith.constant 0 : index
    %get3A_7 = vector.load %arg3[%get3A_5, %get3A_6] : memref<160x128xf32, #tpu.memory_space<vmem>>, vector<160x128xf32>
    %get3A_8 = arith.constant 0 : index
    %get3A_9 = arith.constant 0 : index
    %get3A_10 = vector.load %arg4[%get3A_8, %get3A_9] : memref<160x128xf32, #tpu.memory_space<vmem>>, vector<160x128xf32>
    %sub3A = arith.subf %get3A_7, %get3A_1 : vector<160x128xf32>
    %add3A = arith.constant 1.000000e+00 : f32
    %add3A_11 = vector.broadcast %add3A : f32 to vector<160x128xf32>
    %add3A_12 = arith.addf %sub3A, %add3A_11 : vector<160x128xf32>
    %sub3A_13 = arith.subf %get3A_10, %get3A_4 : vector<160x128xf32>
    %add3A_14 = arith.constant 1.000000e+00 : f32
    %add3A_15 = vector.broadcast %add3A_14 : f32 to vector<160x128xf32>
    %add3A_16 = arith.addf %sub3A_13, %add3A_15 : vector<160x128xf32>
    %mul3A = arith.mulf %add3A_12, %add3A_16 : vector<160x128xf32>
    %broadcast_in_dim3A = arith.constant -1.000000e+00 : f32
    %broadcast_in_dim3A_17 = vector.broadcast %broadcast_in_dim3A : f32 to vector<160x128xf32>
    %broadcast_in_dim3A_18 = arith.constant 0 : i32
    %broadcast_in_dim3A_19 = vector.broadcast %broadcast_in_dim3A_18 : i32 to vector<160x128xi32>
    %scan3A = arith.constant 0 : i32
    %scan3A_20 = arith.constant 16 : i32
    %scan3A_21 = arith.addi %scan3A, %scan3A_20 : i32
    %scan3A_22 = arith.constant 1 : i32
    %scan3A_23:2 = scf.for %scan3A_66 = %scan3A to %scan3A_21 step %scan3A_22 iter_args(%scan3A_67 = %broadcast_in_dim3A_17, %scan3A_68 = %broadcast_in_dim3A_19) -> (vector<160x128xf32>, vector<160x128xi32>)  : i32 {
      %mul3A_69 = arith.constant 4 : i32
      %mul3A_70 = arith.muli %scan3A_66, %mul3A_69 : i32
      %add3A_71 = arith.constant 0 : i32
      %add3A_72 = arith.addi %mul3A_70, %add3A_71 : i32
      %get3A_73 = arith.index_cast %add3A_72 : i32 to index
      %get3A_74 = arith.constant 0 : index
      %get3A_75 = memref.load %arg0[%get3A_73, %get3A_74] : memref<64x4xf32, #tpu.memory_space<smem>>
      %get3A_76 = arith.index_cast %add3A_72 : i32 to index
      %get3A_77 = arith.constant 1 : index
      %get3A_78 = memref.load %arg0[%get3A_76, %get3A_77] : memref<64x4xf32, #tpu.memory_space<smem>>
      %get3A_79 = arith.index_cast %add3A_72 : i32 to index
      %get3A_80 = arith.constant 2 : index
      %get3A_81 = memref.load %arg0[%get3A_79, %get3A_80] : memref<64x4xf32, #tpu.memory_space<smem>>
      %get3A_82 = arith.index_cast %add3A_72 : i32 to index
      %get3A_83 = arith.constant 3 : index
      %get3A_84 = memref.load %arg0[%get3A_82, %get3A_83] : memref<64x4xf32, #tpu.memory_space<smem>>
      %sub3A_85 = arith.subf %get3A_81, %get3A_75 : f32
      %add3A_86 = arith.constant 1.000000e+00 : f32
      %add3A_87 = arith.addf %sub3A_85, %add3A_86 : f32
      %sub3A_88 = arith.subf %get3A_84, %get3A_78 : f32
      %add3A_89 = arith.constant 1.000000e+00 : f32
      %add3A_90 = arith.addf %sub3A_88, %add3A_89 : f32
      %mul3A_91 = arith.mulf %add3A_87, %add3A_90 : f32
      %min3A = vector.broadcast %get3A_81 : f32 to vector<160x128xf32>
      %min3A_92 = arith.minimumf %get3A_7, %min3A : vector<160x128xf32>
      %max3A = vector.broadcast %get3A_75 : f32 to vector<160x128xf32>
      %max3A_93 = arith.maximumf %get3A_1, %max3A : vector<160x128xf32>
      %sub3A_94 = arith.subf %min3A_92, %max3A_93 : vector<160x128xf32>
      %add3A_95 = arith.constant 1.000000e+00 : f32
      %add3A_96 = vector.broadcast %add3A_95 : f32 to vector<160x128xf32>
      %add3A_97 = arith.addf %sub3A_94, %add3A_96 : vector<160x128xf32>
      %max3A_98 = arith.constant 0.000000e+00 : f32
      %max3A_99 = vector.broadcast %max3A_98 : f32 to vector<160x128xf32>
      %max3A_100 = arith.maximumf %add3A_97, %max3A_99 : vector<160x128xf32>
      %min3A_101 = vector.broadcast %get3A_84 : f32 to vector<160x128xf32>
      %min3A_102 = arith.minimumf %get3A_10, %min3A_101 : vector<160x128xf32>
      %max3A_103 = vector.broadcast %get3A_78 : f32 to vector<160x128xf32>
      %max3A_104 = arith.maximumf %get3A_4, %max3A_103 : vector<160x128xf32>
      %sub3A_105 = arith.subf %min3A_102, %max3A_104 : vector<160x128xf32>
      %add3A_106 = arith.constant 1.000000e+00 : f32
      %add3A_107 = vector.broadcast %add3A_106 : f32 to vector<160x128xf32>
      %add3A_108 = arith.addf %sub3A_105, %add3A_107 : vector<160x128xf32>
      %max3A_109 = arith.constant 0.000000e+00 : f32
      %max3A_110 = vector.broadcast %max3A_109 : f32 to vector<160x128xf32>
      %max3A_111 = arith.maximumf %add3A_108, %max3A_110 : vector<160x128xf32>
      %mul3A_112 = arith.mulf %max3A_100, %max3A_111 : vector<160x128xf32>
      %add3A_113 = vector.broadcast %mul3A_91 : f32 to vector<160x128xf32>
      %add3A_114 = arith.addf %mul3A, %add3A_113 : vector<160x128xf32>
      %sub3A_115 = arith.subf %add3A_114, %mul3A_112 : vector<160x128xf32>
      %max3A_116 = arith.constant 9.99999993E-9 : f32
      %max3A_117 = vector.broadcast %max3A_116 : f32 to vector<160x128xf32>
      %max3A_118 = arith.maximumf %sub3A_115, %max3A_117 : vector<160x128xf32>
      %div3A = arith.divf %mul3A_112, %max3A_118 : vector<160x128xf32>
      %gt3A = arith.cmpf ogt, %div3A, %scan3A_67 : vector<160x128xf32>
      %add3A_119 = arith.constant 0 : i32
      %add3A_120 = arith.addi %mul3A_70, %add3A_119 : i32
      %broadcast_in_dim3A_121 = vector.broadcast %add3A_120 : i32 to vector<160x128xi32>
      %select_n3A_122 = arith.select %gt3A, %broadcast_in_dim3A_121, %scan3A_68 : vector<160x128xi1>, vector<160x128xi32>
      %max3A_123 = arith.maximumf %scan3A_67, %div3A : vector<160x128xf32>
      %add3A_124 = arith.constant 1 : i32
      %add3A_125 = arith.addi %mul3A_70, %add3A_124 : i32
      %get3A_126 = arith.index_cast %add3A_125 : i32 to index
      %get3A_127 = arith.constant 0 : index
      %get3A_128 = memref.load %arg0[%get3A_126, %get3A_127] : memref<64x4xf32, #tpu.memory_space<smem>>
      %get3A_129 = arith.index_cast %add3A_125 : i32 to index
      %get3A_130 = arith.constant 1 : index
      %get3A_131 = memref.load %arg0[%get3A_129, %get3A_130] : memref<64x4xf32, #tpu.memory_space<smem>>
      %get3A_132 = arith.index_cast %add3A_125 : i32 to index
      %get3A_133 = arith.constant 2 : index
      %get3A_134 = memref.load %arg0[%get3A_132, %get3A_133] : memref<64x4xf32, #tpu.memory_space<smem>>
      %get3A_135 = arith.index_cast %add3A_125 : i32 to index
      %get3A_136 = arith.constant 3 : index
      %get3A_137 = memref.load %arg0[%get3A_135, %get3A_136] : memref<64x4xf32, #tpu.memory_space<smem>>
      %sub3A_138 = arith.subf %get3A_134, %get3A_128 : f32
      %add3A_139 = arith.constant 1.000000e+00 : f32
      %add3A_140 = arith.addf %sub3A_138, %add3A_139 : f32
      %sub3A_141 = arith.subf %get3A_137, %get3A_131 : f32
      %add3A_142 = arith.constant 1.000000e+00 : f32
      %add3A_143 = arith.addf %sub3A_141, %add3A_142 : f32
      %mul3A_144 = arith.mulf %add3A_140, %add3A_143 : f32
      %min3A_145 = vector.broadcast %get3A_134 : f32 to vector<160x128xf32>
      %min3A_146 = arith.minimumf %get3A_7, %min3A_145 : vector<160x128xf32>
      %max3A_147 = vector.broadcast %get3A_128 : f32 to vector<160x128xf32>
      %max3A_148 = arith.maximumf %get3A_1, %max3A_147 : vector<160x128xf32>
      %sub3A_149 = arith.subf %min3A_146, %max3A_148 : vector<160x128xf32>
      %add3A_150 = arith.constant 1.000000e+00 : f32
      %add3A_151 = vector.broadcast %add3A_150 : f32 to vector<160x128xf32>
      %add3A_152 = arith.addf %sub3A_149, %add3A_151 : vector<160x128xf32>
      %max3A_153 = arith.constant 0.000000e+00 : f32
      %max3A_154 = vector.broadcast %max3A_153 : f32 to vector<160x128xf32>
      %max3A_155 = arith.maximumf %add3A_152, %max3A_154 : vector<160x128xf32>
      %min3A_156 = vector.broadcast %get3A_137 : f32 to vector<160x128xf32>
      %min3A_157 = arith.minimumf %get3A_10, %min3A_156 : vector<160x128xf32>
      %max3A_158 = vector.broadcast %get3A_131 : f32 to vector<160x128xf32>
      %max3A_159 = arith.maximumf %get3A_4, %max3A_158 : vector<160x128xf32>
      %sub3A_160 = arith.subf %min3A_157, %max3A_159 : vector<160x128xf32>
      %add3A_161 = arith.constant 1.000000e+00 : f32
      %add3A_162 = vector.broadcast %add3A_161 : f32 to vector<160x128xf32>
      %add3A_163 = arith.addf %sub3A_160, %add3A_162 : vector<160x128xf32>
      %max3A_164 = arith.constant 0.000000e+00 : f32
      %max3A_165 = vector.broadcast %max3A_164 : f32 to vector<160x128xf32>
      %max3A_166 = arith.maximumf %add3A_163, %max3A_165 : vector<160x128xf32>
      %mul3A_167 = arith.mulf %max3A_155, %max3A_166 : vector<160x128xf32>
      %add3A_168 = vector.broadcast %mul3A_144 : f32 to vector<160x128xf32>
      %add3A_169 = arith.addf %mul3A, %add3A_168 : vector<160x128xf32>
      %sub3A_170 = arith.subf %add3A_169, %mul3A_167 : vector<160x128xf32>
      %max3A_171 = arith.constant 9.99999993E-9 : f32
      %max3A_172 = vector.broadcast %max3A_171 : f32 to vector<160x128xf32>
      %max3A_173 = arith.maximumf %sub3A_170, %max3A_172 : vector<160x128xf32>
      %div3A_174 = arith.divf %mul3A_167, %max3A_173 : vector<160x128xf32>
      %gt3A_175 = arith.cmpf ogt, %div3A_174, %max3A_123 : vector<160x128xf32>
      %add3A_176 = arith.constant 1 : i32
      %add3A_177 = arith.addi %mul3A_70, %add3A_176 : i32
      %broadcast_in_dim3A_178 = vector.broadcast %add3A_177 : i32 to vector<160x128xi32>
      %select_n3A_179 = arith.select %gt3A_175, %broadcast_in_dim3A_178, %select_n3A_122 : vector<160x128xi1>, vector<160x128xi32>
      %max3A_180 = arith.maximumf %max3A_123, %div3A_174 : vector<160x128xf32>
      %add3A_181 = arith.constant 2 : i32
      %add3A_182 = arith.addi %mul3A_70, %add3A_181 : i32
      %get3A_183 = arith.index_cast %add3A_182 : i32 to index
      %get3A_184 = arith.constant 0 : index
      %get3A_185 = memref.load %arg0[%get3A_183, %get3A_184] : memref<64x4xf32, #tpu.memory_space<smem>>
      %get3A_186 = arith.index_cast %add3A_182 : i32 to index
      %get3A_187 = arith.constant 1 : index
      %get3A_188 = memref.load %arg0[%get3A_186, %get3A_187] : memref<64x4xf32, #tpu.memory_space<smem>>
      %get3A_189 = arith.index_cast %add3A_182 : i32 to index
      %get3A_190 = arith.constant 2 : index
      %get3A_191 = memref.load %arg0[%get3A_189, %get3A_190] : memref<64x4xf32, #tpu.memory_space<smem>>
      %get3A_192 = arith.index_cast %add3A_182 : i32 to index
      %get3A_193 = arith.constant 3 : index
      %get3A_194 = memref.load %arg0[%get3A_192, %get3A_193] : memref<64x4xf32, #tpu.memory_space<smem>>
      %sub3A_195 = arith.subf %get3A_191, %get3A_185 : f32
      %add3A_196 = arith.constant 1.000000e+00 : f32
      %add3A_197 = arith.addf %sub3A_195, %add3A_196 : f32
      %sub3A_198 = arith.subf %get3A_194, %get3A_188 : f32
      %add3A_199 = arith.constant 1.000000e+00 : f32
      %add3A_200 = arith.addf %sub3A_198, %add3A_199 : f32
      %mul3A_201 = arith.mulf %add3A_197, %add3A_200 : f32
      %min3A_202 = vector.broadcast %get3A_191 : f32 to vector<160x128xf32>
      %min3A_203 = arith.minimumf %get3A_7, %min3A_202 : vector<160x128xf32>
      %max3A_204 = vector.broadcast %get3A_185 : f32 to vector<160x128xf32>
      %max3A_205 = arith.maximumf %get3A_1, %max3A_204 : vector<160x128xf32>
      %sub3A_206 = arith.subf %min3A_203, %max3A_205 : vector<160x128xf32>
      %add3A_207 = arith.constant 1.000000e+00 : f32
      %add3A_208 = vector.broadcast %add3A_207 : f32 to vector<160x128xf32>
      %add3A_209 = arith.addf %sub3A_206, %add3A_208 : vector<160x128xf32>
      %max3A_210 = arith.constant 0.000000e+00 : f32
      %max3A_211 = vector.broadcast %max3A_210 : f32 to vector<160x128xf32>
      %max3A_212 = arith.maximumf %add3A_209, %max3A_211 : vector<160x128xf32>
      %min3A_213 = vector.broadcast %get3A_194 : f32 to vector<160x128xf32>
      %min3A_214 = arith.minimumf %get3A_10, %min3A_213 : vector<160x128xf32>
      %max3A_215 = vector.broadcast %get3A_188 : f32 to vector<160x128xf32>
      %max3A_216 = arith.maximumf %get3A_4, %max3A_215 : vector<160x128xf32>
      %sub3A_217 = arith.subf %min3A_214, %max3A_216 : vector<160x128xf32>
      %add3A_218 = arith.constant 1.000000e+00 : f32
      %add3A_219 = vector.broadcast %add3A_218 : f32 to vector<160x128xf32>
      %add3A_220 = arith.addf %sub3A_217, %add3A_219 : vector<160x128xf32>
      %max3A_221 = arith.constant 0.000000e+00 : f32
      %max3A_222 = vector.broadcast %max3A_221 : f32 to vector<160x128xf32>
      %max3A_223 = arith.maximumf %add3A_220, %max3A_222 : vector<160x128xf32>
      %mul3A_224 = arith.mulf %max3A_212, %max3A_223 : vector<160x128xf32>
      %add3A_225 = vector.broadcast %mul3A_201 : f32 to vector<160x128xf32>
      %add3A_226 = arith.addf %mul3A, %add3A_225 : vector<160x128xf32>
      %sub3A_227 = arith.subf %add3A_226, %mul3A_224 : vector<160x128xf32>
      %max3A_228 = arith.constant 9.99999993E-9 : f32
      %max3A_229 = vector.broadcast %max3A_228 : f32 to vector<160x128xf32>
      %max3A_230 = arith.maximumf %sub3A_227, %max3A_229 : vector<160x128xf32>
      %div3A_231 = arith.divf %mul3A_224, %max3A_230 : vector<160x128xf32>
      %gt3A_232 = arith.cmpf ogt, %div3A_231, %max3A_180 : vector<160x128xf32>
      %add3A_233 = arith.constant 2 : i32
      %add3A_234 = arith.addi %mul3A_70, %add3A_233 : i32
      %broadcast_in_dim3A_235 = vector.broadcast %add3A_234 : i32 to vector<160x128xi32>
      %select_n3A_236 = arith.select %gt3A_232, %broadcast_in_dim3A_235, %select_n3A_179 : vector<160x128xi1>, vector<160x128xi32>
      %max3A_237 = arith.maximumf %max3A_180, %div3A_231 : vector<160x128xf32>
      %add3A_238 = arith.constant 3 : i32
      %add3A_239 = arith.addi %mul3A_70, %add3A_238 : i32
      %get3A_240 = arith.index_cast %add3A_239 : i32 to index
      %get3A_241 = arith.constant 0 : index
      %get3A_242 = memref.load %arg0[%get3A_240, %get3A_241] : memref<64x4xf32, #tpu.memory_space<smem>>
      %get3A_243 = arith.index_cast %add3A_239 : i32 to index
      %get3A_244 = arith.constant 1 : index
      %get3A_245 = memref.load %arg0[%get3A_243, %get3A_244] : memref<64x4xf32, #tpu.memory_space<smem>>
      %get3A_246 = arith.index_cast %add3A_239 : i32 to index
      %get3A_247 = arith.constant 2 : index
      %get3A_248 = memref.load %arg0[%get3A_246, %get3A_247] : memref<64x4xf32, #tpu.memory_space<smem>>
      %get3A_249 = arith.index_cast %add3A_239 : i32 to index
      %get3A_250 = arith.constant 3 : index
      %get3A_251 = memref.load %arg0[%get3A_249, %get3A_250] : memref<64x4xf32, #tpu.memory_space<smem>>
      %sub3A_252 = arith.subf %get3A_248, %get3A_242 : f32
      %add3A_253 = arith.constant 1.000000e+00 : f32
      %add3A_254 = arith.addf %sub3A_252, %add3A_253 : f32
      %sub3A_255 = arith.subf %get3A_251, %get3A_245 : f32
      %add3A_256 = arith.constant 1.000000e+00 : f32
      %add3A_257 = arith.addf %sub3A_255, %add3A_256 : f32
      %mul3A_258 = arith.mulf %add3A_254, %add3A_257 : f32
      %min3A_259 = vector.broadcast %get3A_248 : f32 to vector<160x128xf32>
      %min3A_260 = arith.minimumf %get3A_7, %min3A_259 : vector<160x128xf32>
      %max3A_261 = vector.broadcast %get3A_242 : f32 to vector<160x128xf32>
      %max3A_262 = arith.maximumf %get3A_1, %max3A_261 : vector<160x128xf32>
      %sub3A_263 = arith.subf %min3A_260, %max3A_262 : vector<160x128xf32>
      %add3A_264 = arith.constant 1.000000e+00 : f32
      %add3A_265 = vector.broadcast %add3A_264 : f32 to vector<160x128xf32>
      %add3A_266 = arith.addf %sub3A_263, %add3A_265 : vector<160x128xf32>
      %max3A_267 = arith.constant 0.000000e+00 : f32
      %max3A_268 = vector.broadcast %max3A_267 : f32 to vector<160x128xf32>
      %max3A_269 = arith.maximumf %add3A_266, %max3A_268 : vector<160x128xf32>
      %min3A_270 = vector.broadcast %get3A_251 : f32 to vector<160x128xf32>
      %min3A_271 = arith.minimumf %get3A_10, %min3A_270 : vector<160x128xf32>
      %max3A_272 = vector.broadcast %get3A_245 : f32 to vector<160x128xf32>
      %max3A_273 = arith.maximumf %get3A_4, %max3A_272 : vector<160x128xf32>
      %sub3A_274 = arith.subf %min3A_271, %max3A_273 : vector<160x128xf32>
      %add3A_275 = arith.constant 1.000000e+00 : f32
      %add3A_276 = vector.broadcast %add3A_275 : f32 to vector<160x128xf32>
      %add3A_277 = arith.addf %sub3A_274, %add3A_276 : vector<160x128xf32>
      %max3A_278 = arith.constant 0.000000e+00 : f32
      %max3A_279 = vector.broadcast %max3A_278 : f32 to vector<160x128xf32>
      %max3A_280 = arith.maximumf %add3A_277, %max3A_279 : vector<160x128xf32>
      %mul3A_281 = arith.mulf %max3A_269, %max3A_280 : vector<160x128xf32>
      %add3A_282 = vector.broadcast %mul3A_258 : f32 to vector<160x128xf32>
      %add3A_283 = arith.addf %mul3A, %add3A_282 : vector<160x128xf32>
      %sub3A_284 = arith.subf %add3A_283, %mul3A_281 : vector<160x128xf32>
      %max3A_285 = arith.constant 9.99999993E-9 : f32
      %max3A_286 = vector.broadcast %max3A_285 : f32 to vector<160x128xf32>
      %max3A_287 = arith.maximumf %sub3A_284, %max3A_286 : vector<160x128xf32>
      %div3A_288 = arith.divf %mul3A_281, %max3A_287 : vector<160x128xf32>
      %gt3A_289 = arith.cmpf ogt, %div3A_288, %max3A_237 : vector<160x128xf32>
      %add3A_290 = arith.constant 3 : i32
      %add3A_291 = arith.addi %mul3A_70, %add3A_290 : i32
      %broadcast_in_dim3A_292 = vector.broadcast %add3A_291 : i32 to vector<160x128xi32>
      %select_n3A_293 = arith.select %gt3A_289, %broadcast_in_dim3A_292, %select_n3A_236 : vector<160x128xi1>, vector<160x128xi32>
      %max3A_294 = arith.maximumf %max3A_237, %div3A_288 : vector<160x128xf32>
      scf.yield %max3A_294, %select_n3A_293 : vector<160x128xf32>, vector<160x128xi32>
    }
    %scan3A_24 = arith.constant 16 : i32
    %iota3A = tpu.iota {dimensions = array<i32: 0>} : vector<160x128xi32>
    %iota3A_25 = tpu.iota {dimensions = array<i32: 1>} : vector<160x128xi32>
    %mul3A_26 = arith.constant 128 : i32
    %mul3A_27 = vector.broadcast %mul3A_26 : i32 to vector<160x128xi32>
    %mul3A_28 = arith.muli %iota3A, %mul3A_27 : vector<160x128xi32>
    %add3A_29 = arith.addi %mul3A_28, %iota3A_25 : vector<160x128xi32>
    %lt3A = arith.constant 20064 : i32
    %lt3A_30 = vector.broadcast %lt3A : i32 to vector<160x128xi32>
    %lt3A_31 = arith.cmpi slt, %add3A_29, %lt3A_30 : vector<160x128xi32>
    %ge3A = arith.constant 0.699999988 : f32
    %ge3A_32 = vector.broadcast %ge3A : f32 to vector<160x128xf32>
    %ge3A_33 = arith.cmpf oge, %scan3A_23#0, %ge3A_32 : vector<160x128xf32>
    %and3A = arith.andi %lt3A_31, %ge3A_33 : vector<160x128xi1>
    %jit3A = arith.constant -1.000000e+00 : f32
    %jit3A_34 = arith.constant -2.000000e+00 : f32
    %broadcast_in_dim3A_35 = vector.broadcast %jit3A : f32 to vector<160x128xf32>
    %broadcast_in_dim3A_36 = vector.broadcast %jit3A_34 : f32 to vector<160x128xf32>
    %select_n3A = arith.select %lt3A_31, %broadcast_in_dim3A_35, %broadcast_in_dim3A_36 : vector<160x128xi1>, vector<160x128xf32>
    %select_n3A_37 = arith.select %and3A, %scan3A_23#0, %select_n3A : vector<160x128xi1>, vector<160x128xf32>
    %swap3A = arith.constant 0 : index
    %swap3A_38 = arith.constant 0 : index
    %swap3A_39 = arith.constant 0 : index
    %swap3A_40 = vector.load %arg5[%swap3A, %swap3A_38, %swap3A_39] : memref<2x160x128xf32, #tpu.memory_space<vmem>>, vector<1x160x128xf32>
    %swap3A_41 = vector.shape_cast %swap3A_40 : vector<1x160x128xf32> to vector<160x128xf32>
    %swap3A_42 = vector.shape_cast %select_n3A_37 : vector<160x128xf32> to vector<1x160x128xf32>
    tpu.vector_store %arg5[%swap3A, %swap3A_38, %swap3A_39], %swap3A_42 {strides = array<i32>} : memref<2x160x128xf32, #tpu.memory_space<vmem>>, vector<1x160x128xf32>,
    %lt3A_43 = arith.constant 5.000000e-01 : f32
    %lt3A_44 = vector.broadcast %lt3A_43 : f32 to vector<160x128xf32>
    %lt3A_45 = arith.cmpf olt, %scan3A_23#0, %lt3A_44 : vector<160x128xf32>
    %and3A_46 = arith.andi %lt3A_31, %lt3A_45 : vector<160x128xi1>
    %ge3A_47 = arith.constant 1.000000e-01 : f32
    %ge3A_48 = vector.broadcast %ge3A_47 : f32 to vector<160x128xf32>
    %ge3A_49 = arith.cmpf oge, %scan3A_23#0, %ge3A_48 : vector<160x128xf32>
    %and3A_50 = arith.andi %and3A_46, %ge3A_49 : vector<160x128xi1>
    %jit3A_51 = arith.constant -1.000000e+00 : f32
    %jit3A_52 = arith.constant -2.000000e+00 : f32
    %broadcast_in_dim3A_53 = vector.broadcast %jit3A_51 : f32 to vector<160x128xf32>
    %broadcast_in_dim3A_54 = vector.broadcast %jit3A_52 : f32 to vector<160x128xf32>
    %select_n3A_55 = arith.select %lt3A_31, %broadcast_in_dim3A_53, %broadcast_in_dim3A_54 : vector<160x128xi1>, vector<160x128xf32>
    %select_n3A_56 = arith.select %and3A_50, %scan3A_23#0, %select_n3A_55 : vector<160x128xi1>, vector<160x128xf32>
    %swap3A_57 = arith.constant 1 : index
    %swap3A_58 = arith.constant 0 : index
    %swap3A_59 = arith.constant 0 : index
    %swap3A_60 = vector.load %arg5[%swap3A_57, %swap3A_58, %swap3A_59] : memref<2x160x128xf32, #tpu.memory_space<vmem>>, vector<1x160x128xf32>
    %swap3A_61 = vector.shape_cast %swap3A_60 : vector<1x160x128xf32> to vector<160x128xf32>
    %swap3A_62 = vector.shape_cast %select_n3A_56 : vector<160x128xf32> to vector<1x160x128xf32>
    tpu.vector_store %arg5[%swap3A_57, %swap3A_58, %swap3A_59], %swap3A_62 {strides = array<i32>} : memref<2x160x128xf32, #tpu.memory_space<vmem>>, vector<1x160x128xf32>,
    %swap3A_63 = arith.constant 0 : index
    %swap3A_64 = arith.constant 0 : index
    %swap3A_65 = vector.load %arg6[%swap3A_63, %swap3A_64] : memref<160x128xi32, #tpu.memory_space<vmem>>, vector<160x128xi32>
    tpu.vector_store %arg6[%swap3A_63, %swap3A_64], %scan3A_23#1 {strides = array<i32>} : memref<160x128xi32, #tpu.memory_space<vmem>>, vector<160x128xi32>,
    return
  }
}

module attributes {stable_mosaic.version = 14 : i64} {
  func.func @_tail_body(%arg0: memref<128x1xi32, #tpu.memory_space<vmem>>, %arg1: memref<160x128xf32, #tpu.memory_space<vmem>>, %arg2: memref<160x128xf32, #tpu.memory_space<vmem>>, %arg3: memref<160x128xf32, #tpu.memory_space<vmem>>, %arg4: memref<160x128xf32, #tpu.memory_space<vmem>>, %arg5: memref<160x128xi32, #tpu.memory_space<vmem>>, %arg6: memref<64x128xf32, #tpu.memory_space<vmem>>, %arg7: memref<64x128xf32, #tpu.memory_space<vmem>>, %arg8: memref<128x128xf32, #tpu.memory_space<vmem>>, %arg9: memref<128x128xf32, #tpu.memory_space<vmem>>, %arg10: memref<128x128xf32, #tpu.memory_space<vmem>>) attributes {dimension_semantics = [], scalar_prefetch = 0 : i64, scratch_operands = 0 : i64, tpu.core_type = #tpu.core_type<tc>} {
    %iota3A = tpu.iota {dimensions = array<i32: 1>} : vector<1x128xi32>
    %iota3A_0 = tpu.iota {dimensions = array<i32: 0>} : vector<128x1xi32>
    %get3A = arith.constant 0 : index
    %get3A_1 = arith.constant 0 : index
    %get3A_2 = vector.load %arg0[%get3A, %get3A_1] : memref<128x1xi32, #tpu.memory_space<vmem>>, vector<128x1xi32>
    %shift_right_arithmetic3A = arith.constant 7 : i32
    %shift_right_arithmetic3A_3 = vector.broadcast %shift_right_arithmetic3A : i32 to vector<128x1xi32>
    %shift_right_arithmetic3A_4 = arith.shrsi %get3A_2, %shift_right_arithmetic3A_3 : vector<128x1xi32>
    %and3A = arith.constant 127 : i32
    %and3A_5 = vector.broadcast %and3A : i32 to vector<128x1xi32>
    %and3A_6 = arith.andi %get3A_2, %and3A_5 : vector<128x1xi32>
    %iota3A_7 = tpu.iota {dimensions = array<i32: 1>} : vector<128x128xi32>
    %eq3A = vector.broadcast %and3A_6 : vector<128x1xi32> to vector<128x128xi32>
    %eq3A_8 = arith.cmpi eq, %iota3A_7, %eq3A : vector<128x128xi32>
    %convert_element_type3A = arith.extui %eq3A_8 : vector<128x128xi1> to vector<128x128xi32>
    %convert_element_type3A_9 = arith.sitofp %convert_element_type3A : vector<128x128xi32> to vector<128x128xf32>
    %iota3A_10 = tpu.iota {dimensions = array<i32: 1>} : vector<128x160xi32>
    %eq3A_11 = vector.broadcast %shift_right_arithmetic3A_4 : vector<128x1xi32> to vector<128x160xi32>
    %eq3A_12 = arith.cmpi eq, %iota3A_10, %eq3A_11 : vector<128x160xi32>
    %convert_element_type3A_13 = arith.extui %eq3A_12 : vector<128x160xi1> to vector<128x160xi32>
    %convert_element_type3A_14 = arith.sitofp %convert_element_type3A_13 : vector<128x160xi32> to vector<128x160xf32>
    %get3A_15 = arith.constant 0 : index
    %get3A_16 = arith.constant 0 : index
    %get3A_17 = vector.load %arg1[%get3A_15, %get3A_16] : memref<160x128xf32, #tpu.memory_space<vmem>>, vector<160x128xf32>
    %dot_general3A = arith.constant dense<0.000000e+00> : vector<128x160xf32>
    %dot_general3A_18 = tpu.matmul %convert_element_type3A_9, %get3A_17, %dot_general3A {dimension_numbers = #tpu.dot_dimension_numbers<[1], [1], [0], [0], [0, 0, 1, 0], [], []>, precision = #tpu.contract_precision<fp32>, transpose_lhs_hint = false} : vector<128x128xf32>, vector<160x128xf32>, vector<128x160xf32> -> vector<128x160xf32>
    %mul3A = arith.mulf %convert_element_type3A_14, %dot_general3A_18 : vector<128x160xf32>
    %reduce_sum3A = arith.constant dense<0.000000e+00> : vector<128xf32>
    %reduce_sum3A_19 = vector.multi_reduction <add>, %mul3A, %reduce_sum3A [1] : vector<128x160xf32> to vector<128xf32>
    %broadcast_in_dim3A = vector.shape_cast %reduce_sum3A_19 : vector<128xf32> to vector<128x1xf32>
    %get3A_20 = arith.constant 0 : index
    %get3A_21 = arith.constant 0 : index
    %get3A_22 = vector.load %arg2[%get3A_20, %get3A_21] : memref<160x128xf32, #tpu.memory_space<vmem>>, vector<160x128xf32>
    %dot_general3A_23 = arith.constant dense<0.000000e+00> : vector<128x160xf32>
    %dot_general3A_24 = tpu.matmul %convert_element_type3A_9, %get3A_22, %dot_general3A_23 {dimension_numbers = #tpu.dot_dimension_numbers<[1], [1], [0], [0], [0, 0, 1, 0], [], []>, precision = #tpu.contract_precision<fp32>, transpose_lhs_hint = false} : vector<128x128xf32>, vector<160x128xf32>, vector<128x160xf32> -> vector<128x160xf32>
    %mul3A_25 = arith.mulf %convert_element_type3A_14, %dot_general3A_24 : vector<128x160xf32>
    %reduce_sum3A_26 = arith.constant dense<0.000000e+00> : vector<128xf32>
    %reduce_sum3A_27 = vector.multi_reduction <add>, %mul3A_25, %reduce_sum3A_26 [1] : vector<128x160xf32> to vector<128xf32>
    %broadcast_in_dim3A_28 = vector.shape_cast %reduce_sum3A_27 : vector<128xf32> to vector<128x1xf32>
    %get3A_29 = arith.constant 0 : index
    %get3A_30 = arith.constant 0 : index
    %get3A_31 = vector.load %arg3[%get3A_29, %get3A_30] : memref<160x128xf32, #tpu.memory_space<vmem>>, vector<160x128xf32>
    %dot_general3A_32 = arith.constant dense<0.000000e+00> : vector<128x160xf32>
    %dot_general3A_33 = tpu.matmul %convert_element_type3A_9, %get3A_31, %dot_general3A_32 {dimension_numbers = #tpu.dot_dimension_numbers<[1], [1], [0], [0], [0, 0, 1, 0], [], []>, precision = #tpu.contract_precision<fp32>, transpose_lhs_hint = false} : vector<128x128xf32>, vector<160x128xf32>, vector<128x160xf32> -> vector<128x160xf32>
    %mul3A_34 = arith.mulf %convert_element_type3A_14, %dot_general3A_33 : vector<128x160xf32>
    %reduce_sum3A_35 = arith.constant dense<0.000000e+00> : vector<128xf32>
    %reduce_sum3A_36 = vector.multi_reduction <add>, %mul3A_34, %reduce_sum3A_35 [1] : vector<128x160xf32> to vector<128xf32>
    %broadcast_in_dim3A_37 = vector.shape_cast %reduce_sum3A_36 : vector<128xf32> to vector<128x1xf32>
    %get3A_38 = arith.constant 0 : index
    %get3A_39 = arith.constant 0 : index
    %get3A_40 = vector.load %arg4[%get3A_38, %get3A_39] : memref<160x128xf32, #tpu.memory_space<vmem>>, vector<160x128xf32>
    %dot_general3A_41 = arith.constant dense<0.000000e+00> : vector<128x160xf32>
    %dot_general3A_42 = tpu.matmul %convert_element_type3A_9, %get3A_40, %dot_general3A_41 {dimension_numbers = #tpu.dot_dimension_numbers<[1], [1], [0], [0], [0, 0, 1, 0], [], []>, precision = #tpu.contract_precision<fp32>, transpose_lhs_hint = false} : vector<128x128xf32>, vector<160x128xf32>, vector<128x160xf32> -> vector<128x160xf32>
    %mul3A_43 = arith.mulf %convert_element_type3A_14, %dot_general3A_42 : vector<128x160xf32>
    %reduce_sum3A_44 = arith.constant dense<0.000000e+00> : vector<128xf32>
    %reduce_sum3A_45 = vector.multi_reduction <add>, %mul3A_43, %reduce_sum3A_44 [1] : vector<128x160xf32> to vector<128xf32>
    %broadcast_in_dim3A_46 = vector.shape_cast %reduce_sum3A_45 : vector<128xf32> to vector<128x1xf32>
    %get3A_47 = arith.constant 0 : index
    %get3A_48 = arith.constant 0 : index
    %get3A_49 = vector.load %arg5[%get3A_47, %get3A_48] : memref<160x128xi32, #tpu.memory_space<vmem>>, vector<160x128xi32>
    %convert_element_type3A_50 = arith.sitofp %get3A_49 : vector<160x128xi32> to vector<160x128xf32>
    %dot_general3A_51 = arith.constant dense<0.000000e+00> : vector<128x160xf32>
    %dot_general3A_52 = tpu.matmul %convert_element_type3A_9, %convert_element_type3A_50, %dot_general3A_51 {dimension_numbers = #tpu.dot_dimension_numbers<[1], [1], [0], [0], [0, 0, 1, 0], [], []>, precision = #tpu.contract_precision<fp32>, transpose_lhs_hint = false} : vector<128x128xf32>, vector<160x128xf32>, vector<128x160xf32> -> vector<128x160xf32>
    %mul3A_53 = arith.mulf %convert_element_type3A_14, %dot_general3A_52 : vector<128x160xf32>
    %reduce_sum3A_54 = arith.constant dense<0.000000e+00> : vector<128xf32>
    %reduce_sum3A_55 = vector.multi_reduction <add>, %mul3A_53, %reduce_sum3A_54 [1] : vector<128x160xf32> to vector<128xf32>
    %broadcast_in_dim3A_56 = vector.shape_cast %reduce_sum3A_55 : vector<128xf32> to vector<128x1xf32>
    %convert_element_type3A_57 = arith.fptosi %broadcast_in_dim3A_56 : vector<128x1xf32> to vector<128x1xi32>
    %iota3A_58 = tpu.iota {dimensions = array<i32: 1>} : vector<128x64xi32>
    %eq3A_59 = vector.broadcast %convert_element_type3A_57 : vector<128x1xi32> to vector<128x64xi32>
    %eq3A_60 = arith.cmpi eq, %iota3A_58, %eq3A_59 : vector<128x64xi32>
    %convert_element_type3A_61 = arith.extui %eq3A_60 : vector<128x64xi1> to vector<128x64xi32>
    %convert_element_type3A_62 = arith.sitofp %convert_element_type3A_61 : vector<128x64xi32> to vector<128x64xf32>
    %get3A_63 = arith.constant 0 : index
    %get3A_64 = arith.constant 0 : index
    %get3A_65 = vector.load %arg7[%get3A_63, %get3A_64] : memref<64x128xf32, #tpu.memory_space<vmem>>, vector<64x128xf32>
    %dot_general3A_66 = arith.constant dense<0.000000e+00> : vector<128x128xf32>
    %dot_general3A_67 = tpu.matmul %convert_element_type3A_62, %get3A_65, %dot_general3A_66 {dimension_numbers = #tpu.dot_dimension_numbers<[1], [0], [0], [1], [0, 0, 1, 1], [], []>, precision = #tpu.contract_precision<fp32>, transpose_lhs_hint = false} : vector<128x64xf32>, vector<64x128xf32>, vector<128x128xf32> -> vector<128x128xf32>
    %get3A_68 = arith.constant 0 : index
    %get3A_69 = arith.constant 0 : index
    %get3A_70 = vector.load %arg6[%get3A_68, %get3A_69] : memref<64x128xf32, #tpu.memory_space<vmem>>, vector<64x128xf32>
    %dot_general3A_71 = arith.constant dense<0.000000e+00> : vector<128x128xf32>
    %dot_general3A_72 = tpu.matmul %convert_element_type3A_62, %get3A_70, %dot_general3A_71 {dimension_numbers = #tpu.dot_dimension_numbers<[1], [0], [0], [1], [0, 0, 1, 1], [], []>, precision = #tpu.contract_precision<fp32>, transpose_lhs_hint = false} : vector<128x64xf32>, vector<64x128xf32>, vector<128x128xf32> -> vector<128x128xf32>
    %slice3A = vector.extract_strided_slice %dot_general3A_72 {offsets = [0, 0], sizes = [128, 1], strides = [1, 1]} : vector<128x128xf32> to vector<128x1xf32>
    %slice3A_73 = vector.extract_strided_slice %dot_general3A_72 {offsets = [0, 1], sizes = [128, 1], strides = [1, 1]} : vector<128x128xf32> to vector<128x1xf32>
    %slice3A_74 = vector.extract_strided_slice %dot_general3A_72 {offsets = [0, 2], sizes = [128, 1], strides = [1, 1]} : vector<128x128xf32> to vector<128x1xf32>
    %slice3A_75 = vector.extract_strided_slice %dot_general3A_72 {offsets = [0, 3], sizes = [128, 1], strides = [1, 1]} : vector<128x128xf32> to vector<128x1xf32>
    %sub3A = arith.subf %broadcast_in_dim3A_37, %broadcast_in_dim3A : vector<128x1xf32>
    %add3A = arith.constant 1.000000e+00 : f32
    %add3A_76 = vector.broadcast %add3A : f32 to vector<128x1xf32>
    %add3A_77 = arith.addf %sub3A, %add3A_76 : vector<128x1xf32>
    %sub3A_78 = arith.subf %broadcast_in_dim3A_46, %broadcast_in_dim3A_28 : vector<128x1xf32>
    %add3A_79 = arith.constant 1.000000e+00 : f32
    %add3A_80 = vector.broadcast %add3A_79 : f32 to vector<128x1xf32>
    %add3A_81 = arith.addf %sub3A_78, %add3A_80 : vector<128x1xf32>
    %mul3A_82 = arith.constant 5.000000e-01 : f32
    %mul3A_83 = vector.broadcast %mul3A_82 : f32 to vector<128x1xf32>
    %mul3A_84 = arith.mulf %mul3A_83, %add3A_77 : vector<128x1xf32>
    %add3A_85 = arith.addf %broadcast_in_dim3A, %mul3A_84 : vector<128x1xf32>
    %mul3A_86 = arith.constant 5.000000e-01 : f32
    %mul3A_87 = vector.broadcast %mul3A_86 : f32 to vector<128x1xf32>
    %mul3A_88 = arith.mulf %mul3A_87, %add3A_81 : vector<128x1xf32>
    %add3A_89 = arith.addf %broadcast_in_dim3A_28, %mul3A_88 : vector<128x1xf32>
    %sub3A_90 = arith.subf %slice3A_74, %slice3A : vector<128x1xf32>
    %add3A_91 = arith.constant 1.000000e+00 : f32
    %add3A_92 = vector.broadcast %add3A_91 : f32 to vector<128x1xf32>
    %add3A_93 = arith.addf %sub3A_90, %add3A_92 : vector<128x1xf32>
    %sub3A_94 = arith.subf %slice3A_75, %slice3A_73 : vector<128x1xf32>
    %add3A_95 = arith.constant 1.000000e+00 : f32
    %add3A_96 = vector.broadcast %add3A_95 : f32 to vector<128x1xf32>
    %add3A_97 = arith.addf %sub3A_94, %add3A_96 : vector<128x1xf32>
    %mul3A_98 = arith.constant 5.000000e-01 : f32
    %mul3A_99 = vector.broadcast %mul3A_98 : f32 to vector<128x1xf32>
    %mul3A_100 = arith.mulf %mul3A_99, %add3A_93 : vector<128x1xf32>
    %add3A_101 = arith.addf %slice3A, %mul3A_100 : vector<128x1xf32>
    %mul3A_102 = arith.constant 5.000000e-01 : f32
    %mul3A_103 = vector.broadcast %mul3A_102 : f32 to vector<128x1xf32>
    %mul3A_104 = arith.mulf %mul3A_103, %add3A_97 : vector<128x1xf32>
    %add3A_105 = arith.addf %slice3A_73, %mul3A_104 : vector<128x1xf32>
    %sub3A_106 = arith.subf %add3A_101, %add3A_85 : vector<128x1xf32>
    %div3A = arith.divf %sub3A_106, %add3A_77 : vector<128x1xf32>
    %sub3A_107 = arith.subf %add3A_105, %add3A_89 : vector<128x1xf32>
    %div3A_108 = arith.divf %sub3A_107, %add3A_81 : vector<128x1xf32>
    %div3A_109 = arith.divf %add3A_93, %add3A_77 : vector<128x1xf32>
    %log3A = math.log %div3A_109 : vector<128x1xf32>
    %div3A_110 = arith.divf %add3A_97, %add3A_81 : vector<128x1xf32>
    %log3A_111 = math.log %div3A_110 : vector<128x1xf32>
    %lt3A = arith.constant 64 : i32
    %lt3A_112 = vector.broadcast %lt3A : i32 to vector<128x1xi32>
    %lt3A_113 = arith.cmpi slt, %iota3A_0, %lt3A_112 : vector<128x1xi32>
    %eq3A_114 = arith.constant 0 : i32
    %eq3A_115 = vector.broadcast %eq3A_114 : i32 to vector<1x128xi32>
    %eq3A_116 = arith.cmpi eq, %iota3A, %eq3A_115 : vector<1x128xi32>
    %convert_element_type3A_117 = arith.extui %eq3A_116 : vector<1x128xi1> to vector<1x128xi32>
    %convert_element_type3A_118 = arith.sitofp %convert_element_type3A_117 : vector<1x128xi32> to vector<1x128xf32>
    %mul3A_119 = vector.broadcast %broadcast_in_dim3A : vector<128x1xf32> to vector<128x128xf32>
    %mul3A_120 = vector.broadcast %convert_element_type3A_118 : vector<1x128xf32> to vector<128x128xf32>
    %mul3A_121 = arith.mulf %mul3A_119, %mul3A_120 : vector<128x128xf32>
    %eq3A_122 = arith.constant 1 : i32
    %eq3A_123 = vector.broadcast %eq3A_122 : i32 to vector<1x128xi32>
    %eq3A_124 = arith.cmpi eq, %iota3A, %eq3A_123 : vector<1x128xi32>
    %convert_element_type3A_125 = arith.extui %eq3A_124 : vector<1x128xi1> to vector<1x128xi32>
    %convert_element_type3A_126 = arith.sitofp %convert_element_type3A_125 : vector<1x128xi32> to vector<1x128xf32>
    %mul3A_127 = vector.broadcast %broadcast_in_dim3A_28 : vector<128x1xf32> to vector<128x128xf32>
    %mul3A_128 = vector.broadcast %convert_element_type3A_126 : vector<1x128xf32> to vector<128x128xf32>
    %mul3A_129 = arith.mulf %mul3A_127, %mul3A_128 : vector<128x128xf32>
    %add3A_130 = arith.addf %mul3A_121, %mul3A_129 : vector<128x128xf32>
    %eq3A_131 = arith.constant 2 : i32
    %eq3A_132 = vector.broadcast %eq3A_131 : i32 to vector<1x128xi32>
    %eq3A_133 = arith.cmpi eq, %iota3A, %eq3A_132 : vector<1x128xi32>
    %convert_element_type3A_134 = arith.extui %eq3A_133 : vector<1x128xi1> to vector<1x128xi32>
    %convert_element_type3A_135 = arith.sitofp %convert_element_type3A_134 : vector<1x128xi32> to vector<1x128xf32>
    %mul3A_136 = vector.broadcast %broadcast_in_dim3A_37 : vector<128x1xf32> to vector<128x128xf32>
    %mul3A_137 = vector.broadcast %convert_element_type3A_135 : vector<1x128xf32> to vector<128x128xf32>
    %mul3A_138 = arith.mulf %mul3A_136, %mul3A_137 : vector<128x128xf32>
    %add3A_139 = arith.addf %add3A_130, %mul3A_138 : vector<128x128xf32>
    %eq3A_140 = arith.constant 3 : i32
    %eq3A_141 = vector.broadcast %eq3A_140 : i32 to vector<1x128xi32>
    %eq3A_142 = arith.cmpi eq, %iota3A, %eq3A_141 : vector<1x128xi32>
    %convert_element_type3A_143 = arith.extui %eq3A_142 : vector<1x128xi1> to vector<1x128xi32>
    %convert_element_type3A_144 = arith.sitofp %convert_element_type3A_143 : vector<1x128xi32> to vector<1x128xf32>
    %mul3A_145 = vector.broadcast %broadcast_in_dim3A_46 : vector<128x1xf32> to vector<128x128xf32>
    %mul3A_146 = vector.broadcast %convert_element_type3A_144 : vector<1x128xf32> to vector<128x128xf32>
    %mul3A_147 = arith.mulf %mul3A_145, %mul3A_146 : vector<128x128xf32>
    %add3A_148 = arith.addf %add3A_139, %mul3A_147 : vector<128x128xf32>
    %swap3A = arith.constant 0 : index
    %swap3A_149 = arith.constant 0 : index
    %swap3A_150 = vector.load %arg8[%swap3A, %swap3A_149] : memref<128x128xf32, #tpu.memory_space<vmem>>, vector<128x128xf32>
    tpu.vector_store %arg8[%swap3A, %swap3A_149], %add3A_148 {strides = array<i32>} : memref<128x128xf32, #tpu.memory_space<vmem>>, vector<128x128xf32>,
    %eq3A_151 = arith.constant 0 : i32
    %eq3A_152 = vector.broadcast %eq3A_151 : i32 to vector<1x128xi32>
    %eq3A_153 = arith.cmpi eq, %iota3A, %eq3A_152 : vector<1x128xi32>
    %convert_element_type3A_154 = arith.extui %eq3A_153 : vector<1x128xi1> to vector<1x128xi32>
    %convert_element_type3A_155 = arith.sitofp %convert_element_type3A_154 : vector<1x128xi32> to vector<1x128xf32>
    %mul3A_156 = vector.broadcast %div3A : vector<128x1xf32> to vector<128x128xf32>
    %mul3A_157 = vector.broadcast %convert_element_type3A_155 : vector<1x128xf32> to vector<128x128xf32>
    %mul3A_158 = arith.mulf %mul3A_156, %mul3A_157 : vector<128x128xf32>
    %eq3A_159 = arith.constant 1 : i32
    %eq3A_160 = vector.broadcast %eq3A_159 : i32 to vector<1x128xi32>
    %eq3A_161 = arith.cmpi eq, %iota3A, %eq3A_160 : vector<1x128xi32>
    %convert_element_type3A_162 = arith.extui %eq3A_161 : vector<1x128xi1> to vector<1x128xi32>
    %convert_element_type3A_163 = arith.sitofp %convert_element_type3A_162 : vector<1x128xi32> to vector<1x128xf32>
    %mul3A_164 = vector.broadcast %div3A_108 : vector<128x1xf32> to vector<128x128xf32>
    %mul3A_165 = vector.broadcast %convert_element_type3A_163 : vector<1x128xf32> to vector<128x128xf32>
    %mul3A_166 = arith.mulf %mul3A_164, %mul3A_165 : vector<128x128xf32>
    %add3A_167 = arith.addf %mul3A_158, %mul3A_166 : vector<128x128xf32>
    %eq3A_168 = arith.constant 2 : i32
    %eq3A_169 = vector.broadcast %eq3A_168 : i32 to vector<1x128xi32>
    %eq3A_170 = arith.cmpi eq, %iota3A, %eq3A_169 : vector<1x128xi32>
    %convert_element_type3A_171 = arith.extui %eq3A_170 : vector<1x128xi1> to vector<1x128xi32>
    %convert_element_type3A_172 = arith.sitofp %convert_element_type3A_171 : vector<1x128xi32> to vector<1x128xf32>
    %mul3A_173 = vector.broadcast %log3A : vector<128x1xf32> to vector<128x128xf32>
    %mul3A_174 = vector.broadcast %convert_element_type3A_172 : vector<1x128xf32> to vector<128x128xf32>
    %mul3A_175 = arith.mulf %mul3A_173, %mul3A_174 : vector<128x128xf32>
    %add3A_176 = arith.addf %add3A_167, %mul3A_175 : vector<128x128xf32>
    %eq3A_177 = arith.constant 3 : i32
    %eq3A_178 = vector.broadcast %eq3A_177 : i32 to vector<1x128xi32>
    %eq3A_179 = arith.cmpi eq, %iota3A, %eq3A_178 : vector<1x128xi32>
    %convert_element_type3A_180 = arith.extui %eq3A_179 : vector<1x128xi1> to vector<1x128xi32>
    %convert_element_type3A_181 = arith.sitofp %convert_element_type3A_180 : vector<1x128xi32> to vector<1x128xf32>
    %mul3A_182 = vector.broadcast %log3A_111 : vector<128x1xf32> to vector<128x128xf32>
    %mul3A_183 = vector.broadcast %convert_element_type3A_181 : vector<1x128xf32> to vector<128x128xf32>
    %mul3A_184 = arith.mulf %mul3A_182, %mul3A_183 : vector<128x128xf32>
    %add3A_185 = arith.addf %add3A_176, %mul3A_184 : vector<128x128xf32>
    %jit3A = arith.constant 0.000000e+00 : f32
    %broadcast_in_dim3A_186 = vector.shape_cast %lt3A_113 : vector<128x1xi1> to vector<128x1xi1>
    %broadcast_in_dim3A_187 = vector.broadcast %broadcast_in_dim3A_186 : vector<128x1xi1> to vector<128x128xi1>
    %broadcast_in_dim3A_188 = vector.broadcast %jit3A : f32 to vector<128x128xf32>
    %select_n3A = arith.select %broadcast_in_dim3A_187, %add3A_185, %broadcast_in_dim3A_188 : vector<128x128xi1>, vector<128x128xf32>
    %swap3A_189 = arith.constant 0 : index
    %swap3A_190 = arith.constant 0 : index
    %swap3A_191 = vector.load %arg10[%swap3A_189, %swap3A_190] : memref<128x128xf32, #tpu.memory_space<vmem>>, vector<128x128xf32>
    tpu.vector_store %arg10[%swap3A_189, %swap3A_190], %select_n3A {strides = array<i32>} : memref<128x128xf32, #tpu.memory_space<vmem>>, vector<128x128xf32>,
    %eq3A_192 = arith.constant 0 : i32
    %eq3A_193 = vector.broadcast %eq3A_192 : i32 to vector<1x128xi32>
    %eq3A_194 = arith.cmpi eq, %iota3A, %eq3A_193 : vector<1x128xi32>
    %convert_element_type3A_195 = arith.extui %eq3A_194 : vector<1x128xi1> to vector<1x128xi32>
    %convert_element_type3A_196 = arith.sitofp %convert_element_type3A_195 : vector<1x128xi32> to vector<1x128xf32>
    %broadcast_in_dim3A_197 = vector.shape_cast %convert_element_type3A_196 : vector<1x128xf32> to vector<1x128xf32>
    %broadcast_in_dim3A_198 = vector.broadcast %broadcast_in_dim3A_197 : vector<1x128xf32> to vector<128x128xf32>
    %broadcast_in_dim3A_199 = vector.shape_cast %lt3A_113 : vector<128x1xi1> to vector<128x1xi1>
    %broadcast_in_dim3A_200 = vector.broadcast %broadcast_in_dim3A_199 : vector<128x1xi1> to vector<128x128xi1>
    %select_n3A_201 = arith.select %broadcast_in_dim3A_200, %dot_general3A_67, %broadcast_in_dim3A_198 : vector<128x128xi1>, vector<128x128xf32>
    %swap3A_202 = arith.constant 0 : index
    %swap3A_203 = arith.constant 0 : index
    %swap3A_204 = vector.load %arg9[%swap3A_202, %swap3A_203] : memref<128x128xf32, #tpu.memory_space<vmem>>, vector<128x128xf32>
    tpu.vector_store %arg9[%swap3A_202, %swap3A_203], %select_n3A_201 {strides = array<i32>} : memref<128x128xf32, #tpu.memory_space<vmem>>, vector<128x128xf32>,
    return
  }
}

</mosaic_0001>

<sc_bundles>
// kernel: kernel.5.cloned.1.call-start
scs
__scs_entry_jumppad:
0x0: {  	(pc) =	sbr.rel $0x88, $3  }
0x1: {  	(tag) =	ssettag $0x0;
	lr =	simm.s32 $0x1  }
0x2: {  	[smem:$0x3F9E] =	sst lr;
	_ =	strace $0xD0000000  }
0x3: {  	_ = 	snop  }
0x4: {  	_ = 	snop  }
0x5: {  	_ = 	snop  }
0x6: {  	_ = 	snop  }
0x7: {  	_ = 	snop  }
__scs_overlays_trampoline_lowered:
0x8: {  	[smem:$0x3FAD] =	sst s0  }
0x9: {  	[smem:$0x3FAE] =	sst s1  }
0xa: {  	[smem:$0x3FAF] =	sst s2  }
0xb: {  	[smem:$0x3FB0] =	sst s3  }
0xc: {  	[smem:$0x3FB1] =	sst s4  }
0xd: {  	[smem:$0x3FB2] =	sst s5  }
0xe: {  	[smem:$0x3FB3] =	sst s6  }
0xf: {  	[smem:$0x3FB4] =	sst s7  }
0x10: {  	[smem:$0x3FB5] =	sst s8  }
0x11: {  	[smem:$0x3FB6] =	sst s9;
	s0 =	simm.s32 @!p0 $0x0  }
0x12: {  	s1 =	sld [smem:$0x3F9C];
	s0 =	simm.s32 @p0 $0x1  }
0x13: {  	[smem:$0x3FB7] =	sst s0;
	s0 =	simm.s32 @!p1 $0x0  }
0x14: {  	s2 =	sld [smem:$0x3F9B];
	s0 =	simm.s32 @p1 $0x1  }
0x15: {  	[smem:$0x3FB8] =	sst s0;
	s0 =	simm.s32 @!p2 $0x0  }
0x16: {  	s3 =	sld [smem:$0x3FDB];
	s0 =	simm.s32 @p2 $0x1  }
0x17: {  	s4 =	simm.s32 $0x1BF5;
	[smem:$0x3FBA] =	sst s0  }
0x18: {  	s0 =	sld [smem:$0x3F9D];
	_ =	swait.ge [sflag:s4], $0x0  }
0x19: {  	s7 =	sld [smem:$0x3F9E]  }
0x1a: {  	s8 =	sadd.s32 $0xFFFFE003, lr  }
0x1b: {  	s9 =	sadd.s32 $0xFFFFFEF7, lr;
	s5 =	simm.s32 $0xFFFFFFFF;
	p2 =	slt.u32 s8, $0xFFFFF086  }
0x1c: {  	p1 =	slt.u32 s9, $0xF7A;
	s5 =	simm.s32 @!p2 $0x0  }
0x1d: {  	s5 =	simm.s32 @p1 $0x1;
	p0 =	seq.s32 s7, s2  }
0x1e: {  	s7 =	smul.u32 @!p0 $0xF7A, s2;
	p2 =	seq.s32 @!p0 s5, $0x0  }
0x1f: {  	s9 =	smul.u32 $0xF7A, s1;
	s8 =	simm.s32 @!p0 $0x1BF5;
	p2 =	por !p2, p0  }
0x20: {  	[sflag:s8] =	ssyncset.s32 @!p0 $0xFFFFF086;
	s6 =	sadd.s32 @!p0 s3, s7;
	s7 =	simm.s32 @!p0 $0x108  }
0x21: {  	s3 =	sadd.s32 s3, s9;
	s6 =	sadd.s32 @!p0 $0x88, s6;
	s7 =	simm.s32 @p2 $0x1082  }
0x22: {  	[simem:s7], [sflag:s8] =	dma.local @!p0 [hbm:s6], $0xF7A  }
0x23: {  	s9 =	sor.u32 $0xD0000000, s2;
	s6 =	simm.s32 $0x108;
	_ =	swait.ge @!p0 [sflag:s8], $0x0  }
0x24: {  	s3 =	sadd.s32 $0x88, s3;
	s6 =	simm.s32 @!p1 $0x1082;
	[sflag:s4] =	ssyncset.s32 $0xFFFFF086  }
0x25: {  	[simem:s6], [sflag:s4] =	dma.local [hbm:s3], $0xF7A  }
0x26: {  	[smem:$0x3F9E] =	sst s1;
	(tag) =	ssettag s2;
	_ =	strace s9  }
0x27: {  	s1 =	sld [smem:$0x3FAE]  }
0x28: {  	s2 =	sld [smem:$0x3FAF]  }
0x29: {  	s4 =	sld [smem:$0x3FB1]  }
0x2a: {  	p0 =	seq.s32 s5, $0x0;
	s5 =	sld [smem:$0x3FB2]  }
0x2b: {  	s6 =	sld [smem:$0x3FB3]  }
0x2c: {  	s7 =	sld [smem:$0x3FB4]  }
0x2d: {  	s3 =	simm.s32 $0x108;
	s8 =	sld [smem:$0x3FB5]  }
0x2e: {  	s3 =	simm.s32 @!p0 $0x1082;
	s9 =	sld [smem:$0x3FB6]  }
0x2f: {  	lr =	sadd.s32 s0, s3;
	s0 =	sld [smem:$0x3FAD]  }
0x30: {  	s3 =	sld [smem:$0x3FB0]  }
0x31: {  	[smem:$0x3FB9] =	sst s10  }
0x32: {  	s10 =	sld [smem:$0x3FB7];
	_ =	sdelay $0x3  }
0x33: {  	p0 =	seq.s32 s10, $0x1;
	s10 =	sld [smem:$0x3FB9];
	_ =	sdelay $0x3  }
0x34: {  	[smem:$0x3FB9] =	sst s10  }
0x35: {  	s10 =	sld [smem:$0x3FB8];
	_ =	sdelay $0x3  }
0x36: {  	p1 =	seq.s32 s10, $0x1;
	s10 =	sld [smem:$0x3FB9];
	_ =	sdelay $0x3  }
0x37: {  	[smem:$0x3FB9] =	sst s10  }
0x38: {  	s10 =	sld [smem:$0x3FBA]  }
0x39: {  	_ = 	snop;
	(pc) =	sbr.ind lr, $3  }
0x3a: {  	_ = 	snop  }
0x3b: {  	_ = 	snop  }
0x3c: {  	p2 =	seq.s32 s10, $0x1;
	s10 =	sld [smem:$0x3FB9]  }
0x3d: {  	_ =	shalt  }
0x3e: {  	_ =	shalt  }
0x3f: {  	_ =	shalt  }
0x40: {  	_ =	shalt  }
0x41: {  	_ =	shalt  }
0x42: {  	_ =	shalt  }
0x43: {  	_ =	shalt  }
0x44: {  	_ =	shalt  }
0x45: {  	_ =	shalt  }
0x46: {  	_ =	shalt  }
0x47: {  	_ =	shalt  }
0x48: {  	_ =	shalt  }
0x49: {  	_ =	shalt  }
0x4a: {  	_ =	shalt  }
0x4b: {  	_ =	shalt  }
0x4c: {  	_ =	shalt  }
0x4d: {  	_ =	shalt  }
0x4e: {  	_ =	shalt  }
0x4f: {  	_ =	shalt  }
0x50: {  	_ =	shalt  }
0x51: {  	_ =	shalt  }
0x52: {  	_ =	shalt  }
0x53: {  	_ =	shalt  }
0x54: {  	_ =	shalt  }
0x55: {  	_ =	shalt  }
0x56: {  	_ =	shalt  }
0x57: {  	_ =	shalt  }
0x58: {  	_ =	shalt  }
0x59: {  	_ =	shalt  }
0x5a: {  	_ =	shalt  }
0x5b: {  	_ =	shalt  }
0x5c: {  	_ =	shalt  }
0x5d: {  	_ =	shalt  }
0x5e: {  	_ =	shalt  }
0x5f: {  	_ =	shalt  }
0x60: {  	_ =	shalt  }
0x61: {  	_ =	shalt  }
0x62: {  	_ =	shalt  }
0x63: {  	_ =	shalt  }
0x64: {  	_ =	shalt  }
0x65: {  	_ =	shalt  }
0x66: {  	_ =	shalt  }
0x67: {  	_ =	shalt  }
0x68: {  	_ =	shalt  }
0x69: {  	_ =	shalt  }
0x6a: {  	_ =	shalt  }
0x6b: {  	_ =	shalt  }
0x6c: {  	_ =	shalt  }
0x6d: {  	_ =	shalt  }
0x6e: {  	_ =	shalt  }
0x6f: {  	_ =	shalt  }
0x70: {  	_ =	shalt  }
0x71: {  	_ =	shalt  }
0x72: {  	_ =	shalt  }
0x73: {  	_ =	shalt  }
0x74: {  	_ =	shalt  }
0x75: {  	_ =	shalt  }
0x76: {  	_ =	shalt  }
0x77: {  	_ =	shalt  }
0x78: {  	_ =	shalt  }
0x79: {  	_ =	shalt  }
0x7a: {  	_ =	shalt  }
0x7b: {  	_ =	shalt  }
0x7c: {  	_ =	shalt  }
0x7d: {  	_ =	shalt  }
0x7e: {  	_ =	shalt  }
0x7f: {  	_ =	shalt  }
0x80: {  	_ =	shalt  }
0x81: {  	_ =	shalt  }
0x82: {  	_ =	shalt  }
0x83: {  	_ =	shalt  }
0x84: {  	_ =	shalt  }
0x85: {  	_ =	shalt  }
0x86: {  	_ =	shalt  }
0x87: {  	_ =	shalt  }
.Lfunc_end0:
.L_simem_size_0:
called_computation_lowered:
.L_overlay_start_0:
0x88: {  	s2 =	sld [smem:$0x3FD9]  }
0x89: {  	s3 =	sld [smem:$0x3FFE];
	_ =	sdelay $0x1  }
0x8a: {  	s1 =	srdreg.scid  }
0x8b: {  	s0 =	sand.u32 $0x1, s1  }
0x8c: {  	s14 =	sshll.u32 s0, $0xA;
	s2 =	sadd.s32 s3, s2  }
0x8d: {  	s2 =	sadd.s32 s2, s14  }
0x8e: {  	[smem:$0x3FC5] =	sst s2  }
0x8f: {  	_ = 	snop  }
0x90: {  	s2 =	sld [smem:$0x3FD0];
	_ =	sdelay $0x2  }
0x91: {  	s15 =	simm.s32 $0xA;
	s4 =	simm.s32 $0x10  }
0x92: {  	[smem:s4], [sflag:s15] =	dma.local [hbm:s2], $0x1  }
0x93: {  	_ =	swait.eq [sflag:s15], $0x1  }
0x94: {  	[sflag:s15] =	ssyncset.done $0x0  }
0x95: {  	[sflag:s15] =	ssyncadd.s32 $0xFFFFFFFF  }
0x96: {  	s16 =	sld [smem:$0x12];
	(tm) =	ssettm $0x1  }
0x97: {  	s17 =	sld [smem:$0x3FFB];
	_ =	sdelay $0x3  }
0x98: {  	_ =	strace s17  }
0x99: {  	s3 =	sld [smem:$0x3FFC];
	_ =	sdelay $0x3  }
0x9a: {  	_ =	strace s3  }
0x9b: {  	s3 =	sld [smem:$0x3FFD];
	_ =	sdelay $0x3  }
0x9c: {  	_ =	strace s3  }
0x9d: {  	_ =	strace $0x8FFFFFFF  }
0x9e: {  	s18 =	sld [smem:$0x3FDB];
	_ =	sdelay $0x1  }
0x9f: {  	s19 =	simm.s32 $_scs_section_size  }
0xa0: {  	s5 =	simm.s32 $_size__tile_overlayer_lowered;
	s6 =	simm.s32 $_tile_overlayer_lowered  }
0xa1: {  	s22 =	simm.s32 $0x1BFF;
	s21 =	sshll.u32 s6, $0x1;
	s3 =	sadd.s32 s19, s18  }
0xa2: {  	s7 =	simm.s32 $0x0;
	s20 =	sshll.u32 s5, $0x1;
	s5 =	sadd.s32 s21, s3  }
0xa3: {  	[timem:s7], [sflag:s22] =	dma.local [hbm:s5], s20  }
0xa4: {  	_ =	swait.ge [sflag:s22], s20  }
0xa5: {  	s4 =	ssub.s32 $0x0, s20;
	[sflag:s22] =	ssyncset.done $0x0  }
0xa6: {  	[sflag:s22] =	ssyncadd.s32 s4;
	_ =	sdelay $0x1  }
0xa7: {  	s23 =	simm.s32 $0x1B8B  }
0xa8: {  	_ =	swait.ge [sflag:s23], $0x1  }
0xa9: {  	[sflag:s23] =	ssyncset.done $0x0  }
0xaa: {  	s25 =	simm.s32 $0x1B8E;
	s24 =	sld [smem:$0x3FFE];
	[sflag:s23] =	ssyncadd.s32 $0xFFFFFFFF  }
0xab: {  	s26 =	simm.s32 $execute0_lowered;
	[smem:$0x3FD2] =	sst s25  }
0xac: {  	s5 =	sshll.u32 s26, $0x1;
	_ =	strace $0x80000046;
	[dreg:$0x1] =	wrdreg $0xFFFFFFFF  }
0xad: {  	s28 =	simm.s32 $_size_execute0_lowered;
	s3 =	sadd.s32 s3, s5;
	[dreg:$0x0] =	wrdreg $0x0  }
0xae: {  	s5 =	sshll.u32 s28, $0x1;
	[dreg:$0x2] =	wrdreg s3  }
0xaf: {  	[dreg:$0x3] =	wrdreg s5  }
0xb0: {  	[dreg:$0x4] =	wrdreg $0xC0  }
0xb1: {  	_ =	task [dreg:s7], $0x5FFFF  }
0xb2: {  	[dreg:$0x1] =	wrdreg $0xFFFFFFFF  }
0xb3: {  	[dreg:$0x0] =	wrdreg $0x60  }
0xb4: {  	[dreg:$0x2] =	wrdreg s24  }
0xb5: {  	[dreg:$0x3] =	wrdreg s16  }
0xb6: {  	[dreg:$0x4] =	wrdreg $0x6800  }
0xb7: {  	[dreg:$0x5] =	wrdreg $0x6C00  }
0xb8: {  	[dreg:$0x6] =	wrdreg $0x9  }
0xb9: {  	_ =	task.clear_ibuf [dreg:s7], $0x7FFFF;
	_ =	strace $0x90000046  }
0xba: {  	s29 =	simm.s32 $0x9;
	_ =	strace $0x80000048  }
0xbb: {  	_ =	swait.ge [sflag:s29], $0x1  }
0xbc: {  	[sflag:s29] =	ssyncadd.s32 $0xFFFFFFFF  }
0xbd: {  	_ =	strace $0x90000048  }
0xbe: {  	_ =	sfence  }
0xbf: {  	s30 =	sld [smem:$0x0];
	_ =	sdelay $0x2  }
0xc0: {  	s31 =	sshll.u32 s1, $0xD;
	s1 =	sshrl.u32 s1, $0x2  }
0xc1: {  	s3 =	sand.u32 $0x4000, s31;
	s1 =	sadd.s32 s1, s30  }
0xc2: {  	s0 =	sor.u32 s3, s0;
	s1 =	sshll.u32 s1, $0x11  }
0xc3: {  	s0 =	sor.u32 s1, s0  }
0xc4: {  	s0 =	sadd.s32 $0x8F2B, s0  }
0xc5: {  	[sflag:s0] =	ssyncadd.remote.s32 $0x1  }
0xc6: {  	_ =	sfence.sel $0xFFFF  }
0xc7: {  	[dreg:$0x0] =	wrdreg $0xFFFFFFFF;
	(pc) =	sbr.abs _section_cstart, $3  }
0xc8: {  	[dreg:$0x1] =	wrdreg $0xFFFFFFFF  }
0xc9: {  	_ =	task.clear_ibuf [dreg:s7], $0x2FFFF;
	_ =	strace $0x9FFFFFFF  }
0xca: {  	(tm) =	ssettm $0x7FFFFFFF  }
0xcb: {  	_ =	shalt  }
tec
execute0_lowered:
.L_overlay_start_1:
0x0: {  	(tag) =	ssettag $0x1  }
0x1: {  	v0 =	vimm.s32 $0x76543210;
	v1 =	vimm.s32 $0xFEDCBA98  }
0x2: {  	v2 =	vimm.s32 $0xBA98FEDC;
	v3 =	vimm.s32 $0x32107654;
	v4 =	vimm.s32 $0xDCFE98BA  }
0x3: {  	v5 =	vimm.s32 $0x54761032;
	v6 =	vimm.s32 $0xEFCDAB89;
	v7 =	vimm.s32 $0x67452301  }
0x4: {  	vm0 =	vmmov $0x1;
	vm3 =	vmmov $0xf;
	vm4 =	vmmov $0x1f  }
0x5: {  	v0 =	vunpack.c.l.s4.s8 v0;
	v1 =	vunpack.c.l.s4.s8 v1;
	v2 =	vunpack.c.l.s4.s8 v2  }
0x6: {  	s4 =	rddreg [dreg:$0x0];
	v3 =	vunpack.c.l.s4.s8 v3;
	v4 =	vunpack.c.l.s4.s8 v4;
	v5 =	vunpack.c.l.s4.s8 v5  }
0x7: {  	s7 =	rddreg [dreg:$0x1];
	v6 =	vunpack.c.l.s4.s8 v6;
	v7 =	vunpack.c.l.s4.s8 v7;
	v2 =	vunpack.c.0.s8.s32 v2  }
0x8: {  	s1 =	srdreg.scid;
	s0 =	rddreg [dreg:$0x2];
	v3 =	vunpack.c.0.s8.s32 v3;
	v4 =	vunpack.c.0.s8.s32 v4;
	v5 =	vunpack.c.0.s8.s32 v5  }
0x9: {  	s13 =	stileid.u32;
	s2 =	rddreg [dreg:$0x4];
	v1 =	vunpack.c.0.s8.s32 v1;
	v6 =	vunpack.c.0.s8.s32 v6;
	v7 =	vunpack.c.0.s8.s32 v7  }
0xa: {  	s3 =	simm.s32 $0x0;
	vm5 =	vmmov $0x3f;
	s11 =	simm.s32 $0x600;
	s12 =	simm.s32 $0x500;
	v2 =	vcombine.low v3, v2;
	v3 =	vunpack.c.0.s8.s32 v0  }
0xb: {  	s14 =	simm.s32 $0xB00;
	s15 =	simm.s32 $0xF00;
	s16 =	simm.s32 $0x0;
	v4 =	vcombine.low v5, v4;
	v1 =	vand.u32 $0xF, v1;
	v5 =	vcombine.low v7, v6  }
0xc: {  	vm6 =	vmmov $0x7f;
	vm7 =	vmmov $0xff;
	s6 =	sand.u32 $0x1, s1;
	s5 =	smul.u32 $0x500, s13;
	s1 =	rddreg [dreg:$0x3];
	v1 =	vcombine.low v1, v3  }
0xd: {  	[smem:$0x7FF] =	sst s3;
	s31 =	sshll.u32 s13, $0x6;
	p0 =	sne.s32 s13, $0x0;
	v3 =	vand.u32 $0xF, v4;
	v4 =	vand.u32 $0xF, v5;
	v5 =	vimm.s32 $0x0  }
0xe: {  	vm8 =	vmmov $0x1ff;
	vm9 =	vmmov $0x3ff;
	s13 =	simm.s32 $0x700;
	s8 =	smul.u32 $0x5000, s6;
	s9 =	ssub.s32 $0x2, s6;
	v5 =	vsel vm0, $0xFFFFFFFF, v5  }
.Ltmp0:
0xf: {  	vm10 =	vmmov $0x7ff;
	_ =	strace $0x80000047;
	s10 =	sshll.u32 s6, $0x3;
	vm0 =	vmmov $0x3;
	[tilespmem:$0x1FFD0] =	vst v5;
	v5 =	vimm.s32 $0x0;
	(pc) =	sbr.rel .LBB2_1-.Ltmp0, $4  }
0x10: {  	vm11 =	vmmov $0xfff;
	vm12 =	vmmov $0x1fff;
	s6 =	sadd.s32 s31, s1;
	s30 =	sshrl.u32 s9, $0x1;
	s8 =	sadd.s32 s5, s8;
	v5 =	vsel vm0, $0xFFFFFFFF, v5  }
0x11: {  	vm13 =	vmmov $0x3fff;
	s7 =	sadd.s32 s7, s10;
	s10 =	simm.s32 $0x580;
	s29 =	sshrl.u32 s8, $0x3;
	vm0 =	vmmov $0x7;
	[tilespmem:$0x1FFE0] =	vst v5;
	v5 =	vimm.s32 $0x0  }
0x12: {  	vm14 =	vmmov $0x7fff;
	v0 =	vmov s5;
	s8 =	ssub.s32 s9, s30;
	s5 =	sadd.s32 s31, s0;
	s4 =	sadd.s32 s29, s4;
	v5 =	vsel vm0, $0xFFFFFFFF, v5  }
0x13: {  	s9 =	simm.s32 $0x1;
	v6 =	vimm.s32 $0x0;
	s8 =	smax.u32 s8, $0x1;
	v2 =	vand.u32 $0xF, v2;
	s4 =	sadd.s32 $0x1400, s4;
	[tilespmem:$0x1FFF0] =	vst v5;
	v5 =	vlaneseq.u32  }
.LBB2_6:
0x14: {  	v8 =	vadd.s32 v9, v8  }
0x15: {  	v7 =	vadd.s32 v7, v8;
	_ =	sdelay $0x4  }
0x16: {  	v8 =	vld.idx.msk [tilespmem:v7+s13+$0x0], $0xffff;
	_ =	sdelay $0x4  }
0x17: {  	v62 =	vperm.xlane v8, v1;
	_ =	sdelay $0x1  }
0x18: {  	v9 =	vmax.f32 v8, v62  }
0x19: {  	v10 =	vperm.xlane v9, v2;
	_ =	sdelay $0x1  }
0x1a: {  	v9 =	vmax.f32 v9, v10  }
0x1b: {  	v10 =	vperm.xlane v9, v3;
	_ =	sdelay $0x1  }
0x1c: {  	v7 =	vld.idx.msk [tilespmem:v7+s14+$0x0], $0xffff;
	v9 =	vmax.f32 v9, v10  }
0x1d: {  	v10 =	vperm.xlane v9, v4;
	_ =	sdelay $0x1  }
0x1e: {  	v9 =	vmax.f32 v9, v10  }
0x1f: {  	vm0 =	veq.f32 v8, v9  }
0x20: {  	v7 =	vnsel vm0, $0x40000000, v7  }
0x21: {  	v8 =	vperm.xlane v7, v1;
	_ =	sdelay $0x1  }
0x22: {  	vm0 =	vlt.s32 v7, v8  }
0x23: {  	v7 =	vsel vm0, v7, v8  }
0x24: {  	v8 =	vperm.xlane v7, v2;
	_ =	sdelay $0x1  }
0x25: {  	vm0 =	vlt.s32 v7, v8  }
0x26: {  	v7 =	vsel vm0, v7, v8  }
0x27: {  	v8 =	vperm.xlane v7, v3;
	_ =	sdelay $0x1  }
0x28: {  	vm0 =	vlt.s32 v7, v8  }
0x29: {  	v7 =	vsel vm0, v7, v8;
	v8 =	vmov s17  }
0x2a: {  	v63 =	vperm.xlane v7, v4;
	_ =	sdelay $0x1  }
0x2b: {  	vm0 =	vlt.s32 v7, v63  }
0x2c: {  	v7 =	vsel vm0, v7, v63  }
0x2d: {  	[tilespmem:v8+s15+$0x0] =	vst.idx.msk $0x1, v7  }
0x2e: {  	[hbm4b:s7+s3] =	stream.linear.scatter [tilespmem:s15], [sflag:$0x1], $0x40, $0x38;
	[tilespmem:$0xF80] =	vst v63  }
0x2f: {  	_ =	swait.ge [sflag:s9], $0x40  }
0x30: {  	[sflag:s9] =	ssyncset.done $0x0  }
0x31: {  	[sflag:s9] =	ssyncadd.s32 $0xFFFFFFC0  }
.LBB2_7:
0x32: {  	s16 =	sadd.s32 $0x1, s16  }
0x33: {  	p1 =	sne.s32 s16, s8  }
.Ltmp1:
0x34: {  	_ = 	snop;
	(pc) =	sbr.rel @!p1 .LBB2_8-.Ltmp1, $1  }
0x35: {  	_ =	sdelay $0x3  }
.LBB2_1:
0x36: {  	[tilespmem:s3], [sflag:$0x1] =	stream.linear.gather [hbm4b:s4+s3], $0x500, $0x38;
	[tilespmem:$0xF80] =	vst v63  }
0x37: {  	_ =	swait.ge [sflag:s9], $0x500  }
0x38: {  	[sflag:s9] =	ssyncset.done $0x0  }
0x39: {  	[sflag:s9] =	ssyncadd.s32 $0xFFFFFB00  }
0x3a: {  	v7 =	vld [tilespmem:$0x0];
	_ =	sdelay $0x1  }
0x3b: {  	v8 =	vld [tilespmem:$0x10]  }
0x3c: {  	v50 =	vld [tilespmem:$0x1FFD0]  }
0x3d: {  	v9 =	vld [tilespmem:$0x20]  }
0x3e: {  	v51 =	vld [tilespmem:$0x1FFE0];
	v10 =	vperm.xlane v7, v1  }
0x3f: {  	v12 =	vld [tilespmem:$0x30]  }
0x40: {  	v24 =	vld [tilespmem:$0x160];
	v7 =	vmax.f32 v7, v10;
	v10 =	vperm.xlane v8, v1  }
0x41: {  	v28 =	vld [tilespmem:$0x190];
	v11 =	vperm.xlane v7, v2  }
0x42: {  	v33 =	vld [tilespmem:$0x1D0];
	vm0 =	vnez.u8 v50;
	v8 =	vmax.f32 v8, v10;
	v10 =	vperm.xlane v9, v1  }
0x43: {  	vm1 =	vnez.u8 v51;
	v7 =	vmax.f32 v7, v11;
	v11 =	vperm.xlane v8, v2  }
0x44: {  	v53 =	vld [tilespmem:$0x1FFF0];
	v14 =	vperm.xlane v12, v1;
	v13 =	vperm.xlane v7, v3;
	v9 =	vmax.f32 v9, v10  }
0x45: {  	v25 =	vperm.xlane v24, v1;
	v8 =	vmax.f32 v8, v11;
	v10 =	vperm.xlane v9, v2;
	v11 =	vld [tilespmem:$0x40]  }
0x46: {  	v29 =	vperm.xlane v28, v1;
	v7 =	vmax.f32 v7, v13;
	v13 =	vperm.xlane v8, v3  }
0x47: {  	v34 =	vperm.xlane v33, v1;
	v12 =	vmax.f32 v12, v14;
	v9 =	vmax.f32 v9, v10;
	v10 =	vld [tilespmem:$0x50]  }
0x48: {  	v16 =	vperm.xlane v12, v2;
	v8 =	vmax.f32 v8, v13;
	v13 =	vperm.xlane v9, v3  }
0x49: {  	v17 =	vld [tilespmem:$0x60];
	vm2 =	vnez.u8 v53;
	v15 =	vperm.xlane v7, v4;
	v14 =	vperm.xlane v8, v4  }
0x4a: {  	v12 =	vmax.f32 v12, v16;
	v9 =	vmax.f32 v9, v13;
	v13 =	vperm.xlane v11, v1  }
0x4b: {  	v7 =	vmax.f32 v7, v15;
	v8 =	vmax.f32 v8, v14;
	v14 =	vperm.xlane v9, v4  }
0x4c: {  	v15 =	vperm.xlane v12, v3;
	v11 =	vmax.f32 v11, v13;
	v13 =	vperm.xlane v10, v1  }
0x4d: {  	v7 =	vsel vm0, v7, v8;
	v8 =	vmax.f32 v9, v14;
	v9 =	vperm.xlane v11, v2;
	v14 =	vld [tilespmem:$0x70]  }
0x4e: {  	v12 =	vmax.f32 v12, v15;
	v10 =	vmax.f32 v10, v13;
	v13 =	vperm.xlane v17, v1  }
0x4f: {  	v15 =	vperm.xlane v12, v4;
	v9 =	vmax.f32 v11, v9;
	v11 =	vperm.xlane v10, v2  }
0x50: {  	v7 =	vsel vm1, v7, v8;
	v8 =	vperm.xlane v9, v3;
	v13 =	vmax.f32 v17, v13  }
0x51: {  	v12 =	vmax.f32 v12, v15;
	v15 =	vld [tilespmem:$0x80];
	v10 =	vmax.f32 v10, v11;
	v11 =	vperm.xlane v13, v2  }
0x52: {  	v8 =	vmax.f32 v9, v8;
	v9 =	vperm.xlane v10, v3;
	v52 =	vperm.xlane v14, v1  }
0x53: {  	v7 =	vsel vm2, v7, v12;
	v12 =	vperm.xlane v8, v4;
	v11 =	vmax.f32 v13, v11;
	v13 =	vld [tilespmem:$0x90]  }
0x54: {  	v46 =	vld [tilespmem:$0x260];
	v9 =	vmax.f32 v10, v9;
	v10 =	vperm.xlane v11, v3;
	v14 =	vmax.f32 v14, v52  }
0x55: {  	v8 =	vmax.f32 v8, v12;
	v12 =	vperm.xlane v9, v4;
	v16 =	vperm.xlane v14, v2  }
0x56: {  	v7 =	vsel vm3, v7, v8;
	v8 =	vmax.f32 v11, v10;
	v10 =	vperm.xlane v15, v1  }
0x57: {  	v48 =	vld [tilespmem:$0x270];
	v9 =	vmax.f32 v9, v12;
	v11 =	vperm.xlane v8, v4;
	v12 =	vmax.f32 v14, v16  }
0x58: {  	v54 =	vld [tilespmem:$0xA0];
	v14 =	vperm.xlane v12, v3;
	v10 =	vmax.f32 v15, v10;
	v15 =	vperm.xlane v13, v1  }
0x59: {  	v49 =	vperm.xlane v46, v1;
	v7 =	vsel vm4, v7, v9;
	v9 =	vperm.xlane v10, v2  }
0x5a: {  	v8 =	vmax.f32 v8, v11;
	v11 =	vmax.f32 v12, v14;
	v12 =	vmax.f32 v13, v15;
	v13 =	vld [tilespmem:$0xB0]  }
0x5b: {  	v15 =	vld [tilespmem:$0xC0];
	v14 =	vperm.xlane v11, v4;
	v9 =	vmax.f32 v10, v9;
	v10 =	vperm.xlane v12, v2  }
0x5c: {  	v50 =	vperm.xlane v48, v1;
	v7 =	vsel vm5, v7, v8;
	v8 =	vperm.xlane v9, v3  }
0x5d: {  	v11 =	vmax.f32 v11, v14;
	v10 =	vmax.f32 v12, v10;
	v12 =	vperm.xlane v54, v1  }
0x5e: {  	v7 =	vsel vm6, v7, v11;
	v8 =	vmax.f32 v9, v8;
	v9 =	vperm.xlane v10, v3  }
0x5f: {  	v11 =	vperm.xlane v8, v4;
	v12 =	vmax.f32 v54, v12;
	v14 =	vperm.xlane v13, v1  }
0x60: {  	v55 =	vld [tilespmem:$0xD0];
	v56 =	vperm.xlane v15, v1;
	v9 =	vmax.f32 v10, v9;
	v10 =	vperm.xlane v12, v2  }
0x61: {  	v8 =	vmax.f32 v8, v11;
	v11 =	vperm.xlane v9, v4;
	v13 =	vmax.f32 v13, v14  }
0x62: {  	v53 =	vld [tilespmem:$0x290];
	v14 =	vmax.f32 v15, v56;
	v10 =	vmax.f32 v12, v10;
	v12 =	vperm.xlane v13, v2  }
0x63: {  	v16 =	vmax.f32 v28, v29;
	v7 =	vsel vm7, v7, v8;
	v15 =	vperm.xlane v14, v2  }
0x64: {  	v54 =	vld [tilespmem:$0x2A0];
	v8 =	vperm.xlane v10, v3;
	v9 =	vmax.f32 v9, v11;
	v11 =	vmax.f32 v13, v12  }
0x65: {  	v12 =	vperm.xlane v55, v1;
	v13 =	vld [tilespmem:$0xE0];
	v14 =	vmax.f32 v14, v15;
	v7 =	vsel vm8, v7, v9  }
0x66: {  	v8 =	vmax.f32 v10, v8;
	v10 =	vperm.xlane v11, v3;
	v57 =	vperm.xlane v14, v3  }
0x67: {  	v15 =	vperm.xlane v8, v4;
	v12 =	vmax.f32 v55, v12;
	v55 =	vperm.xlane v53, v1  }
0x68: {  	v9 =	vmax.f32 v11, v10;
	v10 =	vperm.xlane v12, v2;
	v11 =	vld [tilespmem:$0xF0];
	v14 =	vmax.f32 v14, v57  }
0x69: {  	v56 =	vld [tilespmem:$0x2B0];
	v57 =	vperm.xlane v54, v1;
	v8 =	vmax.f32 v8, v15;
	v15 =	vperm.xlane v9, v4  }
0x6a: {  	v59 =	vld [tilespmem:$0x100];
	v58 =	vperm.xlane v14, v4;
	v10 =	vmax.f32 v12, v10;
	v12 =	vperm.xlane v13, v1  }
0x6b: {  	v7 =	vsel vm9, v7, v8;
	v8 =	vmax.f32 v9, v15;
	v9 =	vperm.xlane v10, v3  }
0x6c: {  	v7 =	vsel vm10, v7, v8;
	v8 =	vmax.f32 v14, v58;
	v12 =	vmax.f32 v13, v12;
	v13 =	vld [tilespmem:$0x110]  }
0x6d: {  	v9 =	vmax.f32 v10, v9;
	v10 =	vperm.xlane v12, v2;
	v14 =	vperm.xlane v11, v1  }
0x6e: {  	v58 =	vperm.xlane v56, v1;
	v7 =	vsel vm11, v7, v8;
	v8 =	vperm.xlane v9, v4  }
0x6f: {  	v10 =	vmax.f32 v12, v10;
	v11 =	vmax.f32 v11, v14;
	v12 =	vperm.xlane v59, v1;
	v14 =	vld [tilespmem:$0x120]  }
0x70: {  	v8 =	vmax.f32 v9, v8;
	v9 =	vperm.xlane v10, v3;
	v15 =	vperm.xlane v11, v2  }
0x71: {  	v60 =	vld [tilespmem:$0x130];
	v7 =	vsel vm12, v7, v8;
	v8 =	vmax.f32 v59, v12;
	v12 =	vperm.xlane v13, v1  }
0x72: {  	v9 =	vmax.f32 v10, v9;
	v10 =	vmax.f32 v11, v15;
	v11 =	vperm.xlane v8, v2  }
0x73: {  	v15 =	vperm.xlane v9, v4;
	v61 =	vperm.xlane v10, v3;
	v12 =	vmax.f32 v13, v12  }
0x74: {  	v8 =	vmax.f32 v8, v11;
	v11 =	vperm.xlane v12, v2;
	v13 =	vperm.xlane v14, v1  }
0x75: {  	v9 =	vmax.f32 v9, v15;
	v10 =	vmax.f32 v10, v61;
	v15 =	vperm.xlane v8, v3  }
0x76: {  	v11 =	vmax.f32 v12, v11;
	v12 =	vmax.f32 v14, v13;
	v13 =	vperm.xlane v60, v1;
	v14 =	vld [tilespmem:$0x140]  }
0x77: {  	v8 =	vmax.f32 v8, v15;
	v15 =	vperm.xlane v11, v3;
	v62 =	vperm.xlane v12, v2  }
0x78: {  	v63 =	vld [tilespmem:$0x150];
	v18 =	vperm.xlane v10, v4;
	v19 =	vperm.xlane v8, v4;
	v13 =	vmax.f32 v60, v13  }
0x79: {  	v11 =	vmax.f32 v11, v15;
	v12 =	vmax.f32 v12, v62;
	v15 =	vperm.xlane v13, v2  }
0x7a: {  	v7 =	vsel vm13, v7, v9;
	v9 =	vperm.xlane v11, v4;
	v17 =	vperm.xlane v12, v3  }
0x7b: {  	v8 =	vmax.f32 v8, v19;
	v13 =	vmax.f32 v13, v15;
	v15 =	vperm.xlane v14, v1  }
0x7c: {  	v9 =	vmax.f32 v11, v9;
	v11 =	vmax.f32 v12, v17;
	v12 =	vperm.xlane v13, v3  }
0x7d: {  	v20 =	vld [tilespmem:$0x170];
	v17 =	vperm.xlane v11, v4;
	v14 =	vmax.f32 v14, v15;
	v15 =	vperm.xlane v63, v1  }
0x7e: {  	v8 =	vsel vm0, v8, v9;
	v9 =	vmax.f32 v13, v12;
	v12 =	vperm.xlane v14, v2  }
0x7f: {  	v10 =	vmax.f32 v10, v18;
	v13 =	vperm.xlane v9, v4;
	v15 =	vmax.f32 v63, v15  }
0x80: {  	v11 =	vmax.f32 v11, v17;
	v12 =	vmax.f32 v14, v12;
	v14 =	vperm.xlane v15, v2  }
0x81: {  	v8 =	vsel vm1, v8, v11;
	v9 =	vmax.f32 v9, v13;
	v11 =	vperm.xlane v12, v3  }
0x82: {  	v26 =	vld [tilespmem:$0x180];
	v13 =	vmax.f32 v15, v14;
	v14 =	vmax.f32 v24, v25;
	v15 =	vperm.xlane v20, v1  }
0x83: {  	v11 =	vmax.f32 v12, v11;
	v12 =	vperm.xlane v13, v3;
	v27 =	vperm.xlane v14, v2  }
0x84: {  	v8 =	vsel vm2, v8, v9;
	v9 =	vperm.xlane v11, v4;
	v15 =	vmax.f32 v20, v15  }
0x85: {  	v12 =	vmax.f32 v13, v12;
	v13 =	vmax.f32 v14, v27;
	v14 =	vperm.xlane v15, v2  }
0x86: {  	v60 =	vld [tilespmem:$0x2D0];
	v9 =	vmax.f32 v11, v9;
	v11 =	vperm.xlane v12, v4;
	v17 =	vperm.xlane v13, v3  }
0x87: {  	v8 =	vsel vm3, v8, v9;
	v9 =	vmax.f32 v15, v14;
	v14 =	vperm.xlane v26, v1;
	v15 =	vld [tilespmem:$0x1A0]  }
0x88: {  	v11 =	vmax.f32 v12, v11;
	v12 =	vmax.f32 v13, v17;
	v13 =	vperm.xlane v9, v3  }
0x89: {  	v30 =	vld [tilespmem:$0x1B0];
	v7 =	vsel vm14, v7, v10;
	v17 =	vperm.xlane v12, v4;
	v14 =	vmax.f32 v26, v14  }
0x8a: {  	v8 =	vsel vm4, v8, v11;
	v9 =	vmax.f32 v9, v13;
	v11 =	vperm.xlane v14, v2  }
0x8b: {  	v62 =	vperm.xlane v60, v1;
	v12 =	vmax.f32 v12, v17;
	v13 =	vperm.xlane v9, v4  }
0x8c: {  	v11 =	vmax.f32 v14, v11;
	v14 =	vperm.xlane v16, v2;
	v31 =	vperm.xlane v15, v1  }
0x8d: {  	v8 =	vsel vm5, v8, v12;
	v9 =	vmax.f32 v9, v13;
	v12 =	vperm.xlane v11, v3  }
0x8e: {  	v32 =	vld [tilespmem:$0x1C0];
	v13 =	vmax.f32 v16, v14;
	v14 =	vmax.f32 v15, v31;
	v15 =	vperm.xlane v30, v1  }
0x8f: {  	v61 =	vld [tilespmem:$0x2E0];
	v11 =	vmax.f32 v11, v12;
	v12 =	vperm.xlane v13, v3;
	v17 =	vperm.xlane v14, v2  }
0x90: {  	v8 =	vsel vm6, v8, v9;
	v9 =	vperm.xlane v11, v4;
	v15 =	vmax.f32 v30, v15  }
0x91: {  	v63 =	vld [tilespmem:$0x2F0];
	v12 =	vmax.f32 v13, v12;
	v13 =	vmax.f32 v14, v17;
	v14 =	vperm.xlane v15, v2  }
0x92: {  	v9 =	vmax.f32 v11, v9;
	v11 =	vperm.xlane v12, v4;
	v17 =	vperm.xlane v13, v3  }
0x93: {  	v8 =	vsel vm7, v8, v9;
	v9 =	vmax.f32 v15, v14;
	v14 =	vperm.xlane v32, v1  }
0x94: {  	v24 =	vperm.xlane v61, v1;
	v15 =	vld [tilespmem:$0x1E0];
	v11 =	vmax.f32 v12, v11;
	v12 =	vmax.f32 v13, v17  }
0x95: {  	v27 =	vld [tilespmem:$0x310];
	v13 =	vperm.xlane v9, v3;
	v17 =	vperm.xlane v12, v4;
	v14 =	vmax.f32 v32, v14  }
0x96: {  	v25 =	vperm.xlane v63, v1;
	v8 =	vsel vm8, v8, v11;
	v11 =	vperm.xlane v14, v2  }
0x97: {  	v28 =	vld [tilespmem:$0x320];
	v16 =	vmax.f32 v33, v34;
	v9 =	vmax.f32 v9, v13;
	v12 =	vmax.f32 v12, v17  }
0x98: {  	v30 =	vld [tilespmem:$0x330];
	v13 =	vperm.xlane v9, v4;
	v11 =	vmax.f32 v14, v11;
	v14 =	vperm.xlane v16, v2  }
0x99: {  	v36 =	vld [tilespmem:$0x1F0];
	v35 =	vperm.xlane v15, v1;
	v8 =	vsel vm9, v8, v12;
	v12 =	vperm.xlane v11, v3  }
0x9a: {  	v29 =	vperm.xlane v27, v1;
	v31 =	vld [tilespmem:$0x340];
	v9 =	vmax.f32 v9, v13;
	v13 =	vmax.f32 v16, v14  }
0x9b: {  	v14 =	vmax.f32 v15, v35;
	v15 =	vld [tilespmem:$0x200];
	v11 =	vmax.f32 v11, v12;
	v12 =	vperm.xlane v13, v3  }
0x9c: {  	v8 =	vsel vm10, v8, v9;
	v37 =	vperm.xlane v14, v2;
	v9 =	vperm.xlane v11, v4  }
0x9d: {  	v10 =	vld [tilespmem:$0x210];
	v32 =	vperm.xlane v28, v1;
	v33 =	vperm.xlane v30, v1;
	v12 =	vmax.f32 v13, v12  }
0x9e: {  	v13 =	vmax.f32 v14, v37;
	v14 =	vperm.xlane v36, v1;
	v9 =	vmax.f32 v11, v9  }
0x9f: {  	v11 =	vperm.xlane v12, v4;
	v16 =	vperm.xlane v13, v3;
	v8 =	vsel vm11, v8, v9  }
0xa0: {  	v38 =	vld [tilespmem:$0x220];
	v9 =	vmax.f32 v36, v14;
	v14 =	vperm.xlane v15, v1;
	v36 =	vperm.xlane v31, v1  }
0xa1: {  	v11 =	vmax.f32 v12, v11;
	v12 =	vmax.f32 v13, v16;
	v13 =	vperm.xlane v9, v2  }
0xa2: {  	v39 =	vld [tilespmem:$0x230];
	v16 =	vperm.xlane v12, v4;
	v14 =	vmax.f32 v15, v14;
	v15 =	vperm.xlane v10, v1  }
0xa3: {  	v8 =	vsel vm12, v8, v11;
	v9 =	vmax.f32 v9, v13;
	v11 =	vperm.xlane v14, v2  }
0xa4: {  	v12 =	vmax.f32 v12, v16;
	v13 =	vperm.xlane v9, v3;
	v10 =	vmax.f32 v10, v15  }
0xa5: {  	v15 =	vperm.xlane v38, v1;
	v11 =	vmax.f32 v14, v11;
	v14 =	vperm.xlane v10, v2  }
0xa6: {  	v8 =	vsel vm13, v8, v12;
	v9 =	vmax.f32 v9, v13;
	v12 =	vperm.xlane v11, v3  }
0xa7: {  	v13 =	vmax.f32 v38, v15;
	v15 =	vld [tilespmem:$0x240];
	v10 =	vmax.f32 v10, v14;
	v14 =	vperm.xlane v39, v1  }
0xa8: {  	v40 =	vperm.xlane v13, v2;
	v11 =	vmax.f32 v11, v12;
	v12 =	vperm.xlane v10, v3  }
0xa9: {  	v43 =	vld [tilespmem:$0x250];
	v41 =	vperm.xlane v9, v4;
	v42 =	vperm.xlane v11, v4;
	v14 =	vmax.f32 v39, v14  }
0xaa: {  	v10 =	vmax.f32 v10, v12;
	v12 =	vmax.f32 v13, v40;
	v13 =	vperm.xlane v14, v2  }
0xab: {  	v21 =	vld [tilespmem:$0x350];
	v44 =	vperm.xlane v10, v4;
	v45 =	vperm.xlane v12, v3  }
0xac: {  	v11 =	vmax.f32 v11, v42;
	v13 =	vmax.f32 v14, v13;
	v14 =	vperm.xlane v15, v1  }
0xad: {  	v39 =	vld [tilespmem:$0x360];
	v10 =	vmax.f32 v10, v44;
	v12 =	vmax.f32 v12, v45;
	v47 =	vperm.xlane v13, v3  }
0xae: {  	v17 =	vperm.xlane v12, v4;
	v14 =	vmax.f32 v15, v14;
	v15 =	vperm.xlane v43, v1  }
0xaf: {  	v10 =	vsel vm0, v11, v10;
	v11 =	vmax.f32 v13, v47;
	v13 =	vperm.xlane v14, v2  }
0xb0: {  	v42 =	vperm.xlane v21, v1;
	v12 =	vmax.f32 v12, v17;
	v15 =	vmax.f32 v43, v15  }
0xb1: {  	v16 =	vperm.xlane v11, v4;
	v13 =	vmax.f32 v14, v13;
	v14 =	vperm.xlane v15, v2  }
0xb2: {  	v45 =	vperm.xlane v39, v1;
	v10 =	vsel vm1, v10, v12;
	v12 =	vperm.xlane v13, v3  }
0xb3: {  	v51 =	vld [tilespmem:$0x280];
	v11 =	vmax.f32 v11, v16;
	v14 =	vmax.f32 v15, v14;
	v15 =	vmax.f32 v46, v49  }
0xb4: {  	v12 =	vmax.f32 v13, v12;
	v13 =	vperm.xlane v14, v3;
	v52 =	vperm.xlane v15, v2  }
0xb5: {  	v16 =	vmax.f32 v48, v50;
	v10 =	vsel vm2, v10, v11;
	v11 =	vperm.xlane v12, v4  }
0xb6: {  	v13 =	vmax.f32 v14, v13;
	v14 =	vmax.f32 v15, v52;
	v15 =	vperm.xlane v16, v2  }
0xb7: {  	v11 =	vmax.f32 v12, v11;
	v12 =	vperm.xlane v13, v4;
	v18 =	vperm.xlane v14, v3  }
0xb8: {  	v10 =	vsel vm3, v10, v11;
	v11 =	vmax.f32 v16, v15;
	v15 =	vperm.xlane v51, v1  }
0xb9: {  	v17 =	vmax.f32 v53, v55;
	v48 =	vld [tilespmem:$0x390];
	v12 =	vmax.f32 v13, v12;
	v13 =	vmax.f32 v14, v18  }
0xba: {  	v14 =	vperm.xlane v11, v3;
	v18 =	vperm.xlane v13, v4;
	v15 =	vmax.f32 v51, v15  }
0xbb: {  	v47 =	vmax.f32 v39, v45;
	v10 =	vsel vm4, v10, v12;
	v12 =	vperm.xlane v15, v2  }
0xbc: {  	v49 =	vperm.xlane v47, v2;
	v11 =	vmax.f32 v11, v14;
	v13 =	vmax.f32 v13, v18  }
0xbd: {  	v14 =	vperm.xlane v11, v4;
	v12 =	vmax.f32 v15, v12;
	v15 =	vperm.xlane v17, v2  }
0xbe: {  	v52 =	vperm.xlane v48, v1;
	v10 =	vsel vm5, v10, v13;
	v13 =	vperm.xlane v12, v3  }
0xbf: {  	v59 =	vld [tilespmem:$0x2C0];
	v11 =	vmax.f32 v11, v14;
	v14 =	vmax.f32 v17, v15;
	v15 =	vmax.f32 v54, v57  }
0xc0: {  	v53 =	vld [tilespmem:$0x3A0];
	v12 =	vmax.f32 v12, v13;
	v13 =	vperm.xlane v14, v3;
	v18 =	vperm.xlane v15, v2  }
0xc1: {  	v16 =	vmax.f32 v56, v58;
	v10 =	vsel vm6, v10, v11;
	v11 =	vperm.xlane v12, v4  }
0xc2: {  	v13 =	vmax.f32 v14, v13;
	v14 =	vmax.f32 v15, v18;
	v15 =	vperm.xlane v16, v2  }
0xc3: {  	v58 =	vld [tilespmem:$0x3C0];
	v11 =	vmax.f32 v12, v11;
	v12 =	vperm.xlane v13, v4;
	v18 =	vperm.xlane v14, v3  }
0xc4: {  	v10 =	vsel vm7, v10, v11;
	v11 =	vmax.f32 v16, v15;
	v15 =	vperm.xlane v59, v1  }
0xc5: {  	v56 =	vperm.xlane v53, v1;
	v12 =	vmax.f32 v13, v12;
	v13 =	vmax.f32 v14, v18  }
0xc6: {  	v14 =	vperm.xlane v11, v3;
	v18 =	vperm.xlane v13, v4;
	v15 =	vmax.f32 v59, v15  }
0xc7: {  	v17 =	vmax.f32 v60, v62;
	v10 =	vsel vm8, v10, v12;
	v12 =	vperm.xlane v15, v2  }
0xc8: {  	v62 =	vperm.xlane v58, v1;
	v11 =	vmax.f32 v11, v14;
	v13 =	vmax.f32 v13, v18  }
0xc9: {  	v14 =	vperm.xlane v11, v4;
	v12 =	vmax.f32 v15, v12;
	v15 =	vperm.xlane v17, v2  }
0xca: {  	v16 =	vmax.f32 v63, v25;
	v10 =	vsel vm9, v10, v13;
	v13 =	vperm.xlane v12, v3  }
0xcb: {  	v26 =	vld [tilespmem:$0x300];
	v11 =	vmax.f32 v11, v14;
	v14 =	vmax.f32 v17, v15;
	v15 =	vmax.f32 v61, v24  }
0xcc: {  	v12 =	vmax.f32 v12, v13;
	v13 =	vperm.xlane v14, v3;
	v18 =	vperm.xlane v15, v2  }
0xcd: {  	v10 =	vsel vm10, v10, v11;
	v17 =	vmax.f32 v27, v29;
	v11 =	vperm.xlane v12, v4  }
0xce: {  	v13 =	vmax.f32 v14, v13;
	v14 =	vmax.f32 v15, v18;
	v15 =	vperm.xlane v16, v2  }
0xcf: {  	v61 =	vld [tilespmem:$0x3E0];
	v11 =	vmax.f32 v12, v11;
	v12 =	vperm.xlane v13, v4;
	v18 =	vperm.xlane v14, v3  }
0xd0: {  	v10 =	vsel vm11, v10, v11;
	v11 =	vmax.f32 v16, v15;
	v15 =	vperm.xlane v26, v1  }
0xd1: {  	v12 =	vmax.f32 v13, v12;
	v13 =	vmax.f32 v14, v18;
	v14 =	vperm.xlane v11, v3  }
0xd2: {  	v16 =	vmax.f32 v30, v33;
	v18 =	vperm.xlane v13, v4;
	v15 =	vmax.f32 v26, v15  }
0xd3: {  	v10 =	vsel vm12, v10, v12;
	v11 =	vmax.f32 v11, v14;
	v12 =	vperm.xlane v15, v2  }
0xd4: {  	v25 =	vperm.xlane v61, v1;
	v33 =	vld [tilespmem:$0x420];
	v13 =	vmax.f32 v13, v18;
	v14 =	vperm.xlane v11, v4  }
0xd5: {  	v18 =	vmax.f32 v31, v36;
	v12 =	vmax.f32 v15, v12;
	v15 =	vperm.xlane v17, v2  }
0xd6: {  	v27 =	vld [tilespmem:$0x3F0];
	v10 =	vsel vm13, v10, v13;
	v38 =	vperm.xlane v18, v2;
	v13 =	vperm.xlane v12, v3  }
0xd7: {  	v11 =	vmax.f32 v11, v14;
	v14 =	vmax.f32 v17, v15;
	v15 =	vmax.f32 v28, v32  }
0xd8: {  	v30 =	vld [tilespmem:$0x410];
	v12 =	vmax.f32 v12, v13;
	v13 =	vperm.xlane v14, v3;
	v34 =	vperm.xlane v15, v2  }
0xd9: {  	v9 =	vmax.f32 v9, v41;
	v36 =	vperm.xlane v33, v1;
	v35 =	vperm.xlane v12, v4  }
0xda: {  	v13 =	vmax.f32 v14, v13;
	v14 =	vmax.f32 v15, v34;
	v15 =	vperm.xlane v16, v2  }
0xdb: {  	v10 =	vsel vm14, v10, v11;
	v34 =	vperm.xlane v27, v1;
	v22 =	vperm.xlane v14, v3  }
0xdc: {  	v37 =	vperm.xlane v13, v4;
	v12 =	vmax.f32 v12, v35;
	v15 =	vmax.f32 v16, v15  }
0xdd: {  	v35 =	vperm.xlane v30, v1;
	v14 =	vmax.f32 v14, v22;
	v40 =	vperm.xlane v15, v3  }
0xde: {  	v16 =	vmax.f32 v18, v38;
	v13 =	vmax.f32 v13, v37;
	v37 =	vld [tilespmem:$0x430];
	v41 =	vperm.xlane v14, v4  }
0xdf: {  	v12 =	vsel vm0, v12, v13;
	v13 =	vmax.f32 v15, v40;
	v15 =	vperm.xlane v16, v3  }
0xe0: {  	v43 =	vld [tilespmem:$0x370];
	v18 =	vmax.f32 v21, v42;
	v14 =	vmax.f32 v14, v41;
	v17 =	vperm.xlane v13, v4  }
0xe1: {  	v44 =	vperm.xlane v18, v2;
	v41 =	vld [tilespmem:$0x440];
	v15 =	vmax.f32 v16, v15;
	v12 =	vsel vm1, v12, v14  }
0xe2: {  	v46 =	vld [tilespmem:$0x380];
	v13 =	vmax.f32 v13, v17;
	v14 =	vperm.xlane v15, v4;
	v17 =	vmax.f32 v48, v52  }
0xe3: {  	v42 =	vperm.xlane v37, v1;
	v12 =	vsel vm2, v12, v13;
	v13 =	vmax.f32 v18, v44  }
0xe4: {  	v55 =	vperm.xlane v17, v2;
	v14 =	vmax.f32 v15, v14;
	v15 =	vperm.xlane v13, v3  }
0xe5: {  	v11 =	vsel vm3, v12, v14;
	v12 =	vperm.xlane v43, v1;
	v14 =	vmax.f32 v47, v49  }
0xe6: {  	v16 =	vmax.f32 v17, v55;
	v17 =	vmax.f32 v53, v56;
	v23 =	vperm.xlane v41, v1  }
0xe7: {  	v13 =	vmax.f32 v13, v15;
	v15 =	vperm.xlane v46, v1;
	v18 =	vperm.xlane v14, v3  }
0xe8: {  	v60 =	vperm.xlane v17, v2;
	v50 =	vperm.xlane v13, v4;
	v12 =	vmax.f32 v43, v12  }
0xe9: {  	v47 =	vld [tilespmem:$0x460];
	v51 =	vperm.xlane v12, v2;
	v15 =	vmax.f32 v46, v15;
	v14 =	vmax.f32 v14, v18  }
0xea: {  	v13 =	vmax.f32 v13, v50;
	v54 =	vperm.xlane v15, v2;
	v18 =	vperm.xlane v14, v4  }
0xeb: {  	v43 =	vld [tilespmem:$0x450];
	v50 =	vmax.f32 v41, v23;
	v12 =	vmax.f32 v12, v51;
	v11 =	vsel vm4, v11, v13  }
0xec: {  	v52 =	vperm.xlane v50, v2;
	v19 =	vperm.xlane v12, v3;
	v15 =	vmax.f32 v15, v54  }
0xed: {  	v13 =	vmax.f32 v14, v18;
	v18 =	vmax.f32 v33, v36;
	v14 =	vperm.xlane v15, v3  }
0xee: {  	v57 =	vld [tilespmem:$0x3B0];
	v53 =	vperm.xlane v47, v1;
	v40 =	vperm.xlane v18, v2;
	v12 =	vmax.f32 v12, v19  }
0xef: {  	v19 =	vperm.xlane v12, v4;
	v14 =	vmax.f32 v15, v14;
	v15 =	vperm.xlane v16, v3  }
0xf0: {  	v11 =	vsel vm5, v11, v13;
	v51 =	vperm.xlane v43, v1;
	v13 =	vperm.xlane v14, v4  }
0xf1: {  	v59 =	vld [tilespmem:$0x3D0];
	v12 =	vmax.f32 v12, v19;
	v15 =	vmax.f32 v16, v15;
	v16 =	vmax.f32 v30, v35  }
0xf2: {  	v11 =	vsel vm6, v11, v12;
	v12 =	vmax.f32 v14, v13;
	v13 =	vperm.xlane v15, v4  }
0xf3: {  	v55 =	vmax.f32 v50, v52;
	v14 =	vperm.xlane v57, v1;
	v39 =	vperm.xlane v16, v2  }
0xf4: {  	v11 =	vsel vm7, v11, v12;
	v12 =	vmax.f32 v17, v60;
	v17 =	vmax.f32 v58, v62  }
0xf5: {  	v54 =	vld [tilespmem:$0x470];
	v13 =	vmax.f32 v15, v13;
	v15 =	vperm.xlane v12, v3;
	v24 =	vperm.xlane v17, v2  }
0xf6: {  	v11 =	vsel vm8, v11, v13;
	v13 =	vmax.f32 v57, v14;
	v14 =	vperm.xlane v59, v1  }
0xf7: {  	v58 =	vperm.xlane v55, v3;
	v12 =	vmax.f32 v12, v15;
	v15 =	vperm.xlane v13, v2  }
0xf8: {  	v17 =	vmax.f32 v17, v24;
	v63 =	vperm.xlane v12, v4;
	v14 =	vmax.f32 v59, v14  }
0xf9: {  	v19 =	vperm.xlane v17, v3;
	v13 =	vmax.f32 v13, v15;
	v15 =	vperm.xlane v14, v2  }
0xfa: {  	v62 =	vperm.xlane v54, v1;
	v16 =	vmax.f32 v16, v39;
	v26 =	vperm.xlane v13, v3  }
0xfb: {  	v12 =	vmax.f32 v12, v63;
	v17 =	vmax.f32 v17, v19;
	v14 =	vmax.f32 v14, v15  }
0xfc: {  	v24 =	vld [tilespmem:$0x4A0];
	v15 =	vmax.f32 v61, v25;
	v13 =	vmax.f32 v13, v26;
	v28 =	vperm.xlane v14, v3  }
0xfd: {  	v29 =	vld [tilespmem:$0x400];
	v11 =	vsel vm9, v11, v12;
	v20 =	vperm.xlane v15, v2;
	v12 =	vperm.xlane v13, v4  }
0xfe: {  	v60 =	vld [tilespmem:$0x480];
	v21 =	vperm.xlane v16, v3;
	v31 =	vperm.xlane v17, v4;
	v14 =	vmax.f32 v14, v28  }
0xff: {  	v15 =	vmax.f32 v15, v20;
	v12 =	vmax.f32 v13, v12;
	v13 =	vperm.xlane v14, v4  }
0x100: {  	v32 =	vperm.xlane v15, v3;
	v11 =	vsel vm10, v11, v12;
	v12 =	vmax.f32 v17, v31  }
0x101: {  	v19 =	vmax.f32 v47, v53;
	v63 =	vld [tilespmem:$0x490];
	v30 =	vperm.xlane v24, v1;
	v11 =	vsel vm11, v11, v12  }
0x102: {  	v12 =	vmax.f32 v14, v13;
	v13 =	vmax.f32 v15, v32;
	v15 =	vperm.xlane v29, v1  }
0x103: {  	v59 =	vperm.xlane v19, v2;
	v26 =	vperm.xlane v60, v1;
	v14 =	vmax.f32 v27, v34  }
0x104: {  	v20 =	vmax.f32 v24, v30;
	v17 =	vperm.xlane v14, v2;
	v15 =	vmax.f32 v29, v15  }
0x105: {  	v11 =	vsel vm12, v11, v12;
	v12 =	vperm.xlane v13, v4;
	v38 =	vperm.xlane v15, v2  }
0x106: {  	v36 =	vperm.xlane v20, v2;
	v27 =	vperm.xlane v63, v1;
	v14 =	vmax.f32 v14, v17  }
0x107: {  	v12 =	vmax.f32 v13, v12;
	v13 =	vperm.xlane v14, v3;
	v15 =	vmax.f32 v15, v38  }
0x108: {  	v17 =	vmax.f32 v37, v42;
	v11 =	vsel vm13, v11, v12;
	v12 =	vperm.xlane v15, v3  }
0x109: {  	v48 =	vperm.xlane v17, v2;
	v13 =	vmax.f32 v14, v13;
	v14 =	vmax.f32 v18, v40  }
0x10a: {  	v31 =	vld [tilespmem:$0x4B0];
	v44 =	vperm.xlane v14, v3;
	v12 =	vmax.f32 v15, v12;
	v15 =	vmax.f32 v16, v21  }
0x10b: {  	v45 =	vperm.xlane v12, v4;
	v46 =	vperm.xlane v15, v4  }
0x10c: {  	v18 =	vmax.f32 v43, v51;
	v16 =	vmax.f32 v17, v48;
	v14 =	vmax.f32 v14, v44  }
0x10d: {  	v49 =	vperm.xlane v14, v4;
	v12 =	vmax.f32 v12, v45;
	v15 =	vmax.f32 v15, v46  }
0x10e: {  	v56 =	vperm.xlane v18, v2;
	v12 =	vsel vm0, v12, v15;
	v15 =	vperm.xlane v16, v3  }
0x10f: {  	v37 =	vperm.xlane v31, v1;
	v32 =	vperm.xlane v13, v4;
	v14 =	vmax.f32 v14, v49  }
0x110: {  	v12 =	vsel vm1, v12, v14;
	v14 =	vmax.f32 v18, v56;
	v15 =	vmax.f32 v16, v15  }
0x111: {  	v16 =	vmax.f32 v55, v58;
	v18 =	vperm.xlane v14, v3;
	v57 =	vperm.xlane v15, v4  }
0x112: {  	v17 =	vmax.f32 v19, v59;
	v19 =	vmax.f32 v54, v62;
	v61 =	vperm.xlane v16, v4  }
0x113: {  	v25 =	vperm.xlane v19, v2;
	v14 =	vmax.f32 v14, v18;
	v15 =	vmax.f32 v15, v57  }
0x114: {  	v41 =	vld [tilespmem:$0x4D0];
	v16 =	vmax.f32 v16, v61;
	v18 =	vperm.xlane v14, v4;
	v12 =	vsel vm2, v12, v15  }
0x115: {  	v13 =	vmax.f32 v13, v32;
	v15 =	vperm.xlane v17, v3;
	v12 =	vsel vm3, v12, v16  }
0x116: {  	v14 =	vmax.f32 v14, v18;
	v18 =	vmax.f32 v60, v26;
	v16 =	vmax.f32 v63, v27  }
0x117: {  	v15 =	vmax.f32 v17, v15;
	v12 =	vsel vm4, v12, v14;
	v29 =	vperm.xlane v18, v2  }
0x118: {  	v40 =	vld [tilespmem:$0x4C0];
	v14 =	vmax.f32 v19, v25;
	v33 =	vperm.xlane v16, v2;
	v17 =	vperm.xlane v15, v4  }
0x119: {  	v11 =	vsel vm14, v11, v13;
	v13 =	vperm.xlane v41, v1;
	v28 =	vperm.xlane v14, v3  }
0x11a: {  	v18 =	vmax.f32 v18, v29;
	v16 =	vmax.f32 v16, v33;
	v15 =	vmax.f32 v15, v17  }
0x11b: {  	v43 =	vld [tilespmem:$0x4E0];
	v14 =	vmax.f32 v14, v28;
	v35 =	vperm.xlane v18, v3;
	v17 =	vmax.f32 v20, v36  }
0x11c: {  	v34 =	vperm.xlane v14, v4;
	v12 =	vsel vm5, v12, v15;
	v15 =	vperm.xlane v16, v3  }
0x11d: {  	v8 =	vsel vm14, v8, v9;
	v46 =	vperm.xlane v40, v1;
	v39 =	vperm.xlane v17, v3  }
0x11e: {  	v18 =	vmax.f32 v18, v35;
	v14 =	vmax.f32 v14, v34;
	v15 =	vmax.f32 v16, v15  }
0x11f: {  	v44 =	vld [tilespmem:$0x4F0];
	v38 =	vperm.xlane v18, v4;
	v12 =	vsel vm6, v12, v14;
	v14 =	vperm.xlane v15, v4  }
0x120: {  	v47 =	vperm.xlane v43, v1;
	v13 =	vmax.f32 v41, v13;
	v16 =	vmax.f32 v17, v39  }
0x121: {  	v18 =	vmax.f32 v18, v38;
	v14 =	vmax.f32 v15, v14;
	v15 =	vperm.xlane v16, v4  }
0x122: {  	v50 =	vperm.xlane v13, v2;
	v19 =	vmax.f32 v31, v37;
	v12 =	vsel vm7, v12, v18  }
0x123: {  	v42 =	vperm.xlane v19, v2;
	v12 =	vsel vm8, v12, v14;
	v15 =	vmax.f32 v16, v15  }
0x124: {  	v48 =	vperm.xlane v44, v1;
	v12 =	vsel vm9, v12, v15;
	v15 =	vmax.f32 v40, v46  }
0x125: {  	v13 =	vmax.f32 v13, v50;
	v14 =	vmax.f32 v19, v42;
	v17 =	vperm.xlane v15, v2  }
0x126: {  	v54 =	vperm.xlane v13, v3;
	v45 =	vperm.xlane v14, v3;
	v16 =	vmax.f32 v43, v47  }
0x127: {  	v18 =	vmax.f32 v44, v48;
	v51 =	vperm.xlane v16, v2;
	v15 =	vmax.f32 v15, v17  }
0x128: {  	v53 =	vperm.xlane v18, v2;
	v14 =	vmax.f32 v14, v45;
	v52 =	vperm.xlane v15, v3  }
0x129: {  	v13 =	vmax.f32 v13, v54;
	v49 =	vperm.xlane v14, v4;
	v16 =	vmax.f32 v16, v51  }
0x12a: {  	v18 =	vmax.f32 v18, v53;
	v55 =	vperm.xlane v16, v3;
	v15 =	vmax.f32 v15, v52  }
0x12b: {  	v57 =	vperm.xlane v18, v3;
	v14 =	vmax.f32 v14, v49;
	v56 =	vperm.xlane v15, v4  }
0x12c: {  	[tilespmem:$0x500] =	vst v7;
	v58 =	vperm.xlane v13, v4;
	v12 =	vsel vm10, v12, v14;
	v14 =	vmax.f32 v16, v55  }
0x12d: {  	[tilespmem:$0x520] =	vst v10;
	v17 =	vmax.f32 v18, v57;
	v10 =	vmax.f32 v15, v56;
	v15 =	vperm.xlane v14, v4  }
0x12e: {  	[tilespmem:$0x530] =	vst v11;
	v11 =	vld [tilespmem:$0x500];
	v7 =	vsel vm11, v12, v10;
	v10 =	vmax.f32 v13, v58;
	v12 =	vperm.xlane v17, v4  }
0x12f: {  	[tilespmem:$0x510] =	vst v8;
	v13 =	vld [tilespmem:$0x520];
	v7 =	vsel vm12, v7, v10;
	v9 =	vmax.f32 v14, v15  }
0x130: {  	v10 =	vld [tilespmem:$0x510];
	v7 =	vsel vm13, v7, v9;
	v8 =	vmax.f32 v17, v12  }
0x131: {  	v9 =	vld [tilespmem:$0x530];
	v7 =	vsel vm14, v7, v8  }
0x132: {  	[tilespmem:$0x540] =	vst v7  }
0x133: {  	v8 =	vld [tilespmem:$0x540];
	_ =	sdelay $0x2  }
0x134: {  	v12 =	vmax.f32 v11, v10;
	v7 =	vmax.f32 v13, v9  }
0x135: {  	v7 =	vmax.f32 v12, v7  }
0x136: {  	v7 =	vmax.f32 v7, v8  }
0x137: {  	v12 =	vperm.xlane v7, v1;
	_ =	sdelay $0x1  }
0x138: {  	v7 =	vmax.f32 v7, v12  }
0x139: {  	v12 =	vperm.xlane v7, v2;
	_ =	sdelay $0x1  }
0x13a: {  	v7 =	vmax.f32 v7, v12  }
0x13b: {  	v12 =	vperm.xlane v7, v3;
	_ =	sdelay $0x1  }
0x13c: {  	v7 =	vmax.f32 v7, v12  }
0x13d: {  	v12 =	vperm.xlane v7, v4;
	_ =	sdelay $0x1  }
0x13e: {  	v12 =	vmax.f32 v7, v12  }
0x13f: {  	v7 =	vor.u32 $0x40, v5;
	vm15 =	veq.f32 v8, v12  }
0x140: {  	v8 =	vor.u32 $0x30, v5;
	v14 =	vnsel vm15, $0x7F, v7;
	vm15 =	veq.f32 v9, v12  }
0x141: {  	v9 =	vor.u32 $0x20, v5;
	v14 =	vsel vm15, v8, v14;
	vm15 =	veq.f32 v13, v12  }
0x142: {  	v13 =	vsel vm15, v9, v14;
	vm15 =	veq.f32 v10, v12;
	v10 =	vor.u32 $0x10, v5  }
0x143: {  	v13 =	vsel vm15, v10, v13;
	vm15 =	veq.f32 v11, v12  }
0x144: {  	v11 =	vsel vm15, v5, v13  }
0x145: {  	v13 =	vperm.xlane v11, v1;
	_ =	sdelay $0x1  }
0x146: {  	vm15 =	vlt.s32 v11, v13  }
0x147: {  	v11 =	vsel vm15, v11, v13  }
0x148: {  	v13 =	vperm.xlane v11, v2;
	_ =	sdelay $0x1  }
0x149: {  	vm15 =	vlt.s32 v11, v13  }
0x14a: {  	v11 =	vsel vm15, v11, v13  }
0x14b: {  	v13 =	vperm.xlane v11, v3;
	_ =	sdelay $0x1  }
0x14c: {  	vm15 =	vlt.s32 v11, v13  }
0x14d: {  	v11 =	vsel vm15, v11, v13  }
0x14e: {  	v13 =	vperm.xlane v11, v4;
	_ =	sdelay $0x1  }
0x14f: {  	vm15 =	vlt.s32 v11, v13  }
0x150: {  	v11 =	vsel vm15, v11, v13  }
0x151: {  	v13 =	vshll.u32 v11, $0x4  }
0x152: {  	v14 =	vor.u32 v5, v13;
	_ =	sdelay $0x4  }
0x153: {  	v15 =	vld.idx.msk [tilespmem:v14+s3+$0x0], $0xffff;
	_ =	sdelay $0x4  }
0x154: {  	vm15 =	veq.f32 v15, v12  }
0x155: {  	v59 =	vnsel vm15, $0x10, v5  }
0x156: {  	v60 =	vperm.xlane v59, v1;
	_ =	sdelay $0x1  }
0x157: {  	vm15 =	vlt.s32 v59, v60  }
0x158: {  	v16 =	vsel vm15, v59, v60  }
0x159: {  	v17 =	vperm.xlane v16, v2;
	_ =	sdelay $0x1  }
0x15a: {  	vm15 =	vlt.s32 v16, v17  }
0x15b: {  	v16 =	vsel vm15, v16, v17  }
0x15c: {  	v17 =	vperm.xlane v16, v3;
	_ =	sdelay $0x1  }
0x15d: {  	vm15 =	vlt.s32 v16, v17  }
0x15e: {  	v16 =	vsel vm15, v16, v17  }
0x15f: {  	v17 =	vperm.xlane v16, v4;
	_ =	sdelay $0x1  }
0x160: {  	vm15 =	vlt.s32 v16, v17  }
0x161: {  	v16 =	vsel vm15, v16, v17  }
0x162: {  	vm15 =	veq.s32 v16, v5  }
0x163: {  	v15 =	vsel vm15, $0xC0400000, v15  }
0x164: {  	v61 =	vperm.xlane v15, v1;
	_ =	sdelay $0x1  }
0x165: {  	v17 =	vmax.f32 v15, v61  }
0x166: {  	v62 =	vperm.xlane v17, v2  }
0x167: {  	v63 =	vmov s3  }
0x168: {  	v17 =	vmax.f32 v17, v62  }
0x169: {  	v18 =	vperm.xlane v17, v3;
	_ =	sdelay $0x1  }
0x16a: {  	v16 =	vadd.s32 v0, v16;
	v17 =	vmax.f32 v17, v18  }
0x16b: {  	[tilespmem:v63+s10+$0x0] =	vst.idx.msk $0x1, v12;
	v12 =	vadd.s32 v13, v16;
	v13 =	vperm.xlane v17, v4  }
0x16c: {  	[tilespmem:v63+s11+$0x0] =	vst.idx.msk $0x1, v12  }
0x16d: {  	s17 =	simm.s32 $0x1;
	[tilespmem:v14+s3+$0x0] =	vst.idx.msk $0xffff, v15;
	v12 =	vmax.f32 v17, v13  }
.LBB2_2:
0x16e: {  	p1 =	sne.s32 s17, $0x3F;
	[tilespmem:v11+s12+$0x0] =	vst.idx.msk $0x1, v12;
	s18 =	smov.u32 s17;
	s17 =	sadd.s32 $0x1, s17  }
0x16f: {  	v11 =	vld [tilespmem:$0x520]  }
0x170: {  	v12 =	vld [tilespmem:$0x500]  }
0x171: {  	v13 =	vld [tilespmem:$0x530]  }
0x172: {  	v14 =	vld [tilespmem:$0x510];
	_ =	sdelay $0x1  }
0x173: {  	v15 =	vld [tilespmem:$0x540];
	_ =	sdelay $0x1  }
0x174: {  	v16 =	vmax.f32 v11, v13  }
0x175: {  	v17 =	vmax.f32 v12, v14  }
0x176: {  	v16 =	vmax.f32 v17, v16  }
0x177: {  	v16 =	vmax.f32 v16, v15  }
0x178: {  	v17 =	vperm.xlane v16, v1;
	_ =	sdelay $0x1  }
0x179: {  	v16 =	vmax.f32 v16, v17  }
0x17a: {  	v17 =	vperm.xlane v16, v2;
	_ =	sdelay $0x1  }
0x17b: {  	v16 =	vmax.f32 v16, v17  }
0x17c: {  	v17 =	vperm.xlane v16, v3;
	_ =	sdelay $0x1  }
0x17d: {  	v16 =	vmax.f32 v16, v17  }
0x17e: {  	v17 =	vperm.xlane v16, v4;
	_ =	sdelay $0x1  }
0x17f: {  	v16 =	vmax.f32 v16, v17  }
0x180: {  	vm15 =	veq.f32 v12, v16;
	vm0 =	veq.f32 v14, v16;
	vm1 =	veq.f32 v15, v16  }
0x181: {  	vm2 =	veq.f32 v13, v16;
	v12 =	vnsel vm1, $0x7F, v7  }
0x182: {  	vm1 =	veq.f32 v11, v16;
	v11 =	vsel vm2, v8, v12  }
0x183: {  	v11 =	vsel vm1, v9, v11  }
0x184: {  	v11 =	vsel vm0, v10, v11  }
0x185: {  	v11 =	vsel vm15, v5, v11  }
0x186: {  	v12 =	vperm.xlane v11, v1;
	_ =	sdelay $0x1  }
0x187: {  	vm0 =	vlt.s32 v11, v12  }
0x188: {  	v11 =	vsel vm0, v11, v12  }
0x189: {  	v12 =	vperm.xlane v11, v2;
	_ =	sdelay $0x1  }
0x18a: {  	vm0 =	vlt.s32 v11, v12  }
0x18b: {  	v11 =	vsel vm0, v11, v12  }
0x18c: {  	v12 =	vperm.xlane v11, v3;
	_ =	sdelay $0x1  }
0x18d: {  	vm0 =	vlt.s32 v11, v12  }
0x18e: {  	v11 =	vsel vm0, v11, v12  }
0x18f: {  	v12 =	vperm.xlane v11, v4;
	_ =	sdelay $0x1  }
0x190: {  	vm0 =	vlt.s32 v11, v12  }
0x191: {  	v11 =	vsel vm0, v11, v12  }
0x192: {  	v12 =	vshll.u32 v11, $0x4  }
0x193: {  	v13 =	vor.u32 v5, v12  }
0x194: {  	v14 =	vmov s18;
	_ =	sdelay $0x3  }
0x195: {  	v15 =	vld.idx.msk [tilespmem:v13+s3+$0x0], $0xffff  }
0x196: {  	[tilespmem:v14+s10+$0x0] =	vst.idx.msk $0x1, v16;
	_ =	sdelay $0x4  }
0x197: {  	vm0 =	veq.f32 v15, v16  }
0x198: {  	v16 =	vnsel vm0, $0x10, v5  }
0x199: {  	v17 =	vperm.xlane v16, v1;
	_ =	sdelay $0x1  }
0x19a: {  	vm0 =	vlt.s32 v16, v17  }
0x19b: {  	v16 =	vsel vm0, v16, v17  }
0x19c: {  	v17 =	vperm.xlane v16, v2;
	_ =	sdelay $0x1  }
0x19d: {  	vm0 =	vlt.s32 v16, v17  }
0x19e: {  	v16 =	vsel vm0, v16, v17  }
0x19f: {  	v17 =	vperm.xlane v16, v3;
	_ =	sdelay $0x1  }
0x1a0: {  	vm0 =	vlt.s32 v16, v17  }
0x1a1: {  	v16 =	vsel vm0, v16, v17  }
0x1a2: {  	v17 =	vperm.xlane v16, v4;
	_ =	sdelay $0x1  }
0x1a3: {  	vm0 =	vlt.s32 v16, v17  }
0x1a4: {  	v16 =	vsel vm0, v16, v17  }
0x1a5: {  	v17 =	vadd.s32 v0, v16;
	vm0 =	veq.s32 v16, v5  }
0x1a6: {  	v12 =	vadd.s32 v12, v17;
	v15 =	vsel vm0, $0xC0400000, v15  }
0x1a7: {  	[tilespmem:v14+s11+$0x0] =	vst.idx.msk $0x1, v12;
	v12 =	vperm.xlane v15, v1  }
0x1a8: {  	[tilespmem:v13+s3+$0x0] =	vst.idx.msk $0xffff, v15  }
0x1a9: {  	v12 =	vmax.f32 v15, v12  }
0x1aa: {  	v13 =	vperm.xlane v12, v2;
	_ =	sdelay $0x1  }
0x1ab: {  	v12 =	vmax.f32 v12, v13  }
0x1ac: {  	v13 =	vperm.xlane v12, v3  }
.Ltmp2:
0x1ad: {  	(pc) =	sbr.rel @p1 .LBB2_2-.Ltmp2, $3  }
0x1ae: {  	v12 =	vmax.f32 v12, v13  }
0x1af: {  	v13 =	vperm.xlane v12, v4;
	_ =	sdelay $0x1  }
0x1b0: {  	v12 =	vmax.f32 v12, v13  }
0x1b1: {  	_ =	sdelay $0x3  }
0x1b2: {  	[tilespmem:v11+s12+$0x0] =	vst.idx.msk $0x1, v12  }
0x1b3: {  	[spmem:s5] =	stream.linear.scatter [tilespmem:s10], [sflag:$0x1], $0x40, $0x38;
	[tilespmem:$0xF80] =	vst v63  }
0x1b4: {  	_ =	swait.ge [sflag:s9], $0x40  }
0x1b5: {  	[sflag:s9] =	ssyncset.done $0x0  }
0x1b6: {  	[sflag:s9] =	ssyncadd.s32 $0xFFFFFFC0  }
0x1b7: {  	[spmem:s6] =	stream.linear.scatter [tilespmem:s11], [sflag:$0x1], $0x40, $0x38;
	[tilespmem:$0xF80] =	vst v63  }
.Ltmp3:
0x1b8: {  	_ =	swait.ge [sflag:s9], $0x40;
	(pc) =	sbr.rel @p0 .LBB2_7-.Ltmp3, $3  }
0x1b9: {  	[sflag:s9] =	ssyncset.done $0x0  }
0x1ba: {  	[sflag:s9] =	ssyncadd.s32 $0xFFFFFFC0  }
0x1bb: {  	[bflag:$0x0] =	sbarrier.arrive $0xFFFF;
	_ =	sdelay $0x1  }
0x1bc: {  	[tilespmem:s13], [sflag:$0x1] =	stream.linear.gather [spmem:s0], $0x400, $0x38;
	[tilespmem:$0xF80] =	vst v63  }
0x1bd: {  	v7 =	vmul.u32 $0x40, v5;
	_ =	swait.ge [sflag:s9], $0x400  }
0x1be: {  	v8 =	vimm.s32 $0x0;
	[sflag:s9] =	ssyncset.done $0x0  }
0x1bf: {  	v9 =	vadd.s32 v7, v8;
	[sflag:s9] =	ssyncadd.s32 $0xFFFFFC00  }
0x1c0: {  	[tilespmem:s14], [sflag:$0x1] =	stream.linear.gather [spmem:s1], $0x400, $0x38;
	[tilespmem:$0xF80] =	vst v63  }
0x1c1: {  	_ =	swait.ge [sflag:s9], $0x400  }
0x1c2: {  	[sflag:s9] =	ssyncset.done $0x0  }
0x1c3: {  	[sflag:s9] =	ssyncadd.s32 $0xFFFFFC00  }
0x1c4: {  	v10 =	vld.idx.msk [tilespmem:v9+s13+$0x0], $0xffff;
	_ =	sdelay $0x4  }
0x1c5: {  	v11 =	vperm.xlane v10, v1;
	_ =	sdelay $0x1  }
0x1c6: {  	v11 =	vmax.f32 v10, v11  }
0x1c7: {  	v12 =	vperm.xlane v11, v2;
	_ =	sdelay $0x1  }
0x1c8: {  	v11 =	vmax.f32 v11, v12  }
0x1c9: {  	v12 =	vperm.xlane v11, v3;
	_ =	sdelay $0x1  }
0x1ca: {  	v9 =	vld.idx.msk [tilespmem:v9+s14+$0x0], $0xffff;
	v11 =	vmax.f32 v11, v12  }
0x1cb: {  	v12 =	vperm.xlane v11, v4;
	_ =	sdelay $0x1  }
0x1cc: {  	v11 =	vmax.f32 v11, v12  }
0x1cd: {  	vm0 =	veq.f32 v10, v11  }
0x1ce: {  	v10 =	vnsel vm0, $0x40000000, v9  }
0x1cf: {  	v11 =	vperm.xlane v10, v1;
	_ =	sdelay $0x1  }
0x1d0: {  	vm1 =	vlt.s32 v10, v11  }
0x1d1: {  	v10 =	vsel vm1, v10, v11  }
0x1d2: {  	v11 =	vperm.xlane v10, v2;
	_ =	sdelay $0x1  }
0x1d3: {  	vm1 =	vlt.s32 v10, v11  }
0x1d4: {  	v10 =	vsel vm1, v10, v11  }
0x1d5: {  	v11 =	vperm.xlane v10, v3;
	_ =	sdelay $0x1  }
0x1d6: {  	vm1 =	vlt.s32 v10, v11  }
0x1d7: {  	v10 =	vsel vm1, v10, v11  }
0x1d8: {  	s17 =	simm.s32 $0x0;
	v11 =	vperm.xlane v10, v4  }
0x1d9: {  	v63 =	vmov s17  }
0x1da: {  	vm1 =	vlt.s32 v10, v11  }
0x1db: {  	v10 =	vsel vm1, v10, v11  }
0x1dc: {  	vm1 =	veq.s32 v9, v10  }
0x1dd: {  	vm0 =	vmand vm0, vm1  }
0x1de: {  	s18 =	simm.s32 $0x2;
	s17 =	simm.s32 $0x1;
	[tilespmem:v63+s15+$0x0] =	vst.idx.msk $0x1, v10;
	v9 =	vsel vm0, $0x1, v6  }
.LBB2_5:
0x1df: {  	p1 =	sne.s32 s18, $0x3F;
	v8 =	vadd.s32 v9, v8  }
0x1e0: {  	v9 =	vadd.s32 v7, v8;
	_ =	sdelay $0x4  }
0x1e1: {  	v10 =	vld.idx.msk [tilespmem:v9+s13+$0x0], $0xffff;
	_ =	sdelay $0x5  }
0x1e2: {  	v11 =	vperm.xlane v10, v1;
	_ =	sdelay $0x1  }
0x1e3: {  	v11 =	vmax.f32 v10, v11  }
0x1e4: {  	v12 =	vperm.xlane v11, v2;
	_ =	sdelay $0x1  }
0x1e5: {  	v11 =	vmax.f32 v11, v12  }
0x1e6: {  	v12 =	vperm.xlane v11, v3  }
0x1e7: {  	v9 =	vld.idx.msk [tilespmem:v9+s14+$0x0], $0xffff  }
0x1e8: {  	v11 =	vmax.f32 v11, v12  }
0x1e9: {  	v12 =	vperm.xlane v11, v4;
	_ =	sdelay $0x1  }
0x1ea: {  	v11 =	vmax.f32 v11, v12  }
0x1eb: {  	vm15 =	veq.f32 v10, v11  }
0x1ec: {  	v10 =	vnsel vm15, $0x40000000, v9  }
0x1ed: {  	v11 =	vperm.xlane v10, v1;
	_ =	sdelay $0x1  }
0x1ee: {  	vm0 =	vlt.s32 v10, v11  }
0x1ef: {  	v10 =	vsel vm0, v10, v11  }
0x1f0: {  	v11 =	vperm.xlane v10, v2;
	_ =	sdelay $0x1  }
0x1f1: {  	vm0 =	vlt.s32 v10, v11  }
0x1f2: {  	v10 =	vsel vm0, v10, v11  }
0x1f3: {  	v11 =	vperm.xlane v10, v3;
	_ =	sdelay $0x1  }
0x1f4: {  	vm0 =	vlt.s32 v10, v11  }
0x1f5: {  	v10 =	vsel vm0, v10, v11;
	v11 =	vmov s17;
	s17 =	smov.u32 s18  }
0x1f6: {  	v12 =	vperm.xlane v10, v4;
	_ =	sdelay $0x1  }
.Ltmp4:
0x1f7: {  	vm0 =	vlt.s32 v10, v12;
	(pc) =	sbr.rel @p1 .LBB2_5-.Ltmp4, $4  }
0x1f8: {  	v10 =	vsel vm0, v10, v12  }
0x1f9: {  	vm0 =	veq.s32 v9, v10;
	[tilespmem:v11+s15+$0x0] =	vst.idx.msk $0x1, v10  }
0x1fa: {  	vm0 =	vmand vm15, vm0  }
0x1fb: {  	s18 =	sadd.s32 $0x1, s18;
	v9 =	vsel vm0, $0x1, v6  }
.Ltmp5:
0x1fc: {  	_ = 	snop;
	(pc) =	sbr.rel .LBB2_6-.Ltmp5, $1  }
0x1fd: {  	_ =	sdelay $0x3  }
.LBB2_8:
0x1fe: {  	_ =	sfence.sel $0x180000  }
0x1ff: {  	[bflag:$0x0] =	sbarrier.arrive $0xFFFF  }
0x200: {  	_ =	strace $0x90000047  }
0x201: {  	s0 =	sadd.s32 @!p0 $0x100000, s2;
	[bflag:$0x2] =	sbarrier.arrive $0xFFFF  }
0x202: {  	[sflag:s0] =	ssyncadd.tile.s32 @!p0 $0x1;
	_ =	shalt  }
.Lfunc_end2:
_tile_overlayer_lowered:
.L_overlay_start_2:
0x203: {  	(tag) =	ssettag $0x2  }
0x204: {  	s0 =	rddreg [dreg:$0x0];
	s2 =	stileid.u32  }
0x205: {  	s1 =	rddreg [dreg:$0x1];
	p0 =	sne.s32 s2, $0x0  }
0x206: {  	s3 =	rddreg [dreg:$0x2];
	[bflag:$0x3] =	sbarrier.arrive $0xFFFF;
	s2 =	simm.s32 @!p0 $0x1C01  }
0x207: {  	[timem:s3], [sflag:s2] =	dma.local @!p0 [hbm:s0], s1  }
0x208: {  	s0 =	simm.s32 @!p0 $0x1  }
0x209: {  	_ =	swait.ge @!p0 [sflag:s0], s1  }
0x20a: {  	s1 =	ssub.s32 @!p0 $0x0, s1;
	[sflag:s0] =	ssyncset.done @!p0 $0x0  }
0x20b: {  	[sflag:s0] =	ssyncadd.s32 @!p0 s1  }
0x20c: {  	[bflag:$0x3] =	sbarrier.arrive $0xFFFF  }
0x20d: {  	_ =	shalt  }

</sc_bundles>
